<compile_context>
chip_gen: v7x
topology: tpu7x:2x2x1
jax: 0.10.2.dev20260603
libtpu: 0.0.44.dev20260713+nightly
codegen_flags: <defaults>
</compile_context>

<pallas_src>
import functools

import jax
import jax.numpy as jnp
from jax import lax
from jax.experimental import pallas as pl
from jax.experimental.pallas import tpu as pltpu, tpu_sc as plsc


def _gather_kernel(B, D):
    info = plsc.get_sparse_core_info()
    NC, NS, L = info.num_cores, info.num_subcores, info.num_lanes
    NW = NC * NS
    assert B % NW == 0 and D % L == 0
    b_per_w = B // NW
    GROUP = 16
    assert b_per_w % GROUP == 0

    mesh = plsc.VectorSubcoreMesh(core_axis_name="c", subcore_axis_name="s")

    @functools.partial(
        pl.kernel,
        mesh=mesh,
        out_type=jax.ShapeDtypeStruct((B, D), jnp.float32),
        scratch_types=[
            pltpu.VMEM((b_per_w,), jnp.int32),
            pltpu.VMEM((GROUP * 8, D), jnp.float32),
            pltpu.VMEM((GROUP * 8, D), jnp.float32),
            pltpu.VMEM((b_per_w, D), jnp.float32),
            pltpu.SemaphoreType.DMA,
            pltpu.SemaphoreType.DMA,
        ],
        compiler_params=pltpu.CompilerParams(needs_layout_passes=False),
    )
    def k(idx_hbm, table_hbm, out_hbm, idx_v, stage0, stage1, out_v,
          sem0, sem1):
        wid = lax.axis_index("s") * NC + lax.axis_index("c")
        base = wid * b_per_w
        pltpu.sync_copy(idx_hbm.at[pl.ds(base, b_per_w)], idx_v)

        lane = lax.iota(jnp.int32, L)
        n_groups = b_per_w // GROUP

        def fire(g, buf, sem):
            vgrp = idx_v[pl.ds(g * GROUP, GROUP)]
            for j in range(GROUP):
                off = pl.multiple_of((vgrp[j] >> 3) * 8, 8)
                pltpu.async_copy(
                    table_hbm.at[pl.ds(off, 8), :],
                    buf.at[pl.ds(j * 8, 8), :],
                    sem,
                )

        def drain_select(g, buf, sem):
            pltpu.make_async_copy(
                table_hbm.at[pl.ds(0, GROUP * 8), :], buf, sem).wait()
            vgrp = idx_v[pl.ds(g * GROUP, GROUP)]
            for j in range(GROUP):
                i = g * GROUP + j
                src_row = jnp.full((L,), j * 8, jnp.int32) + (vgrp[j] & 7)
                i_vec = jnp.full((L,), i, jnp.int32)
                for cg in range(D // L):
                    vals = plsc.load_gather(buf, [src_row, cg * L + lane])
                    plsc.store_scatter(out_v, [i_vec, cg * L + lane], vals)

        fire(0, stage0, sem0)

        def pipe_body(h):
            g = h * 2
            fire(g + 1, stage1, sem1)
            drain_select(g, stage0, sem0)
            fire(g + 2, stage0, sem0)
            drain_select(g + 1, stage1, sem1)

        pl.loop(0, n_groups // 2 - 1)(pipe_body)
        g_last = n_groups - 2
        fire(g_last + 1, stage1, sem1)
        drain_select(g_last, stage0, sem0)
        drain_select(g_last + 1, stage1, sem1)
        pltpu.sync_copy(out_v, out_hbm.at[pl.ds(base, b_per_w)])

    return k


def kernel(indices, embed):
    (B,) = indices.shape
    _, D = embed.shape
    return _gather_kernel(B, D)(indices.astype(jnp.int32), embed)

# --- scband reference (transcript-rebuilt; emitter-appended) ---
"""Pipeline reference for scband-embed-16381005267545 (READ-ONLY COPY).

The authoritative reference and input builder live on the scoring server;
editing this copy changes nothing except your own understanding.
"""

import jax, jax.numpy as jnp
import numpy as np

VOCAB = 1000000
EMBED_DIM = 64
BATCH = 16384


def setup_inputs(seed: int = 0) -> dict:
    key = jax.random.key(seed)
    k1, _ = jax.random.split(key)
    indices = jax.random.randint(k1, (BATCH,), 0, VOCAB, dtype=jnp.int64 if jax.config.jax_enable_x64 else jnp.int32)
    # Module initializes the embedding parameter to ones: torch.ones(embed_shape)
    embed = jnp.ones((VOCAB, EMBED_DIM), dtype=jnp.float32)
    return {"indices": indices, "embed": embed}


def reference(indices, embed):
    # Faithful batched version of Embed.pred: self.embed[indices]
    # __call__ validates/records indices; pred performs the actual table lookup.
    return jnp.take(embed, indices, axis=0)

if __name__ == "__main__":
    import jax
    _d = setup_inputs()
    print(jax.jit(kernel)(*tuple(_d.values())))

</pallas_src>

<mosaic_0001>
#map = affine_map<(d0, d1) -> (0)>
#map1 = affine_map<(d0, d1) -> (0, 0)>
module attributes {stable_mosaic.version = 14 : i64} {
  func.func @k(%arg0: i32, %arg1: i32, %arg2: memref<16384xi32, #tpu.memory_space<hbm>>, %arg3: memref<1000000x64xf32, #tpu.memory_space<hbm>>, %arg4: memref<16384x64xf32, #tpu.memory_space<hbm>>, %arg5: memref<512xi32, #tpu.memory_space<vmem>>, %arg6: memref<128x64xf32, #tpu.memory_space<vmem>>, %arg7: memref<128x64xf32, #tpu.memory_space<vmem>>, %arg8: memref<512x64xf32, #tpu.memory_space<vmem>>, %arg9: memref<!tpu.dma_semaphore, #tpu.memory_space<semaphore_mem>>, %arg10: memref<!tpu.dma_semaphore, #tpu.memory_space<semaphore_mem>>) attributes {dimension_semantics = [#tpu.dimension_semantics<core_parallel>, #tpu.dimension_semantics<subcore_parallel>], iteration_bounds = array<i64: 2, 16>, scalar_prefetch = 0 : i64, scratch_operands = 6 : i64, tpu.core_type = #tpu.core_type<sc_vector_subcore>, window_params = [{transform_indices = #map}, {transform_indices = #map1}, {transform_indices = #map1}]} {
    %mul3A = arith.constant 2 : i32
    %mul3A_0 = arith.muli %arg1, %mul3A : i32
    %add3A = arith.addi %mul3A_0, %arg0 : i32
    %mul3A_1 = arith.constant 512 : i32
    %mul3A_2 = arith.muli %add3A, %mul3A_1 : i32
    "tpu.region"() ({
      %run_scoped3A = tpu.sem_alloc : memref<!tpu.dma_semaphore, #tpu.memory_space<semaphore_mem>>
      %dma_start3A_1777 = tpu.memref_slice %arg2[%mul3A_2] : memref<16384xi32, #tpu.memory_space<hbm>> -> memref<512xi32, #tpu.memory_space<hbm>>
      %dma_start3A_1778 = tpu.memref_slice %arg2[%mul3A_2] : memref<16384xi32, #tpu.memory_space<hbm>> -> memref<512xi32, #tpu.memory_space<hbm>>
      tpu.enqueue_dma source(%dma_start3A_1778 : memref<512xi32, #tpu.memory_space<hbm>>) target(%arg5 : memref<512xi32, #tpu.memory_space<vmem>>) target_semaphore(%run_scoped3A : memref<!tpu.dma_semaphore, #tpu.memory_space<semaphore_mem>>)
      %dma_wait3A_1779 = tpu.memref_slice %arg2[%mul3A_2] : memref<16384xi32, #tpu.memory_space<hbm>> -> memref<512xi32, #tpu.memory_space<hbm>>
      %dma_wait3A_1780 = tpu.memref_slice %arg2[%mul3A_2] : memref<16384xi32, #tpu.memory_space<hbm>> -> memref<512xi32, #tpu.memory_space<hbm>>
      tpu.wait_dma2 semaphore(%run_scoped3A : memref<!tpu.dma_semaphore, #tpu.memory_space<semaphore_mem>>) src(%dma_wait3A_1780 : memref<512xi32, #tpu.memory_space<hbm>>) dst(%arg5 : memref<512xi32, #tpu.memory_space<vmem>>)
      tpu.yield
    }) : () -> ()
    %iota3A = tpu.iota {dimensions = array<i32: 0>} : vector<16xi32>
    %get3A = arith.constant 0 : index
    %get3A_3 = tpu.vector_load %arg5[%get3A] {strides = array<i32>} : memref<512xi32, #tpu.memory_space<vmem>>, vector<16xi32>,
    %slice3A = vector.extract_strided_slice %get3A_3 {offsets = [0], sizes = [1], strides = [1]} : vector<16xi32> to vector<1xi32>
    %squeeze3A = vector.extract %slice3A[0] : i32 from vector<1xi32>
    %shift_right_arithmetic3A = arith.constant 3 : i32
    %shift_right_arithmetic3A_4 = arith.shrsi %squeeze3A, %shift_right_arithmetic3A : i32
    %mul3A_5 = arith.constant 8 : i32
    %mul3A_6 = arith.muli %shift_right_arithmetic3A_4, %mul3A_5 : i32
    %multiple_of3A = tpu.assume_multiple %mul3A_6, 8 : i32
    %dma_start3A = arith.constant 0 : i32
    %dma_start3A_7 = arith.constant 0 : i32
    %dma_start3A_8 = tpu.memref_slice %arg6[%dma_start3A, %dma_start3A_7] : memref<128x64xf32, #tpu.memory_space<vmem>> -> memref<8x64xf32, #tpu.memory_space<vmem>>
    %dma_start3A_9 = arith.constant 0 : i32
    %dma_start3A_10 = tpu.memref_slice %arg3[%multiple_of3A, %dma_start3A_9] : memref<1000000x64xf32, #tpu.memory_space<hbm>> -> memref<8x64xf32, #tpu.memory_space<hbm>>
    %dma_start3A_11 = arith.constant 0 : i32
    %dma_start3A_12 = arith.constant 0 : i32
    %dma_start3A_13 = tpu.memref_slice %arg6[%dma_start3A_11, %dma_start3A_12] : memref<128x64xf32, #tpu.memory_space<vmem>> -> memref<8x64xf32, #tpu.memory_space<vmem>>
    %dma_start3A_14 = arith.constant 0 : i32
    %dma_start3A_15 = tpu.memref_slice %arg3[%multiple_of3A, %dma_start3A_14] : memref<1000000x64xf32, #tpu.memory_space<hbm>> -> memref<8x64xf32, #tpu.memory_space<hbm>>
    tpu.enqueue_dma source(%dma_start3A_15 : memref<8x64xf32, #tpu.memory_space<hbm>>) target(%dma_start3A_13 : memref<8x64xf32, #tpu.memory_space<vmem>>) target_semaphore(%arg9 : memref<!tpu.dma_semaphore, #tpu.memory_space<semaphore_mem>>)
    %slice3A_16 = vector.extract_strided_slice %get3A_3 {offsets = [1], sizes = [1], strides = [1]} : vector<16xi32> to vector<1xi32>
    %squeeze3A_17 = vector.extract %slice3A_16[0] : i32 from vector<1xi32>
    %shift_right_arithmetic3A_18 = arith.constant 3 : i32
    %shift_right_arithmetic3A_19 = arith.shrsi %squeeze3A_17, %shift_right_arithmetic3A_18 : i32
    %mul3A_20 = arith.constant 8 : i32
    %mul3A_21 = arith.muli %shift_right_arithmetic3A_19, %mul3A_20 : i32
    %multiple_of3A_22 = tpu.assume_multiple %mul3A_21, 8 : i32
    %dma_start3A_23 = arith.constant 8 : i32
    %dma_start3A_24 = arith.constant 0 : i32
    %dma_start3A_25 = tpu.memref_slice %arg6[%dma_start3A_23, %dma_start3A_24] : memref<128x64xf32, #tpu.memory_space<vmem>> -> memref<8x64xf32, #tpu.memory_space<vmem>>
    %dma_start3A_26 = arith.constant 0 : i32
    %dma_start3A_27 = tpu.memref_slice %arg3[%multiple_of3A_22, %dma_start3A_26] : memref<1000000x64xf32, #tpu.memory_space<hbm>> -> memref<8x64xf32, #tpu.memory_space<hbm>>
    %dma_start3A_28 = arith.constant 8 : i32
    %dma_start3A_29 = arith.constant 0 : i32
    %dma_start3A_30 = tpu.memref_slice %arg6[%dma_start3A_28, %dma_start3A_29] : memref<128x64xf32, #tpu.memory_space<vmem>> -> memref<8x64xf32, #tpu.memory_space<vmem>>
    %dma_start3A_31 = arith.constant 0 : i32
    %dma_start3A_32 = tpu.memref_slice %arg3[%multiple_of3A_22, %dma_start3A_31] : memref<1000000x64xf32, #tpu.memory_space<hbm>> -> memref<8x64xf32, #tpu.memory_space<hbm>>
    tpu.enqueue_dma source(%dma_start3A_32 : memref<8x64xf32, #tpu.memory_space<hbm>>) target(%dma_start3A_30 : memref<8x64xf32, #tpu.memory_space<vmem>>) target_semaphore(%arg9 : memref<!tpu.dma_semaphore, #tpu.memory_space<semaphore_mem>>)
    %slice3A_33 = vector.extract_strided_slice %get3A_3 {offsets = [2], sizes = [1], strides = [1]} : vector<16xi32> to vector<1xi32>
    %squeeze3A_34 = vector.extract %slice3A_33[0] : i32 from vector<1xi32>
    %shift_right_arithmetic3A_35 = arith.constant 3 : i32
    %shift_right_arithmetic3A_36 = arith.shrsi %squeeze3A_34, %shift_right_arithmetic3A_35 : i32
    %mul3A_37 = arith.constant 8 : i32
    %mul3A_38 = arith.muli %shift_right_arithmetic3A_36, %mul3A_37 : i32
    %multiple_of3A_39 = tpu.assume_multiple %mul3A_38, 8 : i32
    %dma_start3A_40 = arith.constant 16 : i32
    %dma_start3A_41 = arith.constant 0 : i32
    %dma_start3A_42 = tpu.memref_slice %arg6[%dma_start3A_40, %dma_start3A_41] : memref<128x64xf32, #tpu.memory_space<vmem>> -> memref<8x64xf32, #tpu.memory_space<vmem>>
    %dma_start3A_43 = arith.constant 0 : i32
    %dma_start3A_44 = tpu.memref_slice %arg3[%multiple_of3A_39, %dma_start3A_43] : memref<1000000x64xf32, #tpu.memory_space<hbm>> -> memref<8x64xf32, #tpu.memory_space<hbm>>
    %dma_start3A_45 = arith.constant 16 : i32
    %dma_start3A_46 = arith.constant 0 : i32
    %dma_start3A_47 = tpu.memref_slice %arg6[%dma_start3A_45, %dma_start3A_46] : memref<128x64xf32, #tpu.memory_space<vmem>> -> memref<8x64xf32, #tpu.memory_space<vmem>>
    %dma_start3A_48 = arith.constant 0 : i32
    %dma_start3A_49 = tpu.memref_slice %arg3[%multiple_of3A_39, %dma_start3A_48] : memref<1000000x64xf32, #tpu.memory_space<hbm>> -> memref<8x64xf32, #tpu.memory_space<hbm>>
    tpu.enqueue_dma source(%dma_start3A_49 : memref<8x64xf32, #tpu.memory_space<hbm>>) target(%dma_start3A_47 : memref<8x64xf32, #tpu.memory_space<vmem>>) target_semaphore(%arg9 : memref<!tpu.dma_semaphore, #tpu.memory_space<semaphore_mem>>)
    %slice3A_50 = vector.extract_strided_slice %get3A_3 {offsets = [3], sizes = [1], strides = [1]} : vector<16xi32> to vector<1xi32>
    %squeeze3A_51 = vector.extract %slice3A_50[0] : i32 from vector<1xi32>
    %shift_right_arithmetic3A_52 = arith.constant 3 : i32
    %shift_right_arithmetic3A_53 = arith.shrsi %squeeze3A_51, %shift_right_arithmetic3A_52 : i32
    %mul3A_54 = arith.constant 8 : i32
    %mul3A_55 = arith.muli %shift_right_arithmetic3A_53, %mul3A_54 : i32
    %multiple_of3A_56 = tpu.assume_multiple %mul3A_55, 8 : i32
    %dma_start3A_57 = arith.constant 24 : i32
    %dma_start3A_58 = arith.constant 0 : i32
    %dma_start3A_59 = tpu.memref_slice %arg6[%dma_start3A_57, %dma_start3A_58] : memref<128x64xf32, #tpu.memory_space<vmem>> -> memref<8x64xf32, #tpu.memory_space<vmem>>
    %dma_start3A_60 = arith.constant 0 : i32
    %dma_start3A_61 = tpu.memref_slice %arg3[%multiple_of3A_56, %dma_start3A_60] : memref<1000000x64xf32, #tpu.memory_space<hbm>> -> memref<8x64xf32, #tpu.memory_space<hbm>>
    %dma_start3A_62 = arith.constant 24 : i32
    %dma_start3A_63 = arith.constant 0 : i32
    %dma_start3A_64 = tpu.memref_slice %arg6[%dma_start3A_62, %dma_start3A_63] : memref<128x64xf32, #tpu.memory_space<vmem>> -> memref<8x64xf32, #tpu.memory_space<vmem>>
    %dma_start3A_65 = arith.constant 0 : i32
    %dma_start3A_66 = tpu.memref_slice %arg3[%multiple_of3A_56, %dma_start3A_65] : memref<1000000x64xf32, #tpu.memory_space<hbm>> -> memref<8x64xf32, #tpu.memory_space<hbm>>
    tpu.enqueue_dma source(%dma_start3A_66 : memref<8x64xf32, #tpu.memory_space<hbm>>) target(%dma_start3A_64 : memref<8x64xf32, #tpu.memory_space<vmem>>) target_semaphore(%arg9 : memref<!tpu.dma_semaphore, #tpu.memory_space<semaphore_mem>>)
    %slice3A_67 = vector.extract_strided_slice %get3A_3 {offsets = [4], sizes = [1], strides = [1]} : vector<16xi32> to vector<1xi32>
    %squeeze3A_68 = vector.extract %slice3A_67[0] : i32 from vector<1xi32>
    %shift_right_arithmetic3A_69 = arith.constant 3 : i32
    %shift_right_arithmetic3A_70 = arith.shrsi %squeeze3A_68, %shift_right_arithmetic3A_69 : i32
    %mul3A_71 = arith.constant 8 : i32
    %mul3A_72 = arith.muli %shift_right_arithmetic3A_70, %mul3A_71 : i32
    %multiple_of3A_73 = tpu.assume_multiple %mul3A_72, 8 : i32
    %dma_start3A_74 = arith.constant 32 : i32
    %dma_start3A_75 = arith.constant 0 : i32
    %dma_start3A_76 = tpu.memref_slice %arg6[%dma_start3A_74, %dma_start3A_75] : memref<128x64xf32, #tpu.memory_space<vmem>> -> memref<8x64xf32, #tpu.memory_space<vmem>>
    %dma_start3A_77 = arith.constant 0 : i32
    %dma_start3A_78 = tpu.memref_slice %arg3[%multiple_of3A_73, %dma_start3A_77] : memref<1000000x64xf32, #tpu.memory_space<hbm>> -> memref<8x64xf32, #tpu.memory_space<hbm>>
    %dma_start3A_79 = arith.constant 32 : i32
    %dma_start3A_80 = arith.constant 0 : i32
    %dma_start3A_81 = tpu.memref_slice %arg6[%dma_start3A_79, %dma_start3A_80] : memref<128x64xf32, #tpu.memory_space<vmem>> -> memref<8x64xf32, #tpu.memory_space<vmem>>
    %dma_start3A_82 = arith.constant 0 : i32
    %dma_start3A_83 = tpu.memref_slice %arg3[%multiple_of3A_73, %dma_start3A_82] : memref<1000000x64xf32, #tpu.memory_space<hbm>> -> memref<8x64xf32, #tpu.memory_space<hbm>>
    tpu.enqueue_dma source(%dma_start3A_83 : memref<8x64xf32, #tpu.memory_space<hbm>>) target(%dma_start3A_81 : memref<8x64xf32, #tpu.memory_space<vmem>>) target_semaphore(%arg9 : memref<!tpu.dma_semaphore, #tpu.memory_space<semaphore_mem>>)
    %slice3A_84 = vector.extract_strided_slice %get3A_3 {offsets = [5], sizes = [1], strides = [1]} : vector<16xi32> to vector<1xi32>
    %squeeze3A_85 = vector.extract %slice3A_84[0] : i32 from vector<1xi32>
    %shift_right_arithmetic3A_86 = arith.constant 3 : i32
    %shift_right_arithmetic3A_87 = arith.shrsi %squeeze3A_85, %shift_right_arithmetic3A_86 : i32
    %mul3A_88 = arith.constant 8 : i32
    %mul3A_89 = arith.muli %shift_right_arithmetic3A_87, %mul3A_88 : i32
    %multiple_of3A_90 = tpu.assume_multiple %mul3A_89, 8 : i32
    %dma_start3A_91 = arith.constant 40 : i32
    %dma_start3A_92 = arith.constant 0 : i32
    %dma_start3A_93 = tpu.memref_slice %arg6[%dma_start3A_91, %dma_start3A_92] : memref<128x64xf32, #tpu.memory_space<vmem>> -> memref<8x64xf32, #tpu.memory_space<vmem>>
    %dma_start3A_94 = arith.constant 0 : i32
    %dma_start3A_95 = tpu.memref_slice %arg3[%multiple_of3A_90, %dma_start3A_94] : memref<1000000x64xf32, #tpu.memory_space<hbm>> -> memref<8x64xf32, #tpu.memory_space<hbm>>
    %dma_start3A_96 = arith.constant 40 : i32
    %dma_start3A_97 = arith.constant 0 : i32
    %dma_start3A_98 = tpu.memref_slice %arg6[%dma_start3A_96, %dma_start3A_97] : memref<128x64xf32, #tpu.memory_space<vmem>> -> memref<8x64xf32, #tpu.memory_space<vmem>>
    %dma_start3A_99 = arith.constant 0 : i32
    %dma_start3A_100 = tpu.memref_slice %arg3[%multiple_of3A_90, %dma_start3A_99] : memref<1000000x64xf32, #tpu.memory_space<hbm>> -> memref<8x64xf32, #tpu.memory_space<hbm>>
    tpu.enqueue_dma source(%dma_start3A_100 : memref<8x64xf32, #tpu.memory_space<hbm>>) target(%dma_start3A_98 : memref<8x64xf32, #tpu.memory_space<vmem>>) target_semaphore(%arg9 : memref<!tpu.dma_semaphore, #tpu.memory_space<semaphore_mem>>)
    %slice3A_101 = vector.extract_strided_slice %get3A_3 {offsets = [6], sizes = [1], strides = [1]} : vector<16xi32> to vector<1xi32>
    %squeeze3A_102 = vector.extract %slice3A_101[0] : i32 from vector<1xi32>
    %shift_right_arithmetic3A_103 = arith.constant 3 : i32
    %shift_right_arithmetic3A_104 = arith.shrsi %squeeze3A_102, %shift_right_arithmetic3A_103 : i32
    %mul3A_105 = arith.constant 8 : i32
    %mul3A_106 = arith.muli %shift_right_arithmetic3A_104, %mul3A_105 : i32
    %multiple_of3A_107 = tpu.assume_multiple %mul3A_106, 8 : i32
    %dma_start3A_108 = arith.constant 48 : i32
    %dma_start3A_109 = arith.constant 0 : i32
    %dma_start3A_110 = tpu.memref_slice %arg6[%dma_start3A_108, %dma_start3A_109] : memref<128x64xf32, #tpu.memory_space<vmem>> -> memref<8x64xf32, #tpu.memory_space<vmem>>
    %dma_start3A_111 = arith.constant 0 : i32
    %dma_start3A_112 = tpu.memref_slice %arg3[%multiple_of3A_107, %dma_start3A_111] : memref<1000000x64xf32, #tpu.memory_space<hbm>> -> memref<8x64xf32, #tpu.memory_space<hbm>>
    %dma_start3A_113 = arith.constant 48 : i32
    %dma_start3A_114 = arith.constant 0 : i32
    %dma_start3A_115 = tpu.memref_slice %arg6[%dma_start3A_113, %dma_start3A_114] : memref<128x64xf32, #tpu.memory_space<vmem>> -> memref<8x64xf32, #tpu.memory_space<vmem>>
    %dma_start3A_116 = arith.constant 0 : i32
    %dma_start3A_117 = tpu.memref_slice %arg3[%multiple_of3A_107, %dma_start3A_116] : memref<1000000x64xf32, #tpu.memory_space<hbm>> -> memref<8x64xf32, #tpu.memory_space<hbm>>
    tpu.enqueue_dma source(%dma_start3A_117 : memref<8x64xf32, #tpu.memory_space<hbm>>) target(%dma_start3A_115 : memref<8x64xf32, #tpu.memory_space<vmem>>) target_semaphore(%arg9 : memref<!tpu.dma_semaphore, #tpu.memory_space<semaphore_mem>>)
    %slice3A_118 = vector.extract_strided_slice %get3A_3 {offsets = [7], sizes = [1], strides = [1]} : vector<16xi32> to vector<1xi32>
    %squeeze3A_119 = vector.extract %slice3A_118[0] : i32 from vector<1xi32>
    %shift_right_arithmetic3A_120 = arith.constant 3 : i32
    %shift_right_arithmetic3A_121 = arith.shrsi %squeeze3A_119, %shift_right_arithmetic3A_120 : i32
    %mul3A_122 = arith.constant 8 : i32
    %mul3A_123 = arith.muli %shift_right_arithmetic3A_121, %mul3A_122 : i32
    %multiple_of3A_124 = tpu.assume_multiple %mul3A_123, 8 : i32
    %dma_start3A_125 = arith.constant 56 : i32
    %dma_start3A_126 = arith.constant 0 : i32
    %dma_start3A_127 = tpu.memref_slice %arg6[%dma_start3A_125, %dma_start3A_126] : memref<128x64xf32, #tpu.memory_space<vmem>> -> memref<8x64xf32, #tpu.memory_space<vmem>>
    %dma_start3A_128 = arith.constant 0 : i32
    %dma_start3A_129 = tpu.memref_slice %arg3[%multiple_of3A_124, %dma_start3A_128] : memref<1000000x64xf32, #tpu.memory_space<hbm>> -> memref<8x64xf32, #tpu.memory_space<hbm>>
    %dma_start3A_130 = arith.constant 56 : i32
    %dma_start3A_131 = arith.constant 0 : i32
    %dma_start3A_132 = tpu.memref_slice %arg6[%dma_start3A_130, %dma_start3A_131] : memref<128x64xf32, #tpu.memory_space<vmem>> -> memref<8x64xf32, #tpu.memory_space<vmem>>
    %dma_start3A_133 = arith.constant 0 : i32
    %dma_start3A_134 = tpu.memref_slice %arg3[%multiple_of3A_124, %dma_start3A_133] : memref<1000000x64xf32, #tpu.memory_space<hbm>> -> memref<8x64xf32, #tpu.memory_space<hbm>>
    tpu.enqueue_dma source(%dma_start3A_134 : memref<8x64xf32, #tpu.memory_space<hbm>>) target(%dma_start3A_132 : memref<8x64xf32, #tpu.memory_space<vmem>>) target_semaphore(%arg9 : memref<!tpu.dma_semaphore, #tpu.memory_space<semaphore_mem>>)
    %slice3A_135 = vector.extract_strided_slice %get3A_3 {offsets = [8], sizes = [1], strides = [1]} : vector<16xi32> to vector<1xi32>
    %squeeze3A_136 = vector.extract %slice3A_135[0] : i32 from vector<1xi32>
    %shift_right_arithmetic3A_137 = arith.constant 3 : i32
    %shift_right_arithmetic3A_138 = arith.shrsi %squeeze3A_136, %shift_right_arithmetic3A_137 : i32
    %mul3A_139 = arith.constant 8 : i32
    %mul3A_140 = arith.muli %shift_right_arithmetic3A_138, %mul3A_139 : i32
    %multiple_of3A_141 = tpu.assume_multiple %mul3A_140, 8 : i32
    %dma_start3A_142 = arith.constant 64 : i32
    %dma_start3A_143 = arith.constant 0 : i32
    %dma_start3A_144 = tpu.memref_slice %arg6[%dma_start3A_142, %dma_start3A_143] : memref<128x64xf32, #tpu.memory_space<vmem>> -> memref<8x64xf32, #tpu.memory_space<vmem>>
    %dma_start3A_145 = arith.constant 0 : i32
    %dma_start3A_146 = tpu.memref_slice %arg3[%multiple_of3A_141, %dma_start3A_145] : memref<1000000x64xf32, #tpu.memory_space<hbm>> -> memref<8x64xf32, #tpu.memory_space<hbm>>
    %dma_start3A_147 = arith.constant 64 : i32
    %dma_start3A_148 = arith.constant 0 : i32
    %dma_start3A_149 = tpu.memref_slice %arg6[%dma_start3A_147, %dma_start3A_148] : memref<128x64xf32, #tpu.memory_space<vmem>> -> memref<8x64xf32, #tpu.memory_space<vmem>>
    %dma_start3A_150 = arith.constant 0 : i32
    %dma_start3A_151 = tpu.memref_slice %arg3[%multiple_of3A_141, %dma_start3A_150] : memref<1000000x64xf32, #tpu.memory_space<hbm>> -> memref<8x64xf32, #tpu.memory_space<hbm>>
    tpu.enqueue_dma source(%dma_start3A_151 : memref<8x64xf32, #tpu.memory_space<hbm>>) target(%dma_start3A_149 : memref<8x64xf32, #tpu.memory_space<vmem>>) target_semaphore(%arg9 : memref<!tpu.dma_semaphore, #tpu.memory_space<semaphore_mem>>)
    %slice3A_152 = vector.extract_strided_slice %get3A_3 {offsets = [9], sizes = [1], strides = [1]} : vector<16xi32> to vector<1xi32>
    %squeeze3A_153 = vector.extract %slice3A_152[0] : i32 from vector<1xi32>
    %shift_right_arithmetic3A_154 = arith.constant 3 : i32
    %shift_right_arithmetic3A_155 = arith.shrsi %squeeze3A_153, %shift_right_arithmetic3A_154 : i32
    %mul3A_156 = arith.constant 8 : i32
    %mul3A_157 = arith.muli %shift_right_arithmetic3A_155, %mul3A_156 : i32
    %multiple_of3A_158 = tpu.assume_multiple %mul3A_157, 8 : i32
    %dma_start3A_159 = arith.constant 72 : i32
    %dma_start3A_160 = arith.constant 0 : i32
    %dma_start3A_161 = tpu.memref_slice %arg6[%dma_start3A_159, %dma_start3A_160] : memref<128x64xf32, #tpu.memory_space<vmem>> -> memref<8x64xf32, #tpu.memory_space<vmem>>
    %dma_start3A_162 = arith.constant 0 : i32
    %dma_start3A_163 = tpu.memref_slice %arg3[%multiple_of3A_158, %dma_start3A_162] : memref<1000000x64xf32, #tpu.memory_space<hbm>> -> memref<8x64xf32, #tpu.memory_space<hbm>>
    %dma_start3A_164 = arith.constant 72 : i32
    %dma_start3A_165 = arith.constant 0 : i32
    %dma_start3A_166 = tpu.memref_slice %arg6[%dma_start3A_164, %dma_start3A_165] : memref<128x64xf32, #tpu.memory_space<vmem>> -> memref<8x64xf32, #tpu.memory_space<vmem>>
    %dma_start3A_167 = arith.constant 0 : i32
    %dma_start3A_168 = tpu.memref_slice %arg3[%multiple_of3A_158, %dma_start3A_167] : memref<1000000x64xf32, #tpu.memory_space<hbm>> -> memref<8x64xf32, #tpu.memory_space<hbm>>
    tpu.enqueue_dma source(%dma_start3A_168 : memref<8x64xf32, #tpu.memory_space<hbm>>) target(%dma_start3A_166 : memref<8x64xf32, #tpu.memory_space<vmem>>) target_semaphore(%arg9 : memref<!tpu.dma_semaphore, #tpu.memory_space<semaphore_mem>>)
    %slice3A_169 = vector.extract_strided_slice %get3A_3 {offsets = [10], sizes = [1], strides = [1]} : vector<16xi32> to vector<1xi32>
    %squeeze3A_170 = vector.extract %slice3A_169[0] : i32 from vector<1xi32>
    %shift_right_arithmetic3A_171 = arith.constant 3 : i32
    %shift_right_arithmetic3A_172 = arith.shrsi %squeeze3A_170, %shift_right_arithmetic3A_171 : i32
    %mul3A_173 = arith.constant 8 : i32
    %mul3A_174 = arith.muli %shift_right_arithmetic3A_172, %mul3A_173 : i32
    %multiple_of3A_175 = tpu.assume_multiple %mul3A_174, 8 : i32
    %dma_start3A_176 = arith.constant 80 : i32
    %dma_start3A_177 = arith.constant 0 : i32
    %dma_start3A_178 = tpu.memref_slice %arg6[%dma_start3A_176, %dma_start3A_177] : memref<128x64xf32, #tpu.memory_space<vmem>> -> memref<8x64xf32, #tpu.memory_space<vmem>>
    %dma_start3A_179 = arith.constant 0 : i32
    %dma_start3A_180 = tpu.memref_slice %arg3[%multiple_of3A_175, %dma_start3A_179] : memref<1000000x64xf32, #tpu.memory_space<hbm>> -> memref<8x64xf32, #tpu.memory_space<hbm>>
    %dma_start3A_181 = arith.constant 80 : i32
    %dma_start3A_182 = arith.constant 0 : i32
    %dma_start3A_183 = tpu.memref_slice %arg6[%dma_start3A_181, %dma_start3A_182] : memref<128x64xf32, #tpu.memory_space<vmem>> -> memref<8x64xf32, #tpu.memory_space<vmem>>
    %dma_start3A_184 = arith.constant 0 : i32
    %dma_start3A_185 = tpu.memref_slice %arg3[%multiple_of3A_175, %dma_start3A_184] : memref<1000000x64xf32, #tpu.memory_space<hbm>> -> memref<8x64xf32, #tpu.memory_space<hbm>>
    tpu.enqueue_dma source(%dma_start3A_185 : memref<8x64xf32, #tpu.memory_space<hbm>>) target(%dma_start3A_183 : memref<8x64xf32, #tpu.memory_space<vmem>>) target_semaphore(%arg9 : memref<!tpu.dma_semaphore, #tpu.memory_space<semaphore_mem>>)
    %slice3A_186 = vector.extract_strided_slice %get3A_3 {offsets = [11], sizes = [1], strides = [1]} : vector<16xi32> to vector<1xi32>
    %squeeze3A_187 = vector.extract %slice3A_186[0] : i32 from vector<1xi32>
    %shift_right_arithmetic3A_188 = arith.constant 3 : i32
    %shift_right_arithmetic3A_189 = arith.shrsi %squeeze3A_187, %shift_right_arithmetic3A_188 : i32
    %mul3A_190 = arith.constant 8 : i32
    %mul3A_191 = arith.muli %shift_right_arithmetic3A_189, %mul3A_190 : i32
    %multiple_of3A_192 = tpu.assume_multiple %mul3A_191, 8 : i32
    %dma_start3A_193 = arith.constant 88 : i32
    %dma_start3A_194 = arith.constant 0 : i32
    %dma_start3A_195 = tpu.memref_slice %arg6[%dma_start3A_193, %dma_start3A_194] : memref<128x64xf32, #tpu.memory_space<vmem>> -> memref<8x64xf32, #tpu.memory_space<vmem>>
    %dma_start3A_196 = arith.constant 0 : i32
    %dma_start3A_197 = tpu.memref_slice %arg3[%multiple_of3A_192, %dma_start3A_196] : memref<1000000x64xf32, #tpu.memory_space<hbm>> -> memref<8x64xf32, #tpu.memory_space<hbm>>
    %dma_start3A_198 = arith.constant 88 : i32
    %dma_start3A_199 = arith.constant 0 : i32
    %dma_start3A_200 = tpu.memref_slice %arg6[%dma_start3A_198, %dma_start3A_199] : memref<128x64xf32, #tpu.memory_space<vmem>> -> memref<8x64xf32, #tpu.memory_space<vmem>>
    %dma_start3A_201 = arith.constant 0 : i32
    %dma_start3A_202 = tpu.memref_slice %arg3[%multiple_of3A_192, %dma_start3A_201] : memref<1000000x64xf32, #tpu.memory_space<hbm>> -> memref<8x64xf32, #tpu.memory_space<hbm>>
    tpu.enqueue_dma source(%dma_start3A_202 : memref<8x64xf32, #tpu.memory_space<hbm>>) target(%dma_start3A_200 : memref<8x64xf32, #tpu.memory_space<vmem>>) target_semaphore(%arg9 : memref<!tpu.dma_semaphore, #tpu.memory_space<semaphore_mem>>)
    %slice3A_203 = vector.extract_strided_slice %get3A_3 {offsets = [12], sizes = [1], strides = [1]} : vector<16xi32> to vector<1xi32>
    %squeeze3A_204 = vector.extract %slice3A_203[0] : i32 from vector<1xi32>
    %shift_right_arithmetic3A_205 = arith.constant 3 : i32
    %shift_right_arithmetic3A_206 = arith.shrsi %squeeze3A_204, %shift_right_arithmetic3A_205 : i32
    %mul3A_207 = arith.constant 8 : i32
    %mul3A_208 = arith.muli %shift_right_arithmetic3A_206, %mul3A_207 : i32
    %multiple_of3A_209 = tpu.assume_multiple %mul3A_208, 8 : i32
    %dma_start3A_210 = arith.constant 96 : i32
    %dma_start3A_211 = arith.constant 0 : i32
    %dma_start3A_212 = tpu.memref_slice %arg6[%dma_start3A_210, %dma_start3A_211] : memref<128x64xf32, #tpu.memory_space<vmem>> -> memref<8x64xf32, #tpu.memory_space<vmem>>
    %dma_start3A_213 = arith.constant 0 : i32
    %dma_start3A_214 = tpu.memref_slice %arg3[%multiple_of3A_209, %dma_start3A_213] : memref<1000000x64xf32, #tpu.memory_space<hbm>> -> memref<8x64xf32, #tpu.memory_space<hbm>>
    %dma_start3A_215 = arith.constant 96 : i32
    %dma_start3A_216 = arith.constant 0 : i32
    %dma_start3A_217 = tpu.memref_slice %arg6[%dma_start3A_215, %dma_start3A_216] : memref<128x64xf32, #tpu.memory_space<vmem>> -> memref<8x64xf32, #tpu.memory_space<vmem>>
    %dma_start3A_218 = arith.constant 0 : i32
    %dma_start3A_219 = tpu.memref_slice %arg3[%multiple_of3A_209, %dma_start3A_218] : memref<1000000x64xf32, #tpu.memory_space<hbm>> -> memref<8x64xf32, #tpu.memory_space<hbm>>
    tpu.enqueue_dma source(%dma_start3A_219 : memref<8x64xf32, #tpu.memory_space<hbm>>) target(%dma_start3A_217 : memref<8x64xf32, #tpu.memory_space<vmem>>) target_semaphore(%arg9 : memref<!tpu.dma_semaphore, #tpu.memory_space<semaphore_mem>>)
    %slice3A_220 = vector.extract_strided_slice %get3A_3 {offsets = [13], sizes = [1], strides = [1]} : vector<16xi32> to vector<1xi32>
    %squeeze3A_221 = vector.extract %slice3A_220[0] : i32 from vector<1xi32>
    %shift_right_arithmetic3A_222 = arith.constant 3 : i32
    %shift_right_arithmetic3A_223 = arith.shrsi %squeeze3A_221, %shift_right_arithmetic3A_222 : i32
    %mul3A_224 = arith.constant 8 : i32
    %mul3A_225 = arith.muli %shift_right_arithmetic3A_223, %mul3A_224 : i32
    %multiple_of3A_226 = tpu.assume_multiple %mul3A_225, 8 : i32
    %dma_start3A_227 = arith.constant 104 : i32
    %dma_start3A_228 = arith.constant 0 : i32
    %dma_start3A_229 = tpu.memref_slice %arg6[%dma_start3A_227, %dma_start3A_228] : memref<128x64xf32, #tpu.memory_space<vmem>> -> memref<8x64xf32, #tpu.memory_space<vmem>>
    %dma_start3A_230 = arith.constant 0 : i32
    %dma_start3A_231 = tpu.memref_slice %arg3[%multiple_of3A_226, %dma_start3A_230] : memref<1000000x64xf32, #tpu.memory_space<hbm>> -> memref<8x64xf32, #tpu.memory_space<hbm>>
    %dma_start3A_232 = arith.constant 104 : i32
    %dma_start3A_233 = arith.constant 0 : i32
    %dma_start3A_234 = tpu.memref_slice %arg6[%dma_start3A_232, %dma_start3A_233] : memref<128x64xf32, #tpu.memory_space<vmem>> -> memref<8x64xf32, #tpu.memory_space<vmem>>
    %dma_start3A_235 = arith.constant 0 : i32
    %dma_start3A_236 = tpu.memref_slice %arg3[%multiple_of3A_226, %dma_start3A_235] : memref<1000000x64xf32, #tpu.memory_space<hbm>> -> memref<8x64xf32, #tpu.memory_space<hbm>>
    tpu.enqueue_dma source(%dma_start3A_236 : memref<8x64xf32, #tpu.memory_space<hbm>>) target(%dma_start3A_234 : memref<8x64xf32, #tpu.memory_space<vmem>>) target_semaphore(%arg9 : memref<!tpu.dma_semaphore, #tpu.memory_space<semaphore_mem>>)
    %slice3A_237 = vector.extract_strided_slice %get3A_3 {offsets = [14], sizes = [1], strides = [1]} : vector<16xi32> to vector<1xi32>
    %squeeze3A_238 = vector.extract %slice3A_237[0] : i32 from vector<1xi32>
    %shift_right_arithmetic3A_239 = arith.constant 3 : i32
    %shift_right_arithmetic3A_240 = arith.shrsi %squeeze3A_238, %shift_right_arithmetic3A_239 : i32
    %mul3A_241 = arith.constant 8 : i32
    %mul3A_242 = arith.muli %shift_right_arithmetic3A_240, %mul3A_241 : i32
    %multiple_of3A_243 = tpu.assume_multiple %mul3A_242, 8 : i32
    %dma_start3A_244 = arith.constant 112 : i32
    %dma_start3A_245 = arith.constant 0 : i32
    %dma_start3A_246 = tpu.memref_slice %arg6[%dma_start3A_244, %dma_start3A_245] : memref<128x64xf32, #tpu.memory_space<vmem>> -> memref<8x64xf32, #tpu.memory_space<vmem>>
    %dma_start3A_247 = arith.constant 0 : i32
    %dma_start3A_248 = tpu.memref_slice %arg3[%multiple_of3A_243, %dma_start3A_247] : memref<1000000x64xf32, #tpu.memory_space<hbm>> -> memref<8x64xf32, #tpu.memory_space<hbm>>
    %dma_start3A_249 = arith.constant 112 : i32
    %dma_start3A_250 = arith.constant 0 : i32
    %dma_start3A_251 = tpu.memref_slice %arg6[%dma_start3A_249, %dma_start3A_250] : memref<128x64xf32, #tpu.memory_space<vmem>> -> memref<8x64xf32, #tpu.memory_space<vmem>>
    %dma_start3A_252 = arith.constant 0 : i32
    %dma_start3A_253 = tpu.memref_slice %arg3[%multiple_of3A_243, %dma_start3A_252] : memref<1000000x64xf32, #tpu.memory_space<hbm>> -> memref<8x64xf32, #tpu.memory_space<hbm>>
    tpu.enqueue_dma source(%dma_start3A_253 : memref<8x64xf32, #tpu.memory_space<hbm>>) target(%dma_start3A_251 : memref<8x64xf32, #tpu.memory_space<vmem>>) target_semaphore(%arg9 : memref<!tpu.dma_semaphore, #tpu.memory_space<semaphore_mem>>)
    %slice3A_254 = vector.extract_strided_slice %get3A_3 {offsets = [15], sizes = [1], strides = [1]} : vector<16xi32> to vector<1xi32>
    %squeeze3A_255 = vector.extract %slice3A_254[0] : i32 from vector<1xi32>
    %shift_right_arithmetic3A_256 = arith.constant 3 : i32
    %shift_right_arithmetic3A_257 = arith.shrsi %squeeze3A_255, %shift_right_arithmetic3A_256 : i32
    %mul3A_258 = arith.constant 8 : i32
    %mul3A_259 = arith.muli %shift_right_arithmetic3A_257, %mul3A_258 : i32
    %multiple_of3A_260 = tpu.assume_multiple %mul3A_259, 8 : i32
    %dma_start3A_261 = arith.constant 120 : i32
    %dma_start3A_262 = arith.constant 0 : i32
    %dma_start3A_263 = tpu.memref_slice %arg6[%dma_start3A_261, %dma_start3A_262] : memref<128x64xf32, #tpu.memory_space<vmem>> -> memref<8x64xf32, #tpu.memory_space<vmem>>
    %dma_start3A_264 = arith.constant 0 : i32
    %dma_start3A_265 = tpu.memref_slice %arg3[%multiple_of3A_260, %dma_start3A_264] : memref<1000000x64xf32, #tpu.memory_space<hbm>> -> memref<8x64xf32, #tpu.memory_space<hbm>>
    %dma_start3A_266 = arith.constant 120 : i32
    %dma_start3A_267 = arith.constant 0 : i32
    %dma_start3A_268 = tpu.memref_slice %arg6[%dma_start3A_266, %dma_start3A_267] : memref<128x64xf32, #tpu.memory_space<vmem>> -> memref<8x64xf32, #tpu.memory_space<vmem>>
    %dma_start3A_269 = arith.constant 0 : i32
    %dma_start3A_270 = tpu.memref_slice %arg3[%multiple_of3A_260, %dma_start3A_269] : memref<1000000x64xf32, #tpu.memory_space<hbm>> -> memref<8x64xf32, #tpu.memory_space<hbm>>
    tpu.enqueue_dma source(%dma_start3A_270 : memref<8x64xf32, #tpu.memory_space<hbm>>) target(%dma_start3A_268 : memref<8x64xf32, #tpu.memory_space<vmem>>) target_semaphore(%arg9 : memref<!tpu.dma_semaphore, #tpu.memory_space<semaphore_mem>>)
    %scan3A = arith.constant 0 : i32
    %scan3A_271 = arith.constant 15 : i32
    %scan3A_272 = arith.addi %scan3A, %scan3A_271 : i32
    %scan3A_273 = arith.constant 1 : i32
    scf.for %scan3A_1777 = %scan3A to %scan3A_272 step %scan3A_273  : i32 {
      %mul3A_1778 = arith.constant 1 : i32
      %mul3A_1779 = arith.muli %scan3A_1777, %mul3A_1778 : i32
      %add3A_1780 = arith.constant 0 : i32
      %add3A_1781 = arith.addi %add3A_1780, %mul3A_1779 : i32
      %mul3A_1782 = arith.constant 2 : i32
      %mul3A_1783 = arith.muli %add3A_1781, %mul3A_1782 : i32
      %add3A_1784 = arith.constant 1 : i32
      %add3A_1785 = arith.addi %mul3A_1783, %add3A_1784 : i32
      %mul3A_1786 = arith.constant 16 : i32
      %mul3A_1787 = arith.muli %add3A_1785, %mul3A_1786 : i32
      %get3A_1788 = arith.index_cast %mul3A_1787 : i32 to index
      %get3A_1789 = tpu.vector_load %arg5[%get3A_1788] {strides = array<i32>} : memref<512xi32, #tpu.memory_space<vmem>>, vector<16xi32>,
      %slice3A_1790 = vector.extract_strided_slice %get3A_1789 {offsets = [0], sizes = [1], strides = [1]} : vector<16xi32> to vector<1xi32>
      %squeeze3A_1791 = vector.extract %slice3A_1790[0] : i32 from vector<1xi32>
      %shift_right_arithmetic3A_1792 = arith.constant 3 : i32
      %shift_right_arithmetic3A_1793 = arith.shrsi %squeeze3A_1791, %shift_right_arithmetic3A_1792 : i32
      %mul3A_1794 = arith.constant 8 : i32
      %mul3A_1795 = arith.muli %shift_right_arithmetic3A_1793, %mul3A_1794 : i32
      %multiple_of3A_1796 = tpu.assume_multiple %mul3A_1795, 8 : i32
      %dma_start3A_1797 = arith.constant 0 : i32
      %dma_start3A_1798 = arith.constant 0 : i32
      %dma_start3A_1799 = tpu.memref_slice %arg7[%dma_start3A_1797, %dma_start3A_1798] : memref<128x64xf32, #tpu.memory_space<vmem>> -> memref<8x64xf32, #tpu.memory_space<vmem>>
      %dma_start3A_1800 = arith.constant 0 : i32
      %dma_start3A_1801 = tpu.memref_slice %arg3[%multiple_of3A_1796, %dma_start3A_1800] : memref<1000000x64xf32, #tpu.memory_space<hbm>> -> memref<8x64xf32, #tpu.memory_space<hbm>>
      %dma_start3A_1802 = arith.constant 0 : i32
      %dma_start3A_1803 = arith.constant 0 : i32
      %dma_start3A_1804 = tpu.memref_slice %arg7[%dma_start3A_1802, %dma_start3A_1803] : memref<128x64xf32, #tpu.memory_space<vmem>> -> memref<8x64xf32, #tpu.memory_space<vmem>>
      %dma_start3A_1805 = arith.constant 0 : i32
      %dma_start3A_1806 = tpu.memref_slice %arg3[%multiple_of3A_1796, %dma_start3A_1805] : memref<1000000x64xf32, #tpu.memory_space<hbm>> -> memref<8x64xf32, #tpu.memory_space<hbm>>
      tpu.enqueue_dma source(%dma_start3A_1806 : memref<8x64xf32, #tpu.memory_space<hbm>>) target(%dma_start3A_1804 : memref<8x64xf32, #tpu.memory_space<vmem>>) target_semaphore(%arg10 : memref<!tpu.dma_semaphore, #tpu.memory_space<semaphore_mem>>)
      %slice3A_1807 = vector.extract_strided_slice %get3A_1789 {offsets = [1], sizes = [1], strides = [1]} : vector<16xi32> to vector<1xi32>
      %squeeze3A_1808 = vector.extract %slice3A_1807[0] : i32 from vector<1xi32>
      %shift_right_arithmetic3A_1809 = arith.constant 3 : i32
      %shift_right_arithmetic3A_1810 = arith.shrsi %squeeze3A_1808, %shift_right_arithmetic3A_1809 : i32
      %mul3A_1811 = arith.constant 8 : i32
      %mul3A_1812 = arith.muli %shift_right_arithmetic3A_1810, %mul3A_1811 : i32
      %multiple_of3A_1813 = tpu.assume_multiple %mul3A_1812, 8 : i32
      %dma_start3A_1814 = arith.constant 8 : i32
      %dma_start3A_1815 = arith.constant 0 : i32
      %dma_start3A_1816 = tpu.memref_slice %arg7[%dma_start3A_1814, %dma_start3A_1815] : memref<128x64xf32, #tpu.memory_space<vmem>> -> memref<8x64xf32, #tpu.memory_space<vmem>>
      %dma_start3A_1817 = arith.constant 0 : i32
      %dma_start3A_1818 = tpu.memref_slice %arg3[%multiple_of3A_1813, %dma_start3A_1817] : memref<1000000x64xf32, #tpu.memory_space<hbm>> -> memref<8x64xf32, #tpu.memory_space<hbm>>
      %dma_start3A_1819 = arith.constant 8 : i32
      %dma_start3A_1820 = arith.constant 0 : i32
      %dma_start3A_1821 = tpu.memref_slice %arg7[%dma_start3A_1819, %dma_start3A_1820] : memref<128x64xf32, #tpu.memory_space<vmem>> -> memref<8x64xf32, #tpu.memory_space<vmem>>
      %dma_start3A_1822 = arith.constant 0 : i32
      %dma_start3A_1823 = tpu.memref_slice %arg3[%multiple_of3A_1813, %dma_start3A_1822] : memref<1000000x64xf32, #tpu.memory_space<hbm>> -> memref<8x64xf32, #tpu.memory_space<hbm>>
      tpu.enqueue_dma source(%dma_start3A_1823 : memref<8x64xf32, #tpu.memory_space<hbm>>) target(%dma_start3A_1821 : memref<8x64xf32, #tpu.memory_space<vmem>>) target_semaphore(%arg10 : memref<!tpu.dma_semaphore, #tpu.memory_space<semaphore_mem>>)
      %slice3A_1824 = vector.extract_strided_slice %get3A_1789 {offsets = [2], sizes = [1], strides = [1]} : vector<16xi32> to vector<1xi32>
      %squeeze3A_1825 = vector.extract %slice3A_1824[0] : i32 from vector<1xi32>
      %shift_right_arithmetic3A_1826 = arith.constant 3 : i32
      %shift_right_arithmetic3A_1827 = arith.shrsi %squeeze3A_1825, %shift_right_arithmetic3A_1826 : i32
      %mul3A_1828 = arith.constant 8 : i32
      %mul3A_1829 = arith.muli %shift_right_arithmetic3A_1827, %mul3A_1828 : i32
      %multiple_of3A_1830 = tpu.assume_multiple %mul3A_1829, 8 : i32
      %dma_start3A_1831 = arith.constant 16 : i32
      %dma_start3A_1832 = arith.constant 0 : i32
      %dma_start3A_1833 = tpu.memref_slice %arg7[%dma_start3A_1831, %dma_start3A_1832] : memref<128x64xf32, #tpu.memory_space<vmem>> -> memref<8x64xf32, #tpu.memory_space<vmem>>
      %dma_start3A_1834 = arith.constant 0 : i32
      %dma_start3A_1835 = tpu.memref_slice %arg3[%multiple_of3A_1830, %dma_start3A_1834] : memref<1000000x64xf32, #tpu.memory_space<hbm>> -> memref<8x64xf32, #tpu.memory_space<hbm>>
      %dma_start3A_1836 = arith.constant 16 : i32
      %dma_start3A_1837 = arith.constant 0 : i32
      %dma_start3A_1838 = tpu.memref_slice %arg7[%dma_start3A_1836, %dma_start3A_1837] : memref<128x64xf32, #tpu.memory_space<vmem>> -> memref<8x64xf32, #tpu.memory_space<vmem>>
      %dma_start3A_1839 = arith.constant 0 : i32
      %dma_start3A_1840 = tpu.memref_slice %arg3[%multiple_of3A_1830, %dma_start3A_1839] : memref<1000000x64xf32, #tpu.memory_space<hbm>> -> memref<8x64xf32, #tpu.memory_space<hbm>>
      tpu.enqueue_dma source(%dma_start3A_1840 : memref<8x64xf32, #tpu.memory_space<hbm>>) target(%dma_start3A_1838 : memref<8x64xf32, #tpu.memory_space<vmem>>) target_semaphore(%arg10 : memref<!tpu.dma_semaphore, #tpu.memory_space<semaphore_mem>>)
      %slice3A_1841 = vector.extract_strided_slice %get3A_1789 {offsets = [3], sizes = [1], strides = [1]} : vector<16xi32> to vector<1xi32>
      %squeeze3A_1842 = vector.extract %slice3A_1841[0] : i32 from vector<1xi32>
      %shift_right_arithmetic3A_1843 = arith.constant 3 : i32
      %shift_right_arithmetic3A_1844 = arith.shrsi %squeeze3A_1842, %shift_right_arithmetic3A_1843 : i32
      %mul3A_1845 = arith.constant 8 : i32
      %mul3A_1846 = arith.muli %shift_right_arithmetic3A_1844, %mul3A_1845 : i32
      %multiple_of3A_1847 = tpu.assume_multiple %mul3A_1846, 8 : i32
      %dma_start3A_1848 = arith.constant 24 : i32
      %dma_start3A_1849 = arith.constant 0 : i32
      %dma_start3A_1850 = tpu.memref_slice %arg7[%dma_start3A_1848, %dma_start3A_1849] : memref<128x64xf32, #tpu.memory_space<vmem>> -> memref<8x64xf32, #tpu.memory_space<vmem>>
      %dma_start3A_1851 = arith.constant 0 : i32
      %dma_start3A_1852 = tpu.memref_slice %arg3[%multiple_of3A_1847, %dma_start3A_1851] : memref<1000000x64xf32, #tpu.memory_space<hbm>> -> memref<8x64xf32, #tpu.memory_space<hbm>>
      %dma_start3A_1853 = arith.constant 24 : i32
      %dma_start3A_1854 = arith.constant 0 : i32
      %dma_start3A_1855 = tpu.memref_slice %arg7[%dma_start3A_1853, %dma_start3A_1854] : memref<128x64xf32, #tpu.memory_space<vmem>> -> memref<8x64xf32, #tpu.memory_space<vmem>>
      %dma_start3A_1856 = arith.constant 0 : i32
      %dma_start3A_1857 = tpu.memref_slice %arg3[%multiple_of3A_1847, %dma_start3A_1856] : memref<1000000x64xf32, #tpu.memory_space<hbm>> -> memref<8x64xf32, #tpu.memory_space<hbm>>
      tpu.enqueue_dma source(%dma_start3A_1857 : memref<8x64xf32, #tpu.memory_space<hbm>>) target(%dma_start3A_1855 : memref<8x64xf32, #tpu.memory_space<vmem>>) target_semaphore(%arg10 : memref<!tpu.dma_semaphore, #tpu.memory_space<semaphore_mem>>)
      %slice3A_1858 = vector.extract_strided_slice %get3A_1789 {offsets = [4], sizes = [1], strides = [1]} : vector<16xi32> to vector<1xi32>
      %squeeze3A_1859 = vector.extract %slice3A_1858[0] : i32 from vector<1xi32>
      %shift_right_arithmetic3A_1860 = arith.constant 3 : i32
      %shift_right_arithmetic3A_1861 = arith.shrsi %squeeze3A_1859, %shift_right_arithmetic3A_1860 : i32
      %mul3A_1862 = arith.constant 8 : i32
      %mul3A_1863 = arith.muli %shift_right_arithmetic3A_1861, %mul3A_1862 : i32
      %multiple_of3A_1864 = tpu.assume_multiple %mul3A_1863, 8 : i32
      %dma_start3A_1865 = arith.constant 32 : i32
      %dma_start3A_1866 = arith.constant 0 : i32
      %dma_start3A_1867 = tpu.memref_slice %arg7[%dma_start3A_1865, %dma_start3A_1866] : memref<128x64xf32, #tpu.memory_space<vmem>> -> memref<8x64xf32, #tpu.memory_space<vmem>>
      %dma_start3A_1868 = arith.constant 0 : i32
      %dma_start3A_1869 = tpu.memref_slice %arg3[%multiple_of3A_1864, %dma_start3A_1868] : memref<1000000x64xf32, #tpu.memory_space<hbm>> -> memref<8x64xf32, #tpu.memory_space<hbm>>
      %dma_start3A_1870 = arith.constant 32 : i32
      %dma_start3A_1871 = arith.constant 0 : i32
      %dma_start3A_1872 = tpu.memref_slice %arg7[%dma_start3A_1870, %dma_start3A_1871] : memref<128x64xf32, #tpu.memory_space<vmem>> -> memref<8x64xf32, #tpu.memory_space<vmem>>
      %dma_start3A_1873 = arith.constant 0 : i32
      %dma_start3A_1874 = tpu.memref_slice %arg3[%multiple_of3A_1864, %dma_start3A_1873] : memref<1000000x64xf32, #tpu.memory_space<hbm>> -> memref<8x64xf32, #tpu.memory_space<hbm>>
      tpu.enqueue_dma source(%dma_start3A_1874 : memref<8x64xf32, #tpu.memory_space<hbm>>) target(%dma_start3A_1872 : memref<8x64xf32, #tpu.memory_space<vmem>>) target_semaphore(%arg10 : memref<!tpu.dma_semaphore, #tpu.memory_space<semaphore_mem>>)
      %slice3A_1875 = vector.extract_strided_slice %get3A_1789 {offsets = [5], sizes = [1], strides = [1]} : vector<16xi32> to vector<1xi32>
      %squeeze3A_1876 = vector.extract %slice3A_1875[0] : i32 from vector<1xi32>
      %shift_right_arithmetic3A_1877 = arith.constant 3 : i32
      %shift_right_arithmetic3A_1878 = arith.shrsi %squeeze3A_1876, %shift_right_arithmetic3A_1877 : i32
      %mul3A_1879 = arith.constant 8 : i32
      %mul3A_1880 = arith.muli %shift_right_arithmetic3A_1878, %mul3A_1879 : i32
      %multiple_of3A_1881 = tpu.assume_multiple %mul3A_1880, 8 : i32
      %dma_start3A_1882 = arith.constant 40 : i32
      %dma_start3A_1883 = arith.constant 0 : i32
      %dma_start3A_1884 = tpu.memref_slice %arg7[%dma_start3A_1882, %dma_start3A_1883] : memref<128x64xf32, #tpu.memory_space<vmem>> -> memref<8x64xf32, #tpu.memory_space<vmem>>
      %dma_start3A_1885 = arith.constant 0 : i32
      %dma_start3A_1886 = tpu.memref_slice %arg3[%multiple_of3A_1881, %dma_start3A_1885] : memref<1000000x64xf32, #tpu.memory_space<hbm>> -> memref<8x64xf32, #tpu.memory_space<hbm>>
      %dma_start3A_1887 = arith.constant 40 : i32
      %dma_start3A_1888 = arith.constant 0 : i32
      %dma_start3A_1889 = tpu.memref_slice %arg7[%dma_start3A_1887, %dma_start3A_1888] : memref<128x64xf32, #tpu.memory_space<vmem>> -> memref<8x64xf32, #tpu.memory_space<vmem>>
      %dma_start3A_1890 = arith.constant 0 : i32
      %dma_start3A_1891 = tpu.memref_slice %arg3[%multiple_of3A_1881, %dma_start3A_1890] : memref<1000000x64xf32, #tpu.memory_space<hbm>> -> memref<8x64xf32, #tpu.memory_space<hbm>>
      tpu.enqueue_dma source(%dma_start3A_1891 : memref<8x64xf32, #tpu.memory_space<hbm>>) target(%dma_start3A_1889 : memref<8x64xf32, #tpu.memory_space<vmem>>) target_semaphore(%arg10 : memref<!tpu.dma_semaphore, #tpu.memory_space<semaphore_mem>>)
      %slice3A_1892 = vector.extract_strided_slice %get3A_1789 {offsets = [6], sizes = [1], strides = [1]} : vector<16xi32> to vector<1xi32>
      %squeeze3A_1893 = vector.extract %slice3A_1892[0] : i32 from vector<1xi32>
      %shift_right_arithmetic3A_1894 = arith.constant 3 : i32
      %shift_right_arithmetic3A_1895 = arith.shrsi %squeeze3A_1893, %shift_right_arithmetic3A_1894 : i32
      %mul3A_1896 = arith.constant 8 : i32
      %mul3A_1897 = arith.muli %shift_right_arithmetic3A_1895, %mul3A_1896 : i32
      %multiple_of3A_1898 = tpu.assume_multiple %mul3A_1897, 8 : i32
      %dma_start3A_1899 = arith.constant 48 : i32
      %dma_start3A_1900 = arith.constant 0 : i32
      %dma_start3A_1901 = tpu.memref_slice %arg7[%dma_start3A_1899, %dma_start3A_1900] : memref<128x64xf32, #tpu.memory_space<vmem>> -> memref<8x64xf32, #tpu.memory_space<vmem>>
      %dma_start3A_1902 = arith.constant 0 : i32
      %dma_start3A_1903 = tpu.memref_slice %arg3[%multiple_of3A_1898, %dma_start3A_1902] : memref<1000000x64xf32, #tpu.memory_space<hbm>> -> memref<8x64xf32, #tpu.memory_space<hbm>>
      %dma_start3A_1904 = arith.constant 48 : i32
      %dma_start3A_1905 = arith.constant 0 : i32
      %dma_start3A_1906 = tpu.memref_slice %arg7[%dma_start3A_1904, %dma_start3A_1905] : memref<128x64xf32, #tpu.memory_space<vmem>> -> memref<8x64xf32, #tpu.memory_space<vmem>>
      %dma_start3A_1907 = arith.constant 0 : i32
      %dma_start3A_1908 = tpu.memref_slice %arg3[%multiple_of3A_1898, %dma_start3A_1907] : memref<1000000x64xf32, #tpu.memory_space<hbm>> -> memref<8x64xf32, #tpu.memory_space<hbm>>
      tpu.enqueue_dma source(%dma_start3A_1908 : memref<8x64xf32, #tpu.memory_space<hbm>>) target(%dma_start3A_1906 : memref<8x64xf32, #tpu.memory_space<vmem>>) target_semaphore(%arg10 : memref<!tpu.dma_semaphore, #tpu.memory_space<semaphore_mem>>)
      %slice3A_1909 = vector.extract_strided_slice %get3A_1789 {offsets = [7], sizes = [1], strides = [1]} : vector<16xi32> to vector<1xi32>
      %squeeze3A_1910 = vector.extract %slice3A_1909[0] : i32 from vector<1xi32>
      %shift_right_arithmetic3A_1911 = arith.constant 3 : i32
      %shift_right_arithmetic3A_1912 = arith.shrsi %squeeze3A_1910, %shift_right_arithmetic3A_1911 : i32
      %mul3A_1913 = arith.constant 8 : i32
      %mul3A_1914 = arith.muli %shift_right_arithmetic3A_1912, %mul3A_1913 : i32
      %multiple_of3A_1915 = tpu.assume_multiple %mul3A_1914, 8 : i32
      %dma_start3A_1916 = arith.constant 56 : i32
      %dma_start3A_1917 = arith.constant 0 : i32
      %dma_start3A_1918 = tpu.memref_slice %arg7[%dma_start3A_1916, %dma_start3A_1917] : memref<128x64xf32, #tpu.memory_space<vmem>> -> memref<8x64xf32, #tpu.memory_space<vmem>>
      %dma_start3A_1919 = arith.constant 0 : i32
      %dma_start3A_1920 = tpu.memref_slice %arg3[%multiple_of3A_1915, %dma_start3A_1919] : memref<1000000x64xf32, #tpu.memory_space<hbm>> -> memref<8x64xf32, #tpu.memory_space<hbm>>
      %dma_start3A_1921 = arith.constant 56 : i32
      %dma_start3A_1922 = arith.constant 0 : i32
      %dma_start3A_1923 = tpu.memref_slice %arg7[%dma_start3A_1921, %dma_start3A_1922] : memref<128x64xf32, #tpu.memory_space<vmem>> -> memref<8x64xf32, #tpu.memory_space<vmem>>
      %dma_start3A_1924 = arith.constant 0 : i32
      %dma_start3A_1925 = tpu.memref_slice %arg3[%multiple_of3A_1915, %dma_start3A_1924] : memref<1000000x64xf32, #tpu.memory_space<hbm>> -> memref<8x64xf32, #tpu.memory_space<hbm>>
      tpu.enqueue_dma source(%dma_start3A_1925 : memref<8x64xf32, #tpu.memory_space<hbm>>) target(%dma_start3A_1923 : memref<8x64xf32, #tpu.memory_space<vmem>>) target_semaphore(%arg10 : memref<!tpu.dma_semaphore, #tpu.memory_space<semaphore_mem>>)
      %slice3A_1926 = vector.extract_strided_slice %get3A_1789 {offsets = [8], sizes = [1], strides = [1]} : vector<16xi32> to vector<1xi32>
      %squeeze3A_1927 = vector.extract %slice3A_1926[0] : i32 from vector<1xi32>
      %shift_right_arithmetic3A_1928 = arith.constant 3 : i32
      %shift_right_arithmetic3A_1929 = arith.shrsi %squeeze3A_1927, %shift_right_arithmetic3A_1928 : i32
      %mul3A_1930 = arith.constant 8 : i32
      %mul3A_1931 = arith.muli %shift_right_arithmetic3A_1929, %mul3A_1930 : i32
      %multiple_of3A_1932 = tpu.assume_multiple %mul3A_1931, 8 : i32
      %dma_start3A_1933 = arith.constant 64 : i32
      %dma_start3A_1934 = arith.constant 0 : i32
      %dma_start3A_1935 = tpu.memref_slice %arg7[%dma_start3A_1933, %dma_start3A_1934] : memref<128x64xf32, #tpu.memory_space<vmem>> -> memref<8x64xf32, #tpu.memory_space<vmem>>
      %dma_start3A_1936 = arith.constant 0 : i32
      %dma_start3A_1937 = tpu.memref_slice %arg3[%multiple_of3A_1932, %dma_start3A_1936] : memref<1000000x64xf32, #tpu.memory_space<hbm>> -> memref<8x64xf32, #tpu.memory_space<hbm>>
      %dma_start3A_1938 = arith.constant 64 : i32
      %dma_start3A_1939 = arith.constant 0 : i32
      %dma_start3A_1940 = tpu.memref_slice %arg7[%dma_start3A_1938, %dma_start3A_1939] : memref<128x64xf32, #tpu.memory_space<vmem>> -> memref<8x64xf32, #tpu.memory_space<vmem>>
      %dma_start3A_1941 = arith.constant 0 : i32
      %dma_start3A_1942 = tpu.memref_slice %arg3[%multiple_of3A_1932, %dma_start3A_1941] : memref<1000000x64xf32, #tpu.memory_space<hbm>> -> memref<8x64xf32, #tpu.memory_space<hbm>>
      tpu.enqueue_dma source(%dma_start3A_1942 : memref<8x64xf32, #tpu.memory_space<hbm>>) target(%dma_start3A_1940 : memref<8x64xf32, #tpu.memory_space<vmem>>) target_semaphore(%arg10 : memref<!tpu.dma_semaphore, #tpu.memory_space<semaphore_mem>>)
      %slice3A_1943 = vector.extract_strided_slice %get3A_1789 {offsets = [9], sizes = [1], strides = [1]} : vector<16xi32> to vector<1xi32>
      %squeeze3A_1944 = vector.extract %slice3A_1943[0] : i32 from vector<1xi32>
      %shift_right_arithmetic3A_1945 = arith.constant 3 : i32
      %shift_right_arithmetic3A_1946 = arith.shrsi %squeeze3A_1944, %shift_right_arithmetic3A_1945 : i32
      %mul3A_1947 = arith.constant 8 : i32
      %mul3A_1948 = arith.muli %shift_right_arithmetic3A_1946, %mul3A_1947 : i32
      %multiple_of3A_1949 = tpu.assume_multiple %mul3A_1948, 8 : i32
      %dma_start3A_1950 = arith.constant 72 : i32
      %dma_start3A_1951 = arith.constant 0 : i32
      %dma_start3A_1952 = tpu.memref_slice %arg7[%dma_start3A_1950, %dma_start3A_1951] : memref<128x64xf32, #tpu.memory_space<vmem>> -> memref<8x64xf32, #tpu.memory_space<vmem>>
      %dma_start3A_1953 = arith.constant 0 : i32
      %dma_start3A_1954 = tpu.memref_slice %arg3[%multiple_of3A_1949, %dma_start3A_1953] : memref<1000000x64xf32, #tpu.memory_space<hbm>> -> memref<8x64xf32, #tpu.memory_space<hbm>>
      %dma_start3A_1955 = arith.constant 72 : i32
      %dma_start3A_1956 = arith.constant 0 : i32
      %dma_start3A_1957 = tpu.memref_slice %arg7[%dma_start3A_1955, %dma_start3A_1956] : memref<128x64xf32, #tpu.memory_space<vmem>> -> memref<8x64xf32, #tpu.memory_space<vmem>>
      %dma_start3A_1958 = arith.constant 0 : i32
      %dma_start3A_1959 = tpu.memref_slice %arg3[%multiple_of3A_1949, %dma_start3A_1958] : memref<1000000x64xf32, #tpu.memory_space<hbm>> -> memref<8x64xf32, #tpu.memory_space<hbm>>
      tpu.enqueue_dma source(%dma_start3A_1959 : memref<8x64xf32, #tpu.memory_space<hbm>>) target(%dma_start3A_1957 : memref<8x64xf32, #tpu.memory_space<vmem>>) target_semaphore(%arg10 : memref<!tpu.dma_semaphore, #tpu.memory_space<semaphore_mem>>)
      %slice3A_1960 = vector.extract_strided_slice %get3A_1789 {offsets = [10], sizes = [1], strides = [1]} : vector<16xi32> to vector<1xi32>
      %squeeze3A_1961 = vector.extract %slice3A_1960[0] : i32 from vector<1xi32>
      %shift_right_arithmetic3A_1962 = arith.constant 3 : i32
      %shift_right_arithmetic3A_1963 = arith.shrsi %squeeze3A_1961, %shift_right_arithmetic3A_1962 : i32
      %mul3A_1964 = arith.constant 8 : i32
      %mul3A_1965 = arith.muli %shift_right_arithmetic3A_1963, %mul3A_1964 : i32
      %multiple_of3A_1966 = tpu.assume_multiple %mul3A_1965, 8 : i32
      %dma_start3A_1967 = arith.constant 80 : i32
      %dma_start3A_1968 = arith.constant 0 : i32
      %dma_start3A_1969 = tpu.memref_slice %arg7[%dma_start3A_1967, %dma_start3A_1968] : memref<128x64xf32, #tpu.memory_space<vmem>> -> memref<8x64xf32, #tpu.memory_space<vmem>>
      %dma_start3A_1970 = arith.constant 0 : i32
      %dma_start3A_1971 = tpu.memref_slice %arg3[%multiple_of3A_1966, %dma_start3A_1970] : memref<1000000x64xf32, #tpu.memory_space<hbm>> -> memref<8x64xf32, #tpu.memory_space<hbm>>
      %dma_start3A_1972 = arith.constant 80 : i32
      %dma_start3A_1973 = arith.constant 0 : i32
      %dma_start3A_1974 = tpu.memref_slice %arg7[%dma_start3A_1972, %dma_start3A_1973] : memref<128x64xf32, #tpu.memory_space<vmem>> -> memref<8x64xf32, #tpu.memory_space<vmem>>
      %dma_start3A_1975 = arith.constant 0 : i32
      %dma_start3A_1976 = tpu.memref_slice %arg3[%multiple_of3A_1966, %dma_start3A_1975] : memref<1000000x64xf32, #tpu.memory_space<hbm>> -> memref<8x64xf32, #tpu.memory_space<hbm>>
      tpu.enqueue_dma source(%dma_start3A_1976 : memref<8x64xf32, #tpu.memory_space<hbm>>) target(%dma_start3A_1974 : memref<8x64xf32, #tpu.memory_space<vmem>>) target_semaphore(%arg10 : memref<!tpu.dma_semaphore, #tpu.memory_space<semaphore_mem>>)
      %slice3A_1977 = vector.extract_strided_slice %get3A_1789 {offsets = [11], sizes = [1], strides = [1]} : vector<16xi32> to vector<1xi32>
      %squeeze3A_1978 = vector.extract %slice3A_1977[0] : i32 from vector<1xi32>
      %shift_right_arithmetic3A_1979 = arith.constant 3 : i32
      %shift_right_arithmetic3A_1980 = arith.shrsi %squeeze3A_1978, %shift_right_arithmetic3A_1979 : i32
      %mul3A_1981 = arith.constant 8 : i32
      %mul3A_1982 = arith.muli %shift_right_arithmetic3A_1980, %mul3A_1981 : i32
      %multiple_of3A_1983 = tpu.assume_multiple %mul3A_1982, 8 : i32
      %dma_start3A_1984 = arith.constant 88 : i32
      %dma_start3A_1985 = arith.constant 0 : i32
      %dma_start3A_1986 = tpu.memref_slice %arg7[%dma_start3A_1984, %dma_start3A_1985] : memref<128x64xf32, #tpu.memory_space<vmem>> -> memref<8x64xf32, #tpu.memory_space<vmem>>
      %dma_start3A_1987 = arith.constant 0 : i32
      %dma_start3A_1988 = tpu.memref_slice %arg3[%multiple_of3A_1983, %dma_start3A_1987] : memref<1000000x64xf32, #tpu.memory_space<hbm>> -> memref<8x64xf32, #tpu.memory_space<hbm>>
      %dma_start3A_1989 = arith.constant 88 : i32
      %dma_start3A_1990 = arith.constant 0 : i32
      %dma_start3A_1991 = tpu.memref_slice %arg7[%dma_start3A_1989, %dma_start3A_1990] : memref<128x64xf32, #tpu.memory_space<vmem>> -> memref<8x64xf32, #tpu.memory_space<vmem>>
      %dma_start3A_1992 = arith.constant 0 : i32
      %dma_start3A_1993 = tpu.memref_slice %arg3[%multiple_of3A_1983, %dma_start3A_1992] : memref<1000000x64xf32, #tpu.memory_space<hbm>> -> memref<8x64xf32, #tpu.memory_space<hbm>>
      tpu.enqueue_dma source(%dma_start3A_1993 : memref<8x64xf32, #tpu.memory_space<hbm>>) target(%dma_start3A_1991 : memref<8x64xf32, #tpu.memory_space<vmem>>) target_semaphore(%arg10 : memref<!tpu.dma_semaphore, #tpu.memory_space<semaphore_mem>>)
      %slice3A_1994 = vector.extract_strided_slice %get3A_1789 {offsets = [12], sizes = [1], strides = [1]} : vector<16xi32> to vector<1xi32>
      %squeeze3A_1995 = vector.extract %slice3A_1994[0] : i32 from vector<1xi32>
      %shift_right_arithmetic3A_1996 = arith.constant 3 : i32
      %shift_right_arithmetic3A_1997 = arith.shrsi %squeeze3A_1995, %shift_right_arithmetic3A_1996 : i32
      %mul3A_1998 = arith.constant 8 : i32
      %mul3A_1999 = arith.muli %shift_right_arithmetic3A_1997, %mul3A_1998 : i32
      %multiple_of3A_2000 = tpu.assume_multiple %mul3A_1999, 8 : i32
      %dma_start3A_2001 = arith.constant 96 : i32
      %dma_start3A_2002 = arith.constant 0 : i32
      %dma_start3A_2003 = tpu.memref_slice %arg7[%dma_start3A_2001, %dma_start3A_2002] : memref<128x64xf32, #tpu.memory_space<vmem>> -> memref<8x64xf32, #tpu.memory_space<vmem>>
      %dma_start3A_2004 = arith.constant 0 : i32
      %dma_start3A_2005 = tpu.memref_slice %arg3[%multiple_of3A_2000, %dma_start3A_2004] : memref<1000000x64xf32, #tpu.memory_space<hbm>> -> memref<8x64xf32, #tpu.memory_space<hbm>>
      %dma_start3A_2006 = arith.constant 96 : i32
      %dma_start3A_2007 = arith.constant 0 : i32
      %dma_start3A_2008 = tpu.memref_slice %arg7[%dma_start3A_2006, %dma_start3A_2007] : memref<128x64xf32, #tpu.memory_space<vmem>> -> memref<8x64xf32, #tpu.memory_space<vmem>>
      %dma_start3A_2009 = arith.constant 0 : i32
      %dma_start3A_2010 = tpu.memref_slice %arg3[%multiple_of3A_2000, %dma_start3A_2009] : memref<1000000x64xf32, #tpu.memory_space<hbm>> -> memref<8x64xf32, #tpu.memory_space<hbm>>
      tpu.enqueue_dma source(%dma_start3A_2010 : memref<8x64xf32, #tpu.memory_space<hbm>>) target(%dma_start3A_2008 : memref<8x64xf32, #tpu.memory_space<vmem>>) target_semaphore(%arg10 : memref<!tpu.dma_semaphore, #tpu.memory_space<semaphore_mem>>)
      %slice3A_2011 = vector.extract_strided_slice %get3A_1789 {offsets = [13], sizes = [1], strides = [1]} : vector<16xi32> to vector<1xi32>
      %squeeze3A_2012 = vector.extract %slice3A_2011[0] : i32 from vector<1xi32>
      %shift_right_arithmetic3A_2013 = arith.constant 3 : i32
      %shift_right_arithmetic3A_2014 = arith.shrsi %squeeze3A_2012, %shift_right_arithmetic3A_2013 : i32
      %mul3A_2015 = arith.constant 8 : i32
      %mul3A_2016 = arith.muli %shift_right_arithmetic3A_2014, %mul3A_2015 : i32
      %multiple_of3A_2017 = tpu.assume_multiple %mul3A_2016, 8 : i32
      %dma_start3A_2018 = arith.constant 104 : i32
      %dma_start3A_2019 = arith.constant 0 : i32
      %dma_start3A_2020 = tpu.memref_slice %arg7[%dma_start3A_2018, %dma_start3A_2019] : memref<128x64xf32, #tpu.memory_space<vmem>> -> memref<8x64xf32, #tpu.memory_space<vmem>>
      %dma_start3A_2021 = arith.constant 0 : i32
      %dma_start3A_2022 = tpu.memref_slice %arg3[%multiple_of3A_2017, %dma_start3A_2021] : memref<1000000x64xf32, #tpu.memory_space<hbm>> -> memref<8x64xf32, #tpu.memory_space<hbm>>
      %dma_start3A_2023 = arith.constant 104 : i32
      %dma_start3A_2024 = arith.constant 0 : i32
      %dma_start3A_2025 = tpu.memref_slice %arg7[%dma_start3A_2023, %dma_start3A_2024] : memref<128x64xf32, #tpu.memory_space<vmem>> -> memref<8x64xf32, #tpu.memory_space<vmem>>
      %dma_start3A_2026 = arith.constant 0 : i32
      %dma_start3A_2027 = tpu.memref_slice %arg3[%multiple_of3A_2017, %dma_start3A_2026] : memref<1000000x64xf32, #tpu.memory_space<hbm>> -> memref<8x64xf32, #tpu.memory_space<hbm>>
      tpu.enqueue_dma source(%dma_start3A_2027 : memref<8x64xf32, #tpu.memory_space<hbm>>) target(%dma_start3A_2025 : memref<8x64xf32, #tpu.memory_space<vmem>>) target_semaphore(%arg10 : memref<!tpu.dma_semaphore, #tpu.memory_space<semaphore_mem>>)
      %slice3A_2028 = vector.extract_strided_slice %get3A_1789 {offsets = [14], sizes = [1], strides = [1]} : vector<16xi32> to vector<1xi32>
      %squeeze3A_2029 = vector.extract %slice3A_2028[0] : i32 from vector<1xi32>
      %shift_right_arithmetic3A_2030 = arith.constant 3 : i32
      %shift_right_arithmetic3A_2031 = arith.shrsi %squeeze3A_2029, %shift_right_arithmetic3A_2030 : i32
      %mul3A_2032 = arith.constant 8 : i32
      %mul3A_2033 = arith.muli %shift_right_arithmetic3A_2031, %mul3A_2032 : i32
      %multiple_of3A_2034 = tpu.assume_multiple %mul3A_2033, 8 : i32
      %dma_start3A_2035 = arith.constant 112 : i32
      %dma_start3A_2036 = arith.constant 0 : i32
      %dma_start3A_2037 = tpu.memref_slice %arg7[%dma_start3A_2035, %dma_start3A_2036] : memref<128x64xf32, #tpu.memory_space<vmem>> -> memref<8x64xf32, #tpu.memory_space<vmem>>
      %dma_start3A_2038 = arith.constant 0 : i32
      %dma_start3A_2039 = tpu.memref_slice %arg3[%multiple_of3A_2034, %dma_start3A_2038] : memref<1000000x64xf32, #tpu.memory_space<hbm>> -> memref<8x64xf32, #tpu.memory_space<hbm>>
      %dma_start3A_2040 = arith.constant 112 : i32
      %dma_start3A_2041 = arith.constant 0 : i32
      %dma_start3A_2042 = tpu.memref_slice %arg7[%dma_start3A_2040, %dma_start3A_2041] : memref<128x64xf32, #tpu.memory_space<vmem>> -> memref<8x64xf32, #tpu.memory_space<vmem>>
      %dma_start3A_2043 = arith.constant 0 : i32
      %dma_start3A_2044 = tpu.memref_slice %arg3[%multiple_of3A_2034, %dma_start3A_2043] : memref<1000000x64xf32, #tpu.memory_space<hbm>> -> memref<8x64xf32, #tpu.memory_space<hbm>>
      tpu.enqueue_dma source(%dma_start3A_2044 : memref<8x64xf32, #tpu.memory_space<hbm>>) target(%dma_start3A_2042 : memref<8x64xf32, #tpu.memory_space<vmem>>) target_semaphore(%arg10 : memref<!tpu.dma_semaphore, #tpu.memory_space<semaphore_mem>>)
      %slice3A_2045 = vector.extract_strided_slice %get3A_1789 {offsets = [15], sizes = [1], strides = [1]} : vector<16xi32> to vector<1xi32>
      %squeeze3A_2046 = vector.extract %slice3A_2045[0] : i32 from vector<1xi32>
      %shift_right_arithmetic3A_2047 = arith.constant 3 : i32
      %shift_right_arithmetic3A_2048 = arith.shrsi %squeeze3A_2046, %shift_right_arithmetic3A_2047 : i32
      %mul3A_2049 = arith.constant 8 : i32
      %mul3A_2050 = arith.muli %shift_right_arithmetic3A_2048, %mul3A_2049 : i32
      %multiple_of3A_2051 = tpu.assume_multiple %mul3A_2050, 8 : i32
      %dma_start3A_2052 = arith.constant 120 : i32
      %dma_start3A_2053 = arith.constant 0 : i32
      %dma_start3A_2054 = tpu.memref_slice %arg7[%dma_start3A_2052, %dma_start3A_2053] : memref<128x64xf32, #tpu.memory_space<vmem>> -> memref<8x64xf32, #tpu.memory_space<vmem>>
      %dma_start3A_2055 = arith.constant 0 : i32
      %dma_start3A_2056 = tpu.memref_slice %arg3[%multiple_of3A_2051, %dma_start3A_2055] : memref<1000000x64xf32, #tpu.memory_space<hbm>> -> memref<8x64xf32, #tpu.memory_space<hbm>>
      %dma_start3A_2057 = arith.constant 120 : i32
      %dma_start3A_2058 = arith.constant 0 : i32
      %dma_start3A_2059 = tpu.memref_slice %arg7[%dma_start3A_2057, %dma_start3A_2058] : memref<128x64xf32, #tpu.memory_space<vmem>> -> memref<8x64xf32, #tpu.memory_space<vmem>>
      %dma_start3A_2060 = arith.constant 0 : i32
      %dma_start3A_2061 = tpu.memref_slice %arg3[%multiple_of3A_2051, %dma_start3A_2060] : memref<1000000x64xf32, #tpu.memory_space<hbm>> -> memref<8x64xf32, #tpu.memory_space<hbm>>
      tpu.enqueue_dma source(%dma_start3A_2061 : memref<8x64xf32, #tpu.memory_space<hbm>>) target(%dma_start3A_2059 : memref<8x64xf32, #tpu.memory_space<vmem>>) target_semaphore(%arg10 : memref<!tpu.dma_semaphore, #tpu.memory_space<semaphore_mem>>)
      %dma_wait3A_2062 = arith.constant 0 : i32
      %dma_wait3A_2063 = arith.constant 0 : i32
      %dma_wait3A_2064 = tpu.memref_slice %arg3[%dma_wait3A_2062, %dma_wait3A_2063] : memref<1000000x64xf32, #tpu.memory_space<hbm>> -> memref<128x64xf32, #tpu.memory_space<hbm>>
      %dma_wait3A_2065 = arith.constant 0 : i32
      %dma_wait3A_2066 = arith.constant 0 : i32
      %dma_wait3A_2067 = tpu.memref_slice %arg3[%dma_wait3A_2065, %dma_wait3A_2066] : memref<1000000x64xf32, #tpu.memory_space<hbm>> -> memref<128x64xf32, #tpu.memory_space<hbm>>
      tpu.wait_dma2 semaphore(%arg9 : memref<!tpu.dma_semaphore, #tpu.memory_space<semaphore_mem>>) src(%dma_wait3A_2067 : memref<128x64xf32, #tpu.memory_space<hbm>>) dst(%arg6 : memref<128x64xf32, #tpu.memory_space<vmem>>)
      %mul3A_2068 = arith.constant 16 : i32
      %mul3A_2069 = arith.muli %mul3A_1783, %mul3A_2068 : i32
      %get3A_2070 = arith.index_cast %mul3A_2069 : i32 to index
      %get3A_2071 = tpu.vector_load %arg5[%get3A_2070] {strides = array<i32>} : memref<512xi32, #tpu.memory_space<vmem>>, vector<16xi32>,
      %mul3A_2072 = arith.constant 16 : i32
      %mul3A_2073 = arith.muli %mul3A_1783, %mul3A_2072 : i32
      %add3A_2074 = arith.constant 0 : i32
      %add3A_2075 = arith.addi %mul3A_2073, %add3A_2074 : i32
      %broadcast_in_dim3A_2076 = arith.constant 0 : i32
      %broadcast_in_dim3A_2077 = vector.broadcast %broadcast_in_dim3A_2076 : i32 to vector<16xi32>
      %slice3A_2078 = vector.extract_strided_slice %get3A_2071 {offsets = [0], sizes = [1], strides = [1]} : vector<16xi32> to vector<1xi32>
      %squeeze3A_2079 = vector.extract %slice3A_2078[0] : i32 from vector<1xi32>
      %and3A_2080 = arith.constant 7 : i32
      %and3A_2081 = arith.andi %squeeze3A_2079, %and3A_2080 : i32
      %add3A_2082 = vector.broadcast %and3A_2081 : i32 to vector<16xi32>
      %add3A_2083 = arith.addi %broadcast_in_dim3A_2077, %add3A_2082 : vector<16xi32>
      %broadcast_in_dim3A_2084 = vector.broadcast %add3A_2075 : i32 to vector<16xi32>
      %add3A_2085 = arith.constant 0 : i32
      %add3A_2086 = vector.broadcast %add3A_2085 : i32 to vector<16xi32>
      %add3A_2087 = arith.addi %add3A_2086, %iota3A : vector<16xi32>
      %gather3A_2088 = tpu.vector_load_idx %arg6[%add3A_2083, %add3A_2087] : memref<128x64xf32, #tpu.memory_space<vmem>>[vector<16xi32>, vector<16xi32>], vector<16xf32>,
      %add3A_2089 = arith.constant 0 : i32
      %add3A_2090 = vector.broadcast %add3A_2089 : i32 to vector<16xi32>
      %add3A_2091 = arith.addi %add3A_2090, %iota3A : vector<16xi32>
      tpu.vector_store_idx %arg8[%broadcast_in_dim3A_2084, %add3A_2091], %gather3A_2088 : memref<512x64xf32, #tpu.memory_space<vmem>>[vector<16xi32>, vector<16xi32>], vector<16xf32>,
      %add3A_2092 = arith.constant 16 : i32
      %add3A_2093 = vector.broadcast %add3A_2092 : i32 to vector<16xi32>
      %add3A_2094 = arith.addi %add3A_2093, %iota3A : vector<16xi32>
      %gather3A_2095 = tpu.vector_load_idx %arg6[%add3A_2083, %add3A_2094] : memref<128x64xf32, #tpu.memory_space<vmem>>[vector<16xi32>, vector<16xi32>], vector<16xf32>,
      %add3A_2096 = arith.constant 16 : i32
      %add3A_2097 = vector.broadcast %add3A_2096 : i32 to vector<16xi32>
      %add3A_2098 = arith.addi %add3A_2097, %iota3A : vector<16xi32>
      tpu.vector_store_idx %arg8[%broadcast_in_dim3A_2084, %add3A_2098], %gather3A_2095 : memref<512x64xf32, #tpu.memory_space<vmem>>[vector<16xi32>, vector<16xi32>], vector<16xf32>,
      %add3A_2099 = arith.constant 32 : i32
      %add3A_2100 = vector.broadcast %add3A_2099 : i32 to vector<16xi32>
      %add3A_2101 = arith.addi %add3A_2100, %iota3A : vector<16xi32>
      %gather3A_2102 = tpu.vector_load_idx %arg6[%add3A_2083, %add3A_2101] : memref<128x64xf32, #tpu.memory_space<vmem>>[vector<16xi32>, vector<16xi32>], vector<16xf32>,
      %add3A_2103 = arith.constant 32 : i32
      %add3A_2104 = vector.broadcast %add3A_2103 : i32 to vector<16xi32>
      %add3A_2105 = arith.addi %add3A_2104, %iota3A : vector<16xi32>
      tpu.vector_store_idx %arg8[%broadcast_in_dim3A_2084, %add3A_2105], %gather3A_2102 : memref<512x64xf32, #tpu.memory_space<vmem>>[vector<16xi32>, vector<16xi32>], vector<16xf32>,
      %add3A_2106 = arith.constant 48 : i32
      %add3A_2107 = vector.broadcast %add3A_2106 : i32 to vector<16xi32>
      %add3A_2108 = arith.addi %add3A_2107, %iota3A : vector<16xi32>
      %gather3A_2109 = tpu.vector_load_idx %arg6[%add3A_2083, %add3A_2108] : memref<128x64xf32, #tpu.memory_space<vmem>>[vector<16xi32>, vector<16xi32>], vector<16xf32>,
      %add3A_2110 = arith.constant 48 : i32
      %add3A_2111 = vector.broadcast %add3A_2110 : i32 to vector<16xi32>
      %add3A_2112 = arith.addi %add3A_2111, %iota3A : vector<16xi32>
      tpu.vector_store_idx %arg8[%broadcast_in_dim3A_2084, %add3A_2112], %gather3A_2109 : memref<512x64xf32, #tpu.memory_space<vmem>>[vector<16xi32>, vector<16xi32>], vector<16xf32>,
      %mul3A_2113 = arith.constant 16 : i32
      %mul3A_2114 = arith.muli %mul3A_1783, %mul3A_2113 : i32
      %add3A_2115 = arith.constant 1 : i32
      %add3A_2116 = arith.addi %mul3A_2114, %add3A_2115 : i32
      %broadcast_in_dim3A_2117 = arith.constant 8 : i32
      %broadcast_in_dim3A_2118 = vector.broadcast %broadcast_in_dim3A_2117 : i32 to vector<16xi32>
      %slice3A_2119 = vector.extract_strided_slice %get3A_2071 {offsets = [1], sizes = [1], strides = [1]} : vector<16xi32> to vector<1xi32>
      %squeeze3A_2120 = vector.extract %slice3A_2119[0] : i32 from vector<1xi32>
      %and3A_2121 = arith.constant 7 : i32
      %and3A_2122 = arith.andi %squeeze3A_2120, %and3A_2121 : i32
      %add3A_2123 = vector.broadcast %and3A_2122 : i32 to vector<16xi32>
      %add3A_2124 = arith.addi %broadcast_in_dim3A_2118, %add3A_2123 : vector<16xi32>
      %broadcast_in_dim3A_2125 = vector.broadcast %add3A_2116 : i32 to vector<16xi32>
      %add3A_2126 = arith.constant 0 : i32
      %add3A_2127 = vector.broadcast %add3A_2126 : i32 to vector<16xi32>
      %add3A_2128 = arith.addi %add3A_2127, %iota3A : vector<16xi32>
      %gather3A_2129 = tpu.vector_load_idx %arg6[%add3A_2124, %add3A_2128] : memref<128x64xf32, #tpu.memory_space<vmem>>[vector<16xi32>, vector<16xi32>], vector<16xf32>,
      %add3A_2130 = arith.constant 0 : i32
      %add3A_2131 = vector.broadcast %add3A_2130 : i32 to vector<16xi32>
      %add3A_2132 = arith.addi %add3A_2131, %iota3A : vector<16xi32>
      tpu.vector_store_idx %arg8[%broadcast_in_dim3A_2125, %add3A_2132], %gather3A_2129 : memref<512x64xf32, #tpu.memory_space<vmem>>[vector<16xi32>, vector<16xi32>], vector<16xf32>,
      %add3A_2133 = arith.constant 16 : i32
      %add3A_2134 = vector.broadcast %add3A_2133 : i32 to vector<16xi32>
      %add3A_2135 = arith.addi %add3A_2134, %iota3A : vector<16xi32>
      %gather3A_2136 = tpu.vector_load_idx %arg6[%add3A_2124, %add3A_2135] : memref<128x64xf32, #tpu.memory_space<vmem>>[vector<16xi32>, vector<16xi32>], vector<16xf32>,
      %add3A_2137 = arith.constant 16 : i32
      %add3A_2138 = vector.broadcast %add3A_2137 : i32 to vector<16xi32>
      %add3A_2139 = arith.addi %add3A_2138, %iota3A : vector<16xi32>
      tpu.vector_store_idx %arg8[%broadcast_in_dim3A_2125, %add3A_2139], %gather3A_2136 : memref<512x64xf32, #tpu.memory_space<vmem>>[vector<16xi32>, vector<16xi32>], vector<16xf32>,
      %add3A_2140 = arith.constant 32 : i32
      %add3A_2141 = vector.broadcast %add3A_2140 : i32 to vector<16xi32>
      %add3A_2142 = arith.addi %add3A_2141, %iota3A : vector<16xi32>
      %gather3A_2143 = tpu.vector_load_idx %arg6[%add3A_2124, %add3A_2142] : memref<128x64xf32, #tpu.memory_space<vmem>>[vector<16xi32>, vector<16xi32>], vector<16xf32>,
      %add3A_2144 = arith.constant 32 : i32
      %add3A_2145 = vector.broadcast %add3A_2144 : i32 to vector<16xi32>
      %add3A_2146 = arith.addi %add3A_2145, %iota3A : vector<16xi32>
      tpu.vector_store_idx %arg8[%broadcast_in_dim3A_2125, %add3A_2146], %gather3A_2143 : memref<512x64xf32, #tpu.memory_space<vmem>>[vector<16xi32>, vector<16xi32>], vector<16xf32>,
      %add3A_2147 = arith.constant 48 : i32
      %add3A_2148 = vector.broadcast %add3A_2147 : i32 to vector<16xi32>
      %add3A_2149 = arith.addi %add3A_2148, %iota3A : vector<16xi32>
      %gather3A_2150 = tpu.vector_load_idx %arg6[%add3A_2124, %add3A_2149] : memref<128x64xf32, #tpu.memory_space<vmem>>[vector<16xi32>, vector<16xi32>], vector<16xf32>,
      %add3A_2151 = arith.constant 48 : i32
      %add3A_2152 = vector.broadcast %add3A_2151 : i32 to vector<16xi32>
      %add3A_2153 = arith.addi %add3A_2152, %iota3A : vector<16xi32>
      tpu.vector_store_idx %arg8[%broadcast_in_dim3A_2125, %add3A_2153], %gather3A_2150 : memref<512x64xf32, #tpu.memory_space<vmem>>[vector<16xi32>, vector<16xi32>], vector<16xf32>,
      %mul3A_2154 = arith.constant 16 : i32
      %mul3A_2155 = arith.muli %mul3A_1783, %mul3A_2154 : i32
      %add3A_2156 = arith.constant 2 : i32
      %add3A_2157 = arith.addi %mul3A_2155, %add3A_2156 : i32
      %broadcast_in_dim3A_2158 = arith.constant 16 : i32
      %broadcast_in_dim3A_2159 = vector.broadcast %broadcast_in_dim3A_2158 : i32 to vector<16xi32>
      %slice3A_2160 = vector.extract_strided_slice %get3A_2071 {offsets = [2], sizes = [1], strides = [1]} : vector<16xi32> to vector<1xi32>
      %squeeze3A_2161 = vector.extract %slice3A_2160[0] : i32 from vector<1xi32>
      %and3A_2162 = arith.constant 7 : i32
      %and3A_2163 = arith.andi %squeeze3A_2161, %and3A_2162 : i32
      %add3A_2164 = vector.broadcast %and3A_2163 : i32 to vector<16xi32>
      %add3A_2165 = arith.addi %broadcast_in_dim3A_2159, %add3A_2164 : vector<16xi32>
      %broadcast_in_dim3A_2166 = vector.broadcast %add3A_2157 : i32 to vector<16xi32>
      %add3A_2167 = arith.constant 0 : i32
      %add3A_2168 = vector.broadcast %add3A_2167 : i32 to vector<16xi32>
      %add3A_2169 = arith.addi %add3A_2168, %iota3A : vector<16xi32>
      %gather3A_2170 = tpu.vector_load_idx %arg6[%add3A_2165, %add3A_2169] : memref<128x64xf32, #tpu.memory_space<vmem>>[vector<16xi32>, vector<16xi32>], vector<16xf32>,
      %add3A_2171 = arith.constant 0 : i32
      %add3A_2172 = vector.broadcast %add3A_2171 : i32 to vector<16xi32>
      %add3A_2173 = arith.addi %add3A_2172, %iota3A : vector<16xi32>
      tpu.vector_store_idx %arg8[%broadcast_in_dim3A_2166, %add3A_2173], %gather3A_2170 : memref<512x64xf32, #tpu.memory_space<vmem>>[vector<16xi32>, vector<16xi32>], vector<16xf32>,
      %add3A_2174 = arith.constant 16 : i32
      %add3A_2175 = vector.broadcast %add3A_2174 : i32 to vector<16xi32>
      %add3A_2176 = arith.addi %add3A_2175, %iota3A : vector<16xi32>
      %gather3A_2177 = tpu.vector_load_idx %arg6[%add3A_2165, %add3A_2176] : memref<128x64xf32, #tpu.memory_space<vmem>>[vector<16xi32>, vector<16xi32>], vector<16xf32>,
      %add3A_2178 = arith.constant 16 : i32
      %add3A_2179 = vector.broadcast %add3A_2178 : i32 to vector<16xi32>
      %add3A_2180 = arith.addi %add3A_2179, %iota3A : vector<16xi32>
      tpu.vector_store_idx %arg8[%broadcast_in_dim3A_2166, %add3A_2180], %gather3A_2177 : memref<512x64xf32, #tpu.memory_space<vmem>>[vector<16xi32>, vector<16xi32>], vector<16xf32>,
      %add3A_2181 = arith.constant 32 : i32
      %add3A_2182 = vector.broadcast %add3A_2181 : i32 to vector<16xi32>
      %add3A_2183 = arith.addi %add3A_2182, %iota3A : vector<16xi32>
      %gather3A_2184 = tpu.vector_load_idx %arg6[%add3A_2165, %add3A_2183] : memref<128x64xf32, #tpu.memory_space<vmem>>[vector<16xi32>, vector<16xi32>], vector<16xf32>,
      %add3A_2185 = arith.constant 32 : i32
      %add3A_2186 = vector.broadcast %add3A_2185 : i32 to vector<16xi32>
      %add3A_2187 = arith.addi %add3A_2186, %iota3A : vector<16xi32>
      tpu.vector_store_idx %arg8[%broadcast_in_dim3A_2166, %add3A_2187], %gather3A_2184 : memref<512x64xf32, #tpu.memory_space<vmem>>[vector<16xi32>, vector<16xi32>], vector<16xf32>,
      %add3A_2188 = arith.constant 48 : i32
      %add3A_2189 = vector.broadcast %add3A_2188 : i32 to vector<16xi32>
      %add3A_2190 = arith.addi %add3A_2189, %iota3A : vector<16xi32>
      %gather3A_2191 = tpu.vector_load_idx %arg6[%add3A_2165, %add3A_2190] : memref<128x64xf32, #tpu.memory_space<vmem>>[vector<16xi32>, vector<16xi32>], vector<16xf32>,
      %add3A_2192 = arith.constant 48 : i32
      %add3A_2193 = vector.broadcast %add3A_2192 : i32 to vector<16xi32>
      %add3A_2194 = arith.addi %add3A_2193, %iota3A : vector<16xi32>
      tpu.vector_store_idx %arg8[%broadcast_in_dim3A_2166, %add3A_2194], %gather3A_2191 : memref<512x64xf32, #tpu.memory_space<vmem>>[vector<16xi32>, vector<16xi32>], vector<16xf32>,
      %mul3A_2195 = arith.constant 16 : i32
      %mul3A_2196 = arith.muli %mul3A_1783, %mul3A_2195 : i32
      %add3A_2197 = arith.constant 3 : i32
      %add3A_2198 = arith.addi %mul3A_2196, %add3A_2197 : i32
      %broadcast_in_dim3A_2199 = arith.constant 24 : i32
      %broadcast_in_dim3A_2200 = vector.broadcast %broadcast_in_dim3A_2199 : i32 to vector<16xi32>
      %slice3A_2201 = vector.extract_strided_slice %get3A_2071 {offsets = [3], sizes = [1], strides = [1]} : vector<16xi32> to vector<1xi32>
      %squeeze3A_2202 = vector.extract %slice3A_2201[0] : i32 from vector<1xi32>
      %and3A_2203 = arith.constant 7 : i32
      %and3A_2204 = arith.andi %squeeze3A_2202, %and3A_2203 : i32
      %add3A_2205 = vector.broadcast %and3A_2204 : i32 to vector<16xi32>
      %add3A_2206 = arith.addi %broadcast_in_dim3A_2200, %add3A_2205 : vector<16xi32>
      %broadcast_in_dim3A_2207 = vector.broadcast %add3A_2198 : i32 to vector<16xi32>
      %add3A_2208 = arith.constant 0 : i32
      %add3A_2209 = vector.broadcast %add3A_2208 : i32 to vector<16xi32>
      %add3A_2210 = arith.addi %add3A_2209, %iota3A : vector<16xi32>
      %gather3A_2211 = tpu.vector_load_idx %arg6[%add3A_2206, %add3A_2210] : memref<128x64xf32, #tpu.memory_space<vmem>>[vector<16xi32>, vector<16xi32>], vector<16xf32>,
      %add3A_2212 = arith.constant 0 : i32
      %add3A_2213 = vector.broadcast %add3A_2212 : i32 to vector<16xi32>
      %add3A_2214 = arith.addi %add3A_2213, %iota3A : vector<16xi32>
      tpu.vector_store_idx %arg8[%broadcast_in_dim3A_2207, %add3A_2214], %gather3A_2211 : memref<512x64xf32, #tpu.memory_space<vmem>>[vector<16xi32>, vector<16xi32>], vector<16xf32>,
      %add3A_2215 = arith.constant 16 : i32
      %add3A_2216 = vector.broadcast %add3A_2215 : i32 to vector<16xi32>
      %add3A_2217 = arith.addi %add3A_2216, %iota3A : vector<16xi32>
      %gather3A_2218 = tpu.vector_load_idx %arg6[%add3A_2206, %add3A_2217] : memref<128x64xf32, #tpu.memory_space<vmem>>[vector<16xi32>, vector<16xi32>], vector<16xf32>,
      %add3A_2219 = arith.constant 16 : i32
      %add3A_2220 = vector.broadcast %add3A_2219 : i32 to vector<16xi32>
      %add3A_2221 = arith.addi %add3A_2220, %iota3A : vector<16xi32>
      tpu.vector_store_idx %arg8[%broadcast_in_dim3A_2207, %add3A_2221], %gather3A_2218 : memref<512x64xf32, #tpu.memory_space<vmem>>[vector<16xi32>, vector<16xi32>], vector<16xf32>,
      %add3A_2222 = arith.constant 32 : i32
      %add3A_2223 = vector.broadcast %add3A_2222 : i32 to vector<16xi32>
      %add3A_2224 = arith.addi %add3A_2223, %iota3A : vector<16xi32>
      %gather3A_2225 = tpu.vector_load_idx %arg6[%add3A_2206, %add3A_2224] : memref<128x64xf32, #tpu.memory_space<vmem>>[vector<16xi32>, vector<16xi32>], vector<16xf32>,
      %add3A_2226 = arith.constant 32 : i32
      %add3A_2227 = vector.broadcast %add3A_2226 : i32 to vector<16xi32>
      %add3A_2228 = arith.addi %add3A_2227, %iota3A : vector<16xi32>
      tpu.vector_store_idx %arg8[%broadcast_in_dim3A_2207, %add3A_2228], %gather3A_2225 : memref<512x64xf32, #tpu.memory_space<vmem>>[vector<16xi32>, vector<16xi32>], vector<16xf32>,
      %add3A_2229 = arith.constant 48 : i32
      %add3A_2230 = vector.broadcast %add3A_2229 : i32 to vector<16xi32>
      %add3A_2231 = arith.addi %add3A_2230, %iota3A : vector<16xi32>
      %gather3A_2232 = tpu.vector_load_idx %arg6[%add3A_2206, %add3A_2231] : memref<128x64xf32, #tpu.memory_space<vmem>>[vector<16xi32>, vector<16xi32>], vector<16xf32>,
      %add3A_2233 = arith.constant 48 : i32
      %add3A_2234 = vector.broadcast %add3A_2233 : i32 to vector<16xi32>
      %add3A_2235 = arith.addi %add3A_2234, %iota3A : vector<16xi32>
      tpu.vector_store_idx %arg8[%broadcast_in_dim3A_2207, %add3A_2235], %gather3A_2232 : memref<512x64xf32, #tpu.memory_space<vmem>>[vector<16xi32>, vector<16xi32>], vector<16xf32>,
      %mul3A_2236 = arith.constant 16 : i32
      %mul3A_2237 = arith.muli %mul3A_1783, %mul3A_2236 : i32
      %add3A_2238 = arith.constant 4 : i32
      %add3A_2239 = arith.addi %mul3A_2237, %add3A_2238 : i32
      %broadcast_in_dim3A_2240 = arith.constant 32 : i32
      %broadcast_in_dim3A_2241 = vector.broadcast %broadcast_in_dim3A_2240 : i32 to vector<16xi32>
      %slice3A_2242 = vector.extract_strided_slice %get3A_2071 {offsets = [4], sizes = [1], strides = [1]} : vector<16xi32> to vector<1xi32>
      %squeeze3A_2243 = vector.extract %slice3A_2242[0] : i32 from vector<1xi32>
      %and3A_2244 = arith.constant 7 : i32
      %and3A_2245 = arith.andi %squeeze3A_2243, %and3A_2244 : i32
      %add3A_2246 = vector.broadcast %and3A_2245 : i32 to vector<16xi32>
      %add3A_2247 = arith.addi %broadcast_in_dim3A_2241, %add3A_2246 : vector<16xi32>
      %broadcast_in_dim3A_2248 = vector.broadcast %add3A_2239 : i32 to vector<16xi32>
      %add3A_2249 = arith.constant 0 : i32
      %add3A_2250 = vector.broadcast %add3A_2249 : i32 to vector<16xi32>
      %add3A_2251 = arith.addi %add3A_2250, %iota3A : vector<16xi32>
      %gather3A_2252 = tpu.vector_load_idx %arg6[%add3A_2247, %add3A_2251] : memref<128x64xf32, #tpu.memory_space<vmem>>[vector<16xi32>, vector<16xi32>], vector<16xf32>,
      %add3A_2253 = arith.constant 0 : i32
      %add3A_2254 = vector.broadcast %add3A_2253 : i32 to vector<16xi32>
      %add3A_2255 = arith.addi %add3A_2254, %iota3A : vector<16xi32>
      tpu.vector_store_idx %arg8[%broadcast_in_dim3A_2248, %add3A_2255], %gather3A_2252 : memref<512x64xf32, #tpu.memory_space<vmem>>[vector<16xi32>, vector<16xi32>], vector<16xf32>,
      %add3A_2256 = arith.constant 16 : i32
      %add3A_2257 = vector.broadcast %add3A_2256 : i32 to vector<16xi32>
      %add3A_2258 = arith.addi %add3A_2257, %iota3A : vector<16xi32>
      %gather3A_2259 = tpu.vector_load_idx %arg6[%add3A_2247, %add3A_2258] : memref<128x64xf32, #tpu.memory_space<vmem>>[vector<16xi32>, vector<16xi32>], vector<16xf32>,
      %add3A_2260 = arith.constant 16 : i32
      %add3A_2261 = vector.broadcast %add3A_2260 : i32 to vector<16xi32>
      %add3A_2262 = arith.addi %add3A_2261, %iota3A : vector<16xi32>
      tpu.vector_store_idx %arg8[%broadcast_in_dim3A_2248, %add3A_2262], %gather3A_2259 : memref<512x64xf32, #tpu.memory_space<vmem>>[vector<16xi32>, vector<16xi32>], vector<16xf32>,
      %add3A_2263 = arith.constant 32 : i32
      %add3A_2264 = vector.broadcast %add3A_2263 : i32 to vector<16xi32>
      %add3A_2265 = arith.addi %add3A_2264, %iota3A : vector<16xi32>
      %gather3A_2266 = tpu.vector_load_idx %arg6[%add3A_2247, %add3A_2265] : memref<128x64xf32, #tpu.memory_space<vmem>>[vector<16xi32>, vector<16xi32>], vector<16xf32>,
      %add3A_2267 = arith.constant 32 : i32
      %add3A_2268 = vector.broadcast %add3A_2267 : i32 to vector<16xi32>
      %add3A_2269 = arith.addi %add3A_2268, %iota3A : vector<16xi32>
      tpu.vector_store_idx %arg8[%broadcast_in_dim3A_2248, %add3A_2269], %gather3A_2266 : memref<512x64xf32, #tpu.memory_space<vmem>>[vector<16xi32>, vector<16xi32>], vector<16xf32>,
      %add3A_2270 = arith.constant 48 : i32
      %add3A_2271 = vector.broadcast %add3A_2270 : i32 to vector<16xi32>
      %add3A_2272 = arith.addi %add3A_2271, %iota3A : vector<16xi32>
      %gather3A_2273 = tpu.vector_load_idx %arg6[%add3A_2247, %add3A_2272] : memref<128x64xf32, #tpu.memory_space<vmem>>[vector<16xi32>, vector<16xi32>], vector<16xf32>,
      %add3A_2274 = arith.constant 48 : i32
      %add3A_2275 = vector.broadcast %add3A_2274 : i32 to vector<16xi32>
      %add3A_2276 = arith.addi %add3A_2275, %iota3A : vector<16xi32>
      tpu.vector_store_idx %arg8[%broadcast_in_dim3A_2248, %add3A_2276], %gather3A_2273 : memref<512x64xf32, #tpu.memory_space<vmem>>[vector<16xi32>, vector<16xi32>], vector<16xf32>,
      %mul3A_2277 = arith.constant 16 : i32
      %mul3A_2278 = arith.muli %mul3A_1783, %mul3A_2277 : i32
      %add3A_2279 = arith.constant 5 : i32
      %add3A_2280 = arith.addi %mul3A_2278, %add3A_2279 : i32
      %broadcast_in_dim3A_2281 = arith.constant 40 : i32
      %broadcast_in_dim3A_2282 = vector.broadcast %broadcast_in_dim3A_2281 : i32 to vector<16xi32>
      %slice3A_2283 = vector.extract_strided_slice %get3A_2071 {offsets = [5], sizes = [1], strides = [1]} : vector<16xi32> to vector<1xi32>
      %squeeze3A_2284 = vector.extract %slice3A_2283[0] : i32 from vector<1xi32>
      %and3A_2285 = arith.constant 7 : i32
      %and3A_2286 = arith.andi %squeeze3A_2284, %and3A_2285 : i32
      %add3A_2287 = vector.broadcast %and3A_2286 : i32 to vector<16xi32>
      %add3A_2288 = arith.addi %broadcast_in_dim3A_2282, %add3A_2287 : vector<16xi32>
      %broadcast_in_dim3A_2289 = vector.broadcast %add3A_2280 : i32 to vector<16xi32>
      %add3A_2290 = arith.constant 0 : i32
      %add3A_2291 = vector.broadcast %add3A_2290 : i32 to vector<16xi32>
      %add3A_2292 = arith.addi %add3A_2291, %iota3A : vector<16xi32>
      %gather3A_2293 = tpu.vector_load_idx %arg6[%add3A_2288, %add3A_2292] : memref<128x64xf32, #tpu.memory_space<vmem>>[vector<16xi32>, vector<16xi32>], vector<16xf32>,
      %add3A_2294 = arith.constant 0 : i32
      %add3A_2295 = vector.broadcast %add3A_2294 : i32 to vector<16xi32>
      %add3A_2296 = arith.addi %add3A_2295, %iota3A : vector<16xi32>
      tpu.vector_store_idx %arg8[%broadcast_in_dim3A_2289, %add3A_2296], %gather3A_2293 : memref<512x64xf32, #tpu.memory_space<vmem>>[vector<16xi32>, vector<16xi32>], vector<16xf32>,
      %add3A_2297 = arith.constant 16 : i32
      %add3A_2298 = vector.broadcast %add3A_2297 : i32 to vector<16xi32>
      %add3A_2299 = arith.addi %add3A_2298, %iota3A : vector<16xi32>
      %gather3A_2300 = tpu.vector_load_idx %arg6[%add3A_2288, %add3A_2299] : memref<128x64xf32, #tpu.memory_space<vmem>>[vector<16xi32>, vector<16xi32>], vector<16xf32>,
      %add3A_2301 = arith.constant 16 : i32
      %add3A_2302 = vector.broadcast %add3A_2301 : i32 to vector<16xi32>
      %add3A_2303 = arith.addi %add3A_2302, %iota3A : vector<16xi32>
      tpu.vector_store_idx %arg8[%broadcast_in_dim3A_2289, %add3A_2303], %gather3A_2300 : memref<512x64xf32, #tpu.memory_space<vmem>>[vector<16xi32>, vector<16xi32>], vector<16xf32>,
      %add3A_2304 = arith.constant 32 : i32
      %add3A_2305 = vector.broadcast %add3A_2304 : i32 to vector<16xi32>
      %add3A_2306 = arith.addi %add3A_2305, %iota3A : vector<16xi32>
      %gather3A_2307 = tpu.vector_load_idx %arg6[%add3A_2288, %add3A_2306] : memref<128x64xf32, #tpu.memory_space<vmem>>[vector<16xi32>, vector<16xi32>], vector<16xf32>,
      %add3A_2308 = arith.constant 32 : i32
      %add3A_2309 = vector.broadcast %add3A_2308 : i32 to vector<16xi32>
      %add3A_2310 = arith.addi %add3A_2309, %iota3A : vector<16xi32>
      tpu.vector_store_idx %arg8[%broadcast_in_dim3A_2289, %add3A_2310], %gather3A_2307 : memref<512x64xf32, #tpu.memory_space<vmem>>[vector<16xi32>, vector<16xi32>], vector<16xf32>,
      %add3A_2311 = arith.constant 48 : i32
      %add3A_2312 = vector.broadcast %add3A_2311 : i32 to vector<16xi32>
      %add3A_2313 = arith.addi %add3A_2312, %iota3A : vector<16xi32>
      %gather3A_2314 = tpu.vector_load_idx %arg6[%add3A_2288, %add3A_2313] : memref<128x64xf32, #tpu.memory_space<vmem>>[vector<16xi32>, vector<16xi32>], vector<16xf32>,
      %add3A_2315 = arith.constant 48 : i32
      %add3A_2316 = vector.broadcast %add3A_2315 : i32 to vector<16xi32>
      %add3A_2317 = arith.addi %add3A_2316, %iota3A : vector<16xi32>
      tpu.vector_store_idx %arg8[%broadcast_in_dim3A_2289, %add3A_2317], %gather3A_2314 : memref<512x64xf32, #tpu.memory_space<vmem>>[vector<16xi32>, vector<16xi32>], vector<16xf32>,
      %mul3A_2318 = arith.constant 16 : i32
      %mul3A_2319 = arith.muli %mul3A_1783, %mul3A_2318 : i32
      %add3A_2320 = arith.constant 6 : i32
      %add3A_2321 = arith.addi %mul3A_2319, %add3A_2320 : i32
      %broadcast_in_dim3A_2322 = arith.constant 48 : i32
      %broadcast_in_dim3A_2323 = vector.broadcast %broadcast_in_dim3A_2322 : i32 to vector<16xi32>
      %slice3A_2324 = vector.extract_strided_slice %get3A_2071 {offsets = [6], sizes = [1], strides = [1]} : vector<16xi32> to vector<1xi32>
      %squeeze3A_2325 = vector.extract %slice3A_2324[0] : i32 from vector<1xi32>
      %and3A_2326 = arith.constant 7 : i32
      %and3A_2327 = arith.andi %squeeze3A_2325, %and3A_2326 : i32
      %add3A_2328 = vector.broadcast %and3A_2327 : i32 to vector<16xi32>
      %add3A_2329 = arith.addi %broadcast_in_dim3A_2323, %add3A_2328 : vector<16xi32>
      %broadcast_in_dim3A_2330 = vector.broadcast %add3A_2321 : i32 to vector<16xi32>
      %add3A_2331 = arith.constant 0 : i32
      %add3A_2332 = vector.broadcast %add3A_2331 : i32 to vector<16xi32>
      %add3A_2333 = arith.addi %add3A_2332, %iota3A : vector<16xi32>
      %gather3A_2334 = tpu.vector_load_idx %arg6[%add3A_2329, %add3A_2333] : memref<128x64xf32, #tpu.memory_space<vmem>>[vector<16xi32>, vector<16xi32>], vector<16xf32>,
      %add3A_2335 = arith.constant 0 : i32
      %add3A_2336 = vector.broadcast %add3A_2335 : i32 to vector<16xi32>
      %add3A_2337 = arith.addi %add3A_2336, %iota3A : vector<16xi32>
      tpu.vector_store_idx %arg8[%broadcast_in_dim3A_2330, %add3A_2337], %gather3A_2334 : memref<512x64xf32, #tpu.memory_space<vmem>>[vector<16xi32>, vector<16xi32>], vector<16xf32>,
      %add3A_2338 = arith.constant 16 : i32
      %add3A_2339 = vector.broadcast %add3A_2338 : i32 to vector<16xi32>
      %add3A_2340 = arith.addi %add3A_2339, %iota3A : vector<16xi32>
      %gather3A_2341 = tpu.vector_load_idx %arg6[%add3A_2329, %add3A_2340] : memref<128x64xf32, #tpu.memory_space<vmem>>[vector<16xi32>, vector<16xi32>], vector<16xf32>,
      %add3A_2342 = arith.constant 16 : i32
      %add3A_2343 = vector.broadcast %add3A_2342 : i32 to vector<16xi32>
      %add3A_2344 = arith.addi %add3A_2343, %iota3A : vector<16xi32>
      tpu.vector_store_idx %arg8[%broadcast_in_dim3A_2330, %add3A_2344], %gather3A_2341 : memref<512x64xf32, #tpu.memory_space<vmem>>[vector<16xi32>, vector<16xi32>], vector<16xf32>,
      %add3A_2345 = arith.constant 32 : i32
      %add3A_2346 = vector.broadcast %add3A_2345 : i32 to vector<16xi32>
      %add3A_2347 = arith.addi %add3A_2346, %iota3A : vector<16xi32>
      %gather3A_2348 = tpu.vector_load_idx %arg6[%add3A_2329, %add3A_2347] : memref<128x64xf32, #tpu.memory_space<vmem>>[vector<16xi32>, vector<16xi32>], vector<16xf32>,
      %add3A_2349 = arith.constant 32 : i32
      %add3A_2350 = vector.broadcast %add3A_2349 : i32 to vector<16xi32>
      %add3A_2351 = arith.addi %add3A_2350, %iota3A : vector<16xi32>
      tpu.vector_store_idx %arg8[%broadcast_in_dim3A_2330, %add3A_2351], %gather3A_2348 : memref<512x64xf32, #tpu.memory_space<vmem>>[vector<16xi32>, vector<16xi32>], vector<16xf32>,
      %add3A_2352 = arith.constant 48 : i32
      %add3A_2353 = vector.broadcast %add3A_2352 : i32 to vector<16xi32>
      %add3A_2354 = arith.addi %add3A_2353, %iota3A : vector<16xi32>
      %gather3A_2355 = tpu.vector_load_idx %arg6[%add3A_2329, %add3A_2354] : memref<128x64xf32, #tpu.memory_space<vmem>>[vector<16xi32>, vector<16xi32>], vector<16xf32>,
      %add3A_2356 = arith.constant 48 : i32
      %add3A_2357 = vector.broadcast %add3A_2356 : i32 to vector<16xi32>
      %add3A_2358 = arith.addi %add3A_2357, %iota3A : vector<16xi32>
      tpu.vector_store_idx %arg8[%broadcast_in_dim3A_2330, %add3A_2358], %gather3A_2355 : memref<512x64xf32, #tpu.memory_space<vmem>>[vector<16xi32>, vector<16xi32>], vector<16xf32>,
      %mul3A_2359 = arith.constant 16 : i32
      %mul3A_2360 = arith.muli %mul3A_1783, %mul3A_2359 : i32
      %add3A_2361 = arith.constant 7 : i32
      %add3A_2362 = arith.addi %mul3A_2360, %add3A_2361 : i32
      %broadcast_in_dim3A_2363 = arith.constant 56 : i32
      %broadcast_in_dim3A_2364 = vector.broadcast %broadcast_in_dim3A_2363 : i32 to vector<16xi32>
      %slice3A_2365 = vector.extract_strided_slice %get3A_2071 {offsets = [7], sizes = [1], strides = [1]} : vector<16xi32> to vector<1xi32>
      %squeeze3A_2366 = vector.extract %slice3A_2365[0] : i32 from vector<1xi32>
      %and3A_2367 = arith.constant 7 : i32
      %and3A_2368 = arith.andi %squeeze3A_2366, %and3A_2367 : i32
      %add3A_2369 = vector.broadcast %and3A_2368 : i32 to vector<16xi32>
      %add3A_2370 = arith.addi %broadcast_in_dim3A_2364, %add3A_2369 : vector<16xi32>
      %broadcast_in_dim3A_2371 = vector.broadcast %add3A_2362 : i32 to vector<16xi32>
      %add3A_2372 = arith.constant 0 : i32
      %add3A_2373 = vector.broadcast %add3A_2372 : i32 to vector<16xi32>
      %add3A_2374 = arith.addi %add3A_2373, %iota3A : vector<16xi32>
      %gather3A_2375 = tpu.vector_load_idx %arg6[%add3A_2370, %add3A_2374] : memref<128x64xf32, #tpu.memory_space<vmem>>[vector<16xi32>, vector<16xi32>], vector<16xf32>,
      %add3A_2376 = arith.constant 0 : i32
      %add3A_2377 = vector.broadcast %add3A_2376 : i32 to vector<16xi32>
      %add3A_2378 = arith.addi %add3A_2377, %iota3A : vector<16xi32>
      tpu.vector_store_idx %arg8[%broadcast_in_dim3A_2371, %add3A_2378], %gather3A_2375 : memref<512x64xf32, #tpu.memory_space<vmem>>[vector<16xi32>, vector<16xi32>], vector<16xf32>,
      %add3A_2379 = arith.constant 16 : i32
      %add3A_2380 = vector.broadcast %add3A_2379 : i32 to vector<16xi32>
      %add3A_2381 = arith.addi %add3A_2380, %iota3A : vector<16xi32>
      %gather3A_2382 = tpu.vector_load_idx %arg6[%add3A_2370, %add3A_2381] : memref<128x64xf32, #tpu.memory_space<vmem>>[vector<16xi32>, vector<16xi32>], vector<16xf32>,
      %add3A_2383 = arith.constant 16 : i32
      %add3A_2384 = vector.broadcast %add3A_2383 : i32 to vector<16xi32>
      %add3A_2385 = arith.addi %add3A_2384, %iota3A : vector<16xi32>
      tpu.vector_store_idx %arg8[%broadcast_in_dim3A_2371, %add3A_2385], %gather3A_2382 : memref<512x64xf32, #tpu.memory_space<vmem>>[vector<16xi32>, vector<16xi32>], vector<16xf32>,
      %add3A_2386 = arith.constant 32 : i32
      %add3A_2387 = vector.broadcast %add3A_2386 : i32 to vector<16xi32>
      %add3A_2388 = arith.addi %add3A_2387, %iota3A : vector<16xi32>
      %gather3A_2389 = tpu.vector_load_idx %arg6[%add3A_2370, %add3A_2388] : memref<128x64xf32, #tpu.memory_space<vmem>>[vector<16xi32>, vector<16xi32>], vector<16xf32>,
      %add3A_2390 = arith.constant 32 : i32
      %add3A_2391 = vector.broadcast %add3A_2390 : i32 to vector<16xi32>
      %add3A_2392 = arith.addi %add3A_2391, %iota3A : vector<16xi32>
      tpu.vector_store_idx %arg8[%broadcast_in_dim3A_2371, %add3A_2392], %gather3A_2389 : memref<512x64xf32, #tpu.memory_space<vmem>>[vector<16xi32>, vector<16xi32>], vector<16xf32>,
      %add3A_2393 = arith.constant 48 : i32
      %add3A_2394 = vector.broadcast %add3A_2393 : i32 to vector<16xi32>
      %add3A_2395 = arith.addi %add3A_2394, %iota3A : vector<16xi32>
      %gather3A_2396 = tpu.vector_load_idx %arg6[%add3A_2370, %add3A_2395] : memref<128x64xf32, #tpu.memory_space<vmem>>[vector<16xi32>, vector<16xi32>], vector<16xf32>,
      %add3A_2397 = arith.constant 48 : i32
      %add3A_2398 = vector.broadcast %add3A_2397 : i32 to vector<16xi32>
      %add3A_2399 = arith.addi %add3A_2398, %iota3A : vector<16xi32>
      tpu.vector_store_idx %arg8[%broadcast_in_dim3A_2371, %add3A_2399], %gather3A_2396 : memref<512x64xf32, #tpu.memory_space<vmem>>[vector<16xi32>, vector<16xi32>], vector<16xf32>,
      %mul3A_2400 = arith.constant 16 : i32
      %mul3A_2401 = arith.muli %mul3A_1783, %mul3A_2400 : i32
      %add3A_2402 = arith.constant 8 : i32
      %add3A_2403 = arith.addi %mul3A_2401, %add3A_2402 : i32
      %broadcast_in_dim3A_2404 = arith.constant 64 : i32
      %broadcast_in_dim3A_2405 = vector.broadcast %broadcast_in_dim3A_2404 : i32 to vector<16xi32>
      %slice3A_2406 = vector.extract_strided_slice %get3A_2071 {offsets = [8], sizes = [1], strides = [1]} : vector<16xi32> to vector<1xi32>
      %squeeze3A_2407 = vector.extract %slice3A_2406[0] : i32 from vector<1xi32>
      %and3A_2408 = arith.constant 7 : i32
      %and3A_2409 = arith.andi %squeeze3A_2407, %and3A_2408 : i32
      %add3A_2410 = vector.broadcast %and3A_2409 : i32 to vector<16xi32>
      %add3A_2411 = arith.addi %broadcast_in_dim3A_2405, %add3A_2410 : vector<16xi32>
      %broadcast_in_dim3A_2412 = vector.broadcast %add3A_2403 : i32 to vector<16xi32>
      %add3A_2413 = arith.constant 0 : i32
      %add3A_2414 = vector.broadcast %add3A_2413 : i32 to vector<16xi32>
      %add3A_2415 = arith.addi %add3A_2414, %iota3A : vector<16xi32>
      %gather3A_2416 = tpu.vector_load_idx %arg6[%add3A_2411, %add3A_2415] : memref<128x64xf32, #tpu.memory_space<vmem>>[vector<16xi32>, vector<16xi32>], vector<16xf32>,
      %add3A_2417 = arith.constant 0 : i32
      %add3A_2418 = vector.broadcast %add3A_2417 : i32 to vector<16xi32>
      %add3A_2419 = arith.addi %add3A_2418, %iota3A : vector<16xi32>
      tpu.vector_store_idx %arg8[%broadcast_in_dim3A_2412, %add3A_2419], %gather3A_2416 : memref<512x64xf32, #tpu.memory_space<vmem>>[vector<16xi32>, vector<16xi32>], vector<16xf32>,
      %add3A_2420 = arith.constant 16 : i32
      %add3A_2421 = vector.broadcast %add3A_2420 : i32 to vector<16xi32>
      %add3A_2422 = arith.addi %add3A_2421, %iota3A : vector<16xi32>
      %gather3A_2423 = tpu.vector_load_idx %arg6[%add3A_2411, %add3A_2422] : memref<128x64xf32, #tpu.memory_space<vmem>>[vector<16xi32>, vector<16xi32>], vector<16xf32>,
      %add3A_2424 = arith.constant 16 : i32
      %add3A_2425 = vector.broadcast %add3A_2424 : i32 to vector<16xi32>
      %add3A_2426 = arith.addi %add3A_2425, %iota3A : vector<16xi32>
      tpu.vector_store_idx %arg8[%broadcast_in_dim3A_2412, %add3A_2426], %gather3A_2423 : memref<512x64xf32, #tpu.memory_space<vmem>>[vector<16xi32>, vector<16xi32>], vector<16xf32>,
      %add3A_2427 = arith.constant 32 : i32
      %add3A_2428 = vector.broadcast %add3A_2427 : i32 to vector<16xi32>
      %add3A_2429 = arith.addi %add3A_2428, %iota3A : vector<16xi32>
      %gather3A_2430 = tpu.vector_load_idx %arg6[%add3A_2411, %add3A_2429] : memref<128x64xf32, #tpu.memory_space<vmem>>[vector<16xi32>, vector<16xi32>], vector<16xf32>,
      %add3A_2431 = arith.constant 32 : i32
      %add3A_2432 = vector.broadcast %add3A_2431 : i32 to vector<16xi32>
      %add3A_2433 = arith.addi %add3A_2432, %iota3A : vector<16xi32>
      tpu.vector_store_idx %arg8[%broadcast_in_dim3A_2412, %add3A_2433], %gather3A_2430 : memref<512x64xf32, #tpu.memory_space<vmem>>[vector<16xi32>, vector<16xi32>], vector<16xf32>,
      %add3A_2434 = arith.constant 48 : i32
      %add3A_2435 = vector.broadcast %add3A_2434 : i32 to vector<16xi32>
      %add3A_2436 = arith.addi %add3A_2435, %iota3A : vector<16xi32>
      %gather3A_2437 = tpu.vector_load_idx %arg6[%add3A_2411, %add3A_2436] : memref<128x64xf32, #tpu.memory_space<vmem>>[vector<16xi32>, vector<16xi32>], vector<16xf32>,
      %add3A_2438 = arith.constant 48 : i32
      %add3A_2439 = vector.broadcast %add3A_2438 : i32 to vector<16xi32>
      %add3A_2440 = arith.addi %add3A_2439, %iota3A : vector<16xi32>
      tpu.vector_store_idx %arg8[%broadcast_in_dim3A_2412, %add3A_2440], %gather3A_2437 : memref<512x64xf32, #tpu.memory_space<vmem>>[vector<16xi32>, vector<16xi32>], vector<16xf32>,
      %mul3A_2441 = arith.constant 16 : i32
      %mul3A_2442 = arith.muli %mul3A_1783, %mul3A_2441 : i32
      %add3A_2443 = arith.constant 9 : i32
      %add3A_2444 = arith.addi %mul3A_2442, %add3A_2443 : i32
      %broadcast_in_dim3A_2445 = arith.constant 72 : i32
      %broadcast_in_dim3A_2446 = vector.broadcast %broadcast_in_dim3A_2445 : i32 to vector<16xi32>
      %slice3A_2447 = vector.extract_strided_slice %get3A_2071 {offsets = [9], sizes = [1], strides = [1]} : vector<16xi32> to vector<1xi32>
      %squeeze3A_2448 = vector.extract %slice3A_2447[0] : i32 from vector<1xi32>
      %and3A_2449 = arith.constant 7 : i32
      %and3A_2450 = arith.andi %squeeze3A_2448, %and3A_2449 : i32
      %add3A_2451 = vector.broadcast %and3A_2450 : i32 to vector<16xi32>
      %add3A_2452 = arith.addi %broadcast_in_dim3A_2446, %add3A_2451 : vector<16xi32>
      %broadcast_in_dim3A_2453 = vector.broadcast %add3A_2444 : i32 to vector<16xi32>
      %add3A_2454 = arith.constant 0 : i32
      %add3A_2455 = vector.broadcast %add3A_2454 : i32 to vector<16xi32>
      %add3A_2456 = arith.addi %add3A_2455, %iota3A : vector<16xi32>
      %gather3A_2457 = tpu.vector_load_idx %arg6[%add3A_2452, %add3A_2456] : memref<128x64xf32, #tpu.memory_space<vmem>>[vector<16xi32>, vector<16xi32>], vector<16xf32>,
      %add3A_2458 = arith.constant 0 : i32
      %add3A_2459 = vector.broadcast %add3A_2458 : i32 to vector<16xi32>
      %add3A_2460 = arith.addi %add3A_2459, %iota3A : vector<16xi32>
      tpu.vector_store_idx %arg8[%broadcast_in_dim3A_2453, %add3A_2460], %gather3A_2457 : memref<512x64xf32, #tpu.memory_space<vmem>>[vector<16xi32>, vector<16xi32>], vector<16xf32>,
      %add3A_2461 = arith.constant 16 : i32
      %add3A_2462 = vector.broadcast %add3A_2461 : i32 to vector<16xi32>
      %add3A_2463 = arith.addi %add3A_2462, %iota3A : vector<16xi32>
      %gather3A_2464 = tpu.vector_load_idx %arg6[%add3A_2452, %add3A_2463] : memref<128x64xf32, #tpu.memory_space<vmem>>[vector<16xi32>, vector<16xi32>], vector<16xf32>,
      %add3A_2465 = arith.constant 16 : i32
      %add3A_2466 = vector.broadcast %add3A_2465 : i32 to vector<16xi32>
      %add3A_2467 = arith.addi %add3A_2466, %iota3A : vector<16xi32>
      tpu.vector_store_idx %arg8[%broadcast_in_dim3A_2453, %add3A_2467], %gather3A_2464 : memref<512x64xf32, #tpu.memory_space<vmem>>[vector<16xi32>, vector<16xi32>], vector<16xf32>,
      %add3A_2468 = arith.constant 32 : i32
      %add3A_2469 = vector.broadcast %add3A_2468 : i32 to vector<16xi32>
      %add3A_2470 = arith.addi %add3A_2469, %iota3A : vector<16xi32>
      %gather3A_2471 = tpu.vector_load_idx %arg6[%add3A_2452, %add3A_2470] : memref<128x64xf32, #tpu.memory_space<vmem>>[vector<16xi32>, vector<16xi32>], vector<16xf32>,
      %add3A_2472 = arith.constant 32 : i32
      %add3A_2473 = vector.broadcast %add3A_2472 : i32 to vector<16xi32>
      %add3A_2474 = arith.addi %add3A_2473, %iota3A : vector<16xi32>
      tpu.vector_store_idx %arg8[%broadcast_in_dim3A_2453, %add3A_2474], %gather3A_2471 : memref<512x64xf32, #tpu.memory_space<vmem>>[vector<16xi32>, vector<16xi32>], vector<16xf32>,
      %add3A_2475 = arith.constant 48 : i32
      %add3A_2476 = vector.broadcast %add3A_2475 : i32 to vector<16xi32>
      %add3A_2477 = arith.addi %add3A_2476, %iota3A : vector<16xi32>
      %gather3A_2478 = tpu.vector_load_idx %arg6[%add3A_2452, %add3A_2477] : memref<128x64xf32, #tpu.memory_space<vmem>>[vector<16xi32>, vector<16xi32>], vector<16xf32>,
      %add3A_2479 = arith.constant 48 : i32
      %add3A_2480 = vector.broadcast %add3A_2479 : i32 to vector<16xi32>
      %add3A_2481 = arith.addi %add3A_2480, %iota3A : vector<16xi32>
      tpu.vector_store_idx %arg8[%broadcast_in_dim3A_2453, %add3A_2481], %gather3A_2478 : memref<512x64xf32, #tpu.memory_space<vmem>>[vector<16xi32>, vector<16xi32>], vector<16xf32>,
      %mul3A_2482 = arith.constant 16 : i32
      %mul3A_2483 = arith.muli %mul3A_1783, %mul3A_2482 : i32
      %add3A_2484 = arith.constant 10 : i32
      %add3A_2485 = arith.addi %mul3A_2483, %add3A_2484 : i32
      %broadcast_in_dim3A_2486 = arith.constant 80 : i32
      %broadcast_in_dim3A_2487 = vector.broadcast %broadcast_in_dim3A_2486 : i32 to vector<16xi32>
      %slice3A_2488 = vector.extract_strided_slice %get3A_2071 {offsets = [10], sizes = [1], strides = [1]} : vector<16xi32> to vector<1xi32>
      %squeeze3A_2489 = vector.extract %slice3A_2488[0] : i32 from vector<1xi32>
      %and3A_2490 = arith.constant 7 : i32
      %and3A_2491 = arith.andi %squeeze3A_2489, %and3A_2490 : i32
      %add3A_2492 = vector.broadcast %and3A_2491 : i32 to vector<16xi32>
      %add3A_2493 = arith.addi %broadcast_in_dim3A_2487, %add3A_2492 : vector<16xi32>
      %broadcast_in_dim3A_2494 = vector.broadcast %add3A_2485 : i32 to vector<16xi32>
      %add3A_2495 = arith.constant 0 : i32
      %add3A_2496 = vector.broadcast %add3A_2495 : i32 to vector<16xi32>
      %add3A_2497 = arith.addi %add3A_2496, %iota3A : vector<16xi32>
      %gather3A_2498 = tpu.vector_load_idx %arg6[%add3A_2493, %add3A_2497] : memref<128x64xf32, #tpu.memory_space<vmem>>[vector<16xi32>, vector<16xi32>], vector<16xf32>,
      %add3A_2499 = arith.constant 0 : i32
      %add3A_2500 = vector.broadcast %add3A_2499 : i32 to vector<16xi32>
      %add3A_2501 = arith.addi %add3A_2500, %iota3A : vector<16xi32>
      tpu.vector_store_idx %arg8[%broadcast_in_dim3A_2494, %add3A_2501], %gather3A_2498 : memref<512x64xf32, #tpu.memory_space<vmem>>[vector<16xi32>, vector<16xi32>], vector<16xf32>,
      %add3A_2502 = arith.constant 16 : i32
      %add3A_2503 = vector.broadcast %add3A_2502 : i32 to vector<16xi32>
      %add3A_2504 = arith.addi %add3A_2503, %iota3A : vector<16xi32>
      %gather3A_2505 = tpu.vector_load_idx %arg6[%add3A_2493, %add3A_2504] : memref<128x64xf32, #tpu.memory_space<vmem>>[vector<16xi32>, vector<16xi32>], vector<16xf32>,
      %add3A_2506 = arith.constant 16 : i32
      %add3A_2507 = vector.broadcast %add3A_2506 : i32 to vector<16xi32>
      %add3A_2508 = arith.addi %add3A_2507, %iota3A : vector<16xi32>
      tpu.vector_store_idx %arg8[%broadcast_in_dim3A_2494, %add3A_2508], %gather3A_2505 : memref<512x64xf32, #tpu.memory_space<vmem>>[vector<16xi32>, vector<16xi32>], vector<16xf32>,
      %add3A_2509 = arith.constant 32 : i32
      %add3A_2510 = vector.broadcast %add3A_2509 : i32 to vector<16xi32>
      %add3A_2511 = arith.addi %add3A_2510, %iota3A : vector<16xi32>
      %gather3A_2512 = tpu.vector_load_idx %arg6[%add3A_2493, %add3A_2511] : memref<128x64xf32, #tpu.memory_space<vmem>>[vector<16xi32>, vector<16xi32>], vector<16xf32>,
      %add3A_2513 = arith.constant 32 : i32
      %add3A_2514 = vector.broadcast %add3A_2513 : i32 to vector<16xi32>
      %add3A_2515 = arith.addi %add3A_2514, %iota3A : vector<16xi32>
      tpu.vector_store_idx %arg8[%broadcast_in_dim3A_2494, %add3A_2515], %gather3A_2512 : memref<512x64xf32, #tpu.memory_space<vmem>>[vector<16xi32>, vector<16xi32>], vector<16xf32>,
      %add3A_2516 = arith.constant 48 : i32
      %add3A_2517 = vector.broadcast %add3A_2516 : i32 to vector<16xi32>
      %add3A_2518 = arith.addi %add3A_2517, %iota3A : vector<16xi32>
      %gather3A_2519 = tpu.vector_load_idx %arg6[%add3A_2493, %add3A_2518] : memref<128x64xf32, #tpu.memory_space<vmem>>[vector<16xi32>, vector<16xi32>], vector<16xf32>,
      %add3A_2520 = arith.constant 48 : i32
      %add3A_2521 = vector.broadcast %add3A_2520 : i32 to vector<16xi32>
      %add3A_2522 = arith.addi %add3A_2521, %iota3A : vector<16xi32>
      tpu.vector_store_idx %arg8[%broadcast_in_dim3A_2494, %add3A_2522], %gather3A_2519 : memref<512x64xf32, #tpu.memory_space<vmem>>[vector<16xi32>, vector<16xi32>], vector<16xf32>,
      %mul3A_2523 = arith.constant 16 : i32
      %mul3A_2524 = arith.muli %mul3A_1783, %mul3A_2523 : i32
      %add3A_2525 = arith.constant 11 : i32
      %add3A_2526 = arith.addi %mul3A_2524, %add3A_2525 : i32
      %broadcast_in_dim3A_2527 = arith.constant 88 : i32
      %broadcast_in_dim3A_2528 = vector.broadcast %broadcast_in_dim3A_2527 : i32 to vector<16xi32>
      %slice3A_2529 = vector.extract_strided_slice %get3A_2071 {offsets = [11], sizes = [1], strides = [1]} : vector<16xi32> to vector<1xi32>
      %squeeze3A_2530 = vector.extract %slice3A_2529[0] : i32 from vector<1xi32>
      %and3A_2531 = arith.constant 7 : i32
      %and3A_2532 = arith.andi %squeeze3A_2530, %and3A_2531 : i32
      %add3A_2533 = vector.broadcast %and3A_2532 : i32 to vector<16xi32>
      %add3A_2534 = arith.addi %broadcast_in_dim3A_2528, %add3A_2533 : vector<16xi32>
      %broadcast_in_dim3A_2535 = vector.broadcast %add3A_2526 : i32 to vector<16xi32>
      %add3A_2536 = arith.constant 0 : i32
      %add3A_2537 = vector.broadcast %add3A_2536 : i32 to vector<16xi32>
      %add3A_2538 = arith.addi %add3A_2537, %iota3A : vector<16xi32>
      %gather3A_2539 = tpu.vector_load_idx %arg6[%add3A_2534, %add3A_2538] : memref<128x64xf32, #tpu.memory_space<vmem>>[vector<16xi32>, vector<16xi32>], vector<16xf32>,
      %add3A_2540 = arith.constant 0 : i32
      %add3A_2541 = vector.broadcast %add3A_2540 : i32 to vector<16xi32>
      %add3A_2542 = arith.addi %add3A_2541, %iota3A : vector<16xi32>
      tpu.vector_store_idx %arg8[%broadcast_in_dim3A_2535, %add3A_2542], %gather3A_2539 : memref<512x64xf32, #tpu.memory_space<vmem>>[vector<16xi32>, vector<16xi32>], vector<16xf32>,
      %add3A_2543 = arith.constant 16 : i32
      %add3A_2544 = vector.broadcast %add3A_2543 : i32 to vector<16xi32>
      %add3A_2545 = arith.addi %add3A_2544, %iota3A : vector<16xi32>
      %gather3A_2546 = tpu.vector_load_idx %arg6[%add3A_2534, %add3A_2545] : memref<128x64xf32, #tpu.memory_space<vmem>>[vector<16xi32>, vector<16xi32>], vector<16xf32>,
      %add3A_2547 = arith.constant 16 : i32
      %add3A_2548 = vector.broadcast %add3A_2547 : i32 to vector<16xi32>
      %add3A_2549 = arith.addi %add3A_2548, %iota3A : vector<16xi32>
      tpu.vector_store_idx %arg8[%broadcast_in_dim3A_2535, %add3A_2549], %gather3A_2546 : memref<512x64xf32, #tpu.memory_space<vmem>>[vector<16xi32>, vector<16xi32>], vector<16xf32>,
      %add3A_2550 = arith.constant 32 : i32
      %add3A_2551 = vector.broadcast %add3A_2550 : i32 to vector<16xi32>
      %add3A_2552 = arith.addi %add3A_2551, %iota3A : vector<16xi32>
      %gather3A_2553 = tpu.vector_load_idx %arg6[%add3A_2534, %add3A_2552] : memref<128x64xf32, #tpu.memory_space<vmem>>[vector<16xi32>, vector<16xi32>], vector<16xf32>,
      %add3A_2554 = arith.constant 32 : i32
      %add3A_2555 = vector.broadcast %add3A_2554 : i32 to vector<16xi32>
      %add3A_2556 = arith.addi %add3A_2555, %iota3A : vector<16xi32>
      tpu.vector_store_idx %arg8[%broadcast_in_dim3A_2535, %add3A_2556], %gather3A_2553 : memref<512x64xf32, #tpu.memory_space<vmem>>[vector<16xi32>, vector<16xi32>], vector<16xf32>,
      %add3A_2557 = arith.constant 48 : i32
      %add3A_2558 = vector.broadcast %add3A_2557 : i32 to vector<16xi32>
      %add3A_2559 = arith.addi %add3A_2558, %iota3A : vector<16xi32>
      %gather3A_2560 = tpu.vector_load_idx %arg6[%add3A_2534, %add3A_2559] : memref<128x64xf32, #tpu.memory_space<vmem>>[vector<16xi32>, vector<16xi32>], vector<16xf32>,
      %add3A_2561 = arith.constant 48 : i32
      %add3A_2562 = vector.broadcast %add3A_2561 : i32 to vector<16xi32>
      %add3A_2563 = arith.addi %add3A_2562, %iota3A : vector<16xi32>
      tpu.vector_store_idx %arg8[%broadcast_in_dim3A_2535, %add3A_2563], %gather3A_2560 : memref<512x64xf32, #tpu.memory_space<vmem>>[vector<16xi32>, vector<16xi32>], vector<16xf32>,
      %mul3A_2564 = arith.constant 16 : i32
      %mul3A_2565 = arith.muli %mul3A_1783, %mul3A_2564 : i32
      %add3A_2566 = arith.constant 12 : i32
      %add3A_2567 = arith.addi %mul3A_2565, %add3A_2566 : i32
      %broadcast_in_dim3A_2568 = arith.constant 96 : i32
      %broadcast_in_dim3A_2569 = vector.broadcast %broadcast_in_dim3A_2568 : i32 to vector<16xi32>
      %slice3A_2570 = vector.extract_strided_slice %get3A_2071 {offsets = [12], sizes = [1], strides = [1]} : vector<16xi32> to vector<1xi32>
      %squeeze3A_2571 = vector.extract %slice3A_2570[0] : i32 from vector<1xi32>
      %and3A_2572 = arith.constant 7 : i32
      %and3A_2573 = arith.andi %squeeze3A_2571, %and3A_2572 : i32
      %add3A_2574 = vector.broadcast %and3A_2573 : i32 to vector<16xi32>
      %add3A_2575 = arith.addi %broadcast_in_dim3A_2569, %add3A_2574 : vector<16xi32>
      %broadcast_in_dim3A_2576 = vector.broadcast %add3A_2567 : i32 to vector<16xi32>
      %add3A_2577 = arith.constant 0 : i32
      %add3A_2578 = vector.broadcast %add3A_2577 : i32 to vector<16xi32>
      %add3A_2579 = arith.addi %add3A_2578, %iota3A : vector<16xi32>
      %gather3A_2580 = tpu.vector_load_idx %arg6[%add3A_2575, %add3A_2579] : memref<128x64xf32, #tpu.memory_space<vmem>>[vector<16xi32>, vector<16xi32>], vector<16xf32>,
      %add3A_2581 = arith.constant 0 : i32
      %add3A_2582 = vector.broadcast %add3A_2581 : i32 to vector<16xi32>
      %add3A_2583 = arith.addi %add3A_2582, %iota3A : vector<16xi32>
      tpu.vector_store_idx %arg8[%broadcast_in_dim3A_2576, %add3A_2583], %gather3A_2580 : memref<512x64xf32, #tpu.memory_space<vmem>>[vector<16xi32>, vector<16xi32>], vector<16xf32>,
      %add3A_2584 = arith.constant 16 : i32
      %add3A_2585 = vector.broadcast %add3A_2584 : i32 to vector<16xi32>
      %add3A_2586 = arith.addi %add3A_2585, %iota3A : vector<16xi32>
      %gather3A_2587 = tpu.vector_load_idx %arg6[%add3A_2575, %add3A_2586] : memref<128x64xf32, #tpu.memory_space<vmem>>[vector<16xi32>, vector<16xi32>], vector<16xf32>,
      %add3A_2588 = arith.constant 16 : i32
      %add3A_2589 = vector.broadcast %add3A_2588 : i32 to vector<16xi32>
      %add3A_2590 = arith.addi %add3A_2589, %iota3A : vector<16xi32>
      tpu.vector_store_idx %arg8[%broadcast_in_dim3A_2576, %add3A_2590], %gather3A_2587 : memref<512x64xf32, #tpu.memory_space<vmem>>[vector<16xi32>, vector<16xi32>], vector<16xf32>,
      %add3A_2591 = arith.constant 32 : i32
      %add3A_2592 = vector.broadcast %add3A_2591 : i32 to vector<16xi32>
      %add3A_2593 = arith.addi %add3A_2592, %iota3A : vector<16xi32>
      %gather3A_2594 = tpu.vector_load_idx %arg6[%add3A_2575, %add3A_2593] : memref<128x64xf32, #tpu.memory_space<vmem>>[vector<16xi32>, vector<16xi32>], vector<16xf32>,
      %add3A_2595 = arith.constant 32 : i32
      %add3A_2596 = vector.broadcast %add3A_2595 : i32 to vector<16xi32>
      %add3A_2597 = arith.addi %add3A_2596, %iota3A : vector<16xi32>
      tpu.vector_store_idx %arg8[%broadcast_in_dim3A_2576, %add3A_2597], %gather3A_2594 : memref<512x64xf32, #tpu.memory_space<vmem>>[vector<16xi32>, vector<16xi32>], vector<16xf32>,
      %add3A_2598 = arith.constant 48 : i32
      %add3A_2599 = vector.broadcast %add3A_2598 : i32 to vector<16xi32>
      %add3A_2600 = arith.addi %add3A_2599, %iota3A : vector<16xi32>
      %gather3A_2601 = tpu.vector_load_idx %arg6[%add3A_2575, %add3A_2600] : memref<128x64xf32, #tpu.memory_space<vmem>>[vector<16xi32>, vector<16xi32>], vector<16xf32>,
      %add3A_2602 = arith.constant 48 : i32
      %add3A_2603 = vector.broadcast %add3A_2602 : i32 to vector<16xi32>
      %add3A_2604 = arith.addi %add3A_2603, %iota3A : vector<16xi32>
      tpu.vector_store_idx %arg8[%broadcast_in_dim3A_2576, %add3A_2604], %gather3A_2601 : memref<512x64xf32, #tpu.memory_space<vmem>>[vector<16xi32>, vector<16xi32>], vector<16xf32>,
      %mul3A_2605 = arith.constant 16 : i32
      %mul3A_2606 = arith.muli %mul3A_1783, %mul3A_2605 : i32
      %add3A_2607 = arith.constant 13 : i32
      %add3A_2608 = arith.addi %mul3A_2606, %add3A_2607 : i32
      %broadcast_in_dim3A_2609 = arith.constant 104 : i32
      %broadcast_in_dim3A_2610 = vector.broadcast %broadcast_in_dim3A_2609 : i32 to vector<16xi32>
      %slice3A_2611 = vector.extract_strided_slice %get3A_2071 {offsets = [13], sizes = [1], strides = [1]} : vector<16xi32> to vector<1xi32>
      %squeeze3A_2612 = vector.extract %slice3A_2611[0] : i32 from vector<1xi32>
      %and3A_2613 = arith.constant 7 : i32
      %and3A_2614 = arith.andi %squeeze3A_2612, %and3A_2613 : i32
      %add3A_2615 = vector.broadcast %and3A_2614 : i32 to vector<16xi32>
      %add3A_2616 = arith.addi %broadcast_in_dim3A_2610, %add3A_2615 : vector<16xi32>
      %broadcast_in_dim3A_2617 = vector.broadcast %add3A_2608 : i32 to vector<16xi32>
      %add3A_2618 = arith.constant 0 : i32
      %add3A_2619 = vector.broadcast %add3A_2618 : i32 to vector<16xi32>
      %add3A_2620 = arith.addi %add3A_2619, %iota3A : vector<16xi32>
      %gather3A_2621 = tpu.vector_load_idx %arg6[%add3A_2616, %add3A_2620] : memref<128x64xf32, #tpu.memory_space<vmem>>[vector<16xi32>, vector<16xi32>], vector<16xf32>,
      %add3A_2622 = arith.constant 0 : i32
      %add3A_2623 = vector.broadcast %add3A_2622 : i32 to vector<16xi32>
      %add3A_2624 = arith.addi %add3A_2623, %iota3A : vector<16xi32>
      tpu.vector_store_idx %arg8[%broadcast_in_dim3A_2617, %add3A_2624], %gather3A_2621 : memref<512x64xf32, #tpu.memory_space<vmem>>[vector<16xi32>, vector<16xi32>], vector<16xf32>,
      %add3A_2625 = arith.constant 16 : i32
      %add3A_2626 = vector.broadcast %add3A_2625 : i32 to vector<16xi32>
      %add3A_2627 = arith.addi %add3A_2626, %iota3A : vector<16xi32>
      %gather3A_2628 = tpu.vector_load_idx %arg6[%add3A_2616, %add3A_2627] : memref<128x64xf32, #tpu.memory_space<vmem>>[vector<16xi32>, vector<16xi32>], vector<16xf32>,
      %add3A_2629 = arith.constant 16 : i32
      %add3A_2630 = vector.broadcast %add3A_2629 : i32 to vector<16xi32>
      %add3A_2631 = arith.addi %add3A_2630, %iota3A : vector<16xi32>
      tpu.vector_store_idx %arg8[%broadcast_in_dim3A_2617, %add3A_2631], %gather3A_2628 : memref<512x64xf32, #tpu.memory_space<vmem>>[vector<16xi32>, vector<16xi32>], vector<16xf32>,
      %add3A_2632 = arith.constant 32 : i32
      %add3A_2633 = vector.broadcast %add3A_2632 : i32 to vector<16xi32>
      %add3A_2634 = arith.addi %add3A_2633, %iota3A : vector<16xi32>
      %gather3A_2635 = tpu.vector_load_idx %arg6[%add3A_2616, %add3A_2634] : memref<128x64xf32, #tpu.memory_space<vmem>>[vector<16xi32>, vector<16xi32>], vector<16xf32>,
      %add3A_2636 = arith.constant 32 : i32
      %add3A_2637 = vector.broadcast %add3A_2636 : i32 to vector<16xi32>
      %add3A_2638 = arith.addi %add3A_2637, %iota3A : vector<16xi32>
      tpu.vector_store_idx %arg8[%broadcast_in_dim3A_2617, %add3A_2638], %gather3A_2635 : memref<512x64xf32, #tpu.memory_space<vmem>>[vector<16xi32>, vector<16xi32>], vector<16xf32>,
      %add3A_2639 = arith.constant 48 : i32
      %add3A_2640 = vector.broadcast %add3A_2639 : i32 to vector<16xi32>
      %add3A_2641 = arith.addi %add3A_2640, %iota3A : vector<16xi32>
      %gather3A_2642 = tpu.vector_load_idx %arg6[%add3A_2616, %add3A_2641] : memref<128x64xf32, #tpu.memory_space<vmem>>[vector<16xi32>, vector<16xi32>], vector<16xf32>,
      %add3A_2643 = arith.constant 48 : i32
      %add3A_2644 = vector.broadcast %add3A_2643 : i32 to vector<16xi32>
      %add3A_2645 = arith.addi %add3A_2644, %iota3A : vector<16xi32>
      tpu.vector_store_idx %arg8[%broadcast_in_dim3A_2617, %add3A_2645], %gather3A_2642 : memref<512x64xf32, #tpu.memory_space<vmem>>[vector<16xi32>, vector<16xi32>], vector<16xf32>,
      %mul3A_2646 = arith.constant 16 : i32
      %mul3A_2647 = arith.muli %mul3A_1783, %mul3A_2646 : i32
      %add3A_2648 = arith.constant 14 : i32
      %add3A_2649 = arith.addi %mul3A_2647, %add3A_2648 : i32
      %broadcast_in_dim3A_2650 = arith.constant 112 : i32
      %broadcast_in_dim3A_2651 = vector.broadcast %broadcast_in_dim3A_2650 : i32 to vector<16xi32>
      %slice3A_2652 = vector.extract_strided_slice %get3A_2071 {offsets = [14], sizes = [1], strides = [1]} : vector<16xi32> to vector<1xi32>
      %squeeze3A_2653 = vector.extract %slice3A_2652[0] : i32 from vector<1xi32>
      %and3A_2654 = arith.constant 7 : i32
      %and3A_2655 = arith.andi %squeeze3A_2653, %and3A_2654 : i32
      %add3A_2656 = vector.broadcast %and3A_2655 : i32 to vector<16xi32>
      %add3A_2657 = arith.addi %broadcast_in_dim3A_2651, %add3A_2656 : vector<16xi32>
      %broadcast_in_dim3A_2658 = vector.broadcast %add3A_2649 : i32 to vector<16xi32>
      %add3A_2659 = arith.constant 0 : i32
      %add3A_2660 = vector.broadcast %add3A_2659 : i32 to vector<16xi32>
      %add3A_2661 = arith.addi %add3A_2660, %iota3A : vector<16xi32>
      %gather3A_2662 = tpu.vector_load_idx %arg6[%add3A_2657, %add3A_2661] : memref<128x64xf32, #tpu.memory_space<vmem>>[vector<16xi32>, vector<16xi32>], vector<16xf32>,
      %add3A_2663 = arith.constant 0 : i32
      %add3A_2664 = vector.broadcast %add3A_2663 : i32 to vector<16xi32>
      %add3A_2665 = arith.addi %add3A_2664, %iota3A : vector<16xi32>
      tpu.vector_store_idx %arg8[%broadcast_in_dim3A_2658, %add3A_2665], %gather3A_2662 : memref<512x64xf32, #tpu.memory_space<vmem>>[vector<16xi32>, vector<16xi32>], vector<16xf32>,
      %add3A_2666 = arith.constant 16 : i32
      %add3A_2667 = vector.broadcast %add3A_2666 : i32 to vector<16xi32>
      %add3A_2668 = arith.addi %add3A_2667, %iota3A : vector<16xi32>
      %gather3A_2669 = tpu.vector_load_idx %arg6[%add3A_2657, %add3A_2668] : memref<128x64xf32, #tpu.memory_space<vmem>>[vector<16xi32>, vector<16xi32>], vector<16xf32>,
      %add3A_2670 = arith.constant 16 : i32
      %add3A_2671 = vector.broadcast %add3A_2670 : i32 to vector<16xi32>
      %add3A_2672 = arith.addi %add3A_2671, %iota3A : vector<16xi32>
      tpu.vector_store_idx %arg8[%broadcast_in_dim3A_2658, %add3A_2672], %gather3A_2669 : memref<512x64xf32, #tpu.memory_space<vmem>>[vector<16xi32>, vector<16xi32>], vector<16xf32>,
      %add3A_2673 = arith.constant 32 : i32
      %add3A_2674 = vector.broadcast %add3A_2673 : i32 to vector<16xi32>
      %add3A_2675 = arith.addi %add3A_2674, %iota3A : vector<16xi32>
      %gather3A_2676 = tpu.vector_load_idx %arg6[%add3A_2657, %add3A_2675] : memref<128x64xf32, #tpu.memory_space<vmem>>[vector<16xi32>, vector<16xi32>], vector<16xf32>,
      %add3A_2677 = arith.constant 32 : i32
      %add3A_2678 = vector.broadcast %add3A_2677 : i32 to vector<16xi32>
      %add3A_2679 = arith.addi %add3A_2678, %iota3A : vector<16xi32>
      tpu.vector_store_idx %arg8[%broadcast_in_dim3A_2658, %add3A_2679], %gather3A_2676 : memref<512x64xf32, #tpu.memory_space<vmem>>[vector<16xi32>, vector<16xi32>], vector<16xf32>,
      %add3A_2680 = arith.constant 48 : i32
      %add3A_2681 = vector.broadcast %add3A_2680 : i32 to vector<16xi32>
      %add3A_2682 = arith.addi %add3A_2681, %iota3A : vector<16xi32>
      %gather3A_2683 = tpu.vector_load_idx %arg6[%add3A_2657, %add3A_2682] : memref<128x64xf32, #tpu.memory_space<vmem>>[vector<16xi32>, vector<16xi32>], vector<16xf32>,
      %add3A_2684 = arith.constant 48 : i32
      %add3A_2685 = vector.broadcast %add3A_2684 : i32 to vector<16xi32>
      %add3A_2686 = arith.addi %add3A_2685, %iota3A : vector<16xi32>
      tpu.vector_store_idx %arg8[%broadcast_in_dim3A_2658, %add3A_2686], %gather3A_2683 : memref<512x64xf32, #tpu.memory_space<vmem>>[vector<16xi32>, vector<16xi32>], vector<16xf32>,
      %mul3A_2687 = arith.constant 16 : i32
      %mul3A_2688 = arith.muli %mul3A_1783, %mul3A_2687 : i32
      %add3A_2689 = arith.constant 15 : i32
      %add3A_2690 = arith.addi %mul3A_2688, %add3A_2689 : i32
      %broadcast_in_dim3A_2691 = arith.constant 120 : i32
      %broadcast_in_dim3A_2692 = vector.broadcast %broadcast_in_dim3A_2691 : i32 to vector<16xi32>
      %slice3A_2693 = vector.extract_strided_slice %get3A_2071 {offsets = [15], sizes = [1], strides = [1]} : vector<16xi32> to vector<1xi32>
      %squeeze3A_2694 = vector.extract %slice3A_2693[0] : i32 from vector<1xi32>
      %and3A_2695 = arith.constant 7 : i32
      %and3A_2696 = arith.andi %squeeze3A_2694, %and3A_2695 : i32
      %add3A_2697 = vector.broadcast %and3A_2696 : i32 to vector<16xi32>
      %add3A_2698 = arith.addi %broadcast_in_dim3A_2692, %add3A_2697 : vector<16xi32>
      %broadcast_in_dim3A_2699 = vector.broadcast %add3A_2690 : i32 to vector<16xi32>
      %add3A_2700 = arith.constant 0 : i32
      %add3A_2701 = vector.broadcast %add3A_2700 : i32 to vector<16xi32>
      %add3A_2702 = arith.addi %add3A_2701, %iota3A : vector<16xi32>
      %gather3A_2703 = tpu.vector_load_idx %arg6[%add3A_2698, %add3A_2702] : memref<128x64xf32, #tpu.memory_space<vmem>>[vector<16xi32>, vector<16xi32>], vector<16xf32>,
      %add3A_2704 = arith.constant 0 : i32
      %add3A_2705 = vector.broadcast %add3A_2704 : i32 to vector<16xi32>
      %add3A_2706 = arith.addi %add3A_2705, %iota3A : vector<16xi32>
      tpu.vector_store_idx %arg8[%broadcast_in_dim3A_2699, %add3A_2706], %gather3A_2703 : memref<512x64xf32, #tpu.memory_space<vmem>>[vector<16xi32>, vector<16xi32>], vector<16xf32>,
      %add3A_2707 = arith.constant 16 : i32
      %add3A_2708 = vector.broadcast %add3A_2707 : i32 to vector<16xi32>
      %add3A_2709 = arith.addi %add3A_2708, %iota3A : vector<16xi32>
      %gather3A_2710 = tpu.vector_load_idx %arg6[%add3A_2698, %add3A_2709] : memref<128x64xf32, #tpu.memory_space<vmem>>[vector<16xi32>, vector<16xi32>], vector<16xf32>,
      %add3A_2711 = arith.constant 16 : i32
      %add3A_2712 = vector.broadcast %add3A_2711 : i32 to vector<16xi32>
      %add3A_2713 = arith.addi %add3A_2712, %iota3A : vector<16xi32>
      tpu.vector_store_idx %arg8[%broadcast_in_dim3A_2699, %add3A_2713], %gather3A_2710 : memref<512x64xf32, #tpu.memory_space<vmem>>[vector<16xi32>, vector<16xi32>], vector<16xf32>,
      %add3A_2714 = arith.constant 32 : i32
      %add3A_2715 = vector.broadcast %add3A_2714 : i32 to vector<16xi32>
      %add3A_2716 = arith.addi %add3A_2715, %iota3A : vector<16xi32>
      %gather3A_2717 = tpu.vector_load_idx %arg6[%add3A_2698, %add3A_2716] : memref<128x64xf32, #tpu.memory_space<vmem>>[vector<16xi32>, vector<16xi32>], vector<16xf32>,
      %add3A_2718 = arith.constant 32 : i32
      %add3A_2719 = vector.broadcast %add3A_2718 : i32 to vector<16xi32>
      %add3A_2720 = arith.addi %add3A_2719, %iota3A : vector<16xi32>
      tpu.vector_store_idx %arg8[%broadcast_in_dim3A_2699, %add3A_2720], %gather3A_2717 : memref<512x64xf32, #tpu.memory_space<vmem>>[vector<16xi32>, vector<16xi32>], vector<16xf32>,
      %add3A_2721 = arith.constant 48 : i32
      %add3A_2722 = vector.broadcast %add3A_2721 : i32 to vector<16xi32>
      %add3A_2723 = arith.addi %add3A_2722, %iota3A : vector<16xi32>
      %gather3A_2724 = tpu.vector_load_idx %arg6[%add3A_2698, %add3A_2723] : memref<128x64xf32, #tpu.memory_space<vmem>>[vector<16xi32>, vector<16xi32>], vector<16xf32>,
      %add3A_2725 = arith.constant 48 : i32
      %add3A_2726 = vector.broadcast %add3A_2725 : i32 to vector<16xi32>
      %add3A_2727 = arith.addi %add3A_2726, %iota3A : vector<16xi32>
      tpu.vector_store_idx %arg8[%broadcast_in_dim3A_2699, %add3A_2727], %gather3A_2724 : memref<512x64xf32, #tpu.memory_space<vmem>>[vector<16xi32>, vector<16xi32>], vector<16xf32>,
      %add3A_2728 = arith.constant 2 : i32
      %add3A_2729 = arith.addi %mul3A_1783, %add3A_2728 : i32
      %mul3A_2730 = arith.constant 16 : i32
      %mul3A_2731 = arith.muli %add3A_2729, %mul3A_2730 : i32
      %get3A_2732 = arith.index_cast %mul3A_2731 : i32 to index
      %get3A_2733 = tpu.vector_load %arg5[%get3A_2732] {strides = array<i32>} : memref<512xi32, #tpu.memory_space<vmem>>, vector<16xi32>,
      %slice3A_2734 = vector.extract_strided_slice %get3A_2733 {offsets = [0], sizes = [1], strides = [1]} : vector<16xi32> to vector<1xi32>
      %squeeze3A_2735 = vector.extract %slice3A_2734[0] : i32 from vector<1xi32>
      %shift_right_arithmetic3A_2736 = arith.constant 3 : i32
      %shift_right_arithmetic3A_2737 = arith.shrsi %squeeze3A_2735, %shift_right_arithmetic3A_2736 : i32
      %mul3A_2738 = arith.constant 8 : i32
      %mul3A_2739 = arith.muli %shift_right_arithmetic3A_2737, %mul3A_2738 : i32
      %multiple_of3A_2740 = tpu.assume_multiple %mul3A_2739, 8 : i32
      %dma_start3A_2741 = arith.constant 0 : i32
      %dma_start3A_2742 = arith.constant 0 : i32
      %dma_start3A_2743 = tpu.memref_slice %arg6[%dma_start3A_2741, %dma_start3A_2742] : memref<128x64xf32, #tpu.memory_space<vmem>> -> memref<8x64xf32, #tpu.memory_space<vmem>>
      %dma_start3A_2744 = arith.constant 0 : i32
      %dma_start3A_2745 = tpu.memref_slice %arg3[%multiple_of3A_2740, %dma_start3A_2744] : memref<1000000x64xf32, #tpu.memory_space<hbm>> -> memref<8x64xf32, #tpu.memory_space<hbm>>
      %dma_start3A_2746 = arith.constant 0 : i32
      %dma_start3A_2747 = arith.constant 0 : i32
      %dma_start3A_2748 = tpu.memref_slice %arg6[%dma_start3A_2746, %dma_start3A_2747] : memref<128x64xf32, #tpu.memory_space<vmem>> -> memref<8x64xf32, #tpu.memory_space<vmem>>
      %dma_start3A_2749 = arith.constant 0 : i32
      %dma_start3A_2750 = tpu.memref_slice %arg3[%multiple_of3A_2740, %dma_start3A_2749] : memref<1000000x64xf32, #tpu.memory_space<hbm>> -> memref<8x64xf32, #tpu.memory_space<hbm>>
      tpu.enqueue_dma source(%dma_start3A_2750 : memref<8x64xf32, #tpu.memory_space<hbm>>) target(%dma_start3A_2748 : memref<8x64xf32, #tpu.memory_space<vmem>>) target_semaphore(%arg9 : memref<!tpu.dma_semaphore, #tpu.memory_space<semaphore_mem>>)
      %slice3A_2751 = vector.extract_strided_slice %get3A_2733 {offsets = [1], sizes = [1], strides = [1]} : vector<16xi32> to vector<1xi32>
      %squeeze3A_2752 = vector.extract %slice3A_2751[0] : i32 from vector<1xi32>
      %shift_right_arithmetic3A_2753 = arith.constant 3 : i32
      %shift_right_arithmetic3A_2754 = arith.shrsi %squeeze3A_2752, %shift_right_arithmetic3A_2753 : i32
      %mul3A_2755 = arith.constant 8 : i32
      %mul3A_2756 = arith.muli %shift_right_arithmetic3A_2754, %mul3A_2755 : i32
      %multiple_of3A_2757 = tpu.assume_multiple %mul3A_2756, 8 : i32
      %dma_start3A_2758 = arith.constant 8 : i32
      %dma_start3A_2759 = arith.constant 0 : i32
      %dma_start3A_2760 = tpu.memref_slice %arg6[%dma_start3A_2758, %dma_start3A_2759] : memref<128x64xf32, #tpu.memory_space<vmem>> -> memref<8x64xf32, #tpu.memory_space<vmem>>
      %dma_start3A_2761 = arith.constant 0 : i32
      %dma_start3A_2762 = tpu.memref_slice %arg3[%multiple_of3A_2757, %dma_start3A_2761] : memref<1000000x64xf32, #tpu.memory_space<hbm>> -> memref<8x64xf32, #tpu.memory_space<hbm>>
      %dma_start3A_2763 = arith.constant 8 : i32
      %dma_start3A_2764 = arith.constant 0 : i32
      %dma_start3A_2765 = tpu.memref_slice %arg6[%dma_start3A_2763, %dma_start3A_2764] : memref<128x64xf32, #tpu.memory_space<vmem>> -> memref<8x64xf32, #tpu.memory_space<vmem>>
      %dma_start3A_2766 = arith.constant 0 : i32
      %dma_start3A_2767 = tpu.memref_slice %arg3[%multiple_of3A_2757, %dma_start3A_2766] : memref<1000000x64xf32, #tpu.memory_space<hbm>> -> memref<8x64xf32, #tpu.memory_space<hbm>>
      tpu.enqueue_dma source(%dma_start3A_2767 : memref<8x64xf32, #tpu.memory_space<hbm>>) target(%dma_start3A_2765 : memref<8x64xf32, #tpu.memory_space<vmem>>) target_semaphore(%arg9 : memref<!tpu.dma_semaphore, #tpu.memory_space<semaphore_mem>>)
      %slice3A_2768 = vector.extract_strided_slice %get3A_2733 {offsets = [2], sizes = [1], strides = [1]} : vector<16xi32> to vector<1xi32>
      %squeeze3A_2769 = vector.extract %slice3A_2768[0] : i32 from vector<1xi32>
      %shift_right_arithmetic3A_2770 = arith.constant 3 : i32
      %shift_right_arithmetic3A_2771 = arith.shrsi %squeeze3A_2769, %shift_right_arithmetic3A_2770 : i32
      %mul3A_2772 = arith.constant 8 : i32
      %mul3A_2773 = arith.muli %shift_right_arithmetic3A_2771, %mul3A_2772 : i32
      %multiple_of3A_2774 = tpu.assume_multiple %mul3A_2773, 8 : i32
      %dma_start3A_2775 = arith.constant 16 : i32
      %dma_start3A_2776 = arith.constant 0 : i32
      %dma_start3A_2777 = tpu.memref_slice %arg6[%dma_start3A_2775, %dma_start3A_2776] : memref<128x64xf32, #tpu.memory_space<vmem>> -> memref<8x64xf32, #tpu.memory_space<vmem>>
      %dma_start3A_2778 = arith.constant 0 : i32
      %dma_start3A_2779 = tpu.memref_slice %arg3[%multiple_of3A_2774, %dma_start3A_2778] : memref<1000000x64xf32, #tpu.memory_space<hbm>> -> memref<8x64xf32, #tpu.memory_space<hbm>>
      %dma_start3A_2780 = arith.constant 16 : i32
      %dma_start3A_2781 = arith.constant 0 : i32
      %dma_start3A_2782 = tpu.memref_slice %arg6[%dma_start3A_2780, %dma_start3A_2781] : memref<128x64xf32, #tpu.memory_space<vmem>> -> memref<8x64xf32, #tpu.memory_space<vmem>>
      %dma_start3A_2783 = arith.constant 0 : i32
      %dma_start3A_2784 = tpu.memref_slice %arg3[%multiple_of3A_2774, %dma_start3A_2783] : memref<1000000x64xf32, #tpu.memory_space<hbm>> -> memref<8x64xf32, #tpu.memory_space<hbm>>
      tpu.enqueue_dma source(%dma_start3A_2784 : memref<8x64xf32, #tpu.memory_space<hbm>>) target(%dma_start3A_2782 : memref<8x64xf32, #tpu.memory_space<vmem>>) target_semaphore(%arg9 : memref<!tpu.dma_semaphore, #tpu.memory_space<semaphore_mem>>)
      %slice3A_2785 = vector.extract_strided_slice %get3A_2733 {offsets = [3], sizes = [1], strides = [1]} : vector<16xi32> to vector<1xi32>
      %squeeze3A_2786 = vector.extract %slice3A_2785[0] : i32 from vector<1xi32>
      %shift_right_arithmetic3A_2787 = arith.constant 3 : i32
      %shift_right_arithmetic3A_2788 = arith.shrsi %squeeze3A_2786, %shift_right_arithmetic3A_2787 : i32
      %mul3A_2789 = arith.constant 8 : i32
      %mul3A_2790 = arith.muli %shift_right_arithmetic3A_2788, %mul3A_2789 : i32
      %multiple_of3A_2791 = tpu.assume_multiple %mul3A_2790, 8 : i32
      %dma_start3A_2792 = arith.constant 24 : i32
      %dma_start3A_2793 = arith.constant 0 : i32
      %dma_start3A_2794 = tpu.memref_slice %arg6[%dma_start3A_2792, %dma_start3A_2793] : memref<128x64xf32, #tpu.memory_space<vmem>> -> memref<8x64xf32, #tpu.memory_space<vmem>>
      %dma_start3A_2795 = arith.constant 0 : i32
      %dma_start3A_2796 = tpu.memref_slice %arg3[%multiple_of3A_2791, %dma_start3A_2795] : memref<1000000x64xf32, #tpu.memory_space<hbm>> -> memref<8x64xf32, #tpu.memory_space<hbm>>
      %dma_start3A_2797 = arith.constant 24 : i32
      %dma_start3A_2798 = arith.constant 0 : i32
      %dma_start3A_2799 = tpu.memref_slice %arg6[%dma_start3A_2797, %dma_start3A_2798] : memref<128x64xf32, #tpu.memory_space<vmem>> -> memref<8x64xf32, #tpu.memory_space<vmem>>
      %dma_start3A_2800 = arith.constant 0 : i32
      %dma_start3A_2801 = tpu.memref_slice %arg3[%multiple_of3A_2791, %dma_start3A_2800] : memref<1000000x64xf32, #tpu.memory_space<hbm>> -> memref<8x64xf32, #tpu.memory_space<hbm>>
      tpu.enqueue_dma source(%dma_start3A_2801 : memref<8x64xf32, #tpu.memory_space<hbm>>) target(%dma_start3A_2799 : memref<8x64xf32, #tpu.memory_space<vmem>>) target_semaphore(%arg9 : memref<!tpu.dma_semaphore, #tpu.memory_space<semaphore_mem>>)
      %slice3A_2802 = vector.extract_strided_slice %get3A_2733 {offsets = [4], sizes = [1], strides = [1]} : vector<16xi32> to vector<1xi32>
      %squeeze3A_2803 = vector.extract %slice3A_2802[0] : i32 from vector<1xi32>
      %shift_right_arithmetic3A_2804 = arith.constant 3 : i32
      %shift_right_arithmetic3A_2805 = arith.shrsi %squeeze3A_2803, %shift_right_arithmetic3A_2804 : i32
      %mul3A_2806 = arith.constant 8 : i32
      %mul3A_2807 = arith.muli %shift_right_arithmetic3A_2805, %mul3A_2806 : i32
      %multiple_of3A_2808 = tpu.assume_multiple %mul3A_2807, 8 : i32
      %dma_start3A_2809 = arith.constant 32 : i32
      %dma_start3A_2810 = arith.constant 0 : i32
      %dma_start3A_2811 = tpu.memref_slice %arg6[%dma_start3A_2809, %dma_start3A_2810] : memref<128x64xf32, #tpu.memory_space<vmem>> -> memref<8x64xf32, #tpu.memory_space<vmem>>
      %dma_start3A_2812 = arith.constant 0 : i32
      %dma_start3A_2813 = tpu.memref_slice %arg3[%multiple_of3A_2808, %dma_start3A_2812] : memref<1000000x64xf32, #tpu.memory_space<hbm>> -> memref<8x64xf32, #tpu.memory_space<hbm>>
      %dma_start3A_2814 = arith.constant 32 : i32
      %dma_start3A_2815 = arith.constant 0 : i32
      %dma_start3A_2816 = tpu.memref_slice %arg6[%dma_start3A_2814, %dma_start3A_2815] : memref<128x64xf32, #tpu.memory_space<vmem>> -> memref<8x64xf32, #tpu.memory_space<vmem>>
      %dma_start3A_2817 = arith.constant 0 : i32
      %dma_start3A_2818 = tpu.memref_slice %arg3[%multiple_of3A_2808, %dma_start3A_2817] : memref<1000000x64xf32, #tpu.memory_space<hbm>> -> memref<8x64xf32, #tpu.memory_space<hbm>>
      tpu.enqueue_dma source(%dma_start3A_2818 : memref<8x64xf32, #tpu.memory_space<hbm>>) target(%dma_start3A_2816 : memref<8x64xf32, #tpu.memory_space<vmem>>) target_semaphore(%arg9 : memref<!tpu.dma_semaphore, #tpu.memory_space<semaphore_mem>>)
      %slice3A_2819 = vector.extract_strided_slice %get3A_2733 {offsets = [5], sizes = [1], strides = [1]} : vector<16xi32> to vector<1xi32>
      %squeeze3A_2820 = vector.extract %slice3A_2819[0] : i32 from vector<1xi32>
      %shift_right_arithmetic3A_2821 = arith.constant 3 : i32
      %shift_right_arithmetic3A_2822 = arith.shrsi %squeeze3A_2820, %shift_right_arithmetic3A_2821 : i32
      %mul3A_2823 = arith.constant 8 : i32
      %mul3A_2824 = arith.muli %shift_right_arithmetic3A_2822, %mul3A_2823 : i32
      %multiple_of3A_2825 = tpu.assume_multiple %mul3A_2824, 8 : i32
      %dma_start3A_2826 = arith.constant 40 : i32
      %dma_start3A_2827 = arith.constant 0 : i32
      %dma_start3A_2828 = tpu.memref_slice %arg6[%dma_start3A_2826, %dma_start3A_2827] : memref<128x64xf32, #tpu.memory_space<vmem>> -> memref<8x64xf32, #tpu.memory_space<vmem>>
      %dma_start3A_2829 = arith.constant 0 : i32
      %dma_start3A_2830 = tpu.memref_slice %arg3[%multiple_of3A_2825, %dma_start3A_2829] : memref<1000000x64xf32, #tpu.memory_space<hbm>> -> memref<8x64xf32, #tpu.memory_space<hbm>>
      %dma_start3A_2831 = arith.constant 40 : i32
      %dma_start3A_2832 = arith.constant 0 : i32
      %dma_start3A_2833 = tpu.memref_slice %arg6[%dma_start3A_2831, %dma_start3A_2832] : memref<128x64xf32, #tpu.memory_space<vmem>> -> memref<8x64xf32, #tpu.memory_space<vmem>>
      %dma_start3A_2834 = arith.constant 0 : i32
      %dma_start3A_2835 = tpu.memref_slice %arg3[%multiple_of3A_2825, %dma_start3A_2834] : memref<1000000x64xf32, #tpu.memory_space<hbm>> -> memref<8x64xf32, #tpu.memory_space<hbm>>
      tpu.enqueue_dma source(%dma_start3A_2835 : memref<8x64xf32, #tpu.memory_space<hbm>>) target(%dma_start3A_2833 : memref<8x64xf32, #tpu.memory_space<vmem>>) target_semaphore(%arg9 : memref<!tpu.dma_semaphore, #tpu.memory_space<semaphore_mem>>)
      %slice3A_2836 = vector.extract_strided_slice %get3A_2733 {offsets = [6], sizes = [1], strides = [1]} : vector<16xi32> to vector<1xi32>
      %squeeze3A_2837 = vector.extract %slice3A_2836[0] : i32 from vector<1xi32>
      %shift_right_arithmetic3A_2838 = arith.constant 3 : i32
      %shift_right_arithmetic3A_2839 = arith.shrsi %squeeze3A_2837, %shift_right_arithmetic3A_2838 : i32
      %mul3A_2840 = arith.constant 8 : i32
      %mul3A_2841 = arith.muli %shift_right_arithmetic3A_2839, %mul3A_2840 : i32
      %multiple_of3A_2842 = tpu.assume_multiple %mul3A_2841, 8 : i32
      %dma_start3A_2843 = arith.constant 48 : i32
      %dma_start3A_2844 = arith.constant 0 : i32
      %dma_start3A_2845 = tpu.memref_slice %arg6[%dma_start3A_2843, %dma_start3A_2844] : memref<128x64xf32, #tpu.memory_space<vmem>> -> memref<8x64xf32, #tpu.memory_space<vmem>>
      %dma_start3A_2846 = arith.constant 0 : i32
      %dma_start3A_2847 = tpu.memref_slice %arg3[%multiple_of3A_2842, %dma_start3A_2846] : memref<1000000x64xf32, #tpu.memory_space<hbm>> -> memref<8x64xf32, #tpu.memory_space<hbm>>
      %dma_start3A_2848 = arith.constant 48 : i32
      %dma_start3A_2849 = arith.constant 0 : i32
      %dma_start3A_2850 = tpu.memref_slice %arg6[%dma_start3A_2848, %dma_start3A_2849] : memref<128x64xf32, #tpu.memory_space<vmem>> -> memref<8x64xf32, #tpu.memory_space<vmem>>
      %dma_start3A_2851 = arith.constant 0 : i32
      %dma_start3A_2852 = tpu.memref_slice %arg3[%multiple_of3A_2842, %dma_start3A_2851] : memref<1000000x64xf32, #tpu.memory_space<hbm>> -> memref<8x64xf32, #tpu.memory_space<hbm>>
      tpu.enqueue_dma source(%dma_start3A_2852 : memref<8x64xf32, #tpu.memory_space<hbm>>) target(%dma_start3A_2850 : memref<8x64xf32, #tpu.memory_space<vmem>>) target_semaphore(%arg9 : memref<!tpu.dma_semaphore, #tpu.memory_space<semaphore_mem>>)
      %slice3A_2853 = vector.extract_strided_slice %get3A_2733 {offsets = [7], sizes = [1], strides = [1]} : vector<16xi32> to vector<1xi32>
      %squeeze3A_2854 = vector.extract %slice3A_2853[0] : i32 from vector<1xi32>
      %shift_right_arithmetic3A_2855 = arith.constant 3 : i32
      %shift_right_arithmetic3A_2856 = arith.shrsi %squeeze3A_2854, %shift_right_arithmetic3A_2855 : i32
      %mul3A_2857 = arith.constant 8 : i32
      %mul3A_2858 = arith.muli %shift_right_arithmetic3A_2856, %mul3A_2857 : i32
      %multiple_of3A_2859 = tpu.assume_multiple %mul3A_2858, 8 : i32
      %dma_start3A_2860 = arith.constant 56 : i32
      %dma_start3A_2861 = arith.constant 0 : i32
      %dma_start3A_2862 = tpu.memref_slice %arg6[%dma_start3A_2860, %dma_start3A_2861] : memref<128x64xf32, #tpu.memory_space<vmem>> -> memref<8x64xf32, #tpu.memory_space<vmem>>
      %dma_start3A_2863 = arith.constant 0 : i32
      %dma_start3A_2864 = tpu.memref_slice %arg3[%multiple_of3A_2859, %dma_start3A_2863] : memref<1000000x64xf32, #tpu.memory_space<hbm>> -> memref<8x64xf32, #tpu.memory_space<hbm>>
      %dma_start3A_2865 = arith.constant 56 : i32
      %dma_start3A_2866 = arith.constant 0 : i32
      %dma_start3A_2867 = tpu.memref_slice %arg6[%dma_start3A_2865, %dma_start3A_2866] : memref<128x64xf32, #tpu.memory_space<vmem>> -> memref<8x64xf32, #tpu.memory_space<vmem>>
      %dma_start3A_2868 = arith.constant 0 : i32
      %dma_start3A_2869 = tpu.memref_slice %arg3[%multiple_of3A_2859, %dma_start3A_2868] : memref<1000000x64xf32, #tpu.memory_space<hbm>> -> memref<8x64xf32, #tpu.memory_space<hbm>>
      tpu.enqueue_dma source(%dma_start3A_2869 : memref<8x64xf32, #tpu.memory_space<hbm>>) target(%dma_start3A_2867 : memref<8x64xf32, #tpu.memory_space<vmem>>) target_semaphore(%arg9 : memref<!tpu.dma_semaphore, #tpu.memory_space<semaphore_mem>>)
      %slice3A_2870 = vector.extract_strided_slice %get3A_2733 {offsets = [8], sizes = [1], strides = [1]} : vector<16xi32> to vector<1xi32>
      %squeeze3A_2871 = vector.extract %slice3A_2870[0] : i32 from vector<1xi32>
      %shift_right_arithmetic3A_2872 = arith.constant 3 : i32
      %shift_right_arithmetic3A_2873 = arith.shrsi %squeeze3A_2871, %shift_right_arithmetic3A_2872 : i32
      %mul3A_2874 = arith.constant 8 : i32
      %mul3A_2875 = arith.muli %shift_right_arithmetic3A_2873, %mul3A_2874 : i32
      %multiple_of3A_2876 = tpu.assume_multiple %mul3A_2875, 8 : i32
      %dma_start3A_2877 = arith.constant 64 : i32
      %dma_start3A_2878 = arith.constant 0 : i32
      %dma_start3A_2879 = tpu.memref_slice %arg6[%dma_start3A_2877, %dma_start3A_2878] : memref<128x64xf32, #tpu.memory_space<vmem>> -> memref<8x64xf32, #tpu.memory_space<vmem>>
      %dma_start3A_2880 = arith.constant 0 : i32
      %dma_start3A_2881 = tpu.memref_slice %arg3[%multiple_of3A_2876, %dma_start3A_2880] : memref<1000000x64xf32, #tpu.memory_space<hbm>> -> memref<8x64xf32, #tpu.memory_space<hbm>>
      %dma_start3A_2882 = arith.constant 64 : i32
      %dma_start3A_2883 = arith.constant 0 : i32
      %dma_start3A_2884 = tpu.memref_slice %arg6[%dma_start3A_2882, %dma_start3A_2883] : memref<128x64xf32, #tpu.memory_space<vmem>> -> memref<8x64xf32, #tpu.memory_space<vmem>>
      %dma_start3A_2885 = arith.constant 0 : i32
      %dma_start3A_2886 = tpu.memref_slice %arg3[%multiple_of3A_2876, %dma_start3A_2885] : memref<1000000x64xf32, #tpu.memory_space<hbm>> -> memref<8x64xf32, #tpu.memory_space<hbm>>
      tpu.enqueue_dma source(%dma_start3A_2886 : memref<8x64xf32, #tpu.memory_space<hbm>>) target(%dma_start3A_2884 : memref<8x64xf32, #tpu.memory_space<vmem>>) target_semaphore(%arg9 : memref<!tpu.dma_semaphore, #tpu.memory_space<semaphore_mem>>)
      %slice3A_2887 = vector.extract_strided_slice %get3A_2733 {offsets = [9], sizes = [1], strides = [1]} : vector<16xi32> to vector<1xi32>
      %squeeze3A_2888 = vector.extract %slice3A_2887[0] : i32 from vector<1xi32>
      %shift_right_arithmetic3A_2889 = arith.constant 3 : i32
      %shift_right_arithmetic3A_2890 = arith.shrsi %squeeze3A_2888, %shift_right_arithmetic3A_2889 : i32
      %mul3A_2891 = arith.constant 8 : i32
      %mul3A_2892 = arith.muli %shift_right_arithmetic3A_2890, %mul3A_2891 : i32
      %multiple_of3A_2893 = tpu.assume_multiple %mul3A_2892, 8 : i32
      %dma_start3A_2894 = arith.constant 72 : i32
      %dma_start3A_2895 = arith.constant 0 : i32
      %dma_start3A_2896 = tpu.memref_slice %arg6[%dma_start3A_2894, %dma_start3A_2895] : memref<128x64xf32, #tpu.memory_space<vmem>> -> memref<8x64xf32, #tpu.memory_space<vmem>>
      %dma_start3A_2897 = arith.constant 0 : i32
      %dma_start3A_2898 = tpu.memref_slice %arg3[%multiple_of3A_2893, %dma_start3A_2897] : memref<1000000x64xf32, #tpu.memory_space<hbm>> -> memref<8x64xf32, #tpu.memory_space<hbm>>
      %dma_start3A_2899 = arith.constant 72 : i32
      %dma_start3A_2900 = arith.constant 0 : i32
      %dma_start3A_2901 = tpu.memref_slice %arg6[%dma_start3A_2899, %dma_start3A_2900] : memref<128x64xf32, #tpu.memory_space<vmem>> -> memref<8x64xf32, #tpu.memory_space<vmem>>
      %dma_start3A_2902 = arith.constant 0 : i32
      %dma_start3A_2903 = tpu.memref_slice %arg3[%multiple_of3A_2893, %dma_start3A_2902] : memref<1000000x64xf32, #tpu.memory_space<hbm>> -> memref<8x64xf32, #tpu.memory_space<hbm>>
      tpu.enqueue_dma source(%dma_start3A_2903 : memref<8x64xf32, #tpu.memory_space<hbm>>) target(%dma_start3A_2901 : memref<8x64xf32, #tpu.memory_space<vmem>>) target_semaphore(%arg9 : memref<!tpu.dma_semaphore, #tpu.memory_space<semaphore_mem>>)
      %slice3A_2904 = vector.extract_strided_slice %get3A_2733 {offsets = [10], sizes = [1], strides = [1]} : vector<16xi32> to vector<1xi32>
      %squeeze3A_2905 = vector.extract %slice3A_2904[0] : i32 from vector<1xi32>
      %shift_right_arithmetic3A_2906 = arith.constant 3 : i32
      %shift_right_arithmetic3A_2907 = arith.shrsi %squeeze3A_2905, %shift_right_arithmetic3A_2906 : i32
      %mul3A_2908 = arith.constant 8 : i32
      %mul3A_2909 = arith.muli %shift_right_arithmetic3A_2907, %mul3A_2908 : i32
      %multiple_of3A_2910 = tpu.assume_multiple %mul3A_2909, 8 : i32
      %dma_start3A_2911 = arith.constant 80 : i32
      %dma_start3A_2912 = arith.constant 0 : i32
      %dma_start3A_2913 = tpu.memref_slice %arg6[%dma_start3A_2911, %dma_start3A_2912] : memref<128x64xf32, #tpu.memory_space<vmem>> -> memref<8x64xf32, #tpu.memory_space<vmem>>
      %dma_start3A_2914 = arith.constant 0 : i32
      %dma_start3A_2915 = tpu.memref_slice %arg3[%multiple_of3A_2910, %dma_start3A_2914] : memref<1000000x64xf32, #tpu.memory_space<hbm>> -> memref<8x64xf32, #tpu.memory_space<hbm>>
      %dma_start3A_2916 = arith.constant 80 : i32
      %dma_start3A_2917 = arith.constant 0 : i32
      %dma_start3A_2918 = tpu.memref_slice %arg6[%dma_start3A_2916, %dma_start3A_2917] : memref<128x64xf32, #tpu.memory_space<vmem>> -> memref<8x64xf32, #tpu.memory_space<vmem>>
      %dma_start3A_2919 = arith.constant 0 : i32
      %dma_start3A_2920 = tpu.memref_slice %arg3[%multiple_of3A_2910, %dma_start3A_2919] : memref<1000000x64xf32, #tpu.memory_space<hbm>> -> memref<8x64xf32, #tpu.memory_space<hbm>>
      tpu.enqueue_dma source(%dma_start3A_2920 : memref<8x64xf32, #tpu.memory_space<hbm>>) target(%dma_start3A_2918 : memref<8x64xf32, #tpu.memory_space<vmem>>) target_semaphore(%arg9 : memref<!tpu.dma_semaphore, #tpu.memory_space<semaphore_mem>>)
      %slice3A_2921 = vector.extract_strided_slice %get3A_2733 {offsets = [11], sizes = [1], strides = [1]} : vector<16xi32> to vector<1xi32>
      %squeeze3A_2922 = vector.extract %slice3A_2921[0] : i32 from vector<1xi32>
      %shift_right_arithmetic3A_2923 = arith.constant 3 : i32
      %shift_right_arithmetic3A_2924 = arith.shrsi %squeeze3A_2922, %shift_right_arithmetic3A_2923 : i32
      %mul3A_2925 = arith.constant 8 : i32
      %mul3A_2926 = arith.muli %shift_right_arithmetic3A_2924, %mul3A_2925 : i32
      %multiple_of3A_2927 = tpu.assume_multiple %mul3A_2926, 8 : i32
      %dma_start3A_2928 = arith.constant 88 : i32
      %dma_start3A_2929 = arith.constant 0 : i32
      %dma_start3A_2930 = tpu.memref_slice %arg6[%dma_start3A_2928, %dma_start3A_2929] : memref<128x64xf32, #tpu.memory_space<vmem>> -> memref<8x64xf32, #tpu.memory_space<vmem>>
      %dma_start3A_2931 = arith.constant 0 : i32
      %dma_start3A_2932 = tpu.memref_slice %arg3[%multiple_of3A_2927, %dma_start3A_2931] : memref<1000000x64xf32, #tpu.memory_space<hbm>> -> memref<8x64xf32, #tpu.memory_space<hbm>>
      %dma_start3A_2933 = arith.constant 88 : i32
      %dma_start3A_2934 = arith.constant 0 : i32
      %dma_start3A_2935 = tpu.memref_slice %arg6[%dma_start3A_2933, %dma_start3A_2934] : memref<128x64xf32, #tpu.memory_space<vmem>> -> memref<8x64xf32, #tpu.memory_space<vmem>>
      %dma_start3A_2936 = arith.constant 0 : i32
      %dma_start3A_2937 = tpu.memref_slice %arg3[%multiple_of3A_2927, %dma_start3A_2936] : memref<1000000x64xf32, #tpu.memory_space<hbm>> -> memref<8x64xf32, #tpu.memory_space<hbm>>
      tpu.enqueue_dma source(%dma_start3A_2937 : memref<8x64xf32, #tpu.memory_space<hbm>>) target(%dma_start3A_2935 : memref<8x64xf32, #tpu.memory_space<vmem>>) target_semaphore(%arg9 : memref<!tpu.dma_semaphore, #tpu.memory_space<semaphore_mem>>)
      %slice3A_2938 = vector.extract_strided_slice %get3A_2733 {offsets = [12], sizes = [1], strides = [1]} : vector<16xi32> to vector<1xi32>
      %squeeze3A_2939 = vector.extract %slice3A_2938[0] : i32 from vector<1xi32>
      %shift_right_arithmetic3A_2940 = arith.constant 3 : i32
      %shift_right_arithmetic3A_2941 = arith.shrsi %squeeze3A_2939, %shift_right_arithmetic3A_2940 : i32
      %mul3A_2942 = arith.constant 8 : i32
      %mul3A_2943 = arith.muli %shift_right_arithmetic3A_2941, %mul3A_2942 : i32
      %multiple_of3A_2944 = tpu.assume_multiple %mul3A_2943, 8 : i32
      %dma_start3A_2945 = arith.constant 96 : i32
      %dma_start3A_2946 = arith.constant 0 : i32
      %dma_start3A_2947 = tpu.memref_slice %arg6[%dma_start3A_2945, %dma_start3A_2946] : memref<128x64xf32, #tpu.memory_space<vmem>> -> memref<8x64xf32, #tpu.memory_space<vmem>>
      %dma_start3A_2948 = arith.constant 0 : i32
      %dma_start3A_2949 = tpu.memref_slice %arg3[%multiple_of3A_2944, %dma_start3A_2948] : memref<1000000x64xf32, #tpu.memory_space<hbm>> -> memref<8x64xf32, #tpu.memory_space<hbm>>
      %dma_start3A_2950 = arith.constant 96 : i32
      %dma_start3A_2951 = arith.constant 0 : i32
      %dma_start3A_2952 = tpu.memref_slice %arg6[%dma_start3A_2950, %dma_start3A_2951] : memref<128x64xf32, #tpu.memory_space<vmem>> -> memref<8x64xf32, #tpu.memory_space<vmem>>
      %dma_start3A_2953 = arith.constant 0 : i32
      %dma_start3A_2954 = tpu.memref_slice %arg3[%multiple_of3A_2944, %dma_start3A_2953] : memref<1000000x64xf32, #tpu.memory_space<hbm>> -> memref<8x64xf32, #tpu.memory_space<hbm>>
      tpu.enqueue_dma source(%dma_start3A_2954 : memref<8x64xf32, #tpu.memory_space<hbm>>) target(%dma_start3A_2952 : memref<8x64xf32, #tpu.memory_space<vmem>>) target_semaphore(%arg9 : memref<!tpu.dma_semaphore, #tpu.memory_space<semaphore_mem>>)
      %slice3A_2955 = vector.extract_strided_slice %get3A_2733 {offsets = [13], sizes = [1], strides = [1]} : vector<16xi32> to vector<1xi32>
      %squeeze3A_2956 = vector.extract %slice3A_2955[0] : i32 from vector<1xi32>
      %shift_right_arithmetic3A_2957 = arith.constant 3 : i32
      %shift_right_arithmetic3A_2958 = arith.shrsi %squeeze3A_2956, %shift_right_arithmetic3A_2957 : i32
      %mul3A_2959 = arith.constant 8 : i32
      %mul3A_2960 = arith.muli %shift_right_arithmetic3A_2958, %mul3A_2959 : i32
      %multiple_of3A_2961 = tpu.assume_multiple %mul3A_2960, 8 : i32
      %dma_start3A_2962 = arith.constant 104 : i32
      %dma_start3A_2963 = arith.constant 0 : i32
      %dma_start3A_2964 = tpu.memref_slice %arg6[%dma_start3A_2962, %dma_start3A_2963] : memref<128x64xf32, #tpu.memory_space<vmem>> -> memref<8x64xf32, #tpu.memory_space<vmem>>
      %dma_start3A_2965 = arith.constant 0 : i32
      %dma_start3A_2966 = tpu.memref_slice %arg3[%multiple_of3A_2961, %dma_start3A_2965] : memref<1000000x64xf32, #tpu.memory_space<hbm>> -> memref<8x64xf32, #tpu.memory_space<hbm>>
      %dma_start3A_2967 = arith.constant 104 : i32
      %dma_start3A_2968 = arith.constant 0 : i32
      %dma_start3A_2969 = tpu.memref_slice %arg6[%dma_start3A_2967, %dma_start3A_2968] : memref<128x64xf32, #tpu.memory_space<vmem>> -> memref<8x64xf32, #tpu.memory_space<vmem>>
      %dma_start3A_2970 = arith.constant 0 : i32
      %dma_start3A_2971 = tpu.memref_slice %arg3[%multiple_of3A_2961, %dma_start3A_2970] : memref<1000000x64xf32, #tpu.memory_space<hbm>> -> memref<8x64xf32, #tpu.memory_space<hbm>>
      tpu.enqueue_dma source(%dma_start3A_2971 : memref<8x64xf32, #tpu.memory_space<hbm>>) target(%dma_start3A_2969 : memref<8x64xf32, #tpu.memory_space<vmem>>) target_semaphore(%arg9 : memref<!tpu.dma_semaphore, #tpu.memory_space<semaphore_mem>>)
      %slice3A_2972 = vector.extract_strided_slice %get3A_2733 {offsets = [14], sizes = [1], strides = [1]} : vector<16xi32> to vector<1xi32>
      %squeeze3A_2973 = vector.extract %slice3A_2972[0] : i32 from vector<1xi32>
      %shift_right_arithmetic3A_2974 = arith.constant 3 : i32
      %shift_right_arithmetic3A_2975 = arith.shrsi %squeeze3A_2973, %shift_right_arithmetic3A_2974 : i32
      %mul3A_2976 = arith.constant 8 : i32
      %mul3A_2977 = arith.muli %shift_right_arithmetic3A_2975, %mul3A_2976 : i32
      %multiple_of3A_2978 = tpu.assume_multiple %mul3A_2977, 8 : i32
      %dma_start3A_2979 = arith.constant 112 : i32
      %dma_start3A_2980 = arith.constant 0 : i32
      %dma_start3A_2981 = tpu.memref_slice %arg6[%dma_start3A_2979, %dma_start3A_2980] : memref<128x64xf32, #tpu.memory_space<vmem>> -> memref<8x64xf32, #tpu.memory_space<vmem>>
      %dma_start3A_2982 = arith.constant 0 : i32
      %dma_start3A_2983 = tpu.memref_slice %arg3[%multiple_of3A_2978, %dma_start3A_2982] : memref<1000000x64xf32, #tpu.memory_space<hbm>> -> memref<8x64xf32, #tpu.memory_space<hbm>>
      %dma_start3A_2984 = arith.constant 112 : i32
      %dma_start3A_2985 = arith.constant 0 : i32
      %dma_start3A_2986 = tpu.memref_slice %arg6[%dma_start3A_2984, %dma_start3A_2985] : memref<128x64xf32, #tpu.memory_space<vmem>> -> memref<8x64xf32, #tpu.memory_space<vmem>>
      %dma_start3A_2987 = arith.constant 0 : i32
      %dma_start3A_2988 = tpu.memref_slice %arg3[%multiple_of3A_2978, %dma_start3A_2987] : memref<1000000x64xf32, #tpu.memory_space<hbm>> -> memref<8x64xf32, #tpu.memory_space<hbm>>
      tpu.enqueue_dma source(%dma_start3A_2988 : memref<8x64xf32, #tpu.memory_space<hbm>>) target(%dma_start3A_2986 : memref<8x64xf32, #tpu.memory_space<vmem>>) target_semaphore(%arg9 : memref<!tpu.dma_semaphore, #tpu.memory_space<semaphore_mem>>)
      %slice3A_2989 = vector.extract_strided_slice %get3A_2733 {offsets = [15], sizes = [1], strides = [1]} : vector<16xi32> to vector<1xi32>
      %squeeze3A_2990 = vector.extract %slice3A_2989[0] : i32 from vector<1xi32>
      %shift_right_arithmetic3A_2991 = arith.constant 3 : i32
      %shift_right_arithmetic3A_2992 = arith.shrsi %squeeze3A_2990, %shift_right_arithmetic3A_2991 : i32
      %mul3A_2993 = arith.constant 8 : i32
      %mul3A_2994 = arith.muli %shift_right_arithmetic3A_2992, %mul3A_2993 : i32
      %multiple_of3A_2995 = tpu.assume_multiple %mul3A_2994, 8 : i32
      %dma_start3A_2996 = arith.constant 120 : i32
      %dma_start3A_2997 = arith.constant 0 : i32
      %dma_start3A_2998 = tpu.memref_slice %arg6[%dma_start3A_2996, %dma_start3A_2997] : memref<128x64xf32, #tpu.memory_space<vmem>> -> memref<8x64xf32, #tpu.memory_space<vmem>>
      %dma_start3A_2999 = arith.constant 0 : i32
      %dma_start3A_3000 = tpu.memref_slice %arg3[%multiple_of3A_2995, %dma_start3A_2999] : memref<1000000x64xf32, #tpu.memory_space<hbm>> -> memref<8x64xf32, #tpu.memory_space<hbm>>
      %dma_start3A_3001 = arith.constant 120 : i32
      %dma_start3A_3002 = arith.constant 0 : i32
      %dma_start3A_3003 = tpu.memref_slice %arg6[%dma_start3A_3001, %dma_start3A_3002] : memref<128x64xf32, #tpu.memory_space<vmem>> -> memref<8x64xf32, #tpu.memory_space<vmem>>
      %dma_start3A_3004 = arith.constant 0 : i32
      %dma_start3A_3005 = tpu.memref_slice %arg3[%multiple_of3A_2995, %dma_start3A_3004] : memref<1000000x64xf32, #tpu.memory_space<hbm>> -> memref<8x64xf32, #tpu.memory_space<hbm>>
      tpu.enqueue_dma source(%dma_start3A_3005 : memref<8x64xf32, #tpu.memory_space<hbm>>) target(%dma_start3A_3003 : memref<8x64xf32, #tpu.memory_space<vmem>>) target_semaphore(%arg9 : memref<!tpu.dma_semaphore, #tpu.memory_space<semaphore_mem>>)
      %add3A_3006 = arith.constant 1 : i32
      %add3A_3007 = arith.addi %mul3A_1783, %add3A_3006 : i32
      %dma_wait3A_3008 = arith.constant 0 : i32
      %dma_wait3A_3009 = arith.constant 0 : i32
      %dma_wait3A_3010 = tpu.memref_slice %arg3[%dma_wait3A_3008, %dma_wait3A_3009] : memref<1000000x64xf32, #tpu.memory_space<hbm>> -> memref<128x64xf32, #tpu.memory_space<hbm>>
      %dma_wait3A_3011 = arith.constant 0 : i32
      %dma_wait3A_3012 = arith.constant 0 : i32
      %dma_wait3A_3013 = tpu.memref_slice %arg3[%dma_wait3A_3011, %dma_wait3A_3012] : memref<1000000x64xf32, #tpu.memory_space<hbm>> -> memref<128x64xf32, #tpu.memory_space<hbm>>
      tpu.wait_dma2 semaphore(%arg10 : memref<!tpu.dma_semaphore, #tpu.memory_space<semaphore_mem>>) src(%dma_wait3A_3013 : memref<128x64xf32, #tpu.memory_space<hbm>>) dst(%arg7 : memref<128x64xf32, #tpu.memory_space<vmem>>)
      %mul3A_3014 = arith.constant 16 : i32
      %mul3A_3015 = arith.muli %add3A_3007, %mul3A_3014 : i32
      %get3A_3016 = arith.index_cast %mul3A_3015 : i32 to index
      %get3A_3017 = tpu.vector_load %arg5[%get3A_3016] {strides = array<i32>} : memref<512xi32, #tpu.memory_space<vmem>>, vector<16xi32>,
      %mul3A_3018 = arith.constant 16 : i32
      %mul3A_3019 = arith.muli %add3A_3007, %mul3A_3018 : i32
      %add3A_3020 = arith.constant 0 : i32
      %add3A_3021 = arith.addi %mul3A_3019, %add3A_3020 : i32
      %broadcast_in_dim3A_3022 = arith.constant 0 : i32
      %broadcast_in_dim3A_3023 = vector.broadcast %broadcast_in_dim3A_3022 : i32 to vector<16xi32>
      %slice3A_3024 = vector.extract_strided_slice %get3A_3017 {offsets = [0], sizes = [1], strides = [1]} : vector<16xi32> to vector<1xi32>
      %squeeze3A_3025 = vector.extract %slice3A_3024[0] : i32 from vector<1xi32>
      %and3A_3026 = arith.constant 7 : i32
      %and3A_3027 = arith.andi %squeeze3A_3025, %and3A_3026 : i32
      %add3A_3028 = vector.broadcast %and3A_3027 : i32 to vector<16xi32>
      %add3A_3029 = arith.addi %broadcast_in_dim3A_3023, %add3A_3028 : vector<16xi32>
      %broadcast_in_dim3A_3030 = vector.broadcast %add3A_3021 : i32 to vector<16xi32>
      %add3A_3031 = arith.constant 0 : i32
      %add3A_3032 = vector.broadcast %add3A_3031 : i32 to vector<16xi32>
      %add3A_3033 = arith.addi %add3A_3032, %iota3A : vector<16xi32>
      %gather3A_3034 = tpu.vector_load_idx %arg7[%add3A_3029, %add3A_3033] : memref<128x64xf32, #tpu.memory_space<vmem>>[vector<16xi32>, vector<16xi32>], vector<16xf32>,
      %add3A_3035 = arith.constant 0 : i32
      %add3A_3036 = vector.broadcast %add3A_3035 : i32 to vector<16xi32>
      %add3A_3037 = arith.addi %add3A_3036, %iota3A : vector<16xi32>
      tpu.vector_store_idx %arg8[%broadcast_in_dim3A_3030, %add3A_3037], %gather3A_3034 : memref<512x64xf32, #tpu.memory_space<vmem>>[vector<16xi32>, vector<16xi32>], vector<16xf32>,
      %add3A_3038 = arith.constant 16 : i32
      %add3A_3039 = vector.broadcast %add3A_3038 : i32 to vector<16xi32>
      %add3A_3040 = arith.addi %add3A_3039, %iota3A : vector<16xi32>
      %gather3A_3041 = tpu.vector_load_idx %arg7[%add3A_3029, %add3A_3040] : memref<128x64xf32, #tpu.memory_space<vmem>>[vector<16xi32>, vector<16xi32>], vector<16xf32>,
      %add3A_3042 = arith.constant 16 : i32
      %add3A_3043 = vector.broadcast %add3A_3042 : i32 to vector<16xi32>
      %add3A_3044 = arith.addi %add3A_3043, %iota3A : vector<16xi32>
      tpu.vector_store_idx %arg8[%broadcast_in_dim3A_3030, %add3A_3044], %gather3A_3041 : memref<512x64xf32, #tpu.memory_space<vmem>>[vector<16xi32>, vector<16xi32>], vector<16xf32>,
      %add3A_3045 = arith.constant 32 : i32
      %add3A_3046 = vector.broadcast %add3A_3045 : i32 to vector<16xi32>
      %add3A_3047 = arith.addi %add3A_3046, %iota3A : vector<16xi32>
      %gather3A_3048 = tpu.vector_load_idx %arg7[%add3A_3029, %add3A_3047] : memref<128x64xf32, #tpu.memory_space<vmem>>[vector<16xi32>, vector<16xi32>], vector<16xf32>,
      %add3A_3049 = arith.constant 32 : i32
      %add3A_3050 = vector.broadcast %add3A_3049 : i32 to vector<16xi32>
      %add3A_3051 = arith.addi %add3A_3050, %iota3A : vector<16xi32>
      tpu.vector_store_idx %arg8[%broadcast_in_dim3A_3030, %add3A_3051], %gather3A_3048 : memref<512x64xf32, #tpu.memory_space<vmem>>[vector<16xi32>, vector<16xi32>], vector<16xf32>,
      %add3A_3052 = arith.constant 48 : i32
      %add3A_3053 = vector.broadcast %add3A_3052 : i32 to vector<16xi32>
      %add3A_3054 = arith.addi %add3A_3053, %iota3A : vector<16xi32>
      %gather3A_3055 = tpu.vector_load_idx %arg7[%add3A_3029, %add3A_3054] : memref<128x64xf32, #tpu.memory_space<vmem>>[vector<16xi32>, vector<16xi32>], vector<16xf32>,
      %add3A_3056 = arith.constant 48 : i32
      %add3A_3057 = vector.broadcast %add3A_3056 : i32 to vector<16xi32>
      %add3A_3058 = arith.addi %add3A_3057, %iota3A : vector<16xi32>
      tpu.vector_store_idx %arg8[%broadcast_in_dim3A_3030, %add3A_3058], %gather3A_3055 : memref<512x64xf32, #tpu.memory_space<vmem>>[vector<16xi32>, vector<16xi32>], vector<16xf32>,
      %mul3A_3059 = arith.constant 16 : i32
      %mul3A_3060 = arith.muli %add3A_3007, %mul3A_3059 : i32
      %add3A_3061 = arith.constant 1 : i32
      %add3A_3062 = arith.addi %mul3A_3060, %add3A_3061 : i32
      %broadcast_in_dim3A_3063 = arith.constant 8 : i32
      %broadcast_in_dim3A_3064 = vector.broadcast %broadcast_in_dim3A_3063 : i32 to vector<16xi32>
      %slice3A_3065 = vector.extract_strided_slice %get3A_3017 {offsets = [1], sizes = [1], strides = [1]} : vector<16xi32> to vector<1xi32>
      %squeeze3A_3066 = vector.extract %slice3A_3065[0] : i32 from vector<1xi32>
      %and3A_3067 = arith.constant 7 : i32
      %and3A_3068 = arith.andi %squeeze3A_3066, %and3A_3067 : i32
      %add3A_3069 = vector.broadcast %and3A_3068 : i32 to vector<16xi32>
      %add3A_3070 = arith.addi %broadcast_in_dim3A_3064, %add3A_3069 : vector<16xi32>
      %broadcast_in_dim3A_3071 = vector.broadcast %add3A_3062 : i32 to vector<16xi32>
      %add3A_3072 = arith.constant 0 : i32
      %add3A_3073 = vector.broadcast %add3A_3072 : i32 to vector<16xi32>
      %add3A_3074 = arith.addi %add3A_3073, %iota3A : vector<16xi32>
      %gather3A_3075 = tpu.vector_load_idx %arg7[%add3A_3070, %add3A_3074] : memref<128x64xf32, #tpu.memory_space<vmem>>[vector<16xi32>, vector<16xi32>], vector<16xf32>,
      %add3A_3076 = arith.constant 0 : i32
      %add3A_3077 = vector.broadcast %add3A_3076 : i32 to vector<16xi32>
      %add3A_3078 = arith.addi %add3A_3077, %iota3A : vector<16xi32>
      tpu.vector_store_idx %arg8[%broadcast_in_dim3A_3071, %add3A_3078], %gather3A_3075 : memref<512x64xf32, #tpu.memory_space<vmem>>[vector<16xi32>, vector<16xi32>], vector<16xf32>,
      %add3A_3079 = arith.constant 16 : i32
      %add3A_3080 = vector.broadcast %add3A_3079 : i32 to vector<16xi32>
      %add3A_3081 = arith.addi %add3A_3080, %iota3A : vector<16xi32>
      %gather3A_3082 = tpu.vector_load_idx %arg7[%add3A_3070, %add3A_3081] : memref<128x64xf32, #tpu.memory_space<vmem>>[vector<16xi32>, vector<16xi32>], vector<16xf32>,
      %add3A_3083 = arith.constant 16 : i32
      %add3A_3084 = vector.broadcast %add3A_3083 : i32 to vector<16xi32>
      %add3A_3085 = arith.addi %add3A_3084, %iota3A : vector<16xi32>
      tpu.vector_store_idx %arg8[%broadcast_in_dim3A_3071, %add3A_3085], %gather3A_3082 : memref<512x64xf32, #tpu.memory_space<vmem>>[vector<16xi32>, vector<16xi32>], vector<16xf32>,
      %add3A_3086 = arith.constant 32 : i32
      %add3A_3087 = vector.broadcast %add3A_3086 : i32 to vector<16xi32>
      %add3A_3088 = arith.addi %add3A_3087, %iota3A : vector<16xi32>
      %gather3A_3089 = tpu.vector_load_idx %arg7[%add3A_3070, %add3A_3088] : memref<128x64xf32, #tpu.memory_space<vmem>>[vector<16xi32>, vector<16xi32>], vector<16xf32>,
      %add3A_3090 = arith.constant 32 : i32
      %add3A_3091 = vector.broadcast %add3A_3090 : i32 to vector<16xi32>
      %add3A_3092 = arith.addi %add3A_3091, %iota3A : vector<16xi32>
      tpu.vector_store_idx %arg8[%broadcast_in_dim3A_3071, %add3A_3092], %gather3A_3089 : memref<512x64xf32, #tpu.memory_space<vmem>>[vector<16xi32>, vector<16xi32>], vector<16xf32>,
      %add3A_3093 = arith.constant 48 : i32
      %add3A_3094 = vector.broadcast %add3A_3093 : i32 to vector<16xi32>
      %add3A_3095 = arith.addi %add3A_3094, %iota3A : vector<16xi32>
      %gather3A_3096 = tpu.vector_load_idx %arg7[%add3A_3070, %add3A_3095] : memref<128x64xf32, #tpu.memory_space<vmem>>[vector<16xi32>, vector<16xi32>], vector<16xf32>,
      %add3A_3097 = arith.constant 48 : i32
      %add3A_3098 = vector.broadcast %add3A_3097 : i32 to vector<16xi32>
      %add3A_3099 = arith.addi %add3A_3098, %iota3A : vector<16xi32>
      tpu.vector_store_idx %arg8[%broadcast_in_dim3A_3071, %add3A_3099], %gather3A_3096 : memref<512x64xf32, #tpu.memory_space<vmem>>[vector<16xi32>, vector<16xi32>], vector<16xf32>,
      %mul3A_3100 = arith.constant 16 : i32
      %mul3A_3101 = arith.muli %add3A_3007, %mul3A_3100 : i32
      %add3A_3102 = arith.constant 2 : i32
      %add3A_3103 = arith.addi %mul3A_3101, %add3A_3102 : i32
      %broadcast_in_dim3A_3104 = arith.constant 16 : i32
      %broadcast_in_dim3A_3105 = vector.broadcast %broadcast_in_dim3A_3104 : i32 to vector<16xi32>
      %slice3A_3106 = vector.extract_strided_slice %get3A_3017 {offsets = [2], sizes = [1], strides = [1]} : vector<16xi32> to vector<1xi32>
      %squeeze3A_3107 = vector.extract %slice3A_3106[0] : i32 from vector<1xi32>
      %and3A_3108 = arith.constant 7 : i32
      %and3A_3109 = arith.andi %squeeze3A_3107, %and3A_3108 : i32
      %add3A_3110 = vector.broadcast %and3A_3109 : i32 to vector<16xi32>
      %add3A_3111 = arith.addi %broadcast_in_dim3A_3105, %add3A_3110 : vector<16xi32>
      %broadcast_in_dim3A_3112 = vector.broadcast %add3A_3103 : i32 to vector<16xi32>
      %add3A_3113 = arith.constant 0 : i32
      %add3A_3114 = vector.broadcast %add3A_3113 : i32 to vector<16xi32>
      %add3A_3115 = arith.addi %add3A_3114, %iota3A : vector<16xi32>
      %gather3A_3116 = tpu.vector_load_idx %arg7[%add3A_3111, %add3A_3115] : memref<128x64xf32, #tpu.memory_space<vmem>>[vector<16xi32>, vector<16xi32>], vector<16xf32>,
      %add3A_3117 = arith.constant 0 : i32
      %add3A_3118 = vector.broadcast %add3A_3117 : i32 to vector<16xi32>
      %add3A_3119 = arith.addi %add3A_3118, %iota3A : vector<16xi32>
      tpu.vector_store_idx %arg8[%broadcast_in_dim3A_3112, %add3A_3119], %gather3A_3116 : memref<512x64xf32, #tpu.memory_space<vmem>>[vector<16xi32>, vector<16xi32>], vector<16xf32>,
      %add3A_3120 = arith.constant 16 : i32
      %add3A_3121 = vector.broadcast %add3A_3120 : i32 to vector<16xi32>
      %add3A_3122 = arith.addi %add3A_3121, %iota3A : vector<16xi32>
      %gather3A_3123 = tpu.vector_load_idx %arg7[%add3A_3111, %add3A_3122] : memref<128x64xf32, #tpu.memory_space<vmem>>[vector<16xi32>, vector<16xi32>], vector<16xf32>,
      %add3A_3124 = arith.constant 16 : i32
      %add3A_3125 = vector.broadcast %add3A_3124 : i32 to vector<16xi32>
      %add3A_3126 = arith.addi %add3A_3125, %iota3A : vector<16xi32>
      tpu.vector_store_idx %arg8[%broadcast_in_dim3A_3112, %add3A_3126], %gather3A_3123 : memref<512x64xf32, #tpu.memory_space<vmem>>[vector<16xi32>, vector<16xi32>], vector<16xf32>,
      %add3A_3127 = arith.constant 32 : i32
      %add3A_3128 = vector.broadcast %add3A_3127 : i32 to vector<16xi32>
      %add3A_3129 = arith.addi %add3A_3128, %iota3A : vector<16xi32>
      %gather3A_3130 = tpu.vector_load_idx %arg7[%add3A_3111, %add3A_3129] : memref<128x64xf32, #tpu.memory_space<vmem>>[vector<16xi32>, vector<16xi32>], vector<16xf32>,
      %add3A_3131 = arith.constant 32 : i32
      %add3A_3132 = vector.broadcast %add3A_3131 : i32 to vector<16xi32>
      %add3A_3133 = arith.addi %add3A_3132, %iota3A : vector<16xi32>
      tpu.vector_store_idx %arg8[%broadcast_in_dim3A_3112, %add3A_3133], %gather3A_3130 : memref<512x64xf32, #tpu.memory_space<vmem>>[vector<16xi32>, vector<16xi32>], vector<16xf32>,
      %add3A_3134 = arith.constant 48 : i32
      %add3A_3135 = vector.broadcast %add3A_3134 : i32 to vector<16xi32>
      %add3A_3136 = arith.addi %add3A_3135, %iota3A : vector<16xi32>
      %gather3A_3137 = tpu.vector_load_idx %arg7[%add3A_3111, %add3A_3136] : memref<128x64xf32, #tpu.memory_space<vmem>>[vector<16xi32>, vector<16xi32>], vector<16xf32>,
      %add3A_3138 = arith.constant 48 : i32
      %add3A_3139 = vector.broadcast %add3A_3138 : i32 to vector<16xi32>
      %add3A_3140 = arith.addi %add3A_3139, %iota3A : vector<16xi32>
      tpu.vector_store_idx %arg8[%broadcast_in_dim3A_3112, %add3A_3140], %gather3A_3137 : memref<512x64xf32, #tpu.memory_space<vmem>>[vector<16xi32>, vector<16xi32>], vector<16xf32>,
      %mul3A_3141 = arith.constant 16 : i32
      %mul3A_3142 = arith.muli %add3A_3007, %mul3A_3141 : i32
      %add3A_3143 = arith.constant 3 : i32
      %add3A_3144 = arith.addi %mul3A_3142, %add3A_3143 : i32
      %broadcast_in_dim3A_3145 = arith.constant 24 : i32
      %broadcast_in_dim3A_3146 = vector.broadcast %broadcast_in_dim3A_3145 : i32 to vector<16xi32>
      %slice3A_3147 = vector.extract_strided_slice %get3A_3017 {offsets = [3], sizes = [1], strides = [1]} : vector<16xi32> to vector<1xi32>
      %squeeze3A_3148 = vector.extract %slice3A_3147[0] : i32 from vector<1xi32>
      %and3A_3149 = arith.constant 7 : i32
      %and3A_3150 = arith.andi %squeeze3A_3148, %and3A_3149 : i32
      %add3A_3151 = vector.broadcast %and3A_3150 : i32 to vector<16xi32>
      %add3A_3152 = arith.addi %broadcast_in_dim3A_3146, %add3A_3151 : vector<16xi32>
      %broadcast_in_dim3A_3153 = vector.broadcast %add3A_3144 : i32 to vector<16xi32>
      %add3A_3154 = arith.constant 0 : i32
      %add3A_3155 = vector.broadcast %add3A_3154 : i32 to vector<16xi32>
      %add3A_3156 = arith.addi %add3A_3155, %iota3A : vector<16xi32>
      %gather3A_3157 = tpu.vector_load_idx %arg7[%add3A_3152, %add3A_3156] : memref<128x64xf32, #tpu.memory_space<vmem>>[vector<16xi32>, vector<16xi32>], vector<16xf32>,
      %add3A_3158 = arith.constant 0 : i32
      %add3A_3159 = vector.broadcast %add3A_3158 : i32 to vector<16xi32>
      %add3A_3160 = arith.addi %add3A_3159, %iota3A : vector<16xi32>
      tpu.vector_store_idx %arg8[%broadcast_in_dim3A_3153, %add3A_3160], %gather3A_3157 : memref<512x64xf32, #tpu.memory_space<vmem>>[vector<16xi32>, vector<16xi32>], vector<16xf32>,
      %add3A_3161 = arith.constant 16 : i32
      %add3A_3162 = vector.broadcast %add3A_3161 : i32 to vector<16xi32>
      %add3A_3163 = arith.addi %add3A_3162, %iota3A : vector<16xi32>
      %gather3A_3164 = tpu.vector_load_idx %arg7[%add3A_3152, %add3A_3163] : memref<128x64xf32, #tpu.memory_space<vmem>>[vector<16xi32>, vector<16xi32>], vector<16xf32>,
      %add3A_3165 = arith.constant 16 : i32
      %add3A_3166 = vector.broadcast %add3A_3165 : i32 to vector<16xi32>
      %add3A_3167 = arith.addi %add3A_3166, %iota3A : vector<16xi32>
      tpu.vector_store_idx %arg8[%broadcast_in_dim3A_3153, %add3A_3167], %gather3A_3164 : memref<512x64xf32, #tpu.memory_space<vmem>>[vector<16xi32>, vector<16xi32>], vector<16xf32>,
      %add3A_3168 = arith.constant 32 : i32
      %add3A_3169 = vector.broadcast %add3A_3168 : i32 to vector<16xi32>
      %add3A_3170 = arith.addi %add3A_3169, %iota3A : vector<16xi32>
      %gather3A_3171 = tpu.vector_load_idx %arg7[%add3A_3152, %add3A_3170] : memref<128x64xf32, #tpu.memory_space<vmem>>[vector<16xi32>, vector<16xi32>], vector<16xf32>,
      %add3A_3172 = arith.constant 32 : i32
      %add3A_3173 = vector.broadcast %add3A_3172 : i32 to vector<16xi32>
      %add3A_3174 = arith.addi %add3A_3173, %iota3A : vector<16xi32>
      tpu.vector_store_idx %arg8[%broadcast_in_dim3A_3153, %add3A_3174], %gather3A_3171 : memref<512x64xf32, #tpu.memory_space<vmem>>[vector<16xi32>, vector<16xi32>], vector<16xf32>,
      %add3A_3175 = arith.constant 48 : i32
      %add3A_3176 = vector.broadcast %add3A_3175 : i32 to vector<16xi32>
      %add3A_3177 = arith.addi %add3A_3176, %iota3A : vector<16xi32>
      %gather3A_3178 = tpu.vector_load_idx %arg7[%add3A_3152, %add3A_3177] : memref<128x64xf32, #tpu.memory_space<vmem>>[vector<16xi32>, vector<16xi32>], vector<16xf32>,
      %add3A_3179 = arith.constant 48 : i32
      %add3A_3180 = vector.broadcast %add3A_3179 : i32 to vector<16xi32>
      %add3A_3181 = arith.addi %add3A_3180, %iota3A : vector<16xi32>
      tpu.vector_store_idx %arg8[%broadcast_in_dim3A_3153, %add3A_3181], %gather3A_3178 : memref<512x64xf32, #tpu.memory_space<vmem>>[vector<16xi32>, vector<16xi32>], vector<16xf32>,
      %mul3A_3182 = arith.constant 16 : i32
      %mul3A_3183 = arith.muli %add3A_3007, %mul3A_3182 : i32
      %add3A_3184 = arith.constant 4 : i32
      %add3A_3185 = arith.addi %mul3A_3183, %add3A_3184 : i32
      %broadcast_in_dim3A_3186 = arith.constant 32 : i32
      %broadcast_in_dim3A_3187 = vector.broadcast %broadcast_in_dim3A_3186 : i32 to vector<16xi32>
      %slice3A_3188 = vector.extract_strided_slice %get3A_3017 {offsets = [4], sizes = [1], strides = [1]} : vector<16xi32> to vector<1xi32>
      %squeeze3A_3189 = vector.extract %slice3A_3188[0] : i32 from vector<1xi32>
      %and3A_3190 = arith.constant 7 : i32
      %and3A_3191 = arith.andi %squeeze3A_3189, %and3A_3190 : i32
      %add3A_3192 = vector.broadcast %and3A_3191 : i32 to vector<16xi32>
      %add3A_3193 = arith.addi %broadcast_in_dim3A_3187, %add3A_3192 : vector<16xi32>
      %broadcast_in_dim3A_3194 = vector.broadcast %add3A_3185 : i32 to vector<16xi32>
      %add3A_3195 = arith.constant 0 : i32
      %add3A_3196 = vector.broadcast %add3A_3195 : i32 to vector<16xi32>
      %add3A_3197 = arith.addi %add3A_3196, %iota3A : vector<16xi32>
      %gather3A_3198 = tpu.vector_load_idx %arg7[%add3A_3193, %add3A_3197] : memref<128x64xf32, #tpu.memory_space<vmem>>[vector<16xi32>, vector<16xi32>], vector<16xf32>,
      %add3A_3199 = arith.constant 0 : i32
      %add3A_3200 = vector.broadcast %add3A_3199 : i32 to vector<16xi32>
      %add3A_3201 = arith.addi %add3A_3200, %iota3A : vector<16xi32>
      tpu.vector_store_idx %arg8[%broadcast_in_dim3A_3194, %add3A_3201], %gather3A_3198 : memref<512x64xf32, #tpu.memory_space<vmem>>[vector<16xi32>, vector<16xi32>], vector<16xf32>,
      %add3A_3202 = arith.constant 16 : i32
      %add3A_3203 = vector.broadcast %add3A_3202 : i32 to vector<16xi32>
      %add3A_3204 = arith.addi %add3A_3203, %iota3A : vector<16xi32>
      %gather3A_3205 = tpu.vector_load_idx %arg7[%add3A_3193, %add3A_3204] : memref<128x64xf32, #tpu.memory_space<vmem>>[vector<16xi32>, vector<16xi32>], vector<16xf32>,
      %add3A_3206 = arith.constant 16 : i32
      %add3A_3207 = vector.broadcast %add3A_3206 : i32 to vector<16xi32>
      %add3A_3208 = arith.addi %add3A_3207, %iota3A : vector<16xi32>
      tpu.vector_store_idx %arg8[%broadcast_in_dim3A_3194, %add3A_3208], %gather3A_3205 : memref<512x64xf32, #tpu.memory_space<vmem>>[vector<16xi32>, vector<16xi32>], vector<16xf32>,
      %add3A_3209 = arith.constant 32 : i32
      %add3A_3210 = vector.broadcast %add3A_3209 : i32 to vector<16xi32>
      %add3A_3211 = arith.addi %add3A_3210, %iota3A : vector<16xi32>
      %gather3A_3212 = tpu.vector_load_idx %arg7[%add3A_3193, %add3A_3211] : memref<128x64xf32, #tpu.memory_space<vmem>>[vector<16xi32>, vector<16xi32>], vector<16xf32>,
      %add3A_3213 = arith.constant 32 : i32
      %add3A_3214 = vector.broadcast %add3A_3213 : i32 to vector<16xi32>
      %add3A_3215 = arith.addi %add3A_3214, %iota3A : vector<16xi32>
      tpu.vector_store_idx %arg8[%broadcast_in_dim3A_3194, %add3A_3215], %gather3A_3212 : memref<512x64xf32, #tpu.memory_space<vmem>>[vector<16xi32>, vector<16xi32>], vector<16xf32>,
      %add3A_3216 = arith.constant 48 : i32
      %add3A_3217 = vector.broadcast %add3A_3216 : i32 to vector<16xi32>
      %add3A_3218 = arith.addi %add3A_3217, %iota3A : vector<16xi32>
      %gather3A_3219 = tpu.vector_load_idx %arg7[%add3A_3193, %add3A_3218] : memref<128x64xf32, #tpu.memory_space<vmem>>[vector<16xi32>, vector<16xi32>], vector<16xf32>,
      %add3A_3220 = arith.constant 48 : i32
      %add3A_3221 = vector.broadcast %add3A_3220 : i32 to vector<16xi32>
      %add3A_3222 = arith.addi %add3A_3221, %iota3A : vector<16xi32>
      tpu.vector_store_idx %arg8[%broadcast_in_dim3A_3194, %add3A_3222], %gather3A_3219 : memref<512x64xf32, #tpu.memory_space<vmem>>[vector<16xi32>, vector<16xi32>], vector<16xf32>,
      %mul3A_3223 = arith.constant 16 : i32
      %mul3A_3224 = arith.muli %add3A_3007, %mul3A_3223 : i32
      %add3A_3225 = arith.constant 5 : i32
      %add3A_3226 = arith.addi %mul3A_3224, %add3A_3225 : i32
      %broadcast_in_dim3A_3227 = arith.constant 40 : i32
      %broadcast_in_dim3A_3228 = vector.broadcast %broadcast_in_dim3A_3227 : i32 to vector<16xi32>
      %slice3A_3229 = vector.extract_strided_slice %get3A_3017 {offsets = [5], sizes = [1], strides = [1]} : vector<16xi32> to vector<1xi32>
      %squeeze3A_3230 = vector.extract %slice3A_3229[0] : i32 from vector<1xi32>
      %and3A_3231 = arith.constant 7 : i32
      %and3A_3232 = arith.andi %squeeze3A_3230, %and3A_3231 : i32
      %add3A_3233 = vector.broadcast %and3A_3232 : i32 to vector<16xi32>
      %add3A_3234 = arith.addi %broadcast_in_dim3A_3228, %add3A_3233 : vector<16xi32>
      %broadcast_in_dim3A_3235 = vector.broadcast %add3A_3226 : i32 to vector<16xi32>
      %add3A_3236 = arith.constant 0 : i32
      %add3A_3237 = vector.broadcast %add3A_3236 : i32 to vector<16xi32>
      %add3A_3238 = arith.addi %add3A_3237, %iota3A : vector<16xi32>
      %gather3A_3239 = tpu.vector_load_idx %arg7[%add3A_3234, %add3A_3238] : memref<128x64xf32, #tpu.memory_space<vmem>>[vector<16xi32>, vector<16xi32>], vector<16xf32>,
      %add3A_3240 = arith.constant 0 : i32
      %add3A_3241 = vector.broadcast %add3A_3240 : i32 to vector<16xi32>
      %add3A_3242 = arith.addi %add3A_3241, %iota3A : vector<16xi32>
      tpu.vector_store_idx %arg8[%broadcast_in_dim3A_3235, %add3A_3242], %gather3A_3239 : memref<512x64xf32, #tpu.memory_space<vmem>>[vector<16xi32>, vector<16xi32>], vector<16xf32>,
      %add3A_3243 = arith.constant 16 : i32
      %add3A_3244 = vector.broadcast %add3A_3243 : i32 to vector<16xi32>
      %add3A_3245 = arith.addi %add3A_3244, %iota3A : vector<16xi32>
      %gather3A_3246 = tpu.vector_load_idx %arg7[%add3A_3234, %add3A_3245] : memref<128x64xf32, #tpu.memory_space<vmem>>[vector<16xi32>, vector<16xi32>], vector<16xf32>,
      %add3A_3247 = arith.constant 16 : i32
      %add3A_3248 = vector.broadcast %add3A_3247 : i32 to vector<16xi32>
      %add3A_3249 = arith.addi %add3A_3248, %iota3A : vector<16xi32>
      tpu.vector_store_idx %arg8[%broadcast_in_dim3A_3235, %add3A_3249], %gather3A_3246 : memref<512x64xf32, #tpu.memory_space<vmem>>[vector<16xi32>, vector<16xi32>], vector<16xf32>,
      %add3A_3250 = arith.constant 32 : i32
      %add3A_3251 = vector.broadcast %add3A_3250 : i32 to vector<16xi32>
      %add3A_3252 = arith.addi %add3A_3251, %iota3A : vector<16xi32>
      %gather3A_3253 = tpu.vector_load_idx %arg7[%add3A_3234, %add3A_3252] : memref<128x64xf32, #tpu.memory_space<vmem>>[vector<16xi32>, vector<16xi32>], vector<16xf32>,
      %add3A_3254 = arith.constant 32 : i32
      %add3A_3255 = vector.broadcast %add3A_3254 : i32 to vector<16xi32>
      %add3A_3256 = arith.addi %add3A_3255, %iota3A : vector<16xi32>
      tpu.vector_store_idx %arg8[%broadcast_in_dim3A_3235, %add3A_3256], %gather3A_3253 : memref<512x64xf32, #tpu.memory_space<vmem>>[vector<16xi32>, vector<16xi32>], vector<16xf32>,
      %add3A_3257 = arith.constant 48 : i32
      %add3A_3258 = vector.broadcast %add3A_3257 : i32 to vector<16xi32>
      %add3A_3259 = arith.addi %add3A_3258, %iota3A : vector<16xi32>
      %gather3A_3260 = tpu.vector_load_idx %arg7[%add3A_3234, %add3A_3259] : memref<128x64xf32, #tpu.memory_space<vmem>>[vector<16xi32>, vector<16xi32>], vector<16xf32>,
      %add3A_3261 = arith.constant 48 : i32
      %add3A_3262 = vector.broadcast %add3A_3261 : i32 to vector<16xi32>
      %add3A_3263 = arith.addi %add3A_3262, %iota3A : vector<16xi32>
      tpu.vector_store_idx %arg8[%broadcast_in_dim3A_3235, %add3A_3263], %gather3A_3260 : memref<512x64xf32, #tpu.memory_space<vmem>>[vector<16xi32>, vector<16xi32>], vector<16xf32>,
      %mul3A_3264 = arith.constant 16 : i32
      %mul3A_3265 = arith.muli %add3A_3007, %mul3A_3264 : i32
      %add3A_3266 = arith.constant 6 : i32
      %add3A_3267 = arith.addi %mul3A_3265, %add3A_3266 : i32
      %broadcast_in_dim3A_3268 = arith.constant 48 : i32
      %broadcast_in_dim3A_3269 = vector.broadcast %broadcast_in_dim3A_3268 : i32 to vector<16xi32>
      %slice3A_3270 = vector.extract_strided_slice %get3A_3017 {offsets = [6], sizes = [1], strides = [1]} : vector<16xi32> to vector<1xi32>
      %squeeze3A_3271 = vector.extract %slice3A_3270[0] : i32 from vector<1xi32>
      %and3A_3272 = arith.constant 7 : i32
      %and3A_3273 = arith.andi %squeeze3A_3271, %and3A_3272 : i32
      %add3A_3274 = vector.broadcast %and3A_3273 : i32 to vector<16xi32>
      %add3A_3275 = arith.addi %broadcast_in_dim3A_3269, %add3A_3274 : vector<16xi32>
      %broadcast_in_dim3A_3276 = vector.broadcast %add3A_3267 : i32 to vector<16xi32>
      %add3A_3277 = arith.constant 0 : i32
      %add3A_3278 = vector.broadcast %add3A_3277 : i32 to vector<16xi32>
      %add3A_3279 = arith.addi %add3A_3278, %iota3A : vector<16xi32>
      %gather3A_3280 = tpu.vector_load_idx %arg7[%add3A_3275, %add3A_3279] : memref<128x64xf32, #tpu.memory_space<vmem>>[vector<16xi32>, vector<16xi32>], vector<16xf32>,
      %add3A_3281 = arith.constant 0 : i32
      %add3A_3282 = vector.broadcast %add3A_3281 : i32 to vector<16xi32>
      %add3A_3283 = arith.addi %add3A_3282, %iota3A : vector<16xi32>
      tpu.vector_store_idx %arg8[%broadcast_in_dim3A_3276, %add3A_3283], %gather3A_3280 : memref<512x64xf32, #tpu.memory_space<vmem>>[vector<16xi32>, vector<16xi32>], vector<16xf32>,
      %add3A_3284 = arith.constant 16 : i32
      %add3A_3285 = vector.broadcast %add3A_3284 : i32 to vector<16xi32>
      %add3A_3286 = arith.addi %add3A_3285, %iota3A : vector<16xi32>
      %gather3A_3287 = tpu.vector_load_idx %arg7[%add3A_3275, %add3A_3286] : memref<128x64xf32, #tpu.memory_space<vmem>>[vector<16xi32>, vector<16xi32>], vector<16xf32>,
      %add3A_3288 = arith.constant 16 : i32
      %add3A_3289 = vector.broadcast %add3A_3288 : i32 to vector<16xi32>
      %add3A_3290 = arith.addi %add3A_3289, %iota3A : vector<16xi32>
      tpu.vector_store_idx %arg8[%broadcast_in_dim3A_3276, %add3A_3290], %gather3A_3287 : memref<512x64xf32, #tpu.memory_space<vmem>>[vector<16xi32>, vector<16xi32>], vector<16xf32>,
      %add3A_3291 = arith.constant 32 : i32
      %add3A_3292 = vector.broadcast %add3A_3291 : i32 to vector<16xi32>
      %add3A_3293 = arith.addi %add3A_3292, %iota3A : vector<16xi32>
      %gather3A_3294 = tpu.vector_load_idx %arg7[%add3A_3275, %add3A_3293] : memref<128x64xf32, #tpu.memory_space<vmem>>[vector<16xi32>, vector<16xi32>], vector<16xf32>,
      %add3A_3295 = arith.constant 32 : i32
      %add3A_3296 = vector.broadcast %add3A_3295 : i32 to vector<16xi32>
      %add3A_3297 = arith.addi %add3A_3296, %iota3A : vector<16xi32>
      tpu.vector_store_idx %arg8[%broadcast_in_dim3A_3276, %add3A_3297], %gather3A_3294 : memref<512x64xf32, #tpu.memory_space<vmem>>[vector<16xi32>, vector<16xi32>], vector<16xf32>,
      %add3A_3298 = arith.constant 48 : i32
      %add3A_3299 = vector.broadcast %add3A_3298 : i32 to vector<16xi32>
      %add3A_3300 = arith.addi %add3A_3299, %iota3A : vector<16xi32>
      %gather3A_3301 = tpu.vector_load_idx %arg7[%add3A_3275, %add3A_3300] : memref<128x64xf32, #tpu.memory_space<vmem>>[vector<16xi32>, vector<16xi32>], vector<16xf32>,
      %add3A_3302 = arith.constant 48 : i32
      %add3A_3303 = vector.broadcast %add3A_3302 : i32 to vector<16xi32>
      %add3A_3304 = arith.addi %add3A_3303, %iota3A : vector<16xi32>
      tpu.vector_store_idx %arg8[%broadcast_in_dim3A_3276, %add3A_3304], %gather3A_3301 : memref<512x64xf32, #tpu.memory_space<vmem>>[vector<16xi32>, vector<16xi32>], vector<16xf32>,
      %mul3A_3305 = arith.constant 16 : i32
      %mul3A_3306 = arith.muli %add3A_3007, %mul3A_3305 : i32
      %add3A_3307 = arith.constant 7 : i32
      %add3A_3308 = arith.addi %mul3A_3306, %add3A_3307 : i32
      %broadcast_in_dim3A_3309 = arith.constant 56 : i32
      %broadcast_in_dim3A_3310 = vector.broadcast %broadcast_in_dim3A_3309 : i32 to vector<16xi32>
      %slice3A_3311 = vector.extract_strided_slice %get3A_3017 {offsets = [7], sizes = [1], strides = [1]} : vector<16xi32> to vector<1xi32>
      %squeeze3A_3312 = vector.extract %slice3A_3311[0] : i32 from vector<1xi32>
      %and3A_3313 = arith.constant 7 : i32
      %and3A_3314 = arith.andi %squeeze3A_3312, %and3A_3313 : i32
      %add3A_3315 = vector.broadcast %and3A_3314 : i32 to vector<16xi32>
      %add3A_3316 = arith.addi %broadcast_in_dim3A_3310, %add3A_3315 : vector<16xi32>
      %broadcast_in_dim3A_3317 = vector.broadcast %add3A_3308 : i32 to vector<16xi32>
      %add3A_3318 = arith.constant 0 : i32
      %add3A_3319 = vector.broadcast %add3A_3318 : i32 to vector<16xi32>
      %add3A_3320 = arith.addi %add3A_3319, %iota3A : vector<16xi32>
      %gather3A_3321 = tpu.vector_load_idx %arg7[%add3A_3316, %add3A_3320] : memref<128x64xf32, #tpu.memory_space<vmem>>[vector<16xi32>, vector<16xi32>], vector<16xf32>,
      %add3A_3322 = arith.constant 0 : i32
      %add3A_3323 = vector.broadcast %add3A_3322 : i32 to vector<16xi32>
      %add3A_3324 = arith.addi %add3A_3323, %iota3A : vector<16xi32>
      tpu.vector_store_idx %arg8[%broadcast_in_dim3A_3317, %add3A_3324], %gather3A_3321 : memref<512x64xf32, #tpu.memory_space<vmem>>[vector<16xi32>, vector<16xi32>], vector<16xf32>,
      %add3A_3325 = arith.constant 16 : i32
      %add3A_3326 = vector.broadcast %add3A_3325 : i32 to vector<16xi32>
      %add3A_3327 = arith.addi %add3A_3326, %iota3A : vector<16xi32>
      %gather3A_3328 = tpu.vector_load_idx %arg7[%add3A_3316, %add3A_3327] : memref<128x64xf32, #tpu.memory_space<vmem>>[vector<16xi32>, vector<16xi32>], vector<16xf32>,
      %add3A_3329 = arith.constant 16 : i32
      %add3A_3330 = vector.broadcast %add3A_3329 : i32 to vector<16xi32>
      %add3A_3331 = arith.addi %add3A_3330, %iota3A : vector<16xi32>
      tpu.vector_store_idx %arg8[%broadcast_in_dim3A_3317, %add3A_3331], %gather3A_3328 : memref<512x64xf32, #tpu.memory_space<vmem>>[vector<16xi32>, vector<16xi32>], vector<16xf32>,
      %add3A_3332 = arith.constant 32 : i32
      %add3A_3333 = vector.broadcast %add3A_3332 : i32 to vector<16xi32>
      %add3A_3334 = arith.addi %add3A_3333, %iota3A : vector<16xi32>
      %gather3A_3335 = tpu.vector_load_idx %arg7[%add3A_3316, %add3A_3334] : memref<128x64xf32, #tpu.memory_space<vmem>>[vector<16xi32>, vector<16xi32>], vector<16xf32>,
      %add3A_3336 = arith.constant 32 : i32
      %add3A_3337 = vector.broadcast %add3A_3336 : i32 to vector<16xi32>
      %add3A_3338 = arith.addi %add3A_3337, %iota3A : vector<16xi32>
      tpu.vector_store_idx %arg8[%broadcast_in_dim3A_3317, %add3A_3338], %gather3A_3335 : memref<512x64xf32, #tpu.memory_space<vmem>>[vector<16xi32>, vector<16xi32>], vector<16xf32>,
      %add3A_3339 = arith.constant 48 : i32
      %add3A_3340 = vector.broadcast %add3A_3339 : i32 to vector<16xi32>
      %add3A_3341 = arith.addi %add3A_3340, %iota3A : vector<16xi32>
      %gather3A_3342 = tpu.vector_load_idx %arg7[%add3A_3316, %add3A_3341] : memref<128x64xf32, #tpu.memory_space<vmem>>[vector<16xi32>, vector<16xi32>], vector<16xf32>,
      %add3A_3343 = arith.constant 48 : i32
      %add3A_3344 = vector.broadcast %add3A_3343 : i32 to vector<16xi32>
      %add3A_3345 = arith.addi %add3A_3344, %iota3A : vector<16xi32>
      tpu.vector_store_idx %arg8[%broadcast_in_dim3A_3317, %add3A_3345], %gather3A_3342 : memref<512x64xf32, #tpu.memory_space<vmem>>[vector<16xi32>, vector<16xi32>], vector<16xf32>,
      %mul3A_3346 = arith.constant 16 : i32
      %mul3A_3347 = arith.muli %add3A_3007, %mul3A_3346 : i32
      %add3A_3348 = arith.constant 8 : i32
      %add3A_3349 = arith.addi %mul3A_3347, %add3A_3348 : i32
      %broadcast_in_dim3A_3350 = arith.constant 64 : i32
      %broadcast_in_dim3A_3351 = vector.broadcast %broadcast_in_dim3A_3350 : i32 to vector<16xi32>
      %slice3A_3352 = vector.extract_strided_slice %get3A_3017 {offsets = [8], sizes = [1], strides = [1]} : vector<16xi32> to vector<1xi32>
      %squeeze3A_3353 = vector.extract %slice3A_3352[0] : i32 from vector<1xi32>
      %and3A_3354 = arith.constant 7 : i32
      %and3A_3355 = arith.andi %squeeze3A_3353, %and3A_3354 : i32
      %add3A_3356 = vector.broadcast %and3A_3355 : i32 to vector<16xi32>
      %add3A_3357 = arith.addi %broadcast_in_dim3A_3351, %add3A_3356 : vector<16xi32>
      %broadcast_in_dim3A_3358 = vector.broadcast %add3A_3349 : i32 to vector<16xi32>
      %add3A_3359 = arith.constant 0 : i32
      %add3A_3360 = vector.broadcast %add3A_3359 : i32 to vector<16xi32>
      %add3A_3361 = arith.addi %add3A_3360, %iota3A : vector<16xi32>
      %gather3A_3362 = tpu.vector_load_idx %arg7[%add3A_3357, %add3A_3361] : memref<128x64xf32, #tpu.memory_space<vmem>>[vector<16xi32>, vector<16xi32>], vector<16xf32>,
      %add3A_3363 = arith.constant 0 : i32
      %add3A_3364 = vector.broadcast %add3A_3363 : i32 to vector<16xi32>
      %add3A_3365 = arith.addi %add3A_3364, %iota3A : vector<16xi32>
      tpu.vector_store_idx %arg8[%broadcast_in_dim3A_3358, %add3A_3365], %gather3A_3362 : memref<512x64xf32, #tpu.memory_space<vmem>>[vector<16xi32>, vector<16xi32>], vector<16xf32>,
      %add3A_3366 = arith.constant 16 : i32
      %add3A_3367 = vector.broadcast %add3A_3366 : i32 to vector<16xi32>
      %add3A_3368 = arith.addi %add3A_3367, %iota3A : vector<16xi32>
      %gather3A_3369 = tpu.vector_load_idx %arg7[%add3A_3357, %add3A_3368] : memref<128x64xf32, #tpu.memory_space<vmem>>[vector<16xi32>, vector<16xi32>], vector<16xf32>,
      %add3A_3370 = arith.constant 16 : i32
      %add3A_3371 = vector.broadcast %add3A_3370 : i32 to vector<16xi32>
      %add3A_3372 = arith.addi %add3A_3371, %iota3A : vector<16xi32>
      tpu.vector_store_idx %arg8[%broadcast_in_dim3A_3358, %add3A_3372], %gather3A_3369 : memref<512x64xf32, #tpu.memory_space<vmem>>[vector<16xi32>, vector<16xi32>], vector<16xf32>,
      %add3A_3373 = arith.constant 32 : i32
      %add3A_3374 = vector.broadcast %add3A_3373 : i32 to vector<16xi32>
      %add3A_3375 = arith.addi %add3A_3374, %iota3A : vector<16xi32>
      %gather3A_3376 = tpu.vector_load_idx %arg7[%add3A_3357, %add3A_3375] : memref<128x64xf32, #tpu.memory_space<vmem>>[vector<16xi32>, vector<16xi32>], vector<16xf32>,
      %add3A_3377 = arith.constant 32 : i32
      %add3A_3378 = vector.broadcast %add3A_3377 : i32 to vector<16xi32>
      %add3A_3379 = arith.addi %add3A_3378, %iota3A : vector<16xi32>
      tpu.vector_store_idx %arg8[%broadcast_in_dim3A_3358, %add3A_3379], %gather3A_3376 : memref<512x64xf32, #tpu.memory_space<vmem>>[vector<16xi32>, vector<16xi32>], vector<16xf32>,
      %add3A_3380 = arith.constant 48 : i32
      %add3A_3381 = vector.broadcast %add3A_3380 : i32 to vector<16xi32>
      %add3A_3382 = arith.addi %add3A_3381, %iota3A : vector<16xi32>
      %gather3A_3383 = tpu.vector_load_idx %arg7[%add3A_3357, %add3A_3382] : memref<128x64xf32, #tpu.memory_space<vmem>>[vector<16xi32>, vector<16xi32>], vector<16xf32>,
      %add3A_3384 = arith.constant 48 : i32
      %add3A_3385 = vector.broadcast %add3A_3384 : i32 to vector<16xi32>
      %add3A_3386 = arith.addi %add3A_3385, %iota3A : vector<16xi32>
      tpu.vector_store_idx %arg8[%broadcast_in_dim3A_3358, %add3A_3386], %gather3A_3383 : memref<512x64xf32, #tpu.memory_space<vmem>>[vector<16xi32>, vector<16xi32>], vector<16xf32>,
      %mul3A_3387 = arith.constant 16 : i32
      %mul3A_3388 = arith.muli %add3A_3007, %mul3A_3387 : i32
      %add3A_3389 = arith.constant 9 : i32
      %add3A_3390 = arith.addi %mul3A_3388, %add3A_3389 : i32
      %broadcast_in_dim3A_3391 = arith.constant 72 : i32
      %broadcast_in_dim3A_3392 = vector.broadcast %broadcast_in_dim3A_3391 : i32 to vector<16xi32>
      %slice3A_3393 = vector.extract_strided_slice %get3A_3017 {offsets = [9], sizes = [1], strides = [1]} : vector<16xi32> to vector<1xi32>
      %squeeze3A_3394 = vector.extract %slice3A_3393[0] : i32 from vector<1xi32>
      %and3A_3395 = arith.constant 7 : i32
      %and3A_3396 = arith.andi %squeeze3A_3394, %and3A_3395 : i32
      %add3A_3397 = vector.broadcast %and3A_3396 : i32 to vector<16xi32>
      %add3A_3398 = arith.addi %broadcast_in_dim3A_3392, %add3A_3397 : vector<16xi32>
      %broadcast_in_dim3A_3399 = vector.broadcast %add3A_3390 : i32 to vector<16xi32>
      %add3A_3400 = arith.constant 0 : i32
      %add3A_3401 = vector.broadcast %add3A_3400 : i32 to vector<16xi32>
      %add3A_3402 = arith.addi %add3A_3401, %iota3A : vector<16xi32>
      %gather3A_3403 = tpu.vector_load_idx %arg7[%add3A_3398, %add3A_3402] : memref<128x64xf32, #tpu.memory_space<vmem>>[vector<16xi32>, vector<16xi32>], vector<16xf32>,
      %add3A_3404 = arith.constant 0 : i32
      %add3A_3405 = vector.broadcast %add3A_3404 : i32 to vector<16xi32>
      %add3A_3406 = arith.addi %add3A_3405, %iota3A : vector<16xi32>
      tpu.vector_store_idx %arg8[%broadcast_in_dim3A_3399, %add3A_3406], %gather3A_3403 : memref<512x64xf32, #tpu.memory_space<vmem>>[vector<16xi32>, vector<16xi32>], vector<16xf32>,
      %add3A_3407 = arith.constant 16 : i32
      %add3A_3408 = vector.broadcast %add3A_3407 : i32 to vector<16xi32>
      %add3A_3409 = arith.addi %add3A_3408, %iota3A : vector<16xi32>
      %gather3A_3410 = tpu.vector_load_idx %arg7[%add3A_3398, %add3A_3409] : memref<128x64xf32, #tpu.memory_space<vmem>>[vector<16xi32>, vector<16xi32>], vector<16xf32>,
      %add3A_3411 = arith.constant 16 : i32
      %add3A_3412 = vector.broadcast %add3A_3411 : i32 to vector<16xi32>
      %add3A_3413 = arith.addi %add3A_3412, %iota3A : vector<16xi32>
      tpu.vector_store_idx %arg8[%broadcast_in_dim3A_3399, %add3A_3413], %gather3A_3410 : memref<512x64xf32, #tpu.memory_space<vmem>>[vector<16xi32>, vector<16xi32>], vector<16xf32>,
      %add3A_3414 = arith.constant 32 : i32
      %add3A_3415 = vector.broadcast %add3A_3414 : i32 to vector<16xi32>
      %add3A_3416 = arith.addi %add3A_3415, %iota3A : vector<16xi32>
      %gather3A_3417 = tpu.vector_load_idx %arg7[%add3A_3398, %add3A_3416] : memref<128x64xf32, #tpu.memory_space<vmem>>[vector<16xi32>, vector<16xi32>], vector<16xf32>,
      %add3A_3418 = arith.constant 32 : i32
      %add3A_3419 = vector.broadcast %add3A_3418 : i32 to vector<16xi32>
      %add3A_3420 = arith.addi %add3A_3419, %iota3A : vector<16xi32>
      tpu.vector_store_idx %arg8[%broadcast_in_dim3A_3399, %add3A_3420], %gather3A_3417 : memref<512x64xf32, #tpu.memory_space<vmem>>[vector<16xi32>, vector<16xi32>], vector<16xf32>,
      %add3A_3421 = arith.constant 48 : i32
      %add3A_3422 = vector.broadcast %add3A_3421 : i32 to vector<16xi32>
      %add3A_3423 = arith.addi %add3A_3422, %iota3A : vector<16xi32>
      %gather3A_3424 = tpu.vector_load_idx %arg7[%add3A_3398, %add3A_3423] : memref<128x64xf32, #tpu.memory_space<vmem>>[vector<16xi32>, vector<16xi32>], vector<16xf32>,
      %add3A_3425 = arith.constant 48 : i32
      %add3A_3426 = vector.broadcast %add3A_3425 : i32 to vector<16xi32>
      %add3A_3427 = arith.addi %add3A_3426, %iota3A : vector<16xi32>
      tpu.vector_store_idx %arg8[%broadcast_in_dim3A_3399, %add3A_3427], %gather3A_3424 : memref<512x64xf32, #tpu.memory_space<vmem>>[vector<16xi32>, vector<16xi32>], vector<16xf32>,
      %mul3A_3428 = arith.constant 16 : i32
      %mul3A_3429 = arith.muli %add3A_3007, %mul3A_3428 : i32
      %add3A_3430 = arith.constant 10 : i32
      %add3A_3431 = arith.addi %mul3A_3429, %add3A_3430 : i32
      %broadcast_in_dim3A_3432 = arith.constant 80 : i32
      %broadcast_in_dim3A_3433 = vector.broadcast %broadcast_in_dim3A_3432 : i32 to vector<16xi32>
      %slice3A_3434 = vector.extract_strided_slice %get3A_3017 {offsets = [10], sizes = [1], strides = [1]} : vector<16xi32> to vector<1xi32>
      %squeeze3A_3435 = vector.extract %slice3A_3434[0] : i32 from vector<1xi32>
      %and3A_3436 = arith.constant 7 : i32
      %and3A_3437 = arith.andi %squeeze3A_3435, %and3A_3436 : i32
      %add3A_3438 = vector.broadcast %and3A_3437 : i32 to vector<16xi32>
      %add3A_3439 = arith.addi %broadcast_in_dim3A_3433, %add3A_3438 : vector<16xi32>
      %broadcast_in_dim3A_3440 = vector.broadcast %add3A_3431 : i32 to vector<16xi32>
      %add3A_3441 = arith.constant 0 : i32
      %add3A_3442 = vector.broadcast %add3A_3441 : i32 to vector<16xi32>
      %add3A_3443 = arith.addi %add3A_3442, %iota3A : vector<16xi32>
      %gather3A_3444 = tpu.vector_load_idx %arg7[%add3A_3439, %add3A_3443] : memref<128x64xf32, #tpu.memory_space<vmem>>[vector<16xi32>, vector<16xi32>], vector<16xf32>,
      %add3A_3445 = arith.constant 0 : i32
      %add3A_3446 = vector.broadcast %add3A_3445 : i32 to vector<16xi32>
      %add3A_3447 = arith.addi %add3A_3446, %iota3A : vector<16xi32>
      tpu.vector_store_idx %arg8[%broadcast_in_dim3A_3440, %add3A_3447], %gather3A_3444 : memref<512x64xf32, #tpu.memory_space<vmem>>[vector<16xi32>, vector<16xi32>], vector<16xf32>,
      %add3A_3448 = arith.constant 16 : i32
      %add3A_3449 = vector.broadcast %add3A_3448 : i32 to vector<16xi32>
      %add3A_3450 = arith.addi %add3A_3449, %iota3A : vector<16xi32>
      %gather3A_3451 = tpu.vector_load_idx %arg7[%add3A_3439, %add3A_3450] : memref<128x64xf32, #tpu.memory_space<vmem>>[vector<16xi32>, vector<16xi32>], vector<16xf32>,
      %add3A_3452 = arith.constant 16 : i32
      %add3A_3453 = vector.broadcast %add3A_3452 : i32 to vector<16xi32>
      %add3A_3454 = arith.addi %add3A_3453, %iota3A : vector<16xi32>
      tpu.vector_store_idx %arg8[%broadcast_in_dim3A_3440, %add3A_3454], %gather3A_3451 : memref<512x64xf32, #tpu.memory_space<vmem>>[vector<16xi32>, vector<16xi32>], vector<16xf32>,
      %add3A_3455 = arith.constant 32 : i32
      %add3A_3456 = vector.broadcast %add3A_3455 : i32 to vector<16xi32>
      %add3A_3457 = arith.addi %add3A_3456, %iota3A : vector<16xi32>
      %gather3A_3458 = tpu.vector_load_idx %arg7[%add3A_3439, %add3A_3457] : memref<128x64xf32, #tpu.memory_space<vmem>>[vector<16xi32>, vector<16xi32>], vector<16xf32>,
      %add3A_3459 = arith.constant 32 : i32
      %add3A_3460 = vector.broadcast %add3A_3459 : i32 to vector<16xi32>
      %add3A_3461 = arith.addi %add3A_3460, %iota3A : vector<16xi32>
      tpu.vector_store_idx %arg8[%broadcast_in_dim3A_3440, %add3A_3461], %gather3A_3458 : memref<512x64xf32, #tpu.memory_space<vmem>>[vector<16xi32>, vector<16xi32>], vector<16xf32>,
      %add3A_3462 = arith.constant 48 : i32
      %add3A_3463 = vector.broadcast %add3A_3462 : i32 to vector<16xi32>
      %add3A_3464 = arith.addi %add3A_3463, %iota3A : vector<16xi32>
      %gather3A_3465 = tpu.vector_load_idx %arg7[%add3A_3439, %add3A_3464] : memref<128x64xf32, #tpu.memory_space<vmem>>[vector<16xi32>, vector<16xi32>], vector<16xf32>,
      %add3A_3466 = arith.constant 48 : i32
      %add3A_3467 = vector.broadcast %add3A_3466 : i32 to vector<16xi32>
      %add3A_3468 = arith.addi %add3A_3467, %iota3A : vector<16xi32>
      tpu.vector_store_idx %arg8[%broadcast_in_dim3A_3440, %add3A_3468], %gather3A_3465 : memref<512x64xf32, #tpu.memory_space<vmem>>[vector<16xi32>, vector<16xi32>], vector<16xf32>,
      %mul3A_3469 = arith.constant 16 : i32
      %mul3A_3470 = arith.muli %add3A_3007, %mul3A_3469 : i32
      %add3A_3471 = arith.constant 11 : i32
      %add3A_3472 = arith.addi %mul3A_3470, %add3A_3471 : i32
      %broadcast_in_dim3A_3473 = arith.constant 88 : i32
      %broadcast_in_dim3A_3474 = vector.broadcast %broadcast_in_dim3A_3473 : i32 to vector<16xi32>
      %slice3A_3475 = vector.extract_strided_slice %get3A_3017 {offsets = [11], sizes = [1], strides = [1]} : vector<16xi32> to vector<1xi32>
      %squeeze3A_3476 = vector.extract %slice3A_3475[0] : i32 from vector<1xi32>
      %and3A_3477 = arith.constant 7 : i32
      %and3A_3478 = arith.andi %squeeze3A_3476, %and3A_3477 : i32
      %add3A_3479 = vector.broadcast %and3A_3478 : i32 to vector<16xi32>
      %add3A_3480 = arith.addi %broadcast_in_dim3A_3474, %add3A_3479 : vector<16xi32>
      %broadcast_in_dim3A_3481 = vector.broadcast %add3A_3472 : i32 to vector<16xi32>
      %add3A_3482 = arith.constant 0 : i32
      %add3A_3483 = vector.broadcast %add3A_3482 : i32 to vector<16xi32>
      %add3A_3484 = arith.addi %add3A_3483, %iota3A : vector<16xi32>
      %gather3A_3485 = tpu.vector_load_idx %arg7[%add3A_3480, %add3A_3484] : memref<128x64xf32, #tpu.memory_space<vmem>>[vector<16xi32>, vector<16xi32>], vector<16xf32>,
      %add3A_3486 = arith.constant 0 : i32
      %add3A_3487 = vector.broadcast %add3A_3486 : i32 to vector<16xi32>
      %add3A_3488 = arith.addi %add3A_3487, %iota3A : vector<16xi32>
      tpu.vector_store_idx %arg8[%broadcast_in_dim3A_3481, %add3A_3488], %gather3A_3485 : memref<512x64xf32, #tpu.memory_space<vmem>>[vector<16xi32>, vector<16xi32>], vector<16xf32>,
      %add3A_3489 = arith.constant 16 : i32
      %add3A_3490 = vector.broadcast %add3A_3489 : i32 to vector<16xi32>
      %add3A_3491 = arith.addi %add3A_3490, %iota3A : vector<16xi32>
      %gather3A_3492 = tpu.vector_load_idx %arg7[%add3A_3480, %add3A_3491] : memref<128x64xf32, #tpu.memory_space<vmem>>[vector<16xi32>, vector<16xi32>], vector<16xf32>,
      %add3A_3493 = arith.constant 16 : i32
      %add3A_3494 = vector.broadcast %add3A_3493 : i32 to vector<16xi32>
      %add3A_3495 = arith.addi %add3A_3494, %iota3A : vector<16xi32>
      tpu.vector_store_idx %arg8[%broadcast_in_dim3A_3481, %add3A_3495], %gather3A_3492 : memref<512x64xf32, #tpu.memory_space<vmem>>[vector<16xi32>, vector<16xi32>], vector<16xf32>,
      %add3A_3496 = arith.constant 32 : i32
      %add3A_3497 = vector.broadcast %add3A_3496 : i32 to vector<16xi32>
      %add3A_3498 = arith.addi %add3A_3497, %iota3A : vector<16xi32>
      %gather3A_3499 = tpu.vector_load_idx %arg7[%add3A_3480, %add3A_3498] : memref<128x64xf32, #tpu.memory_space<vmem>>[vector<16xi32>, vector<16xi32>], vector<16xf32>,
      %add3A_3500 = arith.constant 32 : i32
      %add3A_3501 = vector.broadcast %add3A_3500 : i32 to vector<16xi32>
      %add3A_3502 = arith.addi %add3A_3501, %iota3A : vector<16xi32>
      tpu.vector_store_idx %arg8[%broadcast_in_dim3A_3481, %add3A_3502], %gather3A_3499 : memref<512x64xf32, #tpu.memory_space<vmem>>[vector<16xi32>, vector<16xi32>], vector<16xf32>,
      %add3A_3503 = arith.constant 48 : i32
      %add3A_3504 = vector.broadcast %add3A_3503 : i32 to vector<16xi32>
      %add3A_3505 = arith.addi %add3A_3504, %iota3A : vector<16xi32>
      %gather3A_3506 = tpu.vector_load_idx %arg7[%add3A_3480, %add3A_3505] : memref<128x64xf32, #tpu.memory_space<vmem>>[vector<16xi32>, vector<16xi32>], vector<16xf32>,
      %add3A_3507 = arith.constant 48 : i32
      %add3A_3508 = vector.broadcast %add3A_3507 : i32 to vector<16xi32>
      %add3A_3509 = arith.addi %add3A_3508, %iota3A : vector<16xi32>
      tpu.vector_store_idx %arg8[%broadcast_in_dim3A_3481, %add3A_3509], %gather3A_3506 : memref<512x64xf32, #tpu.memory_space<vmem>>[vector<16xi32>, vector<16xi32>], vector<16xf32>,
      %mul3A_3510 = arith.constant 16 : i32
      %mul3A_3511 = arith.muli %add3A_3007, %mul3A_3510 : i32
      %add3A_3512 = arith.constant 12 : i32
      %add3A_3513 = arith.addi %mul3A_3511, %add3A_3512 : i32
      %broadcast_in_dim3A_3514 = arith.constant 96 : i32
      %broadcast_in_dim3A_3515 = vector.broadcast %broadcast_in_dim3A_3514 : i32 to vector<16xi32>
      %slice3A_3516 = vector.extract_strided_slice %get3A_3017 {offsets = [12], sizes = [1], strides = [1]} : vector<16xi32> to vector<1xi32>
      %squeeze3A_3517 = vector.extract %slice3A_3516[0] : i32 from vector<1xi32>
      %and3A_3518 = arith.constant 7 : i32
      %and3A_3519 = arith.andi %squeeze3A_3517, %and3A_3518 : i32
      %add3A_3520 = vector.broadcast %and3A_3519 : i32 to vector<16xi32>
      %add3A_3521 = arith.addi %broadcast_in_dim3A_3515, %add3A_3520 : vector<16xi32>
      %broadcast_in_dim3A_3522 = vector.broadcast %add3A_3513 : i32 to vector<16xi32>
      %add3A_3523 = arith.constant 0 : i32
      %add3A_3524 = vector.broadcast %add3A_3523 : i32 to vector<16xi32>
      %add3A_3525 = arith.addi %add3A_3524, %iota3A : vector<16xi32>
      %gather3A_3526 = tpu.vector_load_idx %arg7[%add3A_3521, %add3A_3525] : memref<128x64xf32, #tpu.memory_space<vmem>>[vector<16xi32>, vector<16xi32>], vector<16xf32>,
      %add3A_3527 = arith.constant 0 : i32
      %add3A_3528 = vector.broadcast %add3A_3527 : i32 to vector<16xi32>
      %add3A_3529 = arith.addi %add3A_3528, %iota3A : vector<16xi32>
      tpu.vector_store_idx %arg8[%broadcast_in_dim3A_3522, %add3A_3529], %gather3A_3526 : memref<512x64xf32, #tpu.memory_space<vmem>>[vector<16xi32>, vector<16xi32>], vector<16xf32>,
      %add3A_3530 = arith.constant 16 : i32
      %add3A_3531 = vector.broadcast %add3A_3530 : i32 to vector<16xi32>
      %add3A_3532 = arith.addi %add3A_3531, %iota3A : vector<16xi32>
      %gather3A_3533 = tpu.vector_load_idx %arg7[%add3A_3521, %add3A_3532] : memref<128x64xf32, #tpu.memory_space<vmem>>[vector<16xi32>, vector<16xi32>], vector<16xf32>,
      %add3A_3534 = arith.constant 16 : i32
      %add3A_3535 = vector.broadcast %add3A_3534 : i32 to vector<16xi32>
      %add3A_3536 = arith.addi %add3A_3535, %iota3A : vector<16xi32>
      tpu.vector_store_idx %arg8[%broadcast_in_dim3A_3522, %add3A_3536], %gather3A_3533 : memref<512x64xf32, #tpu.memory_space<vmem>>[vector<16xi32>, vector<16xi32>], vector<16xf32>,
      %add3A_3537 = arith.constant 32 : i32
      %add3A_3538 = vector.broadcast %add3A_3537 : i32 to vector<16xi32>
      %add3A_3539 = arith.addi %add3A_3538, %iota3A : vector<16xi32>
      %gather3A_3540 = tpu.vector_load_idx %arg7[%add3A_3521, %add3A_3539] : memref<128x64xf32, #tpu.memory_space<vmem>>[vector<16xi32>, vector<16xi32>], vector<16xf32>,
      %add3A_3541 = arith.constant 32 : i32
      %add3A_3542 = vector.broadcast %add3A_3541 : i32 to vector<16xi32>
      %add3A_3543 = arith.addi %add3A_3542, %iota3A : vector<16xi32>
      tpu.vector_store_idx %arg8[%broadcast_in_dim3A_3522, %add3A_3543], %gather3A_3540 : memref<512x64xf32, #tpu.memory_space<vmem>>[vector<16xi32>, vector<16xi32>], vector<16xf32>,
      %add3A_3544 = arith.constant 48 : i32
      %add3A_3545 = vector.broadcast %add3A_3544 : i32 to vector<16xi32>
      %add3A_3546 = arith.addi %add3A_3545, %iota3A : vector<16xi32>
      %gather3A_3547 = tpu.vector_load_idx %arg7[%add3A_3521, %add3A_3546] : memref<128x64xf32, #tpu.memory_space<vmem>>[vector<16xi32>, vector<16xi32>], vector<16xf32>,
      %add3A_3548 = arith.constant 48 : i32
      %add3A_3549 = vector.broadcast %add3A_3548 : i32 to vector<16xi32>
      %add3A_3550 = arith.addi %add3A_3549, %iota3A : vector<16xi32>
      tpu.vector_store_idx %arg8[%broadcast_in_dim3A_3522, %add3A_3550], %gather3A_3547 : memref<512x64xf32, #tpu.memory_space<vmem>>[vector<16xi32>, vector<16xi32>], vector<16xf32>,
      %mul3A_3551 = arith.constant 16 : i32
      %mul3A_3552 = arith.muli %add3A_3007, %mul3A_3551 : i32
      %add3A_3553 = arith.constant 13 : i32
      %add3A_3554 = arith.addi %mul3A_3552, %add3A_3553 : i32
      %broadcast_in_dim3A_3555 = arith.constant 104 : i32
      %broadcast_in_dim3A_3556 = vector.broadcast %broadcast_in_dim3A_3555 : i32 to vector<16xi32>
      %slice3A_3557 = vector.extract_strided_slice %get3A_3017 {offsets = [13], sizes = [1], strides = [1]} : vector<16xi32> to vector<1xi32>
      %squeeze3A_3558 = vector.extract %slice3A_3557[0] : i32 from vector<1xi32>
      %and3A_3559 = arith.constant 7 : i32
      %and3A_3560 = arith.andi %squeeze3A_3558, %and3A_3559 : i32
      %add3A_3561 = vector.broadcast %and3A_3560 : i32 to vector<16xi32>
      %add3A_3562 = arith.addi %broadcast_in_dim3A_3556, %add3A_3561 : vector<16xi32>
      %broadcast_in_dim3A_3563 = vector.broadcast %add3A_3554 : i32 to vector<16xi32>
      %add3A_3564 = arith.constant 0 : i32
      %add3A_3565 = vector.broadcast %add3A_3564 : i32 to vector<16xi32>
      %add3A_3566 = arith.addi %add3A_3565, %iota3A : vector<16xi32>
      %gather3A_3567 = tpu.vector_load_idx %arg7[%add3A_3562, %add3A_3566] : memref<128x64xf32, #tpu.memory_space<vmem>>[vector<16xi32>, vector<16xi32>], vector<16xf32>,
      %add3A_3568 = arith.constant 0 : i32
      %add3A_3569 = vector.broadcast %add3A_3568 : i32 to vector<16xi32>
      %add3A_3570 = arith.addi %add3A_3569, %iota3A : vector<16xi32>
      tpu.vector_store_idx %arg8[%broadcast_in_dim3A_3563, %add3A_3570], %gather3A_3567 : memref<512x64xf32, #tpu.memory_space<vmem>>[vector<16xi32>, vector<16xi32>], vector<16xf32>,
      %add3A_3571 = arith.constant 16 : i32
      %add3A_3572 = vector.broadcast %add3A_3571 : i32 to vector<16xi32>
      %add3A_3573 = arith.addi %add3A_3572, %iota3A : vector<16xi32>
      %gather3A_3574 = tpu.vector_load_idx %arg7[%add3A_3562, %add3A_3573] : memref<128x64xf32, #tpu.memory_space<vmem>>[vector<16xi32>, vector<16xi32>], vector<16xf32>,
      %add3A_3575 = arith.constant 16 : i32
      %add3A_3576 = vector.broadcast %add3A_3575 : i32 to vector<16xi32>
      %add3A_3577 = arith.addi %add3A_3576, %iota3A : vector<16xi32>
      tpu.vector_store_idx %arg8[%broadcast_in_dim3A_3563, %add3A_3577], %gather3A_3574 : memref<512x64xf32, #tpu.memory_space<vmem>>[vector<16xi32>, vector<16xi32>], vector<16xf32>,
      %add3A_3578 = arith.constant 32 : i32
      %add3A_3579 = vector.broadcast %add3A_3578 : i32 to vector<16xi32>
      %add3A_3580 = arith.addi %add3A_3579, %iota3A : vector<16xi32>
      %gather3A_3581 = tpu.vector_load_idx %arg7[%add3A_3562, %add3A_3580] : memref<128x64xf32, #tpu.memory_space<vmem>>[vector<16xi32>, vector<16xi32>], vector<16xf32>,
      %add3A_3582 = arith.constant 32 : i32
      %add3A_3583 = vector.broadcast %add3A_3582 : i32 to vector<16xi32>
      %add3A_3584 = arith.addi %add3A_3583, %iota3A : vector<16xi32>
      tpu.vector_store_idx %arg8[%broadcast_in_dim3A_3563, %add3A_3584], %gather3A_3581 : memref<512x64xf32, #tpu.memory_space<vmem>>[vector<16xi32>, vector<16xi32>], vector<16xf32>,
      %add3A_3585 = arith.constant 48 : i32
      %add3A_3586 = vector.broadcast %add3A_3585 : i32 to vector<16xi32>
      %add3A_3587 = arith.addi %add3A_3586, %iota3A : vector<16xi32>
      %gather3A_3588 = tpu.vector_load_idx %arg7[%add3A_3562, %add3A_3587] : memref<128x64xf32, #tpu.memory_space<vmem>>[vector<16xi32>, vector<16xi32>], vector<16xf32>,
      %add3A_3589 = arith.constant 48 : i32
      %add3A_3590 = vector.broadcast %add3A_3589 : i32 to vector<16xi32>
      %add3A_3591 = arith.addi %add3A_3590, %iota3A : vector<16xi32>
      tpu.vector_store_idx %arg8[%broadcast_in_dim3A_3563, %add3A_3591], %gather3A_3588 : memref<512x64xf32, #tpu.memory_space<vmem>>[vector<16xi32>, vector<16xi32>], vector<16xf32>,
      %mul3A_3592 = arith.constant 16 : i32
      %mul3A_3593 = arith.muli %add3A_3007, %mul3A_3592 : i32
      %add3A_3594 = arith.constant 14 : i32
      %add3A_3595 = arith.addi %mul3A_3593, %add3A_3594 : i32
      %broadcast_in_dim3A_3596 = arith.constant 112 : i32
      %broadcast_in_dim3A_3597 = vector.broadcast %broadcast_in_dim3A_3596 : i32 to vector<16xi32>
      %slice3A_3598 = vector.extract_strided_slice %get3A_3017 {offsets = [14], sizes = [1], strides = [1]} : vector<16xi32> to vector<1xi32>
      %squeeze3A_3599 = vector.extract %slice3A_3598[0] : i32 from vector<1xi32>
      %and3A_3600 = arith.constant 7 : i32
      %and3A_3601 = arith.andi %squeeze3A_3599, %and3A_3600 : i32
      %add3A_3602 = vector.broadcast %and3A_3601 : i32 to vector<16xi32>
      %add3A_3603 = arith.addi %broadcast_in_dim3A_3597, %add3A_3602 : vector<16xi32>
      %broadcast_in_dim3A_3604 = vector.broadcast %add3A_3595 : i32 to vector<16xi32>
      %add3A_3605 = arith.constant 0 : i32
      %add3A_3606 = vector.broadcast %add3A_3605 : i32 to vector<16xi32>
      %add3A_3607 = arith.addi %add3A_3606, %iota3A : vector<16xi32>
      %gather3A_3608 = tpu.vector_load_idx %arg7[%add3A_3603, %add3A_3607] : memref<128x64xf32, #tpu.memory_space<vmem>>[vector<16xi32>, vector<16xi32>], vector<16xf32>,
      %add3A_3609 = arith.constant 0 : i32
      %add3A_3610 = vector.broadcast %add3A_3609 : i32 to vector<16xi32>
      %add3A_3611 = arith.addi %add3A_3610, %iota3A : vector<16xi32>
      tpu.vector_store_idx %arg8[%broadcast_in_dim3A_3604, %add3A_3611], %gather3A_3608 : memref<512x64xf32, #tpu.memory_space<vmem>>[vector<16xi32>, vector<16xi32>], vector<16xf32>,
      %add3A_3612 = arith.constant 16 : i32
      %add3A_3613 = vector.broadcast %add3A_3612 : i32 to vector<16xi32>
      %add3A_3614 = arith.addi %add3A_3613, %iota3A : vector<16xi32>
      %gather3A_3615 = tpu.vector_load_idx %arg7[%add3A_3603, %add3A_3614] : memref<128x64xf32, #tpu.memory_space<vmem>>[vector<16xi32>, vector<16xi32>], vector<16xf32>,
      %add3A_3616 = arith.constant 16 : i32
      %add3A_3617 = vector.broadcast %add3A_3616 : i32 to vector<16xi32>
      %add3A_3618 = arith.addi %add3A_3617, %iota3A : vector<16xi32>
      tpu.vector_store_idx %arg8[%broadcast_in_dim3A_3604, %add3A_3618], %gather3A_3615 : memref<512x64xf32, #tpu.memory_space<vmem>>[vector<16xi32>, vector<16xi32>], vector<16xf32>,
      %add3A_3619 = arith.constant 32 : i32
      %add3A_3620 = vector.broadcast %add3A_3619 : i32 to vector<16xi32>
      %add3A_3621 = arith.addi %add3A_3620, %iota3A : vector<16xi32>
      %gather3A_3622 = tpu.vector_load_idx %arg7[%add3A_3603, %add3A_3621] : memref<128x64xf32, #tpu.memory_space<vmem>>[vector<16xi32>, vector<16xi32>], vector<16xf32>,
      %add3A_3623 = arith.constant 32 : i32
      %add3A_3624 = vector.broadcast %add3A_3623 : i32 to vector<16xi32>
      %add3A_3625 = arith.addi %add3A_3624, %iota3A : vector<16xi32>
      tpu.vector_store_idx %arg8[%broadcast_in_dim3A_3604, %add3A_3625], %gather3A_3622 : memref<512x64xf32, #tpu.memory_space<vmem>>[vector<16xi32>, vector<16xi32>], vector<16xf32>,
      %add3A_3626 = arith.constant 48 : i32
      %add3A_3627 = vector.broadcast %add3A_3626 : i32 to vector<16xi32>
      %add3A_3628 = arith.addi %add3A_3627, %iota3A : vector<16xi32>
      %gather3A_3629 = tpu.vector_load_idx %arg7[%add3A_3603, %add3A_3628] : memref<128x64xf32, #tpu.memory_space<vmem>>[vector<16xi32>, vector<16xi32>], vector<16xf32>,
      %add3A_3630 = arith.constant 48 : i32
      %add3A_3631 = vector.broadcast %add3A_3630 : i32 to vector<16xi32>
      %add3A_3632 = arith.addi %add3A_3631, %iota3A : vector<16xi32>
      tpu.vector_store_idx %arg8[%broadcast_in_dim3A_3604, %add3A_3632], %gather3A_3629 : memref<512x64xf32, #tpu.memory_space<vmem>>[vector<16xi32>, vector<16xi32>], vector<16xf32>,
      %mul3A_3633 = arith.constant 16 : i32
      %mul3A_3634 = arith.muli %add3A_3007, %mul3A_3633 : i32
      %add3A_3635 = arith.constant 15 : i32
      %add3A_3636 = arith.addi %mul3A_3634, %add3A_3635 : i32
      %broadcast_in_dim3A_3637 = arith.constant 120 : i32
      %broadcast_in_dim3A_3638 = vector.broadcast %broadcast_in_dim3A_3637 : i32 to vector<16xi32>
      %slice3A_3639 = vector.extract_strided_slice %get3A_3017 {offsets = [15], sizes = [1], strides = [1]} : vector<16xi32> to vector<1xi32>
      %squeeze3A_3640 = vector.extract %slice3A_3639[0] : i32 from vector<1xi32>
      %and3A_3641 = arith.constant 7 : i32
      %and3A_3642 = arith.andi %squeeze3A_3640, %and3A_3641 : i32
      %add3A_3643 = vector.broadcast %and3A_3642 : i32 to vector<16xi32>
      %add3A_3644 = arith.addi %broadcast_in_dim3A_3638, %add3A_3643 : vector<16xi32>
      %broadcast_in_dim3A_3645 = vector.broadcast %add3A_3636 : i32 to vector<16xi32>
      %add3A_3646 = arith.constant 0 : i32
      %add3A_3647 = vector.broadcast %add3A_3646 : i32 to vector<16xi32>
      %add3A_3648 = arith.addi %add3A_3647, %iota3A : vector<16xi32>
      %gather3A_3649 = tpu.vector_load_idx %arg7[%add3A_3644, %add3A_3648] : memref<128x64xf32, #tpu.memory_space<vmem>>[vector<16xi32>, vector<16xi32>], vector<16xf32>,
      %add3A_3650 = arith.constant 0 : i32
      %add3A_3651 = vector.broadcast %add3A_3650 : i32 to vector<16xi32>
      %add3A_3652 = arith.addi %add3A_3651, %iota3A : vector<16xi32>
      tpu.vector_store_idx %arg8[%broadcast_in_dim3A_3645, %add3A_3652], %gather3A_3649 : memref<512x64xf32, #tpu.memory_space<vmem>>[vector<16xi32>, vector<16xi32>], vector<16xf32>,
      %add3A_3653 = arith.constant 16 : i32
      %add3A_3654 = vector.broadcast %add3A_3653 : i32 to vector<16xi32>
      %add3A_3655 = arith.addi %add3A_3654, %iota3A : vector<16xi32>
      %gather3A_3656 = tpu.vector_load_idx %arg7[%add3A_3644, %add3A_3655] : memref<128x64xf32, #tpu.memory_space<vmem>>[vector<16xi32>, vector<16xi32>], vector<16xf32>,
      %add3A_3657 = arith.constant 16 : i32
      %add3A_3658 = vector.broadcast %add3A_3657 : i32 to vector<16xi32>
      %add3A_3659 = arith.addi %add3A_3658, %iota3A : vector<16xi32>
      tpu.vector_store_idx %arg8[%broadcast_in_dim3A_3645, %add3A_3659], %gather3A_3656 : memref<512x64xf32, #tpu.memory_space<vmem>>[vector<16xi32>, vector<16xi32>], vector<16xf32>,
      %add3A_3660 = arith.constant 32 : i32
      %add3A_3661 = vector.broadcast %add3A_3660 : i32 to vector<16xi32>
      %add3A_3662 = arith.addi %add3A_3661, %iota3A : vector<16xi32>
      %gather3A_3663 = tpu.vector_load_idx %arg7[%add3A_3644, %add3A_3662] : memref<128x64xf32, #tpu.memory_space<vmem>>[vector<16xi32>, vector<16xi32>], vector<16xf32>,
      %add3A_3664 = arith.constant 32 : i32
      %add3A_3665 = vector.broadcast %add3A_3664 : i32 to vector<16xi32>
      %add3A_3666 = arith.addi %add3A_3665, %iota3A : vector<16xi32>
      tpu.vector_store_idx %arg8[%broadcast_in_dim3A_3645, %add3A_3666], %gather3A_3663 : memref<512x64xf32, #tpu.memory_space<vmem>>[vector<16xi32>, vector<16xi32>], vector<16xf32>,
      %add3A_3667 = arith.constant 48 : i32
      %add3A_3668 = vector.broadcast %add3A_3667 : i32 to vector<16xi32>
      %add3A_3669 = arith.addi %add3A_3668, %iota3A : vector<16xi32>
      %gather3A_3670 = tpu.vector_load_idx %arg7[%add3A_3644, %add3A_3669] : memref<128x64xf32, #tpu.memory_space<vmem>>[vector<16xi32>, vector<16xi32>], vector<16xf32>,
      %add3A_3671 = arith.constant 48 : i32
      %add3A_3672 = vector.broadcast %add3A_3671 : i32 to vector<16xi32>
      %add3A_3673 = arith.addi %add3A_3672, %iota3A : vector<16xi32>
      tpu.vector_store_idx %arg8[%broadcast_in_dim3A_3645, %add3A_3673], %gather3A_3670 : memref<512x64xf32, #tpu.memory_space<vmem>>[vector<16xi32>, vector<16xi32>], vector<16xf32>,
    }
    %scan3A_274 = arith.constant 15 : i32
    %get3A_275 = arith.constant 496 : index
    %get3A_276 = tpu.vector_load %arg5[%get3A_275] {strides = array<i32>} : memref<512xi32, #tpu.memory_space<vmem>>, vector<16xi32>,
    %slice3A_277 = vector.extract_strided_slice %get3A_276 {offsets = [0], sizes = [1], strides = [1]} : vector<16xi32> to vector<1xi32>
    %squeeze3A_278 = vector.extract %slice3A_277[0] : i32 from vector<1xi32>
    %shift_right_arithmetic3A_279 = arith.constant 3 : i32
    %shift_right_arithmetic3A_280 = arith.shrsi %squeeze3A_278, %shift_right_arithmetic3A_279 : i32
    %mul3A_281 = arith.constant 8 : i32
    %mul3A_282 = arith.muli %shift_right_arithmetic3A_280, %mul3A_281 : i32
    %multiple_of3A_283 = tpu.assume_multiple %mul3A_282, 8 : i32
    %dma_start3A_284 = arith.constant 0 : i32
    %dma_start3A_285 = arith.constant 0 : i32
    %dma_start3A_286 = tpu.memref_slice %arg7[%dma_start3A_284, %dma_start3A_285] : memref<128x64xf32, #tpu.memory_space<vmem>> -> memref<8x64xf32, #tpu.memory_space<vmem>>
    %dma_start3A_287 = arith.constant 0 : i32
    %dma_start3A_288 = tpu.memref_slice %arg3[%multiple_of3A_283, %dma_start3A_287] : memref<1000000x64xf32, #tpu.memory_space<hbm>> -> memref<8x64xf32, #tpu.memory_space<hbm>>
    %dma_start3A_289 = arith.constant 0 : i32
    %dma_start3A_290 = arith.constant 0 : i32
    %dma_start3A_291 = tpu.memref_slice %arg7[%dma_start3A_289, %dma_start3A_290] : memref<128x64xf32, #tpu.memory_space<vmem>> -> memref<8x64xf32, #tpu.memory_space<vmem>>
    %dma_start3A_292 = arith.constant 0 : i32
    %dma_start3A_293 = tpu.memref_slice %arg3[%multiple_of3A_283, %dma_start3A_292] : memref<1000000x64xf32, #tpu.memory_space<hbm>> -> memref<8x64xf32, #tpu.memory_space<hbm>>
    tpu.enqueue_dma source(%dma_start3A_293 : memref<8x64xf32, #tpu.memory_space<hbm>>) target(%dma_start3A_291 : memref<8x64xf32, #tpu.memory_space<vmem>>) target_semaphore(%arg10 : memref<!tpu.dma_semaphore, #tpu.memory_space<semaphore_mem>>)
    %slice3A_294 = vector.extract_strided_slice %get3A_276 {offsets = [1], sizes = [1], strides = [1]} : vector<16xi32> to vector<1xi32>
    %squeeze3A_295 = vector.extract %slice3A_294[0] : i32 from vector<1xi32>
    %shift_right_arithmetic3A_296 = arith.constant 3 : i32
    %shift_right_arithmetic3A_297 = arith.shrsi %squeeze3A_295, %shift_right_arithmetic3A_296 : i32
    %mul3A_298 = arith.constant 8 : i32
    %mul3A_299 = arith.muli %shift_right_arithmetic3A_297, %mul3A_298 : i32
    %multiple_of3A_300 = tpu.assume_multiple %mul3A_299, 8 : i32
    %dma_start3A_301 = arith.constant 8 : i32
    %dma_start3A_302 = arith.constant 0 : i32
    %dma_start3A_303 = tpu.memref_slice %arg7[%dma_start3A_301, %dma_start3A_302] : memref<128x64xf32, #tpu.memory_space<vmem>> -> memref<8x64xf32, #tpu.memory_space<vmem>>
    %dma_start3A_304 = arith.constant 0 : i32
    %dma_start3A_305 = tpu.memref_slice %arg3[%multiple_of3A_300, %dma_start3A_304] : memref<1000000x64xf32, #tpu.memory_space<hbm>> -> memref<8x64xf32, #tpu.memory_space<hbm>>
    %dma_start3A_306 = arith.constant 8 : i32
    %dma_start3A_307 = arith.constant 0 : i32
    %dma_start3A_308 = tpu.memref_slice %arg7[%dma_start3A_306, %dma_start3A_307] : memref<128x64xf32, #tpu.memory_space<vmem>> -> memref<8x64xf32, #tpu.memory_space<vmem>>
    %dma_start3A_309 = arith.constant 0 : i32
    %dma_start3A_310 = tpu.memref_slice %arg3[%multiple_of3A_300, %dma_start3A_309] : memref<1000000x64xf32, #tpu.memory_space<hbm>> -> memref<8x64xf32, #tpu.memory_space<hbm>>
    tpu.enqueue_dma source(%dma_start3A_310 : memref<8x64xf32, #tpu.memory_space<hbm>>) target(%dma_start3A_308 : memref<8x64xf32, #tpu.memory_space<vmem>>) target_semaphore(%arg10 : memref<!tpu.dma_semaphore, #tpu.memory_space<semaphore_mem>>)
    %slice3A_311 = vector.extract_strided_slice %get3A_276 {offsets = [2], sizes = [1], strides = [1]} : vector<16xi32> to vector<1xi32>
    %squeeze3A_312 = vector.extract %slice3A_311[0] : i32 from vector<1xi32>
    %shift_right_arithmetic3A_313 = arith.constant 3 : i32
    %shift_right_arithmetic3A_314 = arith.shrsi %squeeze3A_312, %shift_right_arithmetic3A_313 : i32
    %mul3A_315 = arith.constant 8 : i32
    %mul3A_316 = arith.muli %shift_right_arithmetic3A_314, %mul3A_315 : i32
    %multiple_of3A_317 = tpu.assume_multiple %mul3A_316, 8 : i32
    %dma_start3A_318 = arith.constant 16 : i32
    %dma_start3A_319 = arith.constant 0 : i32
    %dma_start3A_320 = tpu.memref_slice %arg7[%dma_start3A_318, %dma_start3A_319] : memref<128x64xf32, #tpu.memory_space<vmem>> -> memref<8x64xf32, #tpu.memory_space<vmem>>
    %dma_start3A_321 = arith.constant 0 : i32
    %dma_start3A_322 = tpu.memref_slice %arg3[%multiple_of3A_317, %dma_start3A_321] : memref<1000000x64xf32, #tpu.memory_space<hbm>> -> memref<8x64xf32, #tpu.memory_space<hbm>>
    %dma_start3A_323 = arith.constant 16 : i32
    %dma_start3A_324 = arith.constant 0 : i32
    %dma_start3A_325 = tpu.memref_slice %arg7[%dma_start3A_323, %dma_start3A_324] : memref<128x64xf32, #tpu.memory_space<vmem>> -> memref<8x64xf32, #tpu.memory_space<vmem>>
    %dma_start3A_326 = arith.constant 0 : i32
    %dma_start3A_327 = tpu.memref_slice %arg3[%multiple_of3A_317, %dma_start3A_326] : memref<1000000x64xf32, #tpu.memory_space<hbm>> -> memref<8x64xf32, #tpu.memory_space<hbm>>
    tpu.enqueue_dma source(%dma_start3A_327 : memref<8x64xf32, #tpu.memory_space<hbm>>) target(%dma_start3A_325 : memref<8x64xf32, #tpu.memory_space<vmem>>) target_semaphore(%arg10 : memref<!tpu.dma_semaphore, #tpu.memory_space<semaphore_mem>>)
    %slice3A_328 = vector.extract_strided_slice %get3A_276 {offsets = [3], sizes = [1], strides = [1]} : vector<16xi32> to vector<1xi32>
    %squeeze3A_329 = vector.extract %slice3A_328[0] : i32 from vector<1xi32>
    %shift_right_arithmetic3A_330 = arith.constant 3 : i32
    %shift_right_arithmetic3A_331 = arith.shrsi %squeeze3A_329, %shift_right_arithmetic3A_330 : i32
    %mul3A_332 = arith.constant 8 : i32
    %mul3A_333 = arith.muli %shift_right_arithmetic3A_331, %mul3A_332 : i32
    %multiple_of3A_334 = tpu.assume_multiple %mul3A_333, 8 : i32
    %dma_start3A_335 = arith.constant 24 : i32
    %dma_start3A_336 = arith.constant 0 : i32
    %dma_start3A_337 = tpu.memref_slice %arg7[%dma_start3A_335, %dma_start3A_336] : memref<128x64xf32, #tpu.memory_space<vmem>> -> memref<8x64xf32, #tpu.memory_space<vmem>>
    %dma_start3A_338 = arith.constant 0 : i32
    %dma_start3A_339 = tpu.memref_slice %arg3[%multiple_of3A_334, %dma_start3A_338] : memref<1000000x64xf32, #tpu.memory_space<hbm>> -> memref<8x64xf32, #tpu.memory_space<hbm>>
    %dma_start3A_340 = arith.constant 24 : i32
    %dma_start3A_341 = arith.constant 0 : i32
    %dma_start3A_342 = tpu.memref_slice %arg7[%dma_start3A_340, %dma_start3A_341] : memref<128x64xf32, #tpu.memory_space<vmem>> -> memref<8x64xf32, #tpu.memory_space<vmem>>
    %dma_start3A_343 = arith.constant 0 : i32
    %dma_start3A_344 = tpu.memref_slice %arg3[%multiple_of3A_334, %dma_start3A_343] : memref<1000000x64xf32, #tpu.memory_space<hbm>> -> memref<8x64xf32, #tpu.memory_space<hbm>>
    tpu.enqueue_dma source(%dma_start3A_344 : memref<8x64xf32, #tpu.memory_space<hbm>>) target(%dma_start3A_342 : memref<8x64xf32, #tpu.memory_space<vmem>>) target_semaphore(%arg10 : memref<!tpu.dma_semaphore, #tpu.memory_space<semaphore_mem>>)
    %slice3A_345 = vector.extract_strided_slice %get3A_276 {offsets = [4], sizes = [1], strides = [1]} : vector<16xi32> to vector<1xi32>
    %squeeze3A_346 = vector.extract %slice3A_345[0] : i32 from vector<1xi32>
    %shift_right_arithmetic3A_347 = arith.constant 3 : i32
    %shift_right_arithmetic3A_348 = arith.shrsi %squeeze3A_346, %shift_right_arithmetic3A_347 : i32
    %mul3A_349 = arith.constant 8 : i32
    %mul3A_350 = arith.muli %shift_right_arithmetic3A_348, %mul3A_349 : i32
    %multiple_of3A_351 = tpu.assume_multiple %mul3A_350, 8 : i32
    %dma_start3A_352 = arith.constant 32 : i32
    %dma_start3A_353 = arith.constant 0 : i32
    %dma_start3A_354 = tpu.memref_slice %arg7[%dma_start3A_352, %dma_start3A_353] : memref<128x64xf32, #tpu.memory_space<vmem>> -> memref<8x64xf32, #tpu.memory_space<vmem>>
    %dma_start3A_355 = arith.constant 0 : i32
    %dma_start3A_356 = tpu.memref_slice %arg3[%multiple_of3A_351, %dma_start3A_355] : memref<1000000x64xf32, #tpu.memory_space<hbm>> -> memref<8x64xf32, #tpu.memory_space<hbm>>
    %dma_start3A_357 = arith.constant 32 : i32
    %dma_start3A_358 = arith.constant 0 : i32
    %dma_start3A_359 = tpu.memref_slice %arg7[%dma_start3A_357, %dma_start3A_358] : memref<128x64xf32, #tpu.memory_space<vmem>> -> memref<8x64xf32, #tpu.memory_space<vmem>>
    %dma_start3A_360 = arith.constant 0 : i32
    %dma_start3A_361 = tpu.memref_slice %arg3[%multiple_of3A_351, %dma_start3A_360] : memref<1000000x64xf32, #tpu.memory_space<hbm>> -> memref<8x64xf32, #tpu.memory_space<hbm>>
    tpu.enqueue_dma source(%dma_start3A_361 : memref<8x64xf32, #tpu.memory_space<hbm>>) target(%dma_start3A_359 : memref<8x64xf32, #tpu.memory_space<vmem>>) target_semaphore(%arg10 : memref<!tpu.dma_semaphore, #tpu.memory_space<semaphore_mem>>)
    %slice3A_362 = vector.extract_strided_slice %get3A_276 {offsets = [5], sizes = [1], strides = [1]} : vector<16xi32> to vector<1xi32>
    %squeeze3A_363 = vector.extract %slice3A_362[0] : i32 from vector<1xi32>
    %shift_right_arithmetic3A_364 = arith.constant 3 : i32
    %shift_right_arithmetic3A_365 = arith.shrsi %squeeze3A_363, %shift_right_arithmetic3A_364 : i32
    %mul3A_366 = arith.constant 8 : i32
    %mul3A_367 = arith.muli %shift_right_arithmetic3A_365, %mul3A_366 : i32
    %multiple_of3A_368 = tpu.assume_multiple %mul3A_367, 8 : i32
    %dma_start3A_369 = arith.constant 40 : i32
    %dma_start3A_370 = arith.constant 0 : i32
    %dma_start3A_371 = tpu.memref_slice %arg7[%dma_start3A_369, %dma_start3A_370] : memref<128x64xf32, #tpu.memory_space<vmem>> -> memref<8x64xf32, #tpu.memory_space<vmem>>
    %dma_start3A_372 = arith.constant 0 : i32
    %dma_start3A_373 = tpu.memref_slice %arg3[%multiple_of3A_368, %dma_start3A_372] : memref<1000000x64xf32, #tpu.memory_space<hbm>> -> memref<8x64xf32, #tpu.memory_space<hbm>>
    %dma_start3A_374 = arith.constant 40 : i32
    %dma_start3A_375 = arith.constant 0 : i32
    %dma_start3A_376 = tpu.memref_slice %arg7[%dma_start3A_374, %dma_start3A_375] : memref<128x64xf32, #tpu.memory_space<vmem>> -> memref<8x64xf32, #tpu.memory_space<vmem>>
    %dma_start3A_377 = arith.constant 0 : i32
    %dma_start3A_378 = tpu.memref_slice %arg3[%multiple_of3A_368, %dma_start3A_377] : memref<1000000x64xf32, #tpu.memory_space<hbm>> -> memref<8x64xf32, #tpu.memory_space<hbm>>
    tpu.enqueue_dma source(%dma_start3A_378 : memref<8x64xf32, #tpu.memory_space<hbm>>) target(%dma_start3A_376 : memref<8x64xf32, #tpu.memory_space<vmem>>) target_semaphore(%arg10 : memref<!tpu.dma_semaphore, #tpu.memory_space<semaphore_mem>>)
    %slice3A_379 = vector.extract_strided_slice %get3A_276 {offsets = [6], sizes = [1], strides = [1]} : vector<16xi32> to vector<1xi32>
    %squeeze3A_380 = vector.extract %slice3A_379[0] : i32 from vector<1xi32>
    %shift_right_arithmetic3A_381 = arith.constant 3 : i32
    %shift_right_arithmetic3A_382 = arith.shrsi %squeeze3A_380, %shift_right_arithmetic3A_381 : i32
    %mul3A_383 = arith.constant 8 : i32
    %mul3A_384 = arith.muli %shift_right_arithmetic3A_382, %mul3A_383 : i32
    %multiple_of3A_385 = tpu.assume_multiple %mul3A_384, 8 : i32
    %dma_start3A_386 = arith.constant 48 : i32
    %dma_start3A_387 = arith.constant 0 : i32
    %dma_start3A_388 = tpu.memref_slice %arg7[%dma_start3A_386, %dma_start3A_387] : memref<128x64xf32, #tpu.memory_space<vmem>> -> memref<8x64xf32, #tpu.memory_space<vmem>>
    %dma_start3A_389 = arith.constant 0 : i32
    %dma_start3A_390 = tpu.memref_slice %arg3[%multiple_of3A_385, %dma_start3A_389] : memref<1000000x64xf32, #tpu.memory_space<hbm>> -> memref<8x64xf32, #tpu.memory_space<hbm>>
    %dma_start3A_391 = arith.constant 48 : i32
    %dma_start3A_392 = arith.constant 0 : i32
    %dma_start3A_393 = tpu.memref_slice %arg7[%dma_start3A_391, %dma_start3A_392] : memref<128x64xf32, #tpu.memory_space<vmem>> -> memref<8x64xf32, #tpu.memory_space<vmem>>
    %dma_start3A_394 = arith.constant 0 : i32
    %dma_start3A_395 = tpu.memref_slice %arg3[%multiple_of3A_385, %dma_start3A_394] : memref<1000000x64xf32, #tpu.memory_space<hbm>> -> memref<8x64xf32, #tpu.memory_space<hbm>>
    tpu.enqueue_dma source(%dma_start3A_395 : memref<8x64xf32, #tpu.memory_space<hbm>>) target(%dma_start3A_393 : memref<8x64xf32, #tpu.memory_space<vmem>>) target_semaphore(%arg10 : memref<!tpu.dma_semaphore, #tpu.memory_space<semaphore_mem>>)
    %slice3A_396 = vector.extract_strided_slice %get3A_276 {offsets = [7], sizes = [1], strides = [1]} : vector<16xi32> to vector<1xi32>
    %squeeze3A_397 = vector.extract %slice3A_396[0] : i32 from vector<1xi32>
    %shift_right_arithmetic3A_398 = arith.constant 3 : i32
    %shift_right_arithmetic3A_399 = arith.shrsi %squeeze3A_397, %shift_right_arithmetic3A_398 : i32
    %mul3A_400 = arith.constant 8 : i32
    %mul3A_401 = arith.muli %shift_right_arithmetic3A_399, %mul3A_400 : i32
    %multiple_of3A_402 = tpu.assume_multiple %mul3A_401, 8 : i32
    %dma_start3A_403 = arith.constant 56 : i32
    %dma_start3A_404 = arith.constant 0 : i32
    %dma_start3A_405 = tpu.memref_slice %arg7[%dma_start3A_403, %dma_start3A_404] : memref<128x64xf32, #tpu.memory_space<vmem>> -> memref<8x64xf32, #tpu.memory_space<vmem>>
    %dma_start3A_406 = arith.constant 0 : i32
    %dma_start3A_407 = tpu.memref_slice %arg3[%multiple_of3A_402, %dma_start3A_406] : memref<1000000x64xf32, #tpu.memory_space<hbm>> -> memref<8x64xf32, #tpu.memory_space<hbm>>
    %dma_start3A_408 = arith.constant 56 : i32
    %dma_start3A_409 = arith.constant 0 : i32
    %dma_start3A_410 = tpu.memref_slice %arg7[%dma_start3A_408, %dma_start3A_409] : memref<128x64xf32, #tpu.memory_space<vmem>> -> memref<8x64xf32, #tpu.memory_space<vmem>>
    %dma_start3A_411 = arith.constant 0 : i32
    %dma_start3A_412 = tpu.memref_slice %arg3[%multiple_of3A_402, %dma_start3A_411] : memref<1000000x64xf32, #tpu.memory_space<hbm>> -> memref<8x64xf32, #tpu.memory_space<hbm>>
    tpu.enqueue_dma source(%dma_start3A_412 : memref<8x64xf32, #tpu.memory_space<hbm>>) target(%dma_start3A_410 : memref<8x64xf32, #tpu.memory_space<vmem>>) target_semaphore(%arg10 : memref<!tpu.dma_semaphore, #tpu.memory_space<semaphore_mem>>)
    %slice3A_413 = vector.extract_strided_slice %get3A_276 {offsets = [8], sizes = [1], strides = [1]} : vector<16xi32> to vector<1xi32>
    %squeeze3A_414 = vector.extract %slice3A_413[0] : i32 from vector<1xi32>
    %shift_right_arithmetic3A_415 = arith.constant 3 : i32
    %shift_right_arithmetic3A_416 = arith.shrsi %squeeze3A_414, %shift_right_arithmetic3A_415 : i32
    %mul3A_417 = arith.constant 8 : i32
    %mul3A_418 = arith.muli %shift_right_arithmetic3A_416, %mul3A_417 : i32
    %multiple_of3A_419 = tpu.assume_multiple %mul3A_418, 8 : i32
    %dma_start3A_420 = arith.constant 64 : i32
    %dma_start3A_421 = arith.constant 0 : i32
    %dma_start3A_422 = tpu.memref_slice %arg7[%dma_start3A_420, %dma_start3A_421] : memref<128x64xf32, #tpu.memory_space<vmem>> -> memref<8x64xf32, #tpu.memory_space<vmem>>
    %dma_start3A_423 = arith.constant 0 : i32
    %dma_start3A_424 = tpu.memref_slice %arg3[%multiple_of3A_419, %dma_start3A_423] : memref<1000000x64xf32, #tpu.memory_space<hbm>> -> memref<8x64xf32, #tpu.memory_space<hbm>>
    %dma_start3A_425 = arith.constant 64 : i32
    %dma_start3A_426 = arith.constant 0 : i32
    %dma_start3A_427 = tpu.memref_slice %arg7[%dma_start3A_425, %dma_start3A_426] : memref<128x64xf32, #tpu.memory_space<vmem>> -> memref<8x64xf32, #tpu.memory_space<vmem>>
    %dma_start3A_428 = arith.constant 0 : i32
    %dma_start3A_429 = tpu.memref_slice %arg3[%multiple_of3A_419, %dma_start3A_428] : memref<1000000x64xf32, #tpu.memory_space<hbm>> -> memref<8x64xf32, #tpu.memory_space<hbm>>
    tpu.enqueue_dma source(%dma_start3A_429 : memref<8x64xf32, #tpu.memory_space<hbm>>) target(%dma_start3A_427 : memref<8x64xf32, #tpu.memory_space<vmem>>) target_semaphore(%arg10 : memref<!tpu.dma_semaphore, #tpu.memory_space<semaphore_mem>>)
    %slice3A_430 = vector.extract_strided_slice %get3A_276 {offsets = [9], sizes = [1], strides = [1]} : vector<16xi32> to vector<1xi32>
    %squeeze3A_431 = vector.extract %slice3A_430[0] : i32 from vector<1xi32>
    %shift_right_arithmetic3A_432 = arith.constant 3 : i32
    %shift_right_arithmetic3A_433 = arith.shrsi %squeeze3A_431, %shift_right_arithmetic3A_432 : i32
    %mul3A_434 = arith.constant 8 : i32
    %mul3A_435 = arith.muli %shift_right_arithmetic3A_433, %mul3A_434 : i32
    %multiple_of3A_436 = tpu.assume_multiple %mul3A_435, 8 : i32
    %dma_start3A_437 = arith.constant 72 : i32
    %dma_start3A_438 = arith.constant 0 : i32
    %dma_start3A_439 = tpu.memref_slice %arg7[%dma_start3A_437, %dma_start3A_438] : memref<128x64xf32, #tpu.memory_space<vmem>> -> memref<8x64xf32, #tpu.memory_space<vmem>>
    %dma_start3A_440 = arith.constant 0 : i32
    %dma_start3A_441 = tpu.memref_slice %arg3[%multiple_of3A_436, %dma_start3A_440] : memref<1000000x64xf32, #tpu.memory_space<hbm>> -> memref<8x64xf32, #tpu.memory_space<hbm>>
    %dma_start3A_442 = arith.constant 72 : i32
    %dma_start3A_443 = arith.constant 0 : i32
    %dma_start3A_444 = tpu.memref_slice %arg7[%dma_start3A_442, %dma_start3A_443] : memref<128x64xf32, #tpu.memory_space<vmem>> -> memref<8x64xf32, #tpu.memory_space<vmem>>
    %dma_start3A_445 = arith.constant 0 : i32
    %dma_start3A_446 = tpu.memref_slice %arg3[%multiple_of3A_436, %dma_start3A_445] : memref<1000000x64xf32, #tpu.memory_space<hbm>> -> memref<8x64xf32, #tpu.memory_space<hbm>>
    tpu.enqueue_dma source(%dma_start3A_446 : memref<8x64xf32, #tpu.memory_space<hbm>>) target(%dma_start3A_444 : memref<8x64xf32, #tpu.memory_space<vmem>>) target_semaphore(%arg10 : memref<!tpu.dma_semaphore, #tpu.memory_space<semaphore_mem>>)
    %slice3A_447 = vector.extract_strided_slice %get3A_276 {offsets = [10], sizes = [1], strides = [1]} : vector<16xi32> to vector<1xi32>
    %squeeze3A_448 = vector.extract %slice3A_447[0] : i32 from vector<1xi32>
    %shift_right_arithmetic3A_449 = arith.constant 3 : i32
    %shift_right_arithmetic3A_450 = arith.shrsi %squeeze3A_448, %shift_right_arithmetic3A_449 : i32
    %mul3A_451 = arith.constant 8 : i32
    %mul3A_452 = arith.muli %shift_right_arithmetic3A_450, %mul3A_451 : i32
    %multiple_of3A_453 = tpu.assume_multiple %mul3A_452, 8 : i32
    %dma_start3A_454 = arith.constant 80 : i32
    %dma_start3A_455 = arith.constant 0 : i32
    %dma_start3A_456 = tpu.memref_slice %arg7[%dma_start3A_454, %dma_start3A_455] : memref<128x64xf32, #tpu.memory_space<vmem>> -> memref<8x64xf32, #tpu.memory_space<vmem>>
    %dma_start3A_457 = arith.constant 0 : i32
    %dma_start3A_458 = tpu.memref_slice %arg3[%multiple_of3A_453, %dma_start3A_457] : memref<1000000x64xf32, #tpu.memory_space<hbm>> -> memref<8x64xf32, #tpu.memory_space<hbm>>
    %dma_start3A_459 = arith.constant 80 : i32
    %dma_start3A_460 = arith.constant 0 : i32
    %dma_start3A_461 = tpu.memref_slice %arg7[%dma_start3A_459, %dma_start3A_460] : memref<128x64xf32, #tpu.memory_space<vmem>> -> memref<8x64xf32, #tpu.memory_space<vmem>>
    %dma_start3A_462 = arith.constant 0 : i32
    %dma_start3A_463 = tpu.memref_slice %arg3[%multiple_of3A_453, %dma_start3A_462] : memref<1000000x64xf32, #tpu.memory_space<hbm>> -> memref<8x64xf32, #tpu.memory_space<hbm>>
    tpu.enqueue_dma source(%dma_start3A_463 : memref<8x64xf32, #tpu.memory_space<hbm>>) target(%dma_start3A_461 : memref<8x64xf32, #tpu.memory_space<vmem>>) target_semaphore(%arg10 : memref<!tpu.dma_semaphore, #tpu.memory_space<semaphore_mem>>)
    %slice3A_464 = vector.extract_strided_slice %get3A_276 {offsets = [11], sizes = [1], strides = [1]} : vector<16xi32> to vector<1xi32>
    %squeeze3A_465 = vector.extract %slice3A_464[0] : i32 from vector<1xi32>
    %shift_right_arithmetic3A_466 = arith.constant 3 : i32
    %shift_right_arithmetic3A_467 = arith.shrsi %squeeze3A_465, %shift_right_arithmetic3A_466 : i32
    %mul3A_468 = arith.constant 8 : i32
    %mul3A_469 = arith.muli %shift_right_arithmetic3A_467, %mul3A_468 : i32
    %multiple_of3A_470 = tpu.assume_multiple %mul3A_469, 8 : i32
    %dma_start3A_471 = arith.constant 88 : i32
    %dma_start3A_472 = arith.constant 0 : i32
    %dma_start3A_473 = tpu.memref_slice %arg7[%dma_start3A_471, %dma_start3A_472] : memref<128x64xf32, #tpu.memory_space<vmem>> -> memref<8x64xf32, #tpu.memory_space<vmem>>
    %dma_start3A_474 = arith.constant 0 : i32
    %dma_start3A_475 = tpu.memref_slice %arg3[%multiple_of3A_470, %dma_start3A_474] : memref<1000000x64xf32, #tpu.memory_space<hbm>> -> memref<8x64xf32, #tpu.memory_space<hbm>>
    %dma_start3A_476 = arith.constant 88 : i32
    %dma_start3A_477 = arith.constant 0 : i32
    %dma_start3A_478 = tpu.memref_slice %arg7[%dma_start3A_476, %dma_start3A_477] : memref<128x64xf32, #tpu.memory_space<vmem>> -> memref<8x64xf32, #tpu.memory_space<vmem>>
    %dma_start3A_479 = arith.constant 0 : i32
    %dma_start3A_480 = tpu.memref_slice %arg3[%multiple_of3A_470, %dma_start3A_479] : memref<1000000x64xf32, #tpu.memory_space<hbm>> -> memref<8x64xf32, #tpu.memory_space<hbm>>
    tpu.enqueue_dma source(%dma_start3A_480 : memref<8x64xf32, #tpu.memory_space<hbm>>) target(%dma_start3A_478 : memref<8x64xf32, #tpu.memory_space<vmem>>) target_semaphore(%arg10 : memref<!tpu.dma_semaphore, #tpu.memory_space<semaphore_mem>>)
    %slice3A_481 = vector.extract_strided_slice %get3A_276 {offsets = [12], sizes = [1], strides = [1]} : vector<16xi32> to vector<1xi32>
    %squeeze3A_482 = vector.extract %slice3A_481[0] : i32 from vector<1xi32>
    %shift_right_arithmetic3A_483 = arith.constant 3 : i32
    %shift_right_arithmetic3A_484 = arith.shrsi %squeeze3A_482, %shift_right_arithmetic3A_483 : i32
    %mul3A_485 = arith.constant 8 : i32
    %mul3A_486 = arith.muli %shift_right_arithmetic3A_484, %mul3A_485 : i32
    %multiple_of3A_487 = tpu.assume_multiple %mul3A_486, 8 : i32
    %dma_start3A_488 = arith.constant 96 : i32
    %dma_start3A_489 = arith.constant 0 : i32
    %dma_start3A_490 = tpu.memref_slice %arg7[%dma_start3A_488, %dma_start3A_489] : memref<128x64xf32, #tpu.memory_space<vmem>> -> memref<8x64xf32, #tpu.memory_space<vmem>>
    %dma_start3A_491 = arith.constant 0 : i32
    %dma_start3A_492 = tpu.memref_slice %arg3[%multiple_of3A_487, %dma_start3A_491] : memref<1000000x64xf32, #tpu.memory_space<hbm>> -> memref<8x64xf32, #tpu.memory_space<hbm>>
    %dma_start3A_493 = arith.constant 96 : i32
    %dma_start3A_494 = arith.constant 0 : i32
    %dma_start3A_495 = tpu.memref_slice %arg7[%dma_start3A_493, %dma_start3A_494] : memref<128x64xf32, #tpu.memory_space<vmem>> -> memref<8x64xf32, #tpu.memory_space<vmem>>
    %dma_start3A_496 = arith.constant 0 : i32
    %dma_start3A_497 = tpu.memref_slice %arg3[%multiple_of3A_487, %dma_start3A_496] : memref<1000000x64xf32, #tpu.memory_space<hbm>> -> memref<8x64xf32, #tpu.memory_space<hbm>>
    tpu.enqueue_dma source(%dma_start3A_497 : memref<8x64xf32, #tpu.memory_space<hbm>>) target(%dma_start3A_495 : memref<8x64xf32, #tpu.memory_space<vmem>>) target_semaphore(%arg10 : memref<!tpu.dma_semaphore, #tpu.memory_space<semaphore_mem>>)
    %slice3A_498 = vector.extract_strided_slice %get3A_276 {offsets = [13], sizes = [1], strides = [1]} : vector<16xi32> to vector<1xi32>
    %squeeze3A_499 = vector.extract %slice3A_498[0] : i32 from vector<1xi32>
    %shift_right_arithmetic3A_500 = arith.constant 3 : i32
    %shift_right_arithmetic3A_501 = arith.shrsi %squeeze3A_499, %shift_right_arithmetic3A_500 : i32
    %mul3A_502 = arith.constant 8 : i32
    %mul3A_503 = arith.muli %shift_right_arithmetic3A_501, %mul3A_502 : i32
    %multiple_of3A_504 = tpu.assume_multiple %mul3A_503, 8 : i32
    %dma_start3A_505 = arith.constant 104 : i32
    %dma_start3A_506 = arith.constant 0 : i32
    %dma_start3A_507 = tpu.memref_slice %arg7[%dma_start3A_505, %dma_start3A_506] : memref<128x64xf32, #tpu.memory_space<vmem>> -> memref<8x64xf32, #tpu.memory_space<vmem>>
    %dma_start3A_508 = arith.constant 0 : i32
    %dma_start3A_509 = tpu.memref_slice %arg3[%multiple_of3A_504, %dma_start3A_508] : memref<1000000x64xf32, #tpu.memory_space<hbm>> -> memref<8x64xf32, #tpu.memory_space<hbm>>
    %dma_start3A_510 = arith.constant 104 : i32
    %dma_start3A_511 = arith.constant 0 : i32
    %dma_start3A_512 = tpu.memref_slice %arg7[%dma_start3A_510, %dma_start3A_511] : memref<128x64xf32, #tpu.memory_space<vmem>> -> memref<8x64xf32, #tpu.memory_space<vmem>>
    %dma_start3A_513 = arith.constant 0 : i32
    %dma_start3A_514 = tpu.memref_slice %arg3[%multiple_of3A_504, %dma_start3A_513] : memref<1000000x64xf32, #tpu.memory_space<hbm>> -> memref<8x64xf32, #tpu.memory_space<hbm>>
    tpu.enqueue_dma source(%dma_start3A_514 : memref<8x64xf32, #tpu.memory_space<hbm>>) target(%dma_start3A_512 : memref<8x64xf32, #tpu.memory_space<vmem>>) target_semaphore(%arg10 : memref<!tpu.dma_semaphore, #tpu.memory_space<semaphore_mem>>)
    %slice3A_515 = vector.extract_strided_slice %get3A_276 {offsets = [14], sizes = [1], strides = [1]} : vector<16xi32> to vector<1xi32>
    %squeeze3A_516 = vector.extract %slice3A_515[0] : i32 from vector<1xi32>
    %shift_right_arithmetic3A_517 = arith.constant 3 : i32
    %shift_right_arithmetic3A_518 = arith.shrsi %squeeze3A_516, %shift_right_arithmetic3A_517 : i32
    %mul3A_519 = arith.constant 8 : i32
    %mul3A_520 = arith.muli %shift_right_arithmetic3A_518, %mul3A_519 : i32
    %multiple_of3A_521 = tpu.assume_multiple %mul3A_520, 8 : i32
    %dma_start3A_522 = arith.constant 112 : i32
    %dma_start3A_523 = arith.constant 0 : i32
    %dma_start3A_524 = tpu.memref_slice %arg7[%dma_start3A_522, %dma_start3A_523] : memref<128x64xf32, #tpu.memory_space<vmem>> -> memref<8x64xf32, #tpu.memory_space<vmem>>
    %dma_start3A_525 = arith.constant 0 : i32
    %dma_start3A_526 = tpu.memref_slice %arg3[%multiple_of3A_521, %dma_start3A_525] : memref<1000000x64xf32, #tpu.memory_space<hbm>> -> memref<8x64xf32, #tpu.memory_space<hbm>>
    %dma_start3A_527 = arith.constant 112 : i32
    %dma_start3A_528 = arith.constant 0 : i32
    %dma_start3A_529 = tpu.memref_slice %arg7[%dma_start3A_527, %dma_start3A_528] : memref<128x64xf32, #tpu.memory_space<vmem>> -> memref<8x64xf32, #tpu.memory_space<vmem>>
    %dma_start3A_530 = arith.constant 0 : i32
    %dma_start3A_531 = tpu.memref_slice %arg3[%multiple_of3A_521, %dma_start3A_530] : memref<1000000x64xf32, #tpu.memory_space<hbm>> -> memref<8x64xf32, #tpu.memory_space<hbm>>
    tpu.enqueue_dma source(%dma_start3A_531 : memref<8x64xf32, #tpu.memory_space<hbm>>) target(%dma_start3A_529 : memref<8x64xf32, #tpu.memory_space<vmem>>) target_semaphore(%arg10 : memref<!tpu.dma_semaphore, #tpu.memory_space<semaphore_mem>>)
    %slice3A_532 = vector.extract_strided_slice %get3A_276 {offsets = [15], sizes = [1], strides = [1]} : vector<16xi32> to vector<1xi32>
    %squeeze3A_533 = vector.extract %slice3A_532[0] : i32 from vector<1xi32>
    %shift_right_arithmetic3A_534 = arith.constant 3 : i32
    %shift_right_arithmetic3A_535 = arith.shrsi %squeeze3A_533, %shift_right_arithmetic3A_534 : i32
    %mul3A_536 = arith.constant 8 : i32
    %mul3A_537 = arith.muli %shift_right_arithmetic3A_535, %mul3A_536 : i32
    %multiple_of3A_538 = tpu.assume_multiple %mul3A_537, 8 : i32
    %dma_start3A_539 = arith.constant 120 : i32
    %dma_start3A_540 = arith.constant 0 : i32
    %dma_start3A_541 = tpu.memref_slice %arg7[%dma_start3A_539, %dma_start3A_540] : memref<128x64xf32, #tpu.memory_space<vmem>> -> memref<8x64xf32, #tpu.memory_space<vmem>>
    %dma_start3A_542 = arith.constant 0 : i32
    %dma_start3A_543 = tpu.memref_slice %arg3[%multiple_of3A_538, %dma_start3A_542] : memref<1000000x64xf32, #tpu.memory_space<hbm>> -> memref<8x64xf32, #tpu.memory_space<hbm>>
    %dma_start3A_544 = arith.constant 120 : i32
    %dma_start3A_545 = arith.constant 0 : i32
    %dma_start3A_546 = tpu.memref_slice %arg7[%dma_start3A_544, %dma_start3A_545] : memref<128x64xf32, #tpu.memory_space<vmem>> -> memref<8x64xf32, #tpu.memory_space<vmem>>
    %dma_start3A_547 = arith.constant 0 : i32
    %dma_start3A_548 = tpu.memref_slice %arg3[%multiple_of3A_538, %dma_start3A_547] : memref<1000000x64xf32, #tpu.memory_space<hbm>> -> memref<8x64xf32, #tpu.memory_space<hbm>>
    tpu.enqueue_dma source(%dma_start3A_548 : memref<8x64xf32, #tpu.memory_space<hbm>>) target(%dma_start3A_546 : memref<8x64xf32, #tpu.memory_space<vmem>>) target_semaphore(%arg10 : memref<!tpu.dma_semaphore, #tpu.memory_space<semaphore_mem>>)
    %dma_wait3A = arith.constant 0 : i32
    %dma_wait3A_549 = arith.constant 0 : i32
    %dma_wait3A_550 = tpu.memref_slice %arg3[%dma_wait3A, %dma_wait3A_549] : memref<1000000x64xf32, #tpu.memory_space<hbm>> -> memref<128x64xf32, #tpu.memory_space<hbm>>
    %dma_wait3A_551 = arith.constant 0 : i32
    %dma_wait3A_552 = arith.constant 0 : i32
    %dma_wait3A_553 = tpu.memref_slice %arg3[%dma_wait3A_551, %dma_wait3A_552] : memref<1000000x64xf32, #tpu.memory_space<hbm>> -> memref<128x64xf32, #tpu.memory_space<hbm>>
    tpu.wait_dma2 semaphore(%arg9 : memref<!tpu.dma_semaphore, #tpu.memory_space<semaphore_mem>>) src(%dma_wait3A_553 : memref<128x64xf32, #tpu.memory_space<hbm>>) dst(%arg6 : memref<128x64xf32, #tpu.memory_space<vmem>>)
    %get3A_554 = arith.constant 480 : index
    %get3A_555 = tpu.vector_load %arg5[%get3A_554] {strides = array<i32>} : memref<512xi32, #tpu.memory_space<vmem>>, vector<16xi32>,
    %broadcast_in_dim3A = arith.constant 0 : i32
    %broadcast_in_dim3A_556 = vector.broadcast %broadcast_in_dim3A : i32 to vector<16xi32>
    %slice3A_557 = vector.extract_strided_slice %get3A_555 {offsets = [0], sizes = [1], strides = [1]} : vector<16xi32> to vector<1xi32>
    %squeeze3A_558 = vector.extract %slice3A_557[0] : i32 from vector<1xi32>
    %and3A = arith.constant 7 : i32
    %and3A_559 = arith.andi %squeeze3A_558, %and3A : i32
    %add3A_560 = vector.broadcast %and3A_559 : i32 to vector<16xi32>
    %add3A_561 = arith.addi %broadcast_in_dim3A_556, %add3A_560 : vector<16xi32>
    %broadcast_in_dim3A_562 = arith.constant 480 : i32
    %broadcast_in_dim3A_563 = vector.broadcast %broadcast_in_dim3A_562 : i32 to vector<16xi32>
    %add3A_564 = arith.constant 0 : i32
    %add3A_565 = vector.broadcast %add3A_564 : i32 to vector<16xi32>
    %add3A_566 = arith.addi %add3A_565, %iota3A : vector<16xi32>
    %gather3A = tpu.vector_load_idx %arg6[%add3A_561, %add3A_566] : memref<128x64xf32, #tpu.memory_space<vmem>>[vector<16xi32>, vector<16xi32>], vector<16xf32>,
    %add3A_567 = arith.constant 0 : i32
    %add3A_568 = vector.broadcast %add3A_567 : i32 to vector<16xi32>
    %add3A_569 = arith.addi %add3A_568, %iota3A : vector<16xi32>
    tpu.vector_store_idx %arg8[%broadcast_in_dim3A_563, %add3A_569], %gather3A : memref<512x64xf32, #tpu.memory_space<vmem>>[vector<16xi32>, vector<16xi32>], vector<16xf32>,
    %add3A_570 = arith.constant 16 : i32
    %add3A_571 = vector.broadcast %add3A_570 : i32 to vector<16xi32>
    %add3A_572 = arith.addi %add3A_571, %iota3A : vector<16xi32>
    %gather3A_573 = tpu.vector_load_idx %arg6[%add3A_561, %add3A_572] : memref<128x64xf32, #tpu.memory_space<vmem>>[vector<16xi32>, vector<16xi32>], vector<16xf32>,
    %add3A_574 = arith.constant 16 : i32
    %add3A_575 = vector.broadcast %add3A_574 : i32 to vector<16xi32>
    %add3A_576 = arith.addi %add3A_575, %iota3A : vector<16xi32>
    tpu.vector_store_idx %arg8[%broadcast_in_dim3A_563, %add3A_576], %gather3A_573 : memref<512x64xf32, #tpu.memory_space<vmem>>[vector<16xi32>, vector<16xi32>], vector<16xf32>,
    %add3A_577 = arith.constant 32 : i32
    %add3A_578 = vector.broadcast %add3A_577 : i32 to vector<16xi32>
    %add3A_579 = arith.addi %add3A_578, %iota3A : vector<16xi32>
    %gather3A_580 = tpu.vector_load_idx %arg6[%add3A_561, %add3A_579] : memref<128x64xf32, #tpu.memory_space<vmem>>[vector<16xi32>, vector<16xi32>], vector<16xf32>,
    %add3A_581 = arith.constant 32 : i32
    %add3A_582 = vector.broadcast %add3A_581 : i32 to vector<16xi32>
    %add3A_583 = arith.addi %add3A_582, %iota3A : vector<16xi32>
    tpu.vector_store_idx %arg8[%broadcast_in_dim3A_563, %add3A_583], %gather3A_580 : memref<512x64xf32, #tpu.memory_space<vmem>>[vector<16xi32>, vector<16xi32>], vector<16xf32>,
    %add3A_584 = arith.constant 48 : i32
    %add3A_585 = vector.broadcast %add3A_584 : i32 to vector<16xi32>
    %add3A_586 = arith.addi %add3A_585, %iota3A : vector<16xi32>
    %gather3A_587 = tpu.vector_load_idx %arg6[%add3A_561, %add3A_586] : memref<128x64xf32, #tpu.memory_space<vmem>>[vector<16xi32>, vector<16xi32>], vector<16xf32>,
    %add3A_588 = arith.constant 48 : i32
    %add3A_589 = vector.broadcast %add3A_588 : i32 to vector<16xi32>
    %add3A_590 = arith.addi %add3A_589, %iota3A : vector<16xi32>
    tpu.vector_store_idx %arg8[%broadcast_in_dim3A_563, %add3A_590], %gather3A_587 : memref<512x64xf32, #tpu.memory_space<vmem>>[vector<16xi32>, vector<16xi32>], vector<16xf32>,
    %broadcast_in_dim3A_591 = arith.constant 8 : i32
    %broadcast_in_dim3A_592 = vector.broadcast %broadcast_in_dim3A_591 : i32 to vector<16xi32>
    %slice3A_593 = vector.extract_strided_slice %get3A_555 {offsets = [1], sizes = [1], strides = [1]} : vector<16xi32> to vector<1xi32>
    %squeeze3A_594 = vector.extract %slice3A_593[0] : i32 from vector<1xi32>
    %and3A_595 = arith.constant 7 : i32
    %and3A_596 = arith.andi %squeeze3A_594, %and3A_595 : i32
    %add3A_597 = vector.broadcast %and3A_596 : i32 to vector<16xi32>
    %add3A_598 = arith.addi %broadcast_in_dim3A_592, %add3A_597 : vector<16xi32>
    %broadcast_in_dim3A_599 = arith.constant 481 : i32
    %broadcast_in_dim3A_600 = vector.broadcast %broadcast_in_dim3A_599 : i32 to vector<16xi32>
    %add3A_601 = arith.constant 0 : i32
    %add3A_602 = vector.broadcast %add3A_601 : i32 to vector<16xi32>
    %add3A_603 = arith.addi %add3A_602, %iota3A : vector<16xi32>
    %gather3A_604 = tpu.vector_load_idx %arg6[%add3A_598, %add3A_603] : memref<128x64xf32, #tpu.memory_space<vmem>>[vector<16xi32>, vector<16xi32>], vector<16xf32>,
    %add3A_605 = arith.constant 0 : i32
    %add3A_606 = vector.broadcast %add3A_605 : i32 to vector<16xi32>
    %add3A_607 = arith.addi %add3A_606, %iota3A : vector<16xi32>
    tpu.vector_store_idx %arg8[%broadcast_in_dim3A_600, %add3A_607], %gather3A_604 : memref<512x64xf32, #tpu.memory_space<vmem>>[vector<16xi32>, vector<16xi32>], vector<16xf32>,
    %add3A_608 = arith.constant 16 : i32
    %add3A_609 = vector.broadcast %add3A_608 : i32 to vector<16xi32>
    %add3A_610 = arith.addi %add3A_609, %iota3A : vector<16xi32>
    %gather3A_611 = tpu.vector_load_idx %arg6[%add3A_598, %add3A_610] : memref<128x64xf32, #tpu.memory_space<vmem>>[vector<16xi32>, vector<16xi32>], vector<16xf32>,
    %add3A_612 = arith.constant 16 : i32
    %add3A_613 = vector.broadcast %add3A_612 : i32 to vector<16xi32>
    %add3A_614 = arith.addi %add3A_613, %iota3A : vector<16xi32>
    tpu.vector_store_idx %arg8[%broadcast_in_dim3A_600, %add3A_614], %gather3A_611 : memref<512x64xf32, #tpu.memory_space<vmem>>[vector<16xi32>, vector<16xi32>], vector<16xf32>,
    %add3A_615 = arith.constant 32 : i32
    %add3A_616 = vector.broadcast %add3A_615 : i32 to vector<16xi32>
    %add3A_617 = arith.addi %add3A_616, %iota3A : vector<16xi32>
    %gather3A_618 = tpu.vector_load_idx %arg6[%add3A_598, %add3A_617] : memref<128x64xf32, #tpu.memory_space<vmem>>[vector<16xi32>, vector<16xi32>], vector<16xf32>,
    %add3A_619 = arith.constant 32 : i32
    %add3A_620 = vector.broadcast %add3A_619 : i32 to vector<16xi32>
    %add3A_621 = arith.addi %add3A_620, %iota3A : vector<16xi32>
    tpu.vector_store_idx %arg8[%broadcast_in_dim3A_600, %add3A_621], %gather3A_618 : memref<512x64xf32, #tpu.memory_space<vmem>>[vector<16xi32>, vector<16xi32>], vector<16xf32>,
    %add3A_622 = arith.constant 48 : i32
    %add3A_623 = vector.broadcast %add3A_622 : i32 to vector<16xi32>
    %add3A_624 = arith.addi %add3A_623, %iota3A : vector<16xi32>
    %gather3A_625 = tpu.vector_load_idx %arg6[%add3A_598, %add3A_624] : memref<128x64xf32, #tpu.memory_space<vmem>>[vector<16xi32>, vector<16xi32>], vector<16xf32>,
    %add3A_626 = arith.constant 48 : i32
    %add3A_627 = vector.broadcast %add3A_626 : i32 to vector<16xi32>
    %add3A_628 = arith.addi %add3A_627, %iota3A : vector<16xi32>
    tpu.vector_store_idx %arg8[%broadcast_in_dim3A_600, %add3A_628], %gather3A_625 : memref<512x64xf32, #tpu.memory_space<vmem>>[vector<16xi32>, vector<16xi32>], vector<16xf32>,
    %broadcast_in_dim3A_629 = arith.constant 16 : i32
    %broadcast_in_dim3A_630 = vector.broadcast %broadcast_in_dim3A_629 : i32 to vector<16xi32>
    %slice3A_631 = vector.extract_strided_slice %get3A_555 {offsets = [2], sizes = [1], strides = [1]} : vector<16xi32> to vector<1xi32>
    %squeeze3A_632 = vector.extract %slice3A_631[0] : i32 from vector<1xi32>
    %and3A_633 = arith.constant 7 : i32
    %and3A_634 = arith.andi %squeeze3A_632, %and3A_633 : i32
    %add3A_635 = vector.broadcast %and3A_634 : i32 to vector<16xi32>
    %add3A_636 = arith.addi %broadcast_in_dim3A_630, %add3A_635 : vector<16xi32>
    %broadcast_in_dim3A_637 = arith.constant 482 : i32
    %broadcast_in_dim3A_638 = vector.broadcast %broadcast_in_dim3A_637 : i32 to vector<16xi32>
    %add3A_639 = arith.constant 0 : i32
    %add3A_640 = vector.broadcast %add3A_639 : i32 to vector<16xi32>
    %add3A_641 = arith.addi %add3A_640, %iota3A : vector<16xi32>
    %gather3A_642 = tpu.vector_load_idx %arg6[%add3A_636, %add3A_641] : memref<128x64xf32, #tpu.memory_space<vmem>>[vector<16xi32>, vector<16xi32>], vector<16xf32>,
    %add3A_643 = arith.constant 0 : i32
    %add3A_644 = vector.broadcast %add3A_643 : i32 to vector<16xi32>
    %add3A_645 = arith.addi %add3A_644, %iota3A : vector<16xi32>
    tpu.vector_store_idx %arg8[%broadcast_in_dim3A_638, %add3A_645], %gather3A_642 : memref<512x64xf32, #tpu.memory_space<vmem>>[vector<16xi32>, vector<16xi32>], vector<16xf32>,
    %add3A_646 = arith.constant 16 : i32
    %add3A_647 = vector.broadcast %add3A_646 : i32 to vector<16xi32>
    %add3A_648 = arith.addi %add3A_647, %iota3A : vector<16xi32>
    %gather3A_649 = tpu.vector_load_idx %arg6[%add3A_636, %add3A_648] : memref<128x64xf32, #tpu.memory_space<vmem>>[vector<16xi32>, vector<16xi32>], vector<16xf32>,
    %add3A_650 = arith.constant 16 : i32
    %add3A_651 = vector.broadcast %add3A_650 : i32 to vector<16xi32>
    %add3A_652 = arith.addi %add3A_651, %iota3A : vector<16xi32>
    tpu.vector_store_idx %arg8[%broadcast_in_dim3A_638, %add3A_652], %gather3A_649 : memref<512x64xf32, #tpu.memory_space<vmem>>[vector<16xi32>, vector<16xi32>], vector<16xf32>,
    %add3A_653 = arith.constant 32 : i32
    %add3A_654 = vector.broadcast %add3A_653 : i32 to vector<16xi32>
    %add3A_655 = arith.addi %add3A_654, %iota3A : vector<16xi32>
    %gather3A_656 = tpu.vector_load_idx %arg6[%add3A_636, %add3A_655] : memref<128x64xf32, #tpu.memory_space<vmem>>[vector<16xi32>, vector<16xi32>], vector<16xf32>,
    %add3A_657 = arith.constant 32 : i32
    %add3A_658 = vector.broadcast %add3A_657 : i32 to vector<16xi32>
    %add3A_659 = arith.addi %add3A_658, %iota3A : vector<16xi32>
    tpu.vector_store_idx %arg8[%broadcast_in_dim3A_638, %add3A_659], %gather3A_656 : memref<512x64xf32, #tpu.memory_space<vmem>>[vector<16xi32>, vector<16xi32>], vector<16xf32>,
    %add3A_660 = arith.constant 48 : i32
    %add3A_661 = vector.broadcast %add3A_660 : i32 to vector<16xi32>
    %add3A_662 = arith.addi %add3A_661, %iota3A : vector<16xi32>
    %gather3A_663 = tpu.vector_load_idx %arg6[%add3A_636, %add3A_662] : memref<128x64xf32, #tpu.memory_space<vmem>>[vector<16xi32>, vector<16xi32>], vector<16xf32>,
    %add3A_664 = arith.constant 48 : i32
    %add3A_665 = vector.broadcast %add3A_664 : i32 to vector<16xi32>
    %add3A_666 = arith.addi %add3A_665, %iota3A : vector<16xi32>
    tpu.vector_store_idx %arg8[%broadcast_in_dim3A_638, %add3A_666], %gather3A_663 : memref<512x64xf32, #tpu.memory_space<vmem>>[vector<16xi32>, vector<16xi32>], vector<16xf32>,
    %broadcast_in_dim3A_667 = arith.constant 24 : i32
    %broadcast_in_dim3A_668 = vector.broadcast %broadcast_in_dim3A_667 : i32 to vector<16xi32>
    %slice3A_669 = vector.extract_strided_slice %get3A_555 {offsets = [3], sizes = [1], strides = [1]} : vector<16xi32> to vector<1xi32>
    %squeeze3A_670 = vector.extract %slice3A_669[0] : i32 from vector<1xi32>
    %and3A_671 = arith.constant 7 : i32
    %and3A_672 = arith.andi %squeeze3A_670, %and3A_671 : i32
    %add3A_673 = vector.broadcast %and3A_672 : i32 to vector<16xi32>
    %add3A_674 = arith.addi %broadcast_in_dim3A_668, %add3A_673 : vector<16xi32>
    %broadcast_in_dim3A_675 = arith.constant 483 : i32
    %broadcast_in_dim3A_676 = vector.broadcast %broadcast_in_dim3A_675 : i32 to vector<16xi32>
    %add3A_677 = arith.constant 0 : i32
    %add3A_678 = vector.broadcast %add3A_677 : i32 to vector<16xi32>
    %add3A_679 = arith.addi %add3A_678, %iota3A : vector<16xi32>
    %gather3A_680 = tpu.vector_load_idx %arg6[%add3A_674, %add3A_679] : memref<128x64xf32, #tpu.memory_space<vmem>>[vector<16xi32>, vector<16xi32>], vector<16xf32>,
    %add3A_681 = arith.constant 0 : i32
    %add3A_682 = vector.broadcast %add3A_681 : i32 to vector<16xi32>
    %add3A_683 = arith.addi %add3A_682, %iota3A : vector<16xi32>
    tpu.vector_store_idx %arg8[%broadcast_in_dim3A_676, %add3A_683], %gather3A_680 : memref<512x64xf32, #tpu.memory_space<vmem>>[vector<16xi32>, vector<16xi32>], vector<16xf32>,
    %add3A_684 = arith.constant 16 : i32
    %add3A_685 = vector.broadcast %add3A_684 : i32 to vector<16xi32>
    %add3A_686 = arith.addi %add3A_685, %iota3A : vector<16xi32>
    %gather3A_687 = tpu.vector_load_idx %arg6[%add3A_674, %add3A_686] : memref<128x64xf32, #tpu.memory_space<vmem>>[vector<16xi32>, vector<16xi32>], vector<16xf32>,
    %add3A_688 = arith.constant 16 : i32
    %add3A_689 = vector.broadcast %add3A_688 : i32 to vector<16xi32>
    %add3A_690 = arith.addi %add3A_689, %iota3A : vector<16xi32>
    tpu.vector_store_idx %arg8[%broadcast_in_dim3A_676, %add3A_690], %gather3A_687 : memref<512x64xf32, #tpu.memory_space<vmem>>[vector<16xi32>, vector<16xi32>], vector<16xf32>,
    %add3A_691 = arith.constant 32 : i32
    %add3A_692 = vector.broadcast %add3A_691 : i32 to vector<16xi32>
    %add3A_693 = arith.addi %add3A_692, %iota3A : vector<16xi32>
    %gather3A_694 = tpu.vector_load_idx %arg6[%add3A_674, %add3A_693] : memref<128x64xf32, #tpu.memory_space<vmem>>[vector<16xi32>, vector<16xi32>], vector<16xf32>,
    %add3A_695 = arith.constant 32 : i32
    %add3A_696 = vector.broadcast %add3A_695 : i32 to vector<16xi32>
    %add3A_697 = arith.addi %add3A_696, %iota3A : vector<16xi32>
    tpu.vector_store_idx %arg8[%broadcast_in_dim3A_676, %add3A_697], %gather3A_694 : memref<512x64xf32, #tpu.memory_space<vmem>>[vector<16xi32>, vector<16xi32>], vector<16xf32>,
    %add3A_698 = arith.constant 48 : i32
    %add3A_699 = vector.broadcast %add3A_698 : i32 to vector<16xi32>
    %add3A_700 = arith.addi %add3A_699, %iota3A : vector<16xi32>
    %gather3A_701 = tpu.vector_load_idx %arg6[%add3A_674, %add3A_700] : memref<128x64xf32, #tpu.memory_space<vmem>>[vector<16xi32>, vector<16xi32>], vector<16xf32>,
    %add3A_702 = arith.constant 48 : i32
    %add3A_703 = vector.broadcast %add3A_702 : i32 to vector<16xi32>
    %add3A_704 = arith.addi %add3A_703, %iota3A : vector<16xi32>
    tpu.vector_store_idx %arg8[%broadcast_in_dim3A_676, %add3A_704], %gather3A_701 : memref<512x64xf32, #tpu.memory_space<vmem>>[vector<16xi32>, vector<16xi32>], vector<16xf32>,
    %broadcast_in_dim3A_705 = arith.constant 32 : i32
    %broadcast_in_dim3A_706 = vector.broadcast %broadcast_in_dim3A_705 : i32 to vector<16xi32>
    %slice3A_707 = vector.extract_strided_slice %get3A_555 {offsets = [4], sizes = [1], strides = [1]} : vector<16xi32> to vector<1xi32>
    %squeeze3A_708 = vector.extract %slice3A_707[0] : i32 from vector<1xi32>
    %and3A_709 = arith.constant 7 : i32
    %and3A_710 = arith.andi %squeeze3A_708, %and3A_709 : i32
    %add3A_711 = vector.broadcast %and3A_710 : i32 to vector<16xi32>
    %add3A_712 = arith.addi %broadcast_in_dim3A_706, %add3A_711 : vector<16xi32>
    %broadcast_in_dim3A_713 = arith.constant 484 : i32
    %broadcast_in_dim3A_714 = vector.broadcast %broadcast_in_dim3A_713 : i32 to vector<16xi32>
    %add3A_715 = arith.constant 0 : i32
    %add3A_716 = vector.broadcast %add3A_715 : i32 to vector<16xi32>
    %add3A_717 = arith.addi %add3A_716, %iota3A : vector<16xi32>
    %gather3A_718 = tpu.vector_load_idx %arg6[%add3A_712, %add3A_717] : memref<128x64xf32, #tpu.memory_space<vmem>>[vector<16xi32>, vector<16xi32>], vector<16xf32>,
    %add3A_719 = arith.constant 0 : i32
    %add3A_720 = vector.broadcast %add3A_719 : i32 to vector<16xi32>
    %add3A_721 = arith.addi %add3A_720, %iota3A : vector<16xi32>
    tpu.vector_store_idx %arg8[%broadcast_in_dim3A_714, %add3A_721], %gather3A_718 : memref<512x64xf32, #tpu.memory_space<vmem>>[vector<16xi32>, vector<16xi32>], vector<16xf32>,
    %add3A_722 = arith.constant 16 : i32
    %add3A_723 = vector.broadcast %add3A_722 : i32 to vector<16xi32>
    %add3A_724 = arith.addi %add3A_723, %iota3A : vector<16xi32>
    %gather3A_725 = tpu.vector_load_idx %arg6[%add3A_712, %add3A_724] : memref<128x64xf32, #tpu.memory_space<vmem>>[vector<16xi32>, vector<16xi32>], vector<16xf32>,
    %add3A_726 = arith.constant 16 : i32
    %add3A_727 = vector.broadcast %add3A_726 : i32 to vector<16xi32>
    %add3A_728 = arith.addi %add3A_727, %iota3A : vector<16xi32>
    tpu.vector_store_idx %arg8[%broadcast_in_dim3A_714, %add3A_728], %gather3A_725 : memref<512x64xf32, #tpu.memory_space<vmem>>[vector<16xi32>, vector<16xi32>], vector<16xf32>,
    %add3A_729 = arith.constant 32 : i32
    %add3A_730 = vector.broadcast %add3A_729 : i32 to vector<16xi32>
    %add3A_731 = arith.addi %add3A_730, %iota3A : vector<16xi32>
    %gather3A_732 = tpu.vector_load_idx %arg6[%add3A_712, %add3A_731] : memref<128x64xf32, #tpu.memory_space<vmem>>[vector<16xi32>, vector<16xi32>], vector<16xf32>,
    %add3A_733 = arith.constant 32 : i32
    %add3A_734 = vector.broadcast %add3A_733 : i32 to vector<16xi32>
    %add3A_735 = arith.addi %add3A_734, %iota3A : vector<16xi32>
    tpu.vector_store_idx %arg8[%broadcast_in_dim3A_714, %add3A_735], %gather3A_732 : memref<512x64xf32, #tpu.memory_space<vmem>>[vector<16xi32>, vector<16xi32>], vector<16xf32>,
    %add3A_736 = arith.constant 48 : i32
    %add3A_737 = vector.broadcast %add3A_736 : i32 to vector<16xi32>
    %add3A_738 = arith.addi %add3A_737, %iota3A : vector<16xi32>
    %gather3A_739 = tpu.vector_load_idx %arg6[%add3A_712, %add3A_738] : memref<128x64xf32, #tpu.memory_space<vmem>>[vector<16xi32>, vector<16xi32>], vector<16xf32>,
    %add3A_740 = arith.constant 48 : i32
    %add3A_741 = vector.broadcast %add3A_740 : i32 to vector<16xi32>
    %add3A_742 = arith.addi %add3A_741, %iota3A : vector<16xi32>
    tpu.vector_store_idx %arg8[%broadcast_in_dim3A_714, %add3A_742], %gather3A_739 : memref<512x64xf32, #tpu.memory_space<vmem>>[vector<16xi32>, vector<16xi32>], vector<16xf32>,
    %broadcast_in_dim3A_743 = arith.constant 40 : i32
    %broadcast_in_dim3A_744 = vector.broadcast %broadcast_in_dim3A_743 : i32 to vector<16xi32>
    %slice3A_745 = vector.extract_strided_slice %get3A_555 {offsets = [5], sizes = [1], strides = [1]} : vector<16xi32> to vector<1xi32>
    %squeeze3A_746 = vector.extract %slice3A_745[0] : i32 from vector<1xi32>
    %and3A_747 = arith.constant 7 : i32
    %and3A_748 = arith.andi %squeeze3A_746, %and3A_747 : i32
    %add3A_749 = vector.broadcast %and3A_748 : i32 to vector<16xi32>
    %add3A_750 = arith.addi %broadcast_in_dim3A_744, %add3A_749 : vector<16xi32>
    %broadcast_in_dim3A_751 = arith.constant 485 : i32
    %broadcast_in_dim3A_752 = vector.broadcast %broadcast_in_dim3A_751 : i32 to vector<16xi32>
    %add3A_753 = arith.constant 0 : i32
    %add3A_754 = vector.broadcast %add3A_753 : i32 to vector<16xi32>
    %add3A_755 = arith.addi %add3A_754, %iota3A : vector<16xi32>
    %gather3A_756 = tpu.vector_load_idx %arg6[%add3A_750, %add3A_755] : memref<128x64xf32, #tpu.memory_space<vmem>>[vector<16xi32>, vector<16xi32>], vector<16xf32>,
    %add3A_757 = arith.constant 0 : i32
    %add3A_758 = vector.broadcast %add3A_757 : i32 to vector<16xi32>
    %add3A_759 = arith.addi %add3A_758, %iota3A : vector<16xi32>
    tpu.vector_store_idx %arg8[%broadcast_in_dim3A_752, %add3A_759], %gather3A_756 : memref<512x64xf32, #tpu.memory_space<vmem>>[vector<16xi32>, vector<16xi32>], vector<16xf32>,
    %add3A_760 = arith.constant 16 : i32
    %add3A_761 = vector.broadcast %add3A_760 : i32 to vector<16xi32>
    %add3A_762 = arith.addi %add3A_761, %iota3A : vector<16xi32>
    %gather3A_763 = tpu.vector_load_idx %arg6[%add3A_750, %add3A_762] : memref<128x64xf32, #tpu.memory_space<vmem>>[vector<16xi32>, vector<16xi32>], vector<16xf32>,
    %add3A_764 = arith.constant 16 : i32
    %add3A_765 = vector.broadcast %add3A_764 : i32 to vector<16xi32>
    %add3A_766 = arith.addi %add3A_765, %iota3A : vector<16xi32>
    tpu.vector_store_idx %arg8[%broadcast_in_dim3A_752, %add3A_766], %gather3A_763 : memref<512x64xf32, #tpu.memory_space<vmem>>[vector<16xi32>, vector<16xi32>], vector<16xf32>,
    %add3A_767 = arith.constant 32 : i32
    %add3A_768 = vector.broadcast %add3A_767 : i32 to vector<16xi32>
    %add3A_769 = arith.addi %add3A_768, %iota3A : vector<16xi32>
    %gather3A_770 = tpu.vector_load_idx %arg6[%add3A_750, %add3A_769] : memref<128x64xf32, #tpu.memory_space<vmem>>[vector<16xi32>, vector<16xi32>], vector<16xf32>,
    %add3A_771 = arith.constant 32 : i32
    %add3A_772 = vector.broadcast %add3A_771 : i32 to vector<16xi32>
    %add3A_773 = arith.addi %add3A_772, %iota3A : vector<16xi32>
    tpu.vector_store_idx %arg8[%broadcast_in_dim3A_752, %add3A_773], %gather3A_770 : memref<512x64xf32, #tpu.memory_space<vmem>>[vector<16xi32>, vector<16xi32>], vector<16xf32>,
    %add3A_774 = arith.constant 48 : i32
    %add3A_775 = vector.broadcast %add3A_774 : i32 to vector<16xi32>
    %add3A_776 = arith.addi %add3A_775, %iota3A : vector<16xi32>
    %gather3A_777 = tpu.vector_load_idx %arg6[%add3A_750, %add3A_776] : memref<128x64xf32, #tpu.memory_space<vmem>>[vector<16xi32>, vector<16xi32>], vector<16xf32>,
    %add3A_778 = arith.constant 48 : i32
    %add3A_779 = vector.broadcast %add3A_778 : i32 to vector<16xi32>
    %add3A_780 = arith.addi %add3A_779, %iota3A : vector<16xi32>
    tpu.vector_store_idx %arg8[%broadcast_in_dim3A_752, %add3A_780], %gather3A_777 : memref<512x64xf32, #tpu.memory_space<vmem>>[vector<16xi32>, vector<16xi32>], vector<16xf32>,
    %broadcast_in_dim3A_781 = arith.constant 48 : i32
    %broadcast_in_dim3A_782 = vector.broadcast %broadcast_in_dim3A_781 : i32 to vector<16xi32>
    %slice3A_783 = vector.extract_strided_slice %get3A_555 {offsets = [6], sizes = [1], strides = [1]} : vector<16xi32> to vector<1xi32>
    %squeeze3A_784 = vector.extract %slice3A_783[0] : i32 from vector<1xi32>
    %and3A_785 = arith.constant 7 : i32
    %and3A_786 = arith.andi %squeeze3A_784, %and3A_785 : i32
    %add3A_787 = vector.broadcast %and3A_786 : i32 to vector<16xi32>
    %add3A_788 = arith.addi %broadcast_in_dim3A_782, %add3A_787 : vector<16xi32>
    %broadcast_in_dim3A_789 = arith.constant 486 : i32
    %broadcast_in_dim3A_790 = vector.broadcast %broadcast_in_dim3A_789 : i32 to vector<16xi32>
    %add3A_791 = arith.constant 0 : i32
    %add3A_792 = vector.broadcast %add3A_791 : i32 to vector<16xi32>
    %add3A_793 = arith.addi %add3A_792, %iota3A : vector<16xi32>
    %gather3A_794 = tpu.vector_load_idx %arg6[%add3A_788, %add3A_793] : memref<128x64xf32, #tpu.memory_space<vmem>>[vector<16xi32>, vector<16xi32>], vector<16xf32>,
    %add3A_795 = arith.constant 0 : i32
    %add3A_796 = vector.broadcast %add3A_795 : i32 to vector<16xi32>
    %add3A_797 = arith.addi %add3A_796, %iota3A : vector<16xi32>
    tpu.vector_store_idx %arg8[%broadcast_in_dim3A_790, %add3A_797], %gather3A_794 : memref<512x64xf32, #tpu.memory_space<vmem>>[vector<16xi32>, vector<16xi32>], vector<16xf32>,
    %add3A_798 = arith.constant 16 : i32
    %add3A_799 = vector.broadcast %add3A_798 : i32 to vector<16xi32>
    %add3A_800 = arith.addi %add3A_799, %iota3A : vector<16xi32>
    %gather3A_801 = tpu.vector_load_idx %arg6[%add3A_788, %add3A_800] : memref<128x64xf32, #tpu.memory_space<vmem>>[vector<16xi32>, vector<16xi32>], vector<16xf32>,
    %add3A_802 = arith.constant 16 : i32
    %add3A_803 = vector.broadcast %add3A_802 : i32 to vector<16xi32>
    %add3A_804 = arith.addi %add3A_803, %iota3A : vector<16xi32>
    tpu.vector_store_idx %arg8[%broadcast_in_dim3A_790, %add3A_804], %gather3A_801 : memref<512x64xf32, #tpu.memory_space<vmem>>[vector<16xi32>, vector<16xi32>], vector<16xf32>,
    %add3A_805 = arith.constant 32 : i32
    %add3A_806 = vector.broadcast %add3A_805 : i32 to vector<16xi32>
    %add3A_807 = arith.addi %add3A_806, %iota3A : vector<16xi32>
    %gather3A_808 = tpu.vector_load_idx %arg6[%add3A_788, %add3A_807] : memref<128x64xf32, #tpu.memory_space<vmem>>[vector<16xi32>, vector<16xi32>], vector<16xf32>,
    %add3A_809 = arith.constant 32 : i32
    %add3A_810 = vector.broadcast %add3A_809 : i32 to vector<16xi32>
    %add3A_811 = arith.addi %add3A_810, %iota3A : vector<16xi32>
    tpu.vector_store_idx %arg8[%broadcast_in_dim3A_790, %add3A_811], %gather3A_808 : memref<512x64xf32, #tpu.memory_space<vmem>>[vector<16xi32>, vector<16xi32>], vector<16xf32>,
    %add3A_812 = arith.constant 48 : i32
    %add3A_813 = vector.broadcast %add3A_812 : i32 to vector<16xi32>
    %add3A_814 = arith.addi %add3A_813, %iota3A : vector<16xi32>
    %gather3A_815 = tpu.vector_load_idx %arg6[%add3A_788, %add3A_814] : memref<128x64xf32, #tpu.memory_space<vmem>>[vector<16xi32>, vector<16xi32>], vector<16xf32>,
    %add3A_816 = arith.constant 48 : i32
    %add3A_817 = vector.broadcast %add3A_816 : i32 to vector<16xi32>
    %add3A_818 = arith.addi %add3A_817, %iota3A : vector<16xi32>
    tpu.vector_store_idx %arg8[%broadcast_in_dim3A_790, %add3A_818], %gather3A_815 : memref<512x64xf32, #tpu.memory_space<vmem>>[vector<16xi32>, vector<16xi32>], vector<16xf32>,
    %broadcast_in_dim3A_819 = arith.constant 56 : i32
    %broadcast_in_dim3A_820 = vector.broadcast %broadcast_in_dim3A_819 : i32 to vector<16xi32>
    %slice3A_821 = vector.extract_strided_slice %get3A_555 {offsets = [7], sizes = [1], strides = [1]} : vector<16xi32> to vector<1xi32>
    %squeeze3A_822 = vector.extract %slice3A_821[0] : i32 from vector<1xi32>
    %and3A_823 = arith.constant 7 : i32
    %and3A_824 = arith.andi %squeeze3A_822, %and3A_823 : i32
    %add3A_825 = vector.broadcast %and3A_824 : i32 to vector<16xi32>
    %add3A_826 = arith.addi %broadcast_in_dim3A_820, %add3A_825 : vector<16xi32>
    %broadcast_in_dim3A_827 = arith.constant 487 : i32
    %broadcast_in_dim3A_828 = vector.broadcast %broadcast_in_dim3A_827 : i32 to vector<16xi32>
    %add3A_829 = arith.constant 0 : i32
    %add3A_830 = vector.broadcast %add3A_829 : i32 to vector<16xi32>
    %add3A_831 = arith.addi %add3A_830, %iota3A : vector<16xi32>
    %gather3A_832 = tpu.vector_load_idx %arg6[%add3A_826, %add3A_831] : memref<128x64xf32, #tpu.memory_space<vmem>>[vector<16xi32>, vector<16xi32>], vector<16xf32>,
    %add3A_833 = arith.constant 0 : i32
    %add3A_834 = vector.broadcast %add3A_833 : i32 to vector<16xi32>
    %add3A_835 = arith.addi %add3A_834, %iota3A : vector<16xi32>
    tpu.vector_store_idx %arg8[%broadcast_in_dim3A_828, %add3A_835], %gather3A_832 : memref<512x64xf32, #tpu.memory_space<vmem>>[vector<16xi32>, vector<16xi32>], vector<16xf32>,
    %add3A_836 = arith.constant 16 : i32
    %add3A_837 = vector.broadcast %add3A_836 : i32 to vector<16xi32>
    %add3A_838 = arith.addi %add3A_837, %iota3A : vector<16xi32>
    %gather3A_839 = tpu.vector_load_idx %arg6[%add3A_826, %add3A_838] : memref<128x64xf32, #tpu.memory_space<vmem>>[vector<16xi32>, vector<16xi32>], vector<16xf32>,
    %add3A_840 = arith.constant 16 : i32
    %add3A_841 = vector.broadcast %add3A_840 : i32 to vector<16xi32>
    %add3A_842 = arith.addi %add3A_841, %iota3A : vector<16xi32>
    tpu.vector_store_idx %arg8[%broadcast_in_dim3A_828, %add3A_842], %gather3A_839 : memref<512x64xf32, #tpu.memory_space<vmem>>[vector<16xi32>, vector<16xi32>], vector<16xf32>,
    %add3A_843 = arith.constant 32 : i32
    %add3A_844 = vector.broadcast %add3A_843 : i32 to vector<16xi32>
    %add3A_845 = arith.addi %add3A_844, %iota3A : vector<16xi32>
    %gather3A_846 = tpu.vector_load_idx %arg6[%add3A_826, %add3A_845] : memref<128x64xf32, #tpu.memory_space<vmem>>[vector<16xi32>, vector<16xi32>], vector<16xf32>,
    %add3A_847 = arith.constant 32 : i32
    %add3A_848 = vector.broadcast %add3A_847 : i32 to vector<16xi32>
    %add3A_849 = arith.addi %add3A_848, %iota3A : vector<16xi32>
    tpu.vector_store_idx %arg8[%broadcast_in_dim3A_828, %add3A_849], %gather3A_846 : memref<512x64xf32, #tpu.memory_space<vmem>>[vector<16xi32>, vector<16xi32>], vector<16xf32>,
    %add3A_850 = arith.constant 48 : i32
    %add3A_851 = vector.broadcast %add3A_850 : i32 to vector<16xi32>
    %add3A_852 = arith.addi %add3A_851, %iota3A : vector<16xi32>
    %gather3A_853 = tpu.vector_load_idx %arg6[%add3A_826, %add3A_852] : memref<128x64xf32, #tpu.memory_space<vmem>>[vector<16xi32>, vector<16xi32>], vector<16xf32>,
    %add3A_854 = arith.constant 48 : i32
    %add3A_855 = vector.broadcast %add3A_854 : i32 to vector<16xi32>
    %add3A_856 = arith.addi %add3A_855, %iota3A : vector<16xi32>
    tpu.vector_store_idx %arg8[%broadcast_in_dim3A_828, %add3A_856], %gather3A_853 : memref<512x64xf32, #tpu.memory_space<vmem>>[vector<16xi32>, vector<16xi32>], vector<16xf32>,
    %broadcast_in_dim3A_857 = arith.constant 64 : i32
    %broadcast_in_dim3A_858 = vector.broadcast %broadcast_in_dim3A_857 : i32 to vector<16xi32>
    %slice3A_859 = vector.extract_strided_slice %get3A_555 {offsets = [8], sizes = [1], strides = [1]} : vector<16xi32> to vector<1xi32>
    %squeeze3A_860 = vector.extract %slice3A_859[0] : i32 from vector<1xi32>
    %and3A_861 = arith.constant 7 : i32
    %and3A_862 = arith.andi %squeeze3A_860, %and3A_861 : i32
    %add3A_863 = vector.broadcast %and3A_862 : i32 to vector<16xi32>
    %add3A_864 = arith.addi %broadcast_in_dim3A_858, %add3A_863 : vector<16xi32>
    %broadcast_in_dim3A_865 = arith.constant 488 : i32
    %broadcast_in_dim3A_866 = vector.broadcast %broadcast_in_dim3A_865 : i32 to vector<16xi32>
    %add3A_867 = arith.constant 0 : i32
    %add3A_868 = vector.broadcast %add3A_867 : i32 to vector<16xi32>
    %add3A_869 = arith.addi %add3A_868, %iota3A : vector<16xi32>
    %gather3A_870 = tpu.vector_load_idx %arg6[%add3A_864, %add3A_869] : memref<128x64xf32, #tpu.memory_space<vmem>>[vector<16xi32>, vector<16xi32>], vector<16xf32>,
    %add3A_871 = arith.constant 0 : i32
    %add3A_872 = vector.broadcast %add3A_871 : i32 to vector<16xi32>
    %add3A_873 = arith.addi %add3A_872, %iota3A : vector<16xi32>
    tpu.vector_store_idx %arg8[%broadcast_in_dim3A_866, %add3A_873], %gather3A_870 : memref<512x64xf32, #tpu.memory_space<vmem>>[vector<16xi32>, vector<16xi32>], vector<16xf32>,
    %add3A_874 = arith.constant 16 : i32
    %add3A_875 = vector.broadcast %add3A_874 : i32 to vector<16xi32>
    %add3A_876 = arith.addi %add3A_875, %iota3A : vector<16xi32>
    %gather3A_877 = tpu.vector_load_idx %arg6[%add3A_864, %add3A_876] : memref<128x64xf32, #tpu.memory_space<vmem>>[vector<16xi32>, vector<16xi32>], vector<16xf32>,
    %add3A_878 = arith.constant 16 : i32
    %add3A_879 = vector.broadcast %add3A_878 : i32 to vector<16xi32>
    %add3A_880 = arith.addi %add3A_879, %iota3A : vector<16xi32>
    tpu.vector_store_idx %arg8[%broadcast_in_dim3A_866, %add3A_880], %gather3A_877 : memref<512x64xf32, #tpu.memory_space<vmem>>[vector<16xi32>, vector<16xi32>], vector<16xf32>,
    %add3A_881 = arith.constant 32 : i32
    %add3A_882 = vector.broadcast %add3A_881 : i32 to vector<16xi32>
    %add3A_883 = arith.addi %add3A_882, %iota3A : vector<16xi32>
    %gather3A_884 = tpu.vector_load_idx %arg6[%add3A_864, %add3A_883] : memref<128x64xf32, #tpu.memory_space<vmem>>[vector<16xi32>, vector<16xi32>], vector<16xf32>,
    %add3A_885 = arith.constant 32 : i32
    %add3A_886 = vector.broadcast %add3A_885 : i32 to vector<16xi32>
    %add3A_887 = arith.addi %add3A_886, %iota3A : vector<16xi32>
    tpu.vector_store_idx %arg8[%broadcast_in_dim3A_866, %add3A_887], %gather3A_884 : memref<512x64xf32, #tpu.memory_space<vmem>>[vector<16xi32>, vector<16xi32>], vector<16xf32>,
    %add3A_888 = arith.constant 48 : i32
    %add3A_889 = vector.broadcast %add3A_888 : i32 to vector<16xi32>
    %add3A_890 = arith.addi %add3A_889, %iota3A : vector<16xi32>
    %gather3A_891 = tpu.vector_load_idx %arg6[%add3A_864, %add3A_890] : memref<128x64xf32, #tpu.memory_space<vmem>>[vector<16xi32>, vector<16xi32>], vector<16xf32>,
    %add3A_892 = arith.constant 48 : i32
    %add3A_893 = vector.broadcast %add3A_892 : i32 to vector<16xi32>
    %add3A_894 = arith.addi %add3A_893, %iota3A : vector<16xi32>
    tpu.vector_store_idx %arg8[%broadcast_in_dim3A_866, %add3A_894], %gather3A_891 : memref<512x64xf32, #tpu.memory_space<vmem>>[vector<16xi32>, vector<16xi32>], vector<16xf32>,
    %broadcast_in_dim3A_895 = arith.constant 72 : i32
    %broadcast_in_dim3A_896 = vector.broadcast %broadcast_in_dim3A_895 : i32 to vector<16xi32>
    %slice3A_897 = vector.extract_strided_slice %get3A_555 {offsets = [9], sizes = [1], strides = [1]} : vector<16xi32> to vector<1xi32>
    %squeeze3A_898 = vector.extract %slice3A_897[0] : i32 from vector<1xi32>
    %and3A_899 = arith.constant 7 : i32
    %and3A_900 = arith.andi %squeeze3A_898, %and3A_899 : i32
    %add3A_901 = vector.broadcast %and3A_900 : i32 to vector<16xi32>
    %add3A_902 = arith.addi %broadcast_in_dim3A_896, %add3A_901 : vector<16xi32>
    %broadcast_in_dim3A_903 = arith.constant 489 : i32
    %broadcast_in_dim3A_904 = vector.broadcast %broadcast_in_dim3A_903 : i32 to vector<16xi32>
    %add3A_905 = arith.constant 0 : i32
    %add3A_906 = vector.broadcast %add3A_905 : i32 to vector<16xi32>
    %add3A_907 = arith.addi %add3A_906, %iota3A : vector<16xi32>
    %gather3A_908 = tpu.vector_load_idx %arg6[%add3A_902, %add3A_907] : memref<128x64xf32, #tpu.memory_space<vmem>>[vector<16xi32>, vector<16xi32>], vector<16xf32>,
    %add3A_909 = arith.constant 0 : i32
    %add3A_910 = vector.broadcast %add3A_909 : i32 to vector<16xi32>
    %add3A_911 = arith.addi %add3A_910, %iota3A : vector<16xi32>
    tpu.vector_store_idx %arg8[%broadcast_in_dim3A_904, %add3A_911], %gather3A_908 : memref<512x64xf32, #tpu.memory_space<vmem>>[vector<16xi32>, vector<16xi32>], vector<16xf32>,
    %add3A_912 = arith.constant 16 : i32
    %add3A_913 = vector.broadcast %add3A_912 : i32 to vector<16xi32>
    %add3A_914 = arith.addi %add3A_913, %iota3A : vector<16xi32>
    %gather3A_915 = tpu.vector_load_idx %arg6[%add3A_902, %add3A_914] : memref<128x64xf32, #tpu.memory_space<vmem>>[vector<16xi32>, vector<16xi32>], vector<16xf32>,
    %add3A_916 = arith.constant 16 : i32
    %add3A_917 = vector.broadcast %add3A_916 : i32 to vector<16xi32>
    %add3A_918 = arith.addi %add3A_917, %iota3A : vector<16xi32>
    tpu.vector_store_idx %arg8[%broadcast_in_dim3A_904, %add3A_918], %gather3A_915 : memref<512x64xf32, #tpu.memory_space<vmem>>[vector<16xi32>, vector<16xi32>], vector<16xf32>,
    %add3A_919 = arith.constant 32 : i32
    %add3A_920 = vector.broadcast %add3A_919 : i32 to vector<16xi32>
    %add3A_921 = arith.addi %add3A_920, %iota3A : vector<16xi32>
    %gather3A_922 = tpu.vector_load_idx %arg6[%add3A_902, %add3A_921] : memref<128x64xf32, #tpu.memory_space<vmem>>[vector<16xi32>, vector<16xi32>], vector<16xf32>,
    %add3A_923 = arith.constant 32 : i32
    %add3A_924 = vector.broadcast %add3A_923 : i32 to vector<16xi32>
    %add3A_925 = arith.addi %add3A_924, %iota3A : vector<16xi32>
    tpu.vector_store_idx %arg8[%broadcast_in_dim3A_904, %add3A_925], %gather3A_922 : memref<512x64xf32, #tpu.memory_space<vmem>>[vector<16xi32>, vector<16xi32>], vector<16xf32>,
    %add3A_926 = arith.constant 48 : i32
    %add3A_927 = vector.broadcast %add3A_926 : i32 to vector<16xi32>
    %add3A_928 = arith.addi %add3A_927, %iota3A : vector<16xi32>
    %gather3A_929 = tpu.vector_load_idx %arg6[%add3A_902, %add3A_928] : memref<128x64xf32, #tpu.memory_space<vmem>>[vector<16xi32>, vector<16xi32>], vector<16xf32>,
    %add3A_930 = arith.constant 48 : i32
    %add3A_931 = vector.broadcast %add3A_930 : i32 to vector<16xi32>
    %add3A_932 = arith.addi %add3A_931, %iota3A : vector<16xi32>
    tpu.vector_store_idx %arg8[%broadcast_in_dim3A_904, %add3A_932], %gather3A_929 : memref<512x64xf32, #tpu.memory_space<vmem>>[vector<16xi32>, vector<16xi32>], vector<16xf32>,
    %broadcast_in_dim3A_933 = arith.constant 80 : i32
    %broadcast_in_dim3A_934 = vector.broadcast %broadcast_in_dim3A_933 : i32 to vector<16xi32>
    %slice3A_935 = vector.extract_strided_slice %get3A_555 {offsets = [10], sizes = [1], strides = [1]} : vector<16xi32> to vector<1xi32>
    %squeeze3A_936 = vector.extract %slice3A_935[0] : i32 from vector<1xi32>
    %and3A_937 = arith.constant 7 : i32
    %and3A_938 = arith.andi %squeeze3A_936, %and3A_937 : i32
    %add3A_939 = vector.broadcast %and3A_938 : i32 to vector<16xi32>
    %add3A_940 = arith.addi %broadcast_in_dim3A_934, %add3A_939 : vector<16xi32>
    %broadcast_in_dim3A_941 = arith.constant 490 : i32
    %broadcast_in_dim3A_942 = vector.broadcast %broadcast_in_dim3A_941 : i32 to vector<16xi32>
    %add3A_943 = arith.constant 0 : i32
    %add3A_944 = vector.broadcast %add3A_943 : i32 to vector<16xi32>
    %add3A_945 = arith.addi %add3A_944, %iota3A : vector<16xi32>
    %gather3A_946 = tpu.vector_load_idx %arg6[%add3A_940, %add3A_945] : memref<128x64xf32, #tpu.memory_space<vmem>>[vector<16xi32>, vector<16xi32>], vector<16xf32>,
    %add3A_947 = arith.constant 0 : i32
    %add3A_948 = vector.broadcast %add3A_947 : i32 to vector<16xi32>
    %add3A_949 = arith.addi %add3A_948, %iota3A : vector<16xi32>
    tpu.vector_store_idx %arg8[%broadcast_in_dim3A_942, %add3A_949], %gather3A_946 : memref<512x64xf32, #tpu.memory_space<vmem>>[vector<16xi32>, vector<16xi32>], vector<16xf32>,
    %add3A_950 = arith.constant 16 : i32
    %add3A_951 = vector.broadcast %add3A_950 : i32 to vector<16xi32>
    %add3A_952 = arith.addi %add3A_951, %iota3A : vector<16xi32>
    %gather3A_953 = tpu.vector_load_idx %arg6[%add3A_940, %add3A_952] : memref<128x64xf32, #tpu.memory_space<vmem>>[vector<16xi32>, vector<16xi32>], vector<16xf32>,
    %add3A_954 = arith.constant 16 : i32
    %add3A_955 = vector.broadcast %add3A_954 : i32 to vector<16xi32>
    %add3A_956 = arith.addi %add3A_955, %iota3A : vector<16xi32>
    tpu.vector_store_idx %arg8[%broadcast_in_dim3A_942, %add3A_956], %gather3A_953 : memref<512x64xf32, #tpu.memory_space<vmem>>[vector<16xi32>, vector<16xi32>], vector<16xf32>,
    %add3A_957 = arith.constant 32 : i32
    %add3A_958 = vector.broadcast %add3A_957 : i32 to vector<16xi32>
    %add3A_959 = arith.addi %add3A_958, %iota3A : vector<16xi32>
    %gather3A_960 = tpu.vector_load_idx %arg6[%add3A_940, %add3A_959] : memref<128x64xf32, #tpu.memory_space<vmem>>[vector<16xi32>, vector<16xi32>], vector<16xf32>,
    %add3A_961 = arith.constant 32 : i32
    %add3A_962 = vector.broadcast %add3A_961 : i32 to vector<16xi32>
    %add3A_963 = arith.addi %add3A_962, %iota3A : vector<16xi32>
    tpu.vector_store_idx %arg8[%broadcast_in_dim3A_942, %add3A_963], %gather3A_960 : memref<512x64xf32, #tpu.memory_space<vmem>>[vector<16xi32>, vector<16xi32>], vector<16xf32>,
    %add3A_964 = arith.constant 48 : i32
    %add3A_965 = vector.broadcast %add3A_964 : i32 to vector<16xi32>
    %add3A_966 = arith.addi %add3A_965, %iota3A : vector<16xi32>
    %gather3A_967 = tpu.vector_load_idx %arg6[%add3A_940, %add3A_966] : memref<128x64xf32, #tpu.memory_space<vmem>>[vector<16xi32>, vector<16xi32>], vector<16xf32>,
    %add3A_968 = arith.constant 48 : i32
    %add3A_969 = vector.broadcast %add3A_968 : i32 to vector<16xi32>
    %add3A_970 = arith.addi %add3A_969, %iota3A : vector<16xi32>
    tpu.vector_store_idx %arg8[%broadcast_in_dim3A_942, %add3A_970], %gather3A_967 : memref<512x64xf32, #tpu.memory_space<vmem>>[vector<16xi32>, vector<16xi32>], vector<16xf32>,
    %broadcast_in_dim3A_971 = arith.constant 88 : i32
    %broadcast_in_dim3A_972 = vector.broadcast %broadcast_in_dim3A_971 : i32 to vector<16xi32>
    %slice3A_973 = vector.extract_strided_slice %get3A_555 {offsets = [11], sizes = [1], strides = [1]} : vector<16xi32> to vector<1xi32>
    %squeeze3A_974 = vector.extract %slice3A_973[0] : i32 from vector<1xi32>
    %and3A_975 = arith.constant 7 : i32
    %and3A_976 = arith.andi %squeeze3A_974, %and3A_975 : i32
    %add3A_977 = vector.broadcast %and3A_976 : i32 to vector<16xi32>
    %add3A_978 = arith.addi %broadcast_in_dim3A_972, %add3A_977 : vector<16xi32>
    %broadcast_in_dim3A_979 = arith.constant 491 : i32
    %broadcast_in_dim3A_980 = vector.broadcast %broadcast_in_dim3A_979 : i32 to vector<16xi32>
    %add3A_981 = arith.constant 0 : i32
    %add3A_982 = vector.broadcast %add3A_981 : i32 to vector<16xi32>
    %add3A_983 = arith.addi %add3A_982, %iota3A : vector<16xi32>
    %gather3A_984 = tpu.vector_load_idx %arg6[%add3A_978, %add3A_983] : memref<128x64xf32, #tpu.memory_space<vmem>>[vector<16xi32>, vector<16xi32>], vector<16xf32>,
    %add3A_985 = arith.constant 0 : i32
    %add3A_986 = vector.broadcast %add3A_985 : i32 to vector<16xi32>
    %add3A_987 = arith.addi %add3A_986, %iota3A : vector<16xi32>
    tpu.vector_store_idx %arg8[%broadcast_in_dim3A_980, %add3A_987], %gather3A_984 : memref<512x64xf32, #tpu.memory_space<vmem>>[vector<16xi32>, vector<16xi32>], vector<16xf32>,
    %add3A_988 = arith.constant 16 : i32
    %add3A_989 = vector.broadcast %add3A_988 : i32 to vector<16xi32>
    %add3A_990 = arith.addi %add3A_989, %iota3A : vector<16xi32>
    %gather3A_991 = tpu.vector_load_idx %arg6[%add3A_978, %add3A_990] : memref<128x64xf32, #tpu.memory_space<vmem>>[vector<16xi32>, vector<16xi32>], vector<16xf32>,
    %add3A_992 = arith.constant 16 : i32
    %add3A_993 = vector.broadcast %add3A_992 : i32 to vector<16xi32>
    %add3A_994 = arith.addi %add3A_993, %iota3A : vector<16xi32>
    tpu.vector_store_idx %arg8[%broadcast_in_dim3A_980, %add3A_994], %gather3A_991 : memref<512x64xf32, #tpu.memory_space<vmem>>[vector<16xi32>, vector<16xi32>], vector<16xf32>,
    %add3A_995 = arith.constant 32 : i32
    %add3A_996 = vector.broadcast %add3A_995 : i32 to vector<16xi32>
    %add3A_997 = arith.addi %add3A_996, %iota3A : vector<16xi32>
    %gather3A_998 = tpu.vector_load_idx %arg6[%add3A_978, %add3A_997] : memref<128x64xf32, #tpu.memory_space<vmem>>[vector<16xi32>, vector<16xi32>], vector<16xf32>,
    %add3A_999 = arith.constant 32 : i32
    %add3A_1000 = vector.broadcast %add3A_999 : i32 to vector<16xi32>
    %add3A_1001 = arith.addi %add3A_1000, %iota3A : vector<16xi32>
    tpu.vector_store_idx %arg8[%broadcast_in_dim3A_980, %add3A_1001], %gather3A_998 : memref<512x64xf32, #tpu.memory_space<vmem>>[vector<16xi32>, vector<16xi32>], vector<16xf32>,
    %add3A_1002 = arith.constant 48 : i32
    %add3A_1003 = vector.broadcast %add3A_1002 : i32 to vector<16xi32>
    %add3A_1004 = arith.addi %add3A_1003, %iota3A : vector<16xi32>
    %gather3A_1005 = tpu.vector_load_idx %arg6[%add3A_978, %add3A_1004] : memref<128x64xf32, #tpu.memory_space<vmem>>[vector<16xi32>, vector<16xi32>], vector<16xf32>,
    %add3A_1006 = arith.constant 48 : i32
    %add3A_1007 = vector.broadcast %add3A_1006 : i32 to vector<16xi32>
    %add3A_1008 = arith.addi %add3A_1007, %iota3A : vector<16xi32>
    tpu.vector_store_idx %arg8[%broadcast_in_dim3A_980, %add3A_1008], %gather3A_1005 : memref<512x64xf32, #tpu.memory_space<vmem>>[vector<16xi32>, vector<16xi32>], vector<16xf32>,
    %broadcast_in_dim3A_1009 = arith.constant 96 : i32
    %broadcast_in_dim3A_1010 = vector.broadcast %broadcast_in_dim3A_1009 : i32 to vector<16xi32>
    %slice3A_1011 = vector.extract_strided_slice %get3A_555 {offsets = [12], sizes = [1], strides = [1]} : vector<16xi32> to vector<1xi32>
    %squeeze3A_1012 = vector.extract %slice3A_1011[0] : i32 from vector<1xi32>
    %and3A_1013 = arith.constant 7 : i32
    %and3A_1014 = arith.andi %squeeze3A_1012, %and3A_1013 : i32
    %add3A_1015 = vector.broadcast %and3A_1014 : i32 to vector<16xi32>
    %add3A_1016 = arith.addi %broadcast_in_dim3A_1010, %add3A_1015 : vector<16xi32>
    %broadcast_in_dim3A_1017 = arith.constant 492 : i32
    %broadcast_in_dim3A_1018 = vector.broadcast %broadcast_in_dim3A_1017 : i32 to vector<16xi32>
    %add3A_1019 = arith.constant 0 : i32
    %add3A_1020 = vector.broadcast %add3A_1019 : i32 to vector<16xi32>
    %add3A_1021 = arith.addi %add3A_1020, %iota3A : vector<16xi32>
    %gather3A_1022 = tpu.vector_load_idx %arg6[%add3A_1016, %add3A_1021] : memref<128x64xf32, #tpu.memory_space<vmem>>[vector<16xi32>, vector<16xi32>], vector<16xf32>,
    %add3A_1023 = arith.constant 0 : i32
    %add3A_1024 = vector.broadcast %add3A_1023 : i32 to vector<16xi32>
    %add3A_1025 = arith.addi %add3A_1024, %iota3A : vector<16xi32>
    tpu.vector_store_idx %arg8[%broadcast_in_dim3A_1018, %add3A_1025], %gather3A_1022 : memref<512x64xf32, #tpu.memory_space<vmem>>[vector<16xi32>, vector<16xi32>], vector<16xf32>,
    %add3A_1026 = arith.constant 16 : i32
    %add3A_1027 = vector.broadcast %add3A_1026 : i32 to vector<16xi32>
    %add3A_1028 = arith.addi %add3A_1027, %iota3A : vector<16xi32>
    %gather3A_1029 = tpu.vector_load_idx %arg6[%add3A_1016, %add3A_1028] : memref<128x64xf32, #tpu.memory_space<vmem>>[vector<16xi32>, vector<16xi32>], vector<16xf32>,
    %add3A_1030 = arith.constant 16 : i32
    %add3A_1031 = vector.broadcast %add3A_1030 : i32 to vector<16xi32>
    %add3A_1032 = arith.addi %add3A_1031, %iota3A : vector<16xi32>
    tpu.vector_store_idx %arg8[%broadcast_in_dim3A_1018, %add3A_1032], %gather3A_1029 : memref<512x64xf32, #tpu.memory_space<vmem>>[vector<16xi32>, vector<16xi32>], vector<16xf32>,
    %add3A_1033 = arith.constant 32 : i32
    %add3A_1034 = vector.broadcast %add3A_1033 : i32 to vector<16xi32>
    %add3A_1035 = arith.addi %add3A_1034, %iota3A : vector<16xi32>
    %gather3A_1036 = tpu.vector_load_idx %arg6[%add3A_1016, %add3A_1035] : memref<128x64xf32, #tpu.memory_space<vmem>>[vector<16xi32>, vector<16xi32>], vector<16xf32>,
    %add3A_1037 = arith.constant 32 : i32
    %add3A_1038 = vector.broadcast %add3A_1037 : i32 to vector<16xi32>
    %add3A_1039 = arith.addi %add3A_1038, %iota3A : vector<16xi32>
    tpu.vector_store_idx %arg8[%broadcast_in_dim3A_1018, %add3A_1039], %gather3A_1036 : memref<512x64xf32, #tpu.memory_space<vmem>>[vector<16xi32>, vector<16xi32>], vector<16xf32>,
    %add3A_1040 = arith.constant 48 : i32
    %add3A_1041 = vector.broadcast %add3A_1040 : i32 to vector<16xi32>
    %add3A_1042 = arith.addi %add3A_1041, %iota3A : vector<16xi32>
    %gather3A_1043 = tpu.vector_load_idx %arg6[%add3A_1016, %add3A_1042] : memref<128x64xf32, #tpu.memory_space<vmem>>[vector<16xi32>, vector<16xi32>], vector<16xf32>,
    %add3A_1044 = arith.constant 48 : i32
    %add3A_1045 = vector.broadcast %add3A_1044 : i32 to vector<16xi32>
    %add3A_1046 = arith.addi %add3A_1045, %iota3A : vector<16xi32>
    tpu.vector_store_idx %arg8[%broadcast_in_dim3A_1018, %add3A_1046], %gather3A_1043 : memref<512x64xf32, #tpu.memory_space<vmem>>[vector<16xi32>, vector<16xi32>], vector<16xf32>,
    %broadcast_in_dim3A_1047 = arith.constant 104 : i32
    %broadcast_in_dim3A_1048 = vector.broadcast %broadcast_in_dim3A_1047 : i32 to vector<16xi32>
    %slice3A_1049 = vector.extract_strided_slice %get3A_555 {offsets = [13], sizes = [1], strides = [1]} : vector<16xi32> to vector<1xi32>
    %squeeze3A_1050 = vector.extract %slice3A_1049[0] : i32 from vector<1xi32>
    %and3A_1051 = arith.constant 7 : i32
    %and3A_1052 = arith.andi %squeeze3A_1050, %and3A_1051 : i32
    %add3A_1053 = vector.broadcast %and3A_1052 : i32 to vector<16xi32>
    %add3A_1054 = arith.addi %broadcast_in_dim3A_1048, %add3A_1053 : vector<16xi32>
    %broadcast_in_dim3A_1055 = arith.constant 493 : i32
    %broadcast_in_dim3A_1056 = vector.broadcast %broadcast_in_dim3A_1055 : i32 to vector<16xi32>
    %add3A_1057 = arith.constant 0 : i32
    %add3A_1058 = vector.broadcast %add3A_1057 : i32 to vector<16xi32>
    %add3A_1059 = arith.addi %add3A_1058, %iota3A : vector<16xi32>
    %gather3A_1060 = tpu.vector_load_idx %arg6[%add3A_1054, %add3A_1059] : memref<128x64xf32, #tpu.memory_space<vmem>>[vector<16xi32>, vector<16xi32>], vector<16xf32>,
    %add3A_1061 = arith.constant 0 : i32
    %add3A_1062 = vector.broadcast %add3A_1061 : i32 to vector<16xi32>
    %add3A_1063 = arith.addi %add3A_1062, %iota3A : vector<16xi32>
    tpu.vector_store_idx %arg8[%broadcast_in_dim3A_1056, %add3A_1063], %gather3A_1060 : memref<512x64xf32, #tpu.memory_space<vmem>>[vector<16xi32>, vector<16xi32>], vector<16xf32>,
    %add3A_1064 = arith.constant 16 : i32
    %add3A_1065 = vector.broadcast %add3A_1064 : i32 to vector<16xi32>
    %add3A_1066 = arith.addi %add3A_1065, %iota3A : vector<16xi32>
    %gather3A_1067 = tpu.vector_load_idx %arg6[%add3A_1054, %add3A_1066] : memref<128x64xf32, #tpu.memory_space<vmem>>[vector<16xi32>, vector<16xi32>], vector<16xf32>,
    %add3A_1068 = arith.constant 16 : i32
    %add3A_1069 = vector.broadcast %add3A_1068 : i32 to vector<16xi32>
    %add3A_1070 = arith.addi %add3A_1069, %iota3A : vector<16xi32>
    tpu.vector_store_idx %arg8[%broadcast_in_dim3A_1056, %add3A_1070], %gather3A_1067 : memref<512x64xf32, #tpu.memory_space<vmem>>[vector<16xi32>, vector<16xi32>], vector<16xf32>,
    %add3A_1071 = arith.constant 32 : i32
    %add3A_1072 = vector.broadcast %add3A_1071 : i32 to vector<16xi32>
    %add3A_1073 = arith.addi %add3A_1072, %iota3A : vector<16xi32>
    %gather3A_1074 = tpu.vector_load_idx %arg6[%add3A_1054, %add3A_1073] : memref<128x64xf32, #tpu.memory_space<vmem>>[vector<16xi32>, vector<16xi32>], vector<16xf32>,
    %add3A_1075 = arith.constant 32 : i32
    %add3A_1076 = vector.broadcast %add3A_1075 : i32 to vector<16xi32>
    %add3A_1077 = arith.addi %add3A_1076, %iota3A : vector<16xi32>
    tpu.vector_store_idx %arg8[%broadcast_in_dim3A_1056, %add3A_1077], %gather3A_1074 : memref<512x64xf32, #tpu.memory_space<vmem>>[vector<16xi32>, vector<16xi32>], vector<16xf32>,
    %add3A_1078 = arith.constant 48 : i32
    %add3A_1079 = vector.broadcast %add3A_1078 : i32 to vector<16xi32>
    %add3A_1080 = arith.addi %add3A_1079, %iota3A : vector<16xi32>
    %gather3A_1081 = tpu.vector_load_idx %arg6[%add3A_1054, %add3A_1080] : memref<128x64xf32, #tpu.memory_space<vmem>>[vector<16xi32>, vector<16xi32>], vector<16xf32>,
    %add3A_1082 = arith.constant 48 : i32
    %add3A_1083 = vector.broadcast %add3A_1082 : i32 to vector<16xi32>
    %add3A_1084 = arith.addi %add3A_1083, %iota3A : vector<16xi32>
    tpu.vector_store_idx %arg8[%broadcast_in_dim3A_1056, %add3A_1084], %gather3A_1081 : memref<512x64xf32, #tpu.memory_space<vmem>>[vector<16xi32>, vector<16xi32>], vector<16xf32>,
    %broadcast_in_dim3A_1085 = arith.constant 112 : i32
    %broadcast_in_dim3A_1086 = vector.broadcast %broadcast_in_dim3A_1085 : i32 to vector<16xi32>
    %slice3A_1087 = vector.extract_strided_slice %get3A_555 {offsets = [14], sizes = [1], strides = [1]} : vector<16xi32> to vector<1xi32>
    %squeeze3A_1088 = vector.extract %slice3A_1087[0] : i32 from vector<1xi32>
    %and3A_1089 = arith.constant 7 : i32
    %and3A_1090 = arith.andi %squeeze3A_1088, %and3A_1089 : i32
    %add3A_1091 = vector.broadcast %and3A_1090 : i32 to vector<16xi32>
    %add3A_1092 = arith.addi %broadcast_in_dim3A_1086, %add3A_1091 : vector<16xi32>
    %broadcast_in_dim3A_1093 = arith.constant 494 : i32
    %broadcast_in_dim3A_1094 = vector.broadcast %broadcast_in_dim3A_1093 : i32 to vector<16xi32>
    %add3A_1095 = arith.constant 0 : i32
    %add3A_1096 = vector.broadcast %add3A_1095 : i32 to vector<16xi32>
    %add3A_1097 = arith.addi %add3A_1096, %iota3A : vector<16xi32>
    %gather3A_1098 = tpu.vector_load_idx %arg6[%add3A_1092, %add3A_1097] : memref<128x64xf32, #tpu.memory_space<vmem>>[vector<16xi32>, vector<16xi32>], vector<16xf32>,
    %add3A_1099 = arith.constant 0 : i32
    %add3A_1100 = vector.broadcast %add3A_1099 : i32 to vector<16xi32>
    %add3A_1101 = arith.addi %add3A_1100, %iota3A : vector<16xi32>
    tpu.vector_store_idx %arg8[%broadcast_in_dim3A_1094, %add3A_1101], %gather3A_1098 : memref<512x64xf32, #tpu.memory_space<vmem>>[vector<16xi32>, vector<16xi32>], vector<16xf32>,
    %add3A_1102 = arith.constant 16 : i32
    %add3A_1103 = vector.broadcast %add3A_1102 : i32 to vector<16xi32>
    %add3A_1104 = arith.addi %add3A_1103, %iota3A : vector<16xi32>
    %gather3A_1105 = tpu.vector_load_idx %arg6[%add3A_1092, %add3A_1104] : memref<128x64xf32, #tpu.memory_space<vmem>>[vector<16xi32>, vector<16xi32>], vector<16xf32>,
    %add3A_1106 = arith.constant 16 : i32
    %add3A_1107 = vector.broadcast %add3A_1106 : i32 to vector<16xi32>
    %add3A_1108 = arith.addi %add3A_1107, %iota3A : vector<16xi32>
    tpu.vector_store_idx %arg8[%broadcast_in_dim3A_1094, %add3A_1108], %gather3A_1105 : memref<512x64xf32, #tpu.memory_space<vmem>>[vector<16xi32>, vector<16xi32>], vector<16xf32>,
    %add3A_1109 = arith.constant 32 : i32
    %add3A_1110 = vector.broadcast %add3A_1109 : i32 to vector<16xi32>
    %add3A_1111 = arith.addi %add3A_1110, %iota3A : vector<16xi32>
    %gather3A_1112 = tpu.vector_load_idx %arg6[%add3A_1092, %add3A_1111] : memref<128x64xf32, #tpu.memory_space<vmem>>[vector<16xi32>, vector<16xi32>], vector<16xf32>,
    %add3A_1113 = arith.constant 32 : i32
    %add3A_1114 = vector.broadcast %add3A_1113 : i32 to vector<16xi32>
    %add3A_1115 = arith.addi %add3A_1114, %iota3A : vector<16xi32>
    tpu.vector_store_idx %arg8[%broadcast_in_dim3A_1094, %add3A_1115], %gather3A_1112 : memref<512x64xf32, #tpu.memory_space<vmem>>[vector<16xi32>, vector<16xi32>], vector<16xf32>,
    %add3A_1116 = arith.constant 48 : i32
    %add3A_1117 = vector.broadcast %add3A_1116 : i32 to vector<16xi32>
    %add3A_1118 = arith.addi %add3A_1117, %iota3A : vector<16xi32>
    %gather3A_1119 = tpu.vector_load_idx %arg6[%add3A_1092, %add3A_1118] : memref<128x64xf32, #tpu.memory_space<vmem>>[vector<16xi32>, vector<16xi32>], vector<16xf32>,
    %add3A_1120 = arith.constant 48 : i32
    %add3A_1121 = vector.broadcast %add3A_1120 : i32 to vector<16xi32>
    %add3A_1122 = arith.addi %add3A_1121, %iota3A : vector<16xi32>
    tpu.vector_store_idx %arg8[%broadcast_in_dim3A_1094, %add3A_1122], %gather3A_1119 : memref<512x64xf32, #tpu.memory_space<vmem>>[vector<16xi32>, vector<16xi32>], vector<16xf32>,
    %broadcast_in_dim3A_1123 = arith.constant 120 : i32
    %broadcast_in_dim3A_1124 = vector.broadcast %broadcast_in_dim3A_1123 : i32 to vector<16xi32>
    %slice3A_1125 = vector.extract_strided_slice %get3A_555 {offsets = [15], sizes = [1], strides = [1]} : vector<16xi32> to vector<1xi32>
    %squeeze3A_1126 = vector.extract %slice3A_1125[0] : i32 from vector<1xi32>
    %and3A_1127 = arith.constant 7 : i32
    %and3A_1128 = arith.andi %squeeze3A_1126, %and3A_1127 : i32
    %add3A_1129 = vector.broadcast %and3A_1128 : i32 to vector<16xi32>
    %add3A_1130 = arith.addi %broadcast_in_dim3A_1124, %add3A_1129 : vector<16xi32>
    %broadcast_in_dim3A_1131 = arith.constant 495 : i32
    %broadcast_in_dim3A_1132 = vector.broadcast %broadcast_in_dim3A_1131 : i32 to vector<16xi32>
    %add3A_1133 = arith.constant 0 : i32
    %add3A_1134 = vector.broadcast %add3A_1133 : i32 to vector<16xi32>
    %add3A_1135 = arith.addi %add3A_1134, %iota3A : vector<16xi32>
    %gather3A_1136 = tpu.vector_load_idx %arg6[%add3A_1130, %add3A_1135] : memref<128x64xf32, #tpu.memory_space<vmem>>[vector<16xi32>, vector<16xi32>], vector<16xf32>,
    %add3A_1137 = arith.constant 0 : i32
    %add3A_1138 = vector.broadcast %add3A_1137 : i32 to vector<16xi32>
    %add3A_1139 = arith.addi %add3A_1138, %iota3A : vector<16xi32>
    tpu.vector_store_idx %arg8[%broadcast_in_dim3A_1132, %add3A_1139], %gather3A_1136 : memref<512x64xf32, #tpu.memory_space<vmem>>[vector<16xi32>, vector<16xi32>], vector<16xf32>,
    %add3A_1140 = arith.constant 16 : i32
    %add3A_1141 = vector.broadcast %add3A_1140 : i32 to vector<16xi32>
    %add3A_1142 = arith.addi %add3A_1141, %iota3A : vector<16xi32>
    %gather3A_1143 = tpu.vector_load_idx %arg6[%add3A_1130, %add3A_1142] : memref<128x64xf32, #tpu.memory_space<vmem>>[vector<16xi32>, vector<16xi32>], vector<16xf32>,
    %add3A_1144 = arith.constant 16 : i32
    %add3A_1145 = vector.broadcast %add3A_1144 : i32 to vector<16xi32>
    %add3A_1146 = arith.addi %add3A_1145, %iota3A : vector<16xi32>
    tpu.vector_store_idx %arg8[%broadcast_in_dim3A_1132, %add3A_1146], %gather3A_1143 : memref<512x64xf32, #tpu.memory_space<vmem>>[vector<16xi32>, vector<16xi32>], vector<16xf32>,
    %add3A_1147 = arith.constant 32 : i32
    %add3A_1148 = vector.broadcast %add3A_1147 : i32 to vector<16xi32>
    %add3A_1149 = arith.addi %add3A_1148, %iota3A : vector<16xi32>
    %gather3A_1150 = tpu.vector_load_idx %arg6[%add3A_1130, %add3A_1149] : memref<128x64xf32, #tpu.memory_space<vmem>>[vector<16xi32>, vector<16xi32>], vector<16xf32>,
    %add3A_1151 = arith.constant 32 : i32
    %add3A_1152 = vector.broadcast %add3A_1151 : i32 to vector<16xi32>
    %add3A_1153 = arith.addi %add3A_1152, %iota3A : vector<16xi32>
    tpu.vector_store_idx %arg8[%broadcast_in_dim3A_1132, %add3A_1153], %gather3A_1150 : memref<512x64xf32, #tpu.memory_space<vmem>>[vector<16xi32>, vector<16xi32>], vector<16xf32>,
    %add3A_1154 = arith.constant 48 : i32
    %add3A_1155 = vector.broadcast %add3A_1154 : i32 to vector<16xi32>
    %add3A_1156 = arith.addi %add3A_1155, %iota3A : vector<16xi32>
    %gather3A_1157 = tpu.vector_load_idx %arg6[%add3A_1130, %add3A_1156] : memref<128x64xf32, #tpu.memory_space<vmem>>[vector<16xi32>, vector<16xi32>], vector<16xf32>,
    %add3A_1158 = arith.constant 48 : i32
    %add3A_1159 = vector.broadcast %add3A_1158 : i32 to vector<16xi32>
    %add3A_1160 = arith.addi %add3A_1159, %iota3A : vector<16xi32>
    tpu.vector_store_idx %arg8[%broadcast_in_dim3A_1132, %add3A_1160], %gather3A_1157 : memref<512x64xf32, #tpu.memory_space<vmem>>[vector<16xi32>, vector<16xi32>], vector<16xf32>,
    %dma_wait3A_1161 = arith.constant 0 : i32
    %dma_wait3A_1162 = arith.constant 0 : i32
    %dma_wait3A_1163 = tpu.memref_slice %arg3[%dma_wait3A_1161, %dma_wait3A_1162] : memref<1000000x64xf32, #tpu.memory_space<hbm>> -> memref<128x64xf32, #tpu.memory_space<hbm>>
    %dma_wait3A_1164 = arith.constant 0 : i32
    %dma_wait3A_1165 = arith.constant 0 : i32
    %dma_wait3A_1166 = tpu.memref_slice %arg3[%dma_wait3A_1164, %dma_wait3A_1165] : memref<1000000x64xf32, #tpu.memory_space<hbm>> -> memref<128x64xf32, #tpu.memory_space<hbm>>
    tpu.wait_dma2 semaphore(%arg10 : memref<!tpu.dma_semaphore, #tpu.memory_space<semaphore_mem>>) src(%dma_wait3A_1166 : memref<128x64xf32, #tpu.memory_space<hbm>>) dst(%arg7 : memref<128x64xf32, #tpu.memory_space<vmem>>)
    %get3A_1167 = arith.constant 496 : index
    %get3A_1168 = tpu.vector_load %arg5[%get3A_1167] {strides = array<i32>} : memref<512xi32, #tpu.memory_space<vmem>>, vector<16xi32>,
    %broadcast_in_dim3A_1169 = arith.constant 0 : i32
    %broadcast_in_dim3A_1170 = vector.broadcast %broadcast_in_dim3A_1169 : i32 to vector<16xi32>
    %slice3A_1171 = vector.extract_strided_slice %get3A_1168 {offsets = [0], sizes = [1], strides = [1]} : vector<16xi32> to vector<1xi32>
    %squeeze3A_1172 = vector.extract %slice3A_1171[0] : i32 from vector<1xi32>
    %and3A_1173 = arith.constant 7 : i32
    %and3A_1174 = arith.andi %squeeze3A_1172, %and3A_1173 : i32
    %add3A_1175 = vector.broadcast %and3A_1174 : i32 to vector<16xi32>
    %add3A_1176 = arith.addi %broadcast_in_dim3A_1170, %add3A_1175 : vector<16xi32>
    %broadcast_in_dim3A_1177 = arith.constant 496 : i32
    %broadcast_in_dim3A_1178 = vector.broadcast %broadcast_in_dim3A_1177 : i32 to vector<16xi32>
    %add3A_1179 = arith.constant 0 : i32
    %add3A_1180 = vector.broadcast %add3A_1179 : i32 to vector<16xi32>
    %add3A_1181 = arith.addi %add3A_1180, %iota3A : vector<16xi32>
    %gather3A_1182 = tpu.vector_load_idx %arg7[%add3A_1176, %add3A_1181] : memref<128x64xf32, #tpu.memory_space<vmem>>[vector<16xi32>, vector<16xi32>], vector<16xf32>,
    %add3A_1183 = arith.constant 0 : i32
    %add3A_1184 = vector.broadcast %add3A_1183 : i32 to vector<16xi32>
    %add3A_1185 = arith.addi %add3A_1184, %iota3A : vector<16xi32>
    tpu.vector_store_idx %arg8[%broadcast_in_dim3A_1178, %add3A_1185], %gather3A_1182 : memref<512x64xf32, #tpu.memory_space<vmem>>[vector<16xi32>, vector<16xi32>], vector<16xf32>,
    %add3A_1186 = arith.constant 16 : i32
    %add3A_1187 = vector.broadcast %add3A_1186 : i32 to vector<16xi32>
    %add3A_1188 = arith.addi %add3A_1187, %iota3A : vector<16xi32>
    %gather3A_1189 = tpu.vector_load_idx %arg7[%add3A_1176, %add3A_1188] : memref<128x64xf32, #tpu.memory_space<vmem>>[vector<16xi32>, vector<16xi32>], vector<16xf32>,
    %add3A_1190 = arith.constant 16 : i32
    %add3A_1191 = vector.broadcast %add3A_1190 : i32 to vector<16xi32>
    %add3A_1192 = arith.addi %add3A_1191, %iota3A : vector<16xi32>
    tpu.vector_store_idx %arg8[%broadcast_in_dim3A_1178, %add3A_1192], %gather3A_1189 : memref<512x64xf32, #tpu.memory_space<vmem>>[vector<16xi32>, vector<16xi32>], vector<16xf32>,
    %add3A_1193 = arith.constant 32 : i32
    %add3A_1194 = vector.broadcast %add3A_1193 : i32 to vector<16xi32>
    %add3A_1195 = arith.addi %add3A_1194, %iota3A : vector<16xi32>
    %gather3A_1196 = tpu.vector_load_idx %arg7[%add3A_1176, %add3A_1195] : memref<128x64xf32, #tpu.memory_space<vmem>>[vector<16xi32>, vector<16xi32>], vector<16xf32>,
    %add3A_1197 = arith.constant 32 : i32
    %add3A_1198 = vector.broadcast %add3A_1197 : i32 to vector<16xi32>
    %add3A_1199 = arith.addi %add3A_1198, %iota3A : vector<16xi32>
    tpu.vector_store_idx %arg8[%broadcast_in_dim3A_1178, %add3A_1199], %gather3A_1196 : memref<512x64xf32, #tpu.memory_space<vmem>>[vector<16xi32>, vector<16xi32>], vector<16xf32>,
    %add3A_1200 = arith.constant 48 : i32
    %add3A_1201 = vector.broadcast %add3A_1200 : i32 to vector<16xi32>
    %add3A_1202 = arith.addi %add3A_1201, %iota3A : vector<16xi32>
    %gather3A_1203 = tpu.vector_load_idx %arg7[%add3A_1176, %add3A_1202] : memref<128x64xf32, #tpu.memory_space<vmem>>[vector<16xi32>, vector<16xi32>], vector<16xf32>,
    %add3A_1204 = arith.constant 48 : i32
    %add3A_1205 = vector.broadcast %add3A_1204 : i32 to vector<16xi32>
    %add3A_1206 = arith.addi %add3A_1205, %iota3A : vector<16xi32>
    tpu.vector_store_idx %arg8[%broadcast_in_dim3A_1178, %add3A_1206], %gather3A_1203 : memref<512x64xf32, #tpu.memory_space<vmem>>[vector<16xi32>, vector<16xi32>], vector<16xf32>,
    %broadcast_in_dim3A_1207 = arith.constant 8 : i32
    %broadcast_in_dim3A_1208 = vector.broadcast %broadcast_in_dim3A_1207 : i32 to vector<16xi32>
    %slice3A_1209 = vector.extract_strided_slice %get3A_1168 {offsets = [1], sizes = [1], strides = [1]} : vector<16xi32> to vector<1xi32>
    %squeeze3A_1210 = vector.extract %slice3A_1209[0] : i32 from vector<1xi32>
    %and3A_1211 = arith.constant 7 : i32
    %and3A_1212 = arith.andi %squeeze3A_1210, %and3A_1211 : i32
    %add3A_1213 = vector.broadcast %and3A_1212 : i32 to vector<16xi32>
    %add3A_1214 = arith.addi %broadcast_in_dim3A_1208, %add3A_1213 : vector<16xi32>
    %broadcast_in_dim3A_1215 = arith.constant 497 : i32
    %broadcast_in_dim3A_1216 = vector.broadcast %broadcast_in_dim3A_1215 : i32 to vector<16xi32>
    %add3A_1217 = arith.constant 0 : i32
    %add3A_1218 = vector.broadcast %add3A_1217 : i32 to vector<16xi32>
    %add3A_1219 = arith.addi %add3A_1218, %iota3A : vector<16xi32>
    %gather3A_1220 = tpu.vector_load_idx %arg7[%add3A_1214, %add3A_1219] : memref<128x64xf32, #tpu.memory_space<vmem>>[vector<16xi32>, vector<16xi32>], vector<16xf32>,
    %add3A_1221 = arith.constant 0 : i32
    %add3A_1222 = vector.broadcast %add3A_1221 : i32 to vector<16xi32>
    %add3A_1223 = arith.addi %add3A_1222, %iota3A : vector<16xi32>
    tpu.vector_store_idx %arg8[%broadcast_in_dim3A_1216, %add3A_1223], %gather3A_1220 : memref<512x64xf32, #tpu.memory_space<vmem>>[vector<16xi32>, vector<16xi32>], vector<16xf32>,
    %add3A_1224 = arith.constant 16 : i32
    %add3A_1225 = vector.broadcast %add3A_1224 : i32 to vector<16xi32>
    %add3A_1226 = arith.addi %add3A_1225, %iota3A : vector<16xi32>
    %gather3A_1227 = tpu.vector_load_idx %arg7[%add3A_1214, %add3A_1226] : memref<128x64xf32, #tpu.memory_space<vmem>>[vector<16xi32>, vector<16xi32>], vector<16xf32>,
    %add3A_1228 = arith.constant 16 : i32
    %add3A_1229 = vector.broadcast %add3A_1228 : i32 to vector<16xi32>
    %add3A_1230 = arith.addi %add3A_1229, %iota3A : vector<16xi32>
    tpu.vector_store_idx %arg8[%broadcast_in_dim3A_1216, %add3A_1230], %gather3A_1227 : memref<512x64xf32, #tpu.memory_space<vmem>>[vector<16xi32>, vector<16xi32>], vector<16xf32>,
    %add3A_1231 = arith.constant 32 : i32
    %add3A_1232 = vector.broadcast %add3A_1231 : i32 to vector<16xi32>
    %add3A_1233 = arith.addi %add3A_1232, %iota3A : vector<16xi32>
    %gather3A_1234 = tpu.vector_load_idx %arg7[%add3A_1214, %add3A_1233] : memref<128x64xf32, #tpu.memory_space<vmem>>[vector<16xi32>, vector<16xi32>], vector<16xf32>,
    %add3A_1235 = arith.constant 32 : i32
    %add3A_1236 = vector.broadcast %add3A_1235 : i32 to vector<16xi32>
    %add3A_1237 = arith.addi %add3A_1236, %iota3A : vector<16xi32>
    tpu.vector_store_idx %arg8[%broadcast_in_dim3A_1216, %add3A_1237], %gather3A_1234 : memref<512x64xf32, #tpu.memory_space<vmem>>[vector<16xi32>, vector<16xi32>], vector<16xf32>,
    %add3A_1238 = arith.constant 48 : i32
    %add3A_1239 = vector.broadcast %add3A_1238 : i32 to vector<16xi32>
    %add3A_1240 = arith.addi %add3A_1239, %iota3A : vector<16xi32>
    %gather3A_1241 = tpu.vector_load_idx %arg7[%add3A_1214, %add3A_1240] : memref<128x64xf32, #tpu.memory_space<vmem>>[vector<16xi32>, vector<16xi32>], vector<16xf32>,
    %add3A_1242 = arith.constant 48 : i32
    %add3A_1243 = vector.broadcast %add3A_1242 : i32 to vector<16xi32>
    %add3A_1244 = arith.addi %add3A_1243, %iota3A : vector<16xi32>
    tpu.vector_store_idx %arg8[%broadcast_in_dim3A_1216, %add3A_1244], %gather3A_1241 : memref<512x64xf32, #tpu.memory_space<vmem>>[vector<16xi32>, vector<16xi32>], vector<16xf32>,
    %broadcast_in_dim3A_1245 = arith.constant 16 : i32
    %broadcast_in_dim3A_1246 = vector.broadcast %broadcast_in_dim3A_1245 : i32 to vector<16xi32>
    %slice3A_1247 = vector.extract_strided_slice %get3A_1168 {offsets = [2], sizes = [1], strides = [1]} : vector<16xi32> to vector<1xi32>
    %squeeze3A_1248 = vector.extract %slice3A_1247[0] : i32 from vector<1xi32>
    %and3A_1249 = arith.constant 7 : i32
    %and3A_1250 = arith.andi %squeeze3A_1248, %and3A_1249 : i32
    %add3A_1251 = vector.broadcast %and3A_1250 : i32 to vector<16xi32>
    %add3A_1252 = arith.addi %broadcast_in_dim3A_1246, %add3A_1251 : vector<16xi32>
    %broadcast_in_dim3A_1253 = arith.constant 498 : i32
    %broadcast_in_dim3A_1254 = vector.broadcast %broadcast_in_dim3A_1253 : i32 to vector<16xi32>
    %add3A_1255 = arith.constant 0 : i32
    %add3A_1256 = vector.broadcast %add3A_1255 : i32 to vector<16xi32>
    %add3A_1257 = arith.addi %add3A_1256, %iota3A : vector<16xi32>
    %gather3A_1258 = tpu.vector_load_idx %arg7[%add3A_1252, %add3A_1257] : memref<128x64xf32, #tpu.memory_space<vmem>>[vector<16xi32>, vector<16xi32>], vector<16xf32>,
    %add3A_1259 = arith.constant 0 : i32
    %add3A_1260 = vector.broadcast %add3A_1259 : i32 to vector<16xi32>
    %add3A_1261 = arith.addi %add3A_1260, %iota3A : vector<16xi32>
    tpu.vector_store_idx %arg8[%broadcast_in_dim3A_1254, %add3A_1261], %gather3A_1258 : memref<512x64xf32, #tpu.memory_space<vmem>>[vector<16xi32>, vector<16xi32>], vector<16xf32>,
    %add3A_1262 = arith.constant 16 : i32
    %add3A_1263 = vector.broadcast %add3A_1262 : i32 to vector<16xi32>
    %add3A_1264 = arith.addi %add3A_1263, %iota3A : vector<16xi32>
    %gather3A_1265 = tpu.vector_load_idx %arg7[%add3A_1252, %add3A_1264] : memref<128x64xf32, #tpu.memory_space<vmem>>[vector<16xi32>, vector<16xi32>], vector<16xf32>,
    %add3A_1266 = arith.constant 16 : i32
    %add3A_1267 = vector.broadcast %add3A_1266 : i32 to vector<16xi32>
    %add3A_1268 = arith.addi %add3A_1267, %iota3A : vector<16xi32>
    tpu.vector_store_idx %arg8[%broadcast_in_dim3A_1254, %add3A_1268], %gather3A_1265 : memref<512x64xf32, #tpu.memory_space<vmem>>[vector<16xi32>, vector<16xi32>], vector<16xf32>,
    %add3A_1269 = arith.constant 32 : i32
    %add3A_1270 = vector.broadcast %add3A_1269 : i32 to vector<16xi32>
    %add3A_1271 = arith.addi %add3A_1270, %iota3A : vector<16xi32>
    %gather3A_1272 = tpu.vector_load_idx %arg7[%add3A_1252, %add3A_1271] : memref<128x64xf32, #tpu.memory_space<vmem>>[vector<16xi32>, vector<16xi32>], vector<16xf32>,
    %add3A_1273 = arith.constant 32 : i32
    %add3A_1274 = vector.broadcast %add3A_1273 : i32 to vector<16xi32>
    %add3A_1275 = arith.addi %add3A_1274, %iota3A : vector<16xi32>
    tpu.vector_store_idx %arg8[%broadcast_in_dim3A_1254, %add3A_1275], %gather3A_1272 : memref<512x64xf32, #tpu.memory_space<vmem>>[vector<16xi32>, vector<16xi32>], vector<16xf32>,
    %add3A_1276 = arith.constant 48 : i32
    %add3A_1277 = vector.broadcast %add3A_1276 : i32 to vector<16xi32>
    %add3A_1278 = arith.addi %add3A_1277, %iota3A : vector<16xi32>
    %gather3A_1279 = tpu.vector_load_idx %arg7[%add3A_1252, %add3A_1278] : memref<128x64xf32, #tpu.memory_space<vmem>>[vector<16xi32>, vector<16xi32>], vector<16xf32>,
    %add3A_1280 = arith.constant 48 : i32
    %add3A_1281 = vector.broadcast %add3A_1280 : i32 to vector<16xi32>
    %add3A_1282 = arith.addi %add3A_1281, %iota3A : vector<16xi32>
    tpu.vector_store_idx %arg8[%broadcast_in_dim3A_1254, %add3A_1282], %gather3A_1279 : memref<512x64xf32, #tpu.memory_space<vmem>>[vector<16xi32>, vector<16xi32>], vector<16xf32>,
    %broadcast_in_dim3A_1283 = arith.constant 24 : i32
    %broadcast_in_dim3A_1284 = vector.broadcast %broadcast_in_dim3A_1283 : i32 to vector<16xi32>
    %slice3A_1285 = vector.extract_strided_slice %get3A_1168 {offsets = [3], sizes = [1], strides = [1]} : vector<16xi32> to vector<1xi32>
    %squeeze3A_1286 = vector.extract %slice3A_1285[0] : i32 from vector<1xi32>
    %and3A_1287 = arith.constant 7 : i32
    %and3A_1288 = arith.andi %squeeze3A_1286, %and3A_1287 : i32
    %add3A_1289 = vector.broadcast %and3A_1288 : i32 to vector<16xi32>
    %add3A_1290 = arith.addi %broadcast_in_dim3A_1284, %add3A_1289 : vector<16xi32>
    %broadcast_in_dim3A_1291 = arith.constant 499 : i32
    %broadcast_in_dim3A_1292 = vector.broadcast %broadcast_in_dim3A_1291 : i32 to vector<16xi32>
    %add3A_1293 = arith.constant 0 : i32
    %add3A_1294 = vector.broadcast %add3A_1293 : i32 to vector<16xi32>
    %add3A_1295 = arith.addi %add3A_1294, %iota3A : vector<16xi32>
    %gather3A_1296 = tpu.vector_load_idx %arg7[%add3A_1290, %add3A_1295] : memref<128x64xf32, #tpu.memory_space<vmem>>[vector<16xi32>, vector<16xi32>], vector<16xf32>,
    %add3A_1297 = arith.constant 0 : i32
    %add3A_1298 = vector.broadcast %add3A_1297 : i32 to vector<16xi32>
    %add3A_1299 = arith.addi %add3A_1298, %iota3A : vector<16xi32>
    tpu.vector_store_idx %arg8[%broadcast_in_dim3A_1292, %add3A_1299], %gather3A_1296 : memref<512x64xf32, #tpu.memory_space<vmem>>[vector<16xi32>, vector<16xi32>], vector<16xf32>,
    %add3A_1300 = arith.constant 16 : i32
    %add3A_1301 = vector.broadcast %add3A_1300 : i32 to vector<16xi32>
    %add3A_1302 = arith.addi %add3A_1301, %iota3A : vector<16xi32>
    %gather3A_1303 = tpu.vector_load_idx %arg7[%add3A_1290, %add3A_1302] : memref<128x64xf32, #tpu.memory_space<vmem>>[vector<16xi32>, vector<16xi32>], vector<16xf32>,
    %add3A_1304 = arith.constant 16 : i32
    %add3A_1305 = vector.broadcast %add3A_1304 : i32 to vector<16xi32>
    %add3A_1306 = arith.addi %add3A_1305, %iota3A : vector<16xi32>
    tpu.vector_store_idx %arg8[%broadcast_in_dim3A_1292, %add3A_1306], %gather3A_1303 : memref<512x64xf32, #tpu.memory_space<vmem>>[vector<16xi32>, vector<16xi32>], vector<16xf32>,
    %add3A_1307 = arith.constant 32 : i32
    %add3A_1308 = vector.broadcast %add3A_1307 : i32 to vector<16xi32>
    %add3A_1309 = arith.addi %add3A_1308, %iota3A : vector<16xi32>
    %gather3A_1310 = tpu.vector_load_idx %arg7[%add3A_1290, %add3A_1309] : memref<128x64xf32, #tpu.memory_space<vmem>>[vector<16xi32>, vector<16xi32>], vector<16xf32>,
    %add3A_1311 = arith.constant 32 : i32
    %add3A_1312 = vector.broadcast %add3A_1311 : i32 to vector<16xi32>
    %add3A_1313 = arith.addi %add3A_1312, %iota3A : vector<16xi32>
    tpu.vector_store_idx %arg8[%broadcast_in_dim3A_1292, %add3A_1313], %gather3A_1310 : memref<512x64xf32, #tpu.memory_space<vmem>>[vector<16xi32>, vector<16xi32>], vector<16xf32>,
    %add3A_1314 = arith.constant 48 : i32
    %add3A_1315 = vector.broadcast %add3A_1314 : i32 to vector<16xi32>
    %add3A_1316 = arith.addi %add3A_1315, %iota3A : vector<16xi32>
    %gather3A_1317 = tpu.vector_load_idx %arg7[%add3A_1290, %add3A_1316] : memref<128x64xf32, #tpu.memory_space<vmem>>[vector<16xi32>, vector<16xi32>], vector<16xf32>,
    %add3A_1318 = arith.constant 48 : i32
    %add3A_1319 = vector.broadcast %add3A_1318 : i32 to vector<16xi32>
    %add3A_1320 = arith.addi %add3A_1319, %iota3A : vector<16xi32>
    tpu.vector_store_idx %arg8[%broadcast_in_dim3A_1292, %add3A_1320], %gather3A_1317 : memref<512x64xf32, #tpu.memory_space<vmem>>[vector<16xi32>, vector<16xi32>], vector<16xf32>,
    %broadcast_in_dim3A_1321 = arith.constant 32 : i32
    %broadcast_in_dim3A_1322 = vector.broadcast %broadcast_in_dim3A_1321 : i32 to vector<16xi32>
    %slice3A_1323 = vector.extract_strided_slice %get3A_1168 {offsets = [4], sizes = [1], strides = [1]} : vector<16xi32> to vector<1xi32>
    %squeeze3A_1324 = vector.extract %slice3A_1323[0] : i32 from vector<1xi32>
    %and3A_1325 = arith.constant 7 : i32
    %and3A_1326 = arith.andi %squeeze3A_1324, %and3A_1325 : i32
    %add3A_1327 = vector.broadcast %and3A_1326 : i32 to vector<16xi32>
    %add3A_1328 = arith.addi %broadcast_in_dim3A_1322, %add3A_1327 : vector<16xi32>
    %broadcast_in_dim3A_1329 = arith.constant 500 : i32
    %broadcast_in_dim3A_1330 = vector.broadcast %broadcast_in_dim3A_1329 : i32 to vector<16xi32>
    %add3A_1331 = arith.constant 0 : i32
    %add3A_1332 = vector.broadcast %add3A_1331 : i32 to vector<16xi32>
    %add3A_1333 = arith.addi %add3A_1332, %iota3A : vector<16xi32>
    %gather3A_1334 = tpu.vector_load_idx %arg7[%add3A_1328, %add3A_1333] : memref<128x64xf32, #tpu.memory_space<vmem>>[vector<16xi32>, vector<16xi32>], vector<16xf32>,
    %add3A_1335 = arith.constant 0 : i32
    %add3A_1336 = vector.broadcast %add3A_1335 : i32 to vector<16xi32>
    %add3A_1337 = arith.addi %add3A_1336, %iota3A : vector<16xi32>
    tpu.vector_store_idx %arg8[%broadcast_in_dim3A_1330, %add3A_1337], %gather3A_1334 : memref<512x64xf32, #tpu.memory_space<vmem>>[vector<16xi32>, vector<16xi32>], vector<16xf32>,
    %add3A_1338 = arith.constant 16 : i32
    %add3A_1339 = vector.broadcast %add3A_1338 : i32 to vector<16xi32>
    %add3A_1340 = arith.addi %add3A_1339, %iota3A : vector<16xi32>
    %gather3A_1341 = tpu.vector_load_idx %arg7[%add3A_1328, %add3A_1340] : memref<128x64xf32, #tpu.memory_space<vmem>>[vector<16xi32>, vector<16xi32>], vector<16xf32>,
    %add3A_1342 = arith.constant 16 : i32
    %add3A_1343 = vector.broadcast %add3A_1342 : i32 to vector<16xi32>
    %add3A_1344 = arith.addi %add3A_1343, %iota3A : vector<16xi32>
    tpu.vector_store_idx %arg8[%broadcast_in_dim3A_1330, %add3A_1344], %gather3A_1341 : memref<512x64xf32, #tpu.memory_space<vmem>>[vector<16xi32>, vector<16xi32>], vector<16xf32>,
    %add3A_1345 = arith.constant 32 : i32
    %add3A_1346 = vector.broadcast %add3A_1345 : i32 to vector<16xi32>
    %add3A_1347 = arith.addi %add3A_1346, %iota3A : vector<16xi32>
    %gather3A_1348 = tpu.vector_load_idx %arg7[%add3A_1328, %add3A_1347] : memref<128x64xf32, #tpu.memory_space<vmem>>[vector<16xi32>, vector<16xi32>], vector<16xf32>,
    %add3A_1349 = arith.constant 32 : i32
    %add3A_1350 = vector.broadcast %add3A_1349 : i32 to vector<16xi32>
    %add3A_1351 = arith.addi %add3A_1350, %iota3A : vector<16xi32>
    tpu.vector_store_idx %arg8[%broadcast_in_dim3A_1330, %add3A_1351], %gather3A_1348 : memref<512x64xf32, #tpu.memory_space<vmem>>[vector<16xi32>, vector<16xi32>], vector<16xf32>,
    %add3A_1352 = arith.constant 48 : i32
    %add3A_1353 = vector.broadcast %add3A_1352 : i32 to vector<16xi32>
    %add3A_1354 = arith.addi %add3A_1353, %iota3A : vector<16xi32>
    %gather3A_1355 = tpu.vector_load_idx %arg7[%add3A_1328, %add3A_1354] : memref<128x64xf32, #tpu.memory_space<vmem>>[vector<16xi32>, vector<16xi32>], vector<16xf32>,
    %add3A_1356 = arith.constant 48 : i32
    %add3A_1357 = vector.broadcast %add3A_1356 : i32 to vector<16xi32>
    %add3A_1358 = arith.addi %add3A_1357, %iota3A : vector<16xi32>
    tpu.vector_store_idx %arg8[%broadcast_in_dim3A_1330, %add3A_1358], %gather3A_1355 : memref<512x64xf32, #tpu.memory_space<vmem>>[vector<16xi32>, vector<16xi32>], vector<16xf32>,
    %broadcast_in_dim3A_1359 = arith.constant 40 : i32
    %broadcast_in_dim3A_1360 = vector.broadcast %broadcast_in_dim3A_1359 : i32 to vector<16xi32>
    %slice3A_1361 = vector.extract_strided_slice %get3A_1168 {offsets = [5], sizes = [1], strides = [1]} : vector<16xi32> to vector<1xi32>
    %squeeze3A_1362 = vector.extract %slice3A_1361[0] : i32 from vector<1xi32>
    %and3A_1363 = arith.constant 7 : i32
    %and3A_1364 = arith.andi %squeeze3A_1362, %and3A_1363 : i32
    %add3A_1365 = vector.broadcast %and3A_1364 : i32 to vector<16xi32>
    %add3A_1366 = arith.addi %broadcast_in_dim3A_1360, %add3A_1365 : vector<16xi32>
    %broadcast_in_dim3A_1367 = arith.constant 501 : i32
    %broadcast_in_dim3A_1368 = vector.broadcast %broadcast_in_dim3A_1367 : i32 to vector<16xi32>
    %add3A_1369 = arith.constant 0 : i32
    %add3A_1370 = vector.broadcast %add3A_1369 : i32 to vector<16xi32>
    %add3A_1371 = arith.addi %add3A_1370, %iota3A : vector<16xi32>
    %gather3A_1372 = tpu.vector_load_idx %arg7[%add3A_1366, %add3A_1371] : memref<128x64xf32, #tpu.memory_space<vmem>>[vector<16xi32>, vector<16xi32>], vector<16xf32>,
    %add3A_1373 = arith.constant 0 : i32
    %add3A_1374 = vector.broadcast %add3A_1373 : i32 to vector<16xi32>
    %add3A_1375 = arith.addi %add3A_1374, %iota3A : vector<16xi32>
    tpu.vector_store_idx %arg8[%broadcast_in_dim3A_1368, %add3A_1375], %gather3A_1372 : memref<512x64xf32, #tpu.memory_space<vmem>>[vector<16xi32>, vector<16xi32>], vector<16xf32>,
    %add3A_1376 = arith.constant 16 : i32
    %add3A_1377 = vector.broadcast %add3A_1376 : i32 to vector<16xi32>
    %add3A_1378 = arith.addi %add3A_1377, %iota3A : vector<16xi32>
    %gather3A_1379 = tpu.vector_load_idx %arg7[%add3A_1366, %add3A_1378] : memref<128x64xf32, #tpu.memory_space<vmem>>[vector<16xi32>, vector<16xi32>], vector<16xf32>,
    %add3A_1380 = arith.constant 16 : i32
    %add3A_1381 = vector.broadcast %add3A_1380 : i32 to vector<16xi32>
    %add3A_1382 = arith.addi %add3A_1381, %iota3A : vector<16xi32>
    tpu.vector_store_idx %arg8[%broadcast_in_dim3A_1368, %add3A_1382], %gather3A_1379 : memref<512x64xf32, #tpu.memory_space<vmem>>[vector<16xi32>, vector<16xi32>], vector<16xf32>,
    %add3A_1383 = arith.constant 32 : i32
    %add3A_1384 = vector.broadcast %add3A_1383 : i32 to vector<16xi32>
    %add3A_1385 = arith.addi %add3A_1384, %iota3A : vector<16xi32>
    %gather3A_1386 = tpu.vector_load_idx %arg7[%add3A_1366, %add3A_1385] : memref<128x64xf32, #tpu.memory_space<vmem>>[vector<16xi32>, vector<16xi32>], vector<16xf32>,
    %add3A_1387 = arith.constant 32 : i32
    %add3A_1388 = vector.broadcast %add3A_1387 : i32 to vector<16xi32>
    %add3A_1389 = arith.addi %add3A_1388, %iota3A : vector<16xi32>
    tpu.vector_store_idx %arg8[%broadcast_in_dim3A_1368, %add3A_1389], %gather3A_1386 : memref<512x64xf32, #tpu.memory_space<vmem>>[vector<16xi32>, vector<16xi32>], vector<16xf32>,
    %add3A_1390 = arith.constant 48 : i32
    %add3A_1391 = vector.broadcast %add3A_1390 : i32 to vector<16xi32>
    %add3A_1392 = arith.addi %add3A_1391, %iota3A : vector<16xi32>
    %gather3A_1393 = tpu.vector_load_idx %arg7[%add3A_1366, %add3A_1392] : memref<128x64xf32, #tpu.memory_space<vmem>>[vector<16xi32>, vector<16xi32>], vector<16xf32>,
    %add3A_1394 = arith.constant 48 : i32
    %add3A_1395 = vector.broadcast %add3A_1394 : i32 to vector<16xi32>
    %add3A_1396 = arith.addi %add3A_1395, %iota3A : vector<16xi32>
    tpu.vector_store_idx %arg8[%broadcast_in_dim3A_1368, %add3A_1396], %gather3A_1393 : memref<512x64xf32, #tpu.memory_space<vmem>>[vector<16xi32>, vector<16xi32>], vector<16xf32>,
    %broadcast_in_dim3A_1397 = arith.constant 48 : i32
    %broadcast_in_dim3A_1398 = vector.broadcast %broadcast_in_dim3A_1397 : i32 to vector<16xi32>
    %slice3A_1399 = vector.extract_strided_slice %get3A_1168 {offsets = [6], sizes = [1], strides = [1]} : vector<16xi32> to vector<1xi32>
    %squeeze3A_1400 = vector.extract %slice3A_1399[0] : i32 from vector<1xi32>
    %and3A_1401 = arith.constant 7 : i32
    %and3A_1402 = arith.andi %squeeze3A_1400, %and3A_1401 : i32
    %add3A_1403 = vector.broadcast %and3A_1402 : i32 to vector<16xi32>
    %add3A_1404 = arith.addi %broadcast_in_dim3A_1398, %add3A_1403 : vector<16xi32>
    %broadcast_in_dim3A_1405 = arith.constant 502 : i32
    %broadcast_in_dim3A_1406 = vector.broadcast %broadcast_in_dim3A_1405 : i32 to vector<16xi32>
    %add3A_1407 = arith.constant 0 : i32
    %add3A_1408 = vector.broadcast %add3A_1407 : i32 to vector<16xi32>
    %add3A_1409 = arith.addi %add3A_1408, %iota3A : vector<16xi32>
    %gather3A_1410 = tpu.vector_load_idx %arg7[%add3A_1404, %add3A_1409] : memref<128x64xf32, #tpu.memory_space<vmem>>[vector<16xi32>, vector<16xi32>], vector<16xf32>,
    %add3A_1411 = arith.constant 0 : i32
    %add3A_1412 = vector.broadcast %add3A_1411 : i32 to vector<16xi32>
    %add3A_1413 = arith.addi %add3A_1412, %iota3A : vector<16xi32>
    tpu.vector_store_idx %arg8[%broadcast_in_dim3A_1406, %add3A_1413], %gather3A_1410 : memref<512x64xf32, #tpu.memory_space<vmem>>[vector<16xi32>, vector<16xi32>], vector<16xf32>,
    %add3A_1414 = arith.constant 16 : i32
    %add3A_1415 = vector.broadcast %add3A_1414 : i32 to vector<16xi32>
    %add3A_1416 = arith.addi %add3A_1415, %iota3A : vector<16xi32>
    %gather3A_1417 = tpu.vector_load_idx %arg7[%add3A_1404, %add3A_1416] : memref<128x64xf32, #tpu.memory_space<vmem>>[vector<16xi32>, vector<16xi32>], vector<16xf32>,
    %add3A_1418 = arith.constant 16 : i32
    %add3A_1419 = vector.broadcast %add3A_1418 : i32 to vector<16xi32>
    %add3A_1420 = arith.addi %add3A_1419, %iota3A : vector<16xi32>
    tpu.vector_store_idx %arg8[%broadcast_in_dim3A_1406, %add3A_1420], %gather3A_1417 : memref<512x64xf32, #tpu.memory_space<vmem>>[vector<16xi32>, vector<16xi32>], vector<16xf32>,
    %add3A_1421 = arith.constant 32 : i32
    %add3A_1422 = vector.broadcast %add3A_1421 : i32 to vector<16xi32>
    %add3A_1423 = arith.addi %add3A_1422, %iota3A : vector<16xi32>
    %gather3A_1424 = tpu.vector_load_idx %arg7[%add3A_1404, %add3A_1423] : memref<128x64xf32, #tpu.memory_space<vmem>>[vector<16xi32>, vector<16xi32>], vector<16xf32>,
    %add3A_1425 = arith.constant 32 : i32
    %add3A_1426 = vector.broadcast %add3A_1425 : i32 to vector<16xi32>
    %add3A_1427 = arith.addi %add3A_1426, %iota3A : vector<16xi32>
    tpu.vector_store_idx %arg8[%broadcast_in_dim3A_1406, %add3A_1427], %gather3A_1424 : memref<512x64xf32, #tpu.memory_space<vmem>>[vector<16xi32>, vector<16xi32>], vector<16xf32>,
    %add3A_1428 = arith.constant 48 : i32
    %add3A_1429 = vector.broadcast %add3A_1428 : i32 to vector<16xi32>
    %add3A_1430 = arith.addi %add3A_1429, %iota3A : vector<16xi32>
    %gather3A_1431 = tpu.vector_load_idx %arg7[%add3A_1404, %add3A_1430] : memref<128x64xf32, #tpu.memory_space<vmem>>[vector<16xi32>, vector<16xi32>], vector<16xf32>,
    %add3A_1432 = arith.constant 48 : i32
    %add3A_1433 = vector.broadcast %add3A_1432 : i32 to vector<16xi32>
    %add3A_1434 = arith.addi %add3A_1433, %iota3A : vector<16xi32>
    tpu.vector_store_idx %arg8[%broadcast_in_dim3A_1406, %add3A_1434], %gather3A_1431 : memref<512x64xf32, #tpu.memory_space<vmem>>[vector<16xi32>, vector<16xi32>], vector<16xf32>,
    %broadcast_in_dim3A_1435 = arith.constant 56 : i32
    %broadcast_in_dim3A_1436 = vector.broadcast %broadcast_in_dim3A_1435 : i32 to vector<16xi32>
    %slice3A_1437 = vector.extract_strided_slice %get3A_1168 {offsets = [7], sizes = [1], strides = [1]} : vector<16xi32> to vector<1xi32>
    %squeeze3A_1438 = vector.extract %slice3A_1437[0] : i32 from vector<1xi32>
    %and3A_1439 = arith.constant 7 : i32
    %and3A_1440 = arith.andi %squeeze3A_1438, %and3A_1439 : i32
    %add3A_1441 = vector.broadcast %and3A_1440 : i32 to vector<16xi32>
    %add3A_1442 = arith.addi %broadcast_in_dim3A_1436, %add3A_1441 : vector<16xi32>
    %broadcast_in_dim3A_1443 = arith.constant 503 : i32
    %broadcast_in_dim3A_1444 = vector.broadcast %broadcast_in_dim3A_1443 : i32 to vector<16xi32>
    %add3A_1445 = arith.constant 0 : i32
    %add3A_1446 = vector.broadcast %add3A_1445 : i32 to vector<16xi32>
    %add3A_1447 = arith.addi %add3A_1446, %iota3A : vector<16xi32>
    %gather3A_1448 = tpu.vector_load_idx %arg7[%add3A_1442, %add3A_1447] : memref<128x64xf32, #tpu.memory_space<vmem>>[vector<16xi32>, vector<16xi32>], vector<16xf32>,
    %add3A_1449 = arith.constant 0 : i32
    %add3A_1450 = vector.broadcast %add3A_1449 : i32 to vector<16xi32>
    %add3A_1451 = arith.addi %add3A_1450, %iota3A : vector<16xi32>
    tpu.vector_store_idx %arg8[%broadcast_in_dim3A_1444, %add3A_1451], %gather3A_1448 : memref<512x64xf32, #tpu.memory_space<vmem>>[vector<16xi32>, vector<16xi32>], vector<16xf32>,
    %add3A_1452 = arith.constant 16 : i32
    %add3A_1453 = vector.broadcast %add3A_1452 : i32 to vector<16xi32>
    %add3A_1454 = arith.addi %add3A_1453, %iota3A : vector<16xi32>
    %gather3A_1455 = tpu.vector_load_idx %arg7[%add3A_1442, %add3A_1454] : memref<128x64xf32, #tpu.memory_space<vmem>>[vector<16xi32>, vector<16xi32>], vector<16xf32>,
    %add3A_1456 = arith.constant 16 : i32
    %add3A_1457 = vector.broadcast %add3A_1456 : i32 to vector<16xi32>
    %add3A_1458 = arith.addi %add3A_1457, %iota3A : vector<16xi32>
    tpu.vector_store_idx %arg8[%broadcast_in_dim3A_1444, %add3A_1458], %gather3A_1455 : memref<512x64xf32, #tpu.memory_space<vmem>>[vector<16xi32>, vector<16xi32>], vector<16xf32>,
    %add3A_1459 = arith.constant 32 : i32
    %add3A_1460 = vector.broadcast %add3A_1459 : i32 to vector<16xi32>
    %add3A_1461 = arith.addi %add3A_1460, %iota3A : vector<16xi32>
    %gather3A_1462 = tpu.vector_load_idx %arg7[%add3A_1442, %add3A_1461] : memref<128x64xf32, #tpu.memory_space<vmem>>[vector<16xi32>, vector<16xi32>], vector<16xf32>,
    %add3A_1463 = arith.constant 32 : i32
    %add3A_1464 = vector.broadcast %add3A_1463 : i32 to vector<16xi32>
    %add3A_1465 = arith.addi %add3A_1464, %iota3A : vector<16xi32>
    tpu.vector_store_idx %arg8[%broadcast_in_dim3A_1444, %add3A_1465], %gather3A_1462 : memref<512x64xf32, #tpu.memory_space<vmem>>[vector<16xi32>, vector<16xi32>], vector<16xf32>,
    %add3A_1466 = arith.constant 48 : i32
    %add3A_1467 = vector.broadcast %add3A_1466 : i32 to vector<16xi32>
    %add3A_1468 = arith.addi %add3A_1467, %iota3A : vector<16xi32>
    %gather3A_1469 = tpu.vector_load_idx %arg7[%add3A_1442, %add3A_1468] : memref<128x64xf32, #tpu.memory_space<vmem>>[vector<16xi32>, vector<16xi32>], vector<16xf32>,
    %add3A_1470 = arith.constant 48 : i32
    %add3A_1471 = vector.broadcast %add3A_1470 : i32 to vector<16xi32>
    %add3A_1472 = arith.addi %add3A_1471, %iota3A : vector<16xi32>
    tpu.vector_store_idx %arg8[%broadcast_in_dim3A_1444, %add3A_1472], %gather3A_1469 : memref<512x64xf32, #tpu.memory_space<vmem>>[vector<16xi32>, vector<16xi32>], vector<16xf32>,
    %broadcast_in_dim3A_1473 = arith.constant 64 : i32
    %broadcast_in_dim3A_1474 = vector.broadcast %broadcast_in_dim3A_1473 : i32 to vector<16xi32>
    %slice3A_1475 = vector.extract_strided_slice %get3A_1168 {offsets = [8], sizes = [1], strides = [1]} : vector<16xi32> to vector<1xi32>
    %squeeze3A_1476 = vector.extract %slice3A_1475[0] : i32 from vector<1xi32>
    %and3A_1477 = arith.constant 7 : i32
    %and3A_1478 = arith.andi %squeeze3A_1476, %and3A_1477 : i32
    %add3A_1479 = vector.broadcast %and3A_1478 : i32 to vector<16xi32>
    %add3A_1480 = arith.addi %broadcast_in_dim3A_1474, %add3A_1479 : vector<16xi32>
    %broadcast_in_dim3A_1481 = arith.constant 504 : i32
    %broadcast_in_dim3A_1482 = vector.broadcast %broadcast_in_dim3A_1481 : i32 to vector<16xi32>
    %add3A_1483 = arith.constant 0 : i32
    %add3A_1484 = vector.broadcast %add3A_1483 : i32 to vector<16xi32>
    %add3A_1485 = arith.addi %add3A_1484, %iota3A : vector<16xi32>
    %gather3A_1486 = tpu.vector_load_idx %arg7[%add3A_1480, %add3A_1485] : memref<128x64xf32, #tpu.memory_space<vmem>>[vector<16xi32>, vector<16xi32>], vector<16xf32>,
    %add3A_1487 = arith.constant 0 : i32
    %add3A_1488 = vector.broadcast %add3A_1487 : i32 to vector<16xi32>
    %add3A_1489 = arith.addi %add3A_1488, %iota3A : vector<16xi32>
    tpu.vector_store_idx %arg8[%broadcast_in_dim3A_1482, %add3A_1489], %gather3A_1486 : memref<512x64xf32, #tpu.memory_space<vmem>>[vector<16xi32>, vector<16xi32>], vector<16xf32>,
    %add3A_1490 = arith.constant 16 : i32
    %add3A_1491 = vector.broadcast %add3A_1490 : i32 to vector<16xi32>
    %add3A_1492 = arith.addi %add3A_1491, %iota3A : vector<16xi32>
    %gather3A_1493 = tpu.vector_load_idx %arg7[%add3A_1480, %add3A_1492] : memref<128x64xf32, #tpu.memory_space<vmem>>[vector<16xi32>, vector<16xi32>], vector<16xf32>,
    %add3A_1494 = arith.constant 16 : i32
    %add3A_1495 = vector.broadcast %add3A_1494 : i32 to vector<16xi32>
    %add3A_1496 = arith.addi %add3A_1495, %iota3A : vector<16xi32>
    tpu.vector_store_idx %arg8[%broadcast_in_dim3A_1482, %add3A_1496], %gather3A_1493 : memref<512x64xf32, #tpu.memory_space<vmem>>[vector<16xi32>, vector<16xi32>], vector<16xf32>,
    %add3A_1497 = arith.constant 32 : i32
    %add3A_1498 = vector.broadcast %add3A_1497 : i32 to vector<16xi32>
    %add3A_1499 = arith.addi %add3A_1498, %iota3A : vector<16xi32>
    %gather3A_1500 = tpu.vector_load_idx %arg7[%add3A_1480, %add3A_1499] : memref<128x64xf32, #tpu.memory_space<vmem>>[vector<16xi32>, vector<16xi32>], vector<16xf32>,
    %add3A_1501 = arith.constant 32 : i32
    %add3A_1502 = vector.broadcast %add3A_1501 : i32 to vector<16xi32>
    %add3A_1503 = arith.addi %add3A_1502, %iota3A : vector<16xi32>
    tpu.vector_store_idx %arg8[%broadcast_in_dim3A_1482, %add3A_1503], %gather3A_1500 : memref<512x64xf32, #tpu.memory_space<vmem>>[vector<16xi32>, vector<16xi32>], vector<16xf32>,
    %add3A_1504 = arith.constant 48 : i32
    %add3A_1505 = vector.broadcast %add3A_1504 : i32 to vector<16xi32>
    %add3A_1506 = arith.addi %add3A_1505, %iota3A : vector<16xi32>
    %gather3A_1507 = tpu.vector_load_idx %arg7[%add3A_1480, %add3A_1506] : memref<128x64xf32, #tpu.memory_space<vmem>>[vector<16xi32>, vector<16xi32>], vector<16xf32>,
    %add3A_1508 = arith.constant 48 : i32
    %add3A_1509 = vector.broadcast %add3A_1508 : i32 to vector<16xi32>
    %add3A_1510 = arith.addi %add3A_1509, %iota3A : vector<16xi32>
    tpu.vector_store_idx %arg8[%broadcast_in_dim3A_1482, %add3A_1510], %gather3A_1507 : memref<512x64xf32, #tpu.memory_space<vmem>>[vector<16xi32>, vector<16xi32>], vector<16xf32>,
    %broadcast_in_dim3A_1511 = arith.constant 72 : i32
    %broadcast_in_dim3A_1512 = vector.broadcast %broadcast_in_dim3A_1511 : i32 to vector<16xi32>
    %slice3A_1513 = vector.extract_strided_slice %get3A_1168 {offsets = [9], sizes = [1], strides = [1]} : vector<16xi32> to vector<1xi32>
    %squeeze3A_1514 = vector.extract %slice3A_1513[0] : i32 from vector<1xi32>
    %and3A_1515 = arith.constant 7 : i32
    %and3A_1516 = arith.andi %squeeze3A_1514, %and3A_1515 : i32
    %add3A_1517 = vector.broadcast %and3A_1516 : i32 to vector<16xi32>
    %add3A_1518 = arith.addi %broadcast_in_dim3A_1512, %add3A_1517 : vector<16xi32>
    %broadcast_in_dim3A_1519 = arith.constant 505 : i32
    %broadcast_in_dim3A_1520 = vector.broadcast %broadcast_in_dim3A_1519 : i32 to vector<16xi32>
    %add3A_1521 = arith.constant 0 : i32
    %add3A_1522 = vector.broadcast %add3A_1521 : i32 to vector<16xi32>
    %add3A_1523 = arith.addi %add3A_1522, %iota3A : vector<16xi32>
    %gather3A_1524 = tpu.vector_load_idx %arg7[%add3A_1518, %add3A_1523] : memref<128x64xf32, #tpu.memory_space<vmem>>[vector<16xi32>, vector<16xi32>], vector<16xf32>,
    %add3A_1525 = arith.constant 0 : i32
    %add3A_1526 = vector.broadcast %add3A_1525 : i32 to vector<16xi32>
    %add3A_1527 = arith.addi %add3A_1526, %iota3A : vector<16xi32>
    tpu.vector_store_idx %arg8[%broadcast_in_dim3A_1520, %add3A_1527], %gather3A_1524 : memref<512x64xf32, #tpu.memory_space<vmem>>[vector<16xi32>, vector<16xi32>], vector<16xf32>,
    %add3A_1528 = arith.constant 16 : i32
    %add3A_1529 = vector.broadcast %add3A_1528 : i32 to vector<16xi32>
    %add3A_1530 = arith.addi %add3A_1529, %iota3A : vector<16xi32>
    %gather3A_1531 = tpu.vector_load_idx %arg7[%add3A_1518, %add3A_1530] : memref<128x64xf32, #tpu.memory_space<vmem>>[vector<16xi32>, vector<16xi32>], vector<16xf32>,
    %add3A_1532 = arith.constant 16 : i32
    %add3A_1533 = vector.broadcast %add3A_1532 : i32 to vector<16xi32>
    %add3A_1534 = arith.addi %add3A_1533, %iota3A : vector<16xi32>
    tpu.vector_store_idx %arg8[%broadcast_in_dim3A_1520, %add3A_1534], %gather3A_1531 : memref<512x64xf32, #tpu.memory_space<vmem>>[vector<16xi32>, vector<16xi32>], vector<16xf32>,
    %add3A_1535 = arith.constant 32 : i32
    %add3A_1536 = vector.broadcast %add3A_1535 : i32 to vector<16xi32>
    %add3A_1537 = arith.addi %add3A_1536, %iota3A : vector<16xi32>
    %gather3A_1538 = tpu.vector_load_idx %arg7[%add3A_1518, %add3A_1537] : memref<128x64xf32, #tpu.memory_space<vmem>>[vector<16xi32>, vector<16xi32>], vector<16xf32>,
    %add3A_1539 = arith.constant 32 : i32
    %add3A_1540 = vector.broadcast %add3A_1539 : i32 to vector<16xi32>
    %add3A_1541 = arith.addi %add3A_1540, %iota3A : vector<16xi32>
    tpu.vector_store_idx %arg8[%broadcast_in_dim3A_1520, %add3A_1541], %gather3A_1538 : memref<512x64xf32, #tpu.memory_space<vmem>>[vector<16xi32>, vector<16xi32>], vector<16xf32>,
    %add3A_1542 = arith.constant 48 : i32
    %add3A_1543 = vector.broadcast %add3A_1542 : i32 to vector<16xi32>
    %add3A_1544 = arith.addi %add3A_1543, %iota3A : vector<16xi32>
    %gather3A_1545 = tpu.vector_load_idx %arg7[%add3A_1518, %add3A_1544] : memref<128x64xf32, #tpu.memory_space<vmem>>[vector<16xi32>, vector<16xi32>], vector<16xf32>,
    %add3A_1546 = arith.constant 48 : i32
    %add3A_1547 = vector.broadcast %add3A_1546 : i32 to vector<16xi32>
    %add3A_1548 = arith.addi %add3A_1547, %iota3A : vector<16xi32>
    tpu.vector_store_idx %arg8[%broadcast_in_dim3A_1520, %add3A_1548], %gather3A_1545 : memref<512x64xf32, #tpu.memory_space<vmem>>[vector<16xi32>, vector<16xi32>], vector<16xf32>,
    %broadcast_in_dim3A_1549 = arith.constant 80 : i32
    %broadcast_in_dim3A_1550 = vector.broadcast %broadcast_in_dim3A_1549 : i32 to vector<16xi32>
    %slice3A_1551 = vector.extract_strided_slice %get3A_1168 {offsets = [10], sizes = [1], strides = [1]} : vector<16xi32> to vector<1xi32>
    %squeeze3A_1552 = vector.extract %slice3A_1551[0] : i32 from vector<1xi32>
    %and3A_1553 = arith.constant 7 : i32
    %and3A_1554 = arith.andi %squeeze3A_1552, %and3A_1553 : i32
    %add3A_1555 = vector.broadcast %and3A_1554 : i32 to vector<16xi32>
    %add3A_1556 = arith.addi %broadcast_in_dim3A_1550, %add3A_1555 : vector<16xi32>
    %broadcast_in_dim3A_1557 = arith.constant 506 : i32
    %broadcast_in_dim3A_1558 = vector.broadcast %broadcast_in_dim3A_1557 : i32 to vector<16xi32>
    %add3A_1559 = arith.constant 0 : i32
    %add3A_1560 = vector.broadcast %add3A_1559 : i32 to vector<16xi32>
    %add3A_1561 = arith.addi %add3A_1560, %iota3A : vector<16xi32>
    %gather3A_1562 = tpu.vector_load_idx %arg7[%add3A_1556, %add3A_1561] : memref<128x64xf32, #tpu.memory_space<vmem>>[vector<16xi32>, vector<16xi32>], vector<16xf32>,
    %add3A_1563 = arith.constant 0 : i32
    %add3A_1564 = vector.broadcast %add3A_1563 : i32 to vector<16xi32>
    %add3A_1565 = arith.addi %add3A_1564, %iota3A : vector<16xi32>
    tpu.vector_store_idx %arg8[%broadcast_in_dim3A_1558, %add3A_1565], %gather3A_1562 : memref<512x64xf32, #tpu.memory_space<vmem>>[vector<16xi32>, vector<16xi32>], vector<16xf32>,
    %add3A_1566 = arith.constant 16 : i32
    %add3A_1567 = vector.broadcast %add3A_1566 : i32 to vector<16xi32>
    %add3A_1568 = arith.addi %add3A_1567, %iota3A : vector<16xi32>
    %gather3A_1569 = tpu.vector_load_idx %arg7[%add3A_1556, %add3A_1568] : memref<128x64xf32, #tpu.memory_space<vmem>>[vector<16xi32>, vector<16xi32>], vector<16xf32>,
    %add3A_1570 = arith.constant 16 : i32
    %add3A_1571 = vector.broadcast %add3A_1570 : i32 to vector<16xi32>
    %add3A_1572 = arith.addi %add3A_1571, %iota3A : vector<16xi32>
    tpu.vector_store_idx %arg8[%broadcast_in_dim3A_1558, %add3A_1572], %gather3A_1569 : memref<512x64xf32, #tpu.memory_space<vmem>>[vector<16xi32>, vector<16xi32>], vector<16xf32>,
    %add3A_1573 = arith.constant 32 : i32
    %add3A_1574 = vector.broadcast %add3A_1573 : i32 to vector<16xi32>
    %add3A_1575 = arith.addi %add3A_1574, %iota3A : vector<16xi32>
    %gather3A_1576 = tpu.vector_load_idx %arg7[%add3A_1556, %add3A_1575] : memref<128x64xf32, #tpu.memory_space<vmem>>[vector<16xi32>, vector<16xi32>], vector<16xf32>,
    %add3A_1577 = arith.constant 32 : i32
    %add3A_1578 = vector.broadcast %add3A_1577 : i32 to vector<16xi32>
    %add3A_1579 = arith.addi %add3A_1578, %iota3A : vector<16xi32>
    tpu.vector_store_idx %arg8[%broadcast_in_dim3A_1558, %add3A_1579], %gather3A_1576 : memref<512x64xf32, #tpu.memory_space<vmem>>[vector<16xi32>, vector<16xi32>], vector<16xf32>,
    %add3A_1580 = arith.constant 48 : i32
    %add3A_1581 = vector.broadcast %add3A_1580 : i32 to vector<16xi32>
    %add3A_1582 = arith.addi %add3A_1581, %iota3A : vector<16xi32>
    %gather3A_1583 = tpu.vector_load_idx %arg7[%add3A_1556, %add3A_1582] : memref<128x64xf32, #tpu.memory_space<vmem>>[vector<16xi32>, vector<16xi32>], vector<16xf32>,
    %add3A_1584 = arith.constant 48 : i32
    %add3A_1585 = vector.broadcast %add3A_1584 : i32 to vector<16xi32>
    %add3A_1586 = arith.addi %add3A_1585, %iota3A : vector<16xi32>
    tpu.vector_store_idx %arg8[%broadcast_in_dim3A_1558, %add3A_1586], %gather3A_1583 : memref<512x64xf32, #tpu.memory_space<vmem>>[vector<16xi32>, vector<16xi32>], vector<16xf32>,
    %broadcast_in_dim3A_1587 = arith.constant 88 : i32
    %broadcast_in_dim3A_1588 = vector.broadcast %broadcast_in_dim3A_1587 : i32 to vector<16xi32>
    %slice3A_1589 = vector.extract_strided_slice %get3A_1168 {offsets = [11], sizes = [1], strides = [1]} : vector<16xi32> to vector<1xi32>
    %squeeze3A_1590 = vector.extract %slice3A_1589[0] : i32 from vector<1xi32>
    %and3A_1591 = arith.constant 7 : i32
    %and3A_1592 = arith.andi %squeeze3A_1590, %and3A_1591 : i32
    %add3A_1593 = vector.broadcast %and3A_1592 : i32 to vector<16xi32>
    %add3A_1594 = arith.addi %broadcast_in_dim3A_1588, %add3A_1593 : vector<16xi32>
    %broadcast_in_dim3A_1595 = arith.constant 507 : i32
    %broadcast_in_dim3A_1596 = vector.broadcast %broadcast_in_dim3A_1595 : i32 to vector<16xi32>
    %add3A_1597 = arith.constant 0 : i32
    %add3A_1598 = vector.broadcast %add3A_1597 : i32 to vector<16xi32>
    %add3A_1599 = arith.addi %add3A_1598, %iota3A : vector<16xi32>
    %gather3A_1600 = tpu.vector_load_idx %arg7[%add3A_1594, %add3A_1599] : memref<128x64xf32, #tpu.memory_space<vmem>>[vector<16xi32>, vector<16xi32>], vector<16xf32>,
    %add3A_1601 = arith.constant 0 : i32
    %add3A_1602 = vector.broadcast %add3A_1601 : i32 to vector<16xi32>
    %add3A_1603 = arith.addi %add3A_1602, %iota3A : vector<16xi32>
    tpu.vector_store_idx %arg8[%broadcast_in_dim3A_1596, %add3A_1603], %gather3A_1600 : memref<512x64xf32, #tpu.memory_space<vmem>>[vector<16xi32>, vector<16xi32>], vector<16xf32>,
    %add3A_1604 = arith.constant 16 : i32
    %add3A_1605 = vector.broadcast %add3A_1604 : i32 to vector<16xi32>
    %add3A_1606 = arith.addi %add3A_1605, %iota3A : vector<16xi32>
    %gather3A_1607 = tpu.vector_load_idx %arg7[%add3A_1594, %add3A_1606] : memref<128x64xf32, #tpu.memory_space<vmem>>[vector<16xi32>, vector<16xi32>], vector<16xf32>,
    %add3A_1608 = arith.constant 16 : i32
    %add3A_1609 = vector.broadcast %add3A_1608 : i32 to vector<16xi32>
    %add3A_1610 = arith.addi %add3A_1609, %iota3A : vector<16xi32>
    tpu.vector_store_idx %arg8[%broadcast_in_dim3A_1596, %add3A_1610], %gather3A_1607 : memref<512x64xf32, #tpu.memory_space<vmem>>[vector<16xi32>, vector<16xi32>], vector<16xf32>,
    %add3A_1611 = arith.constant 32 : i32
    %add3A_1612 = vector.broadcast %add3A_1611 : i32 to vector<16xi32>
    %add3A_1613 = arith.addi %add3A_1612, %iota3A : vector<16xi32>
    %gather3A_1614 = tpu.vector_load_idx %arg7[%add3A_1594, %add3A_1613] : memref<128x64xf32, #tpu.memory_space<vmem>>[vector<16xi32>, vector<16xi32>], vector<16xf32>,
    %add3A_1615 = arith.constant 32 : i32
    %add3A_1616 = vector.broadcast %add3A_1615 : i32 to vector<16xi32>
    %add3A_1617 = arith.addi %add3A_1616, %iota3A : vector<16xi32>
    tpu.vector_store_idx %arg8[%broadcast_in_dim3A_1596, %add3A_1617], %gather3A_1614 : memref<512x64xf32, #tpu.memory_space<vmem>>[vector<16xi32>, vector<16xi32>], vector<16xf32>,
    %add3A_1618 = arith.constant 48 : i32
    %add3A_1619 = vector.broadcast %add3A_1618 : i32 to vector<16xi32>
    %add3A_1620 = arith.addi %add3A_1619, %iota3A : vector<16xi32>
    %gather3A_1621 = tpu.vector_load_idx %arg7[%add3A_1594, %add3A_1620] : memref<128x64xf32, #tpu.memory_space<vmem>>[vector<16xi32>, vector<16xi32>], vector<16xf32>,
    %add3A_1622 = arith.constant 48 : i32
    %add3A_1623 = vector.broadcast %add3A_1622 : i32 to vector<16xi32>
    %add3A_1624 = arith.addi %add3A_1623, %iota3A : vector<16xi32>
    tpu.vector_store_idx %arg8[%broadcast_in_dim3A_1596, %add3A_1624], %gather3A_1621 : memref<512x64xf32, #tpu.memory_space<vmem>>[vector<16xi32>, vector<16xi32>], vector<16xf32>,
    %broadcast_in_dim3A_1625 = arith.constant 96 : i32
    %broadcast_in_dim3A_1626 = vector.broadcast %broadcast_in_dim3A_1625 : i32 to vector<16xi32>
    %slice3A_1627 = vector.extract_strided_slice %get3A_1168 {offsets = [12], sizes = [1], strides = [1]} : vector<16xi32> to vector<1xi32>
    %squeeze3A_1628 = vector.extract %slice3A_1627[0] : i32 from vector<1xi32>
    %and3A_1629 = arith.constant 7 : i32
    %and3A_1630 = arith.andi %squeeze3A_1628, %and3A_1629 : i32
    %add3A_1631 = vector.broadcast %and3A_1630 : i32 to vector<16xi32>
    %add3A_1632 = arith.addi %broadcast_in_dim3A_1626, %add3A_1631 : vector<16xi32>
    %broadcast_in_dim3A_1633 = arith.constant 508 : i32
    %broadcast_in_dim3A_1634 = vector.broadcast %broadcast_in_dim3A_1633 : i32 to vector<16xi32>
    %add3A_1635 = arith.constant 0 : i32
    %add3A_1636 = vector.broadcast %add3A_1635 : i32 to vector<16xi32>
    %add3A_1637 = arith.addi %add3A_1636, %iota3A : vector<16xi32>
    %gather3A_1638 = tpu.vector_load_idx %arg7[%add3A_1632, %add3A_1637] : memref<128x64xf32, #tpu.memory_space<vmem>>[vector<16xi32>, vector<16xi32>], vector<16xf32>,
    %add3A_1639 = arith.constant 0 : i32
    %add3A_1640 = vector.broadcast %add3A_1639 : i32 to vector<16xi32>
    %add3A_1641 = arith.addi %add3A_1640, %iota3A : vector<16xi32>
    tpu.vector_store_idx %arg8[%broadcast_in_dim3A_1634, %add3A_1641], %gather3A_1638 : memref<512x64xf32, #tpu.memory_space<vmem>>[vector<16xi32>, vector<16xi32>], vector<16xf32>,
    %add3A_1642 = arith.constant 16 : i32
    %add3A_1643 = vector.broadcast %add3A_1642 : i32 to vector<16xi32>
    %add3A_1644 = arith.addi %add3A_1643, %iota3A : vector<16xi32>
    %gather3A_1645 = tpu.vector_load_idx %arg7[%add3A_1632, %add3A_1644] : memref<128x64xf32, #tpu.memory_space<vmem>>[vector<16xi32>, vector<16xi32>], vector<16xf32>,
    %add3A_1646 = arith.constant 16 : i32
    %add3A_1647 = vector.broadcast %add3A_1646 : i32 to vector<16xi32>
    %add3A_1648 = arith.addi %add3A_1647, %iota3A : vector<16xi32>
    tpu.vector_store_idx %arg8[%broadcast_in_dim3A_1634, %add3A_1648], %gather3A_1645 : memref<512x64xf32, #tpu.memory_space<vmem>>[vector<16xi32>, vector<16xi32>], vector<16xf32>,
    %add3A_1649 = arith.constant 32 : i32
    %add3A_1650 = vector.broadcast %add3A_1649 : i32 to vector<16xi32>
    %add3A_1651 = arith.addi %add3A_1650, %iota3A : vector<16xi32>
    %gather3A_1652 = tpu.vector_load_idx %arg7[%add3A_1632, %add3A_1651] : memref<128x64xf32, #tpu.memory_space<vmem>>[vector<16xi32>, vector<16xi32>], vector<16xf32>,
    %add3A_1653 = arith.constant 32 : i32
    %add3A_1654 = vector.broadcast %add3A_1653 : i32 to vector<16xi32>
    %add3A_1655 = arith.addi %add3A_1654, %iota3A : vector<16xi32>
    tpu.vector_store_idx %arg8[%broadcast_in_dim3A_1634, %add3A_1655], %gather3A_1652 : memref<512x64xf32, #tpu.memory_space<vmem>>[vector<16xi32>, vector<16xi32>], vector<16xf32>,
    %add3A_1656 = arith.constant 48 : i32
    %add3A_1657 = vector.broadcast %add3A_1656 : i32 to vector<16xi32>
    %add3A_1658 = arith.addi %add3A_1657, %iota3A : vector<16xi32>
    %gather3A_1659 = tpu.vector_load_idx %arg7[%add3A_1632, %add3A_1658] : memref<128x64xf32, #tpu.memory_space<vmem>>[vector<16xi32>, vector<16xi32>], vector<16xf32>,
    %add3A_1660 = arith.constant 48 : i32
    %add3A_1661 = vector.broadcast %add3A_1660 : i32 to vector<16xi32>
    %add3A_1662 = arith.addi %add3A_1661, %iota3A : vector<16xi32>
    tpu.vector_store_idx %arg8[%broadcast_in_dim3A_1634, %add3A_1662], %gather3A_1659 : memref<512x64xf32, #tpu.memory_space<vmem>>[vector<16xi32>, vector<16xi32>], vector<16xf32>,
    %broadcast_in_dim3A_1663 = arith.constant 104 : i32
    %broadcast_in_dim3A_1664 = vector.broadcast %broadcast_in_dim3A_1663 : i32 to vector<16xi32>
    %slice3A_1665 = vector.extract_strided_slice %get3A_1168 {offsets = [13], sizes = [1], strides = [1]} : vector<16xi32> to vector<1xi32>
    %squeeze3A_1666 = vector.extract %slice3A_1665[0] : i32 from vector<1xi32>
    %and3A_1667 = arith.constant 7 : i32
    %and3A_1668 = arith.andi %squeeze3A_1666, %and3A_1667 : i32
    %add3A_1669 = vector.broadcast %and3A_1668 : i32 to vector<16xi32>
    %add3A_1670 = arith.addi %broadcast_in_dim3A_1664, %add3A_1669 : vector<16xi32>
    %broadcast_in_dim3A_1671 = arith.constant 509 : i32
    %broadcast_in_dim3A_1672 = vector.broadcast %broadcast_in_dim3A_1671 : i32 to vector<16xi32>
    %add3A_1673 = arith.constant 0 : i32
    %add3A_1674 = vector.broadcast %add3A_1673 : i32 to vector<16xi32>
    %add3A_1675 = arith.addi %add3A_1674, %iota3A : vector<16xi32>
    %gather3A_1676 = tpu.vector_load_idx %arg7[%add3A_1670, %add3A_1675] : memref<128x64xf32, #tpu.memory_space<vmem>>[vector<16xi32>, vector<16xi32>], vector<16xf32>,
    %add3A_1677 = arith.constant 0 : i32
    %add3A_1678 = vector.broadcast %add3A_1677 : i32 to vector<16xi32>
    %add3A_1679 = arith.addi %add3A_1678, %iota3A : vector<16xi32>
    tpu.vector_store_idx %arg8[%broadcast_in_dim3A_1672, %add3A_1679], %gather3A_1676 : memref<512x64xf32, #tpu.memory_space<vmem>>[vector<16xi32>, vector<16xi32>], vector<16xf32>,
    %add3A_1680 = arith.constant 16 : i32
    %add3A_1681 = vector.broadcast %add3A_1680 : i32 to vector<16xi32>
    %add3A_1682 = arith.addi %add3A_1681, %iota3A : vector<16xi32>
    %gather3A_1683 = tpu.vector_load_idx %arg7[%add3A_1670, %add3A_1682] : memref<128x64xf32, #tpu.memory_space<vmem>>[vector<16xi32>, vector<16xi32>], vector<16xf32>,
    %add3A_1684 = arith.constant 16 : i32
    %add3A_1685 = vector.broadcast %add3A_1684 : i32 to vector<16xi32>
    %add3A_1686 = arith.addi %add3A_1685, %iota3A : vector<16xi32>
    tpu.vector_store_idx %arg8[%broadcast_in_dim3A_1672, %add3A_1686], %gather3A_1683 : memref<512x64xf32, #tpu.memory_space<vmem>>[vector<16xi32>, vector<16xi32>], vector<16xf32>,
    %add3A_1687 = arith.constant 32 : i32
    %add3A_1688 = vector.broadcast %add3A_1687 : i32 to vector<16xi32>
    %add3A_1689 = arith.addi %add3A_1688, %iota3A : vector<16xi32>
    %gather3A_1690 = tpu.vector_load_idx %arg7[%add3A_1670, %add3A_1689] : memref<128x64xf32, #tpu.memory_space<vmem>>[vector<16xi32>, vector<16xi32>], vector<16xf32>,
    %add3A_1691 = arith.constant 32 : i32
    %add3A_1692 = vector.broadcast %add3A_1691 : i32 to vector<16xi32>
    %add3A_1693 = arith.addi %add3A_1692, %iota3A : vector<16xi32>
    tpu.vector_store_idx %arg8[%broadcast_in_dim3A_1672, %add3A_1693], %gather3A_1690 : memref<512x64xf32, #tpu.memory_space<vmem>>[vector<16xi32>, vector<16xi32>], vector<16xf32>,
    %add3A_1694 = arith.constant 48 : i32
    %add3A_1695 = vector.broadcast %add3A_1694 : i32 to vector<16xi32>
    %add3A_1696 = arith.addi %add3A_1695, %iota3A : vector<16xi32>
    %gather3A_1697 = tpu.vector_load_idx %arg7[%add3A_1670, %add3A_1696] : memref<128x64xf32, #tpu.memory_space<vmem>>[vector<16xi32>, vector<16xi32>], vector<16xf32>,
    %add3A_1698 = arith.constant 48 : i32
    %add3A_1699 = vector.broadcast %add3A_1698 : i32 to vector<16xi32>
    %add3A_1700 = arith.addi %add3A_1699, %iota3A : vector<16xi32>
    tpu.vector_store_idx %arg8[%broadcast_in_dim3A_1672, %add3A_1700], %gather3A_1697 : memref<512x64xf32, #tpu.memory_space<vmem>>[vector<16xi32>, vector<16xi32>], vector<16xf32>,
    %broadcast_in_dim3A_1701 = arith.constant 112 : i32
    %broadcast_in_dim3A_1702 = vector.broadcast %broadcast_in_dim3A_1701 : i32 to vector<16xi32>
    %slice3A_1703 = vector.extract_strided_slice %get3A_1168 {offsets = [14], sizes = [1], strides = [1]} : vector<16xi32> to vector<1xi32>
    %squeeze3A_1704 = vector.extract %slice3A_1703[0] : i32 from vector<1xi32>
    %and3A_1705 = arith.constant 7 : i32
    %and3A_1706 = arith.andi %squeeze3A_1704, %and3A_1705 : i32
    %add3A_1707 = vector.broadcast %and3A_1706 : i32 to vector<16xi32>
    %add3A_1708 = arith.addi %broadcast_in_dim3A_1702, %add3A_1707 : vector<16xi32>
    %broadcast_in_dim3A_1709 = arith.constant 510 : i32
    %broadcast_in_dim3A_1710 = vector.broadcast %broadcast_in_dim3A_1709 : i32 to vector<16xi32>
    %add3A_1711 = arith.constant 0 : i32
    %add3A_1712 = vector.broadcast %add3A_1711 : i32 to vector<16xi32>
    %add3A_1713 = arith.addi %add3A_1712, %iota3A : vector<16xi32>
    %gather3A_1714 = tpu.vector_load_idx %arg7[%add3A_1708, %add3A_1713] : memref<128x64xf32, #tpu.memory_space<vmem>>[vector<16xi32>, vector<16xi32>], vector<16xf32>,
    %add3A_1715 = arith.constant 0 : i32
    %add3A_1716 = vector.broadcast %add3A_1715 : i32 to vector<16xi32>
    %add3A_1717 = arith.addi %add3A_1716, %iota3A : vector<16xi32>
    tpu.vector_store_idx %arg8[%broadcast_in_dim3A_1710, %add3A_1717], %gather3A_1714 : memref<512x64xf32, #tpu.memory_space<vmem>>[vector<16xi32>, vector<16xi32>], vector<16xf32>,
    %add3A_1718 = arith.constant 16 : i32
    %add3A_1719 = vector.broadcast %add3A_1718 : i32 to vector<16xi32>
    %add3A_1720 = arith.addi %add3A_1719, %iota3A : vector<16xi32>
    %gather3A_1721 = tpu.vector_load_idx %arg7[%add3A_1708, %add3A_1720] : memref<128x64xf32, #tpu.memory_space<vmem>>[vector<16xi32>, vector<16xi32>], vector<16xf32>,
    %add3A_1722 = arith.constant 16 : i32
    %add3A_1723 = vector.broadcast %add3A_1722 : i32 to vector<16xi32>
    %add3A_1724 = arith.addi %add3A_1723, %iota3A : vector<16xi32>
    tpu.vector_store_idx %arg8[%broadcast_in_dim3A_1710, %add3A_1724], %gather3A_1721 : memref<512x64xf32, #tpu.memory_space<vmem>>[vector<16xi32>, vector<16xi32>], vector<16xf32>,
    %add3A_1725 = arith.constant 32 : i32
    %add3A_1726 = vector.broadcast %add3A_1725 : i32 to vector<16xi32>
    %add3A_1727 = arith.addi %add3A_1726, %iota3A : vector<16xi32>
    %gather3A_1728 = tpu.vector_load_idx %arg7[%add3A_1708, %add3A_1727] : memref<128x64xf32, #tpu.memory_space<vmem>>[vector<16xi32>, vector<16xi32>], vector<16xf32>,
    %add3A_1729 = arith.constant 32 : i32
    %add3A_1730 = vector.broadcast %add3A_1729 : i32 to vector<16xi32>
    %add3A_1731 = arith.addi %add3A_1730, %iota3A : vector<16xi32>
    tpu.vector_store_idx %arg8[%broadcast_in_dim3A_1710, %add3A_1731], %gather3A_1728 : memref<512x64xf32, #tpu.memory_space<vmem>>[vector<16xi32>, vector<16xi32>], vector<16xf32>,
    %add3A_1732 = arith.constant 48 : i32
    %add3A_1733 = vector.broadcast %add3A_1732 : i32 to vector<16xi32>
    %add3A_1734 = arith.addi %add3A_1733, %iota3A : vector<16xi32>
    %gather3A_1735 = tpu.vector_load_idx %arg7[%add3A_1708, %add3A_1734] : memref<128x64xf32, #tpu.memory_space<vmem>>[vector<16xi32>, vector<16xi32>], vector<16xf32>,
    %add3A_1736 = arith.constant 48 : i32
    %add3A_1737 = vector.broadcast %add3A_1736 : i32 to vector<16xi32>
    %add3A_1738 = arith.addi %add3A_1737, %iota3A : vector<16xi32>
    tpu.vector_store_idx %arg8[%broadcast_in_dim3A_1710, %add3A_1738], %gather3A_1735 : memref<512x64xf32, #tpu.memory_space<vmem>>[vector<16xi32>, vector<16xi32>], vector<16xf32>,
    %broadcast_in_dim3A_1739 = arith.constant 120 : i32
    %broadcast_in_dim3A_1740 = vector.broadcast %broadcast_in_dim3A_1739 : i32 to vector<16xi32>
    %slice3A_1741 = vector.extract_strided_slice %get3A_1168 {offsets = [15], sizes = [1], strides = [1]} : vector<16xi32> to vector<1xi32>
    %squeeze3A_1742 = vector.extract %slice3A_1741[0] : i32 from vector<1xi32>
    %and3A_1743 = arith.constant 7 : i32
    %and3A_1744 = arith.andi %squeeze3A_1742, %and3A_1743 : i32
    %add3A_1745 = vector.broadcast %and3A_1744 : i32 to vector<16xi32>
    %add3A_1746 = arith.addi %broadcast_in_dim3A_1740, %add3A_1745 : vector<16xi32>
    %broadcast_in_dim3A_1747 = arith.constant 511 : i32
    %broadcast_in_dim3A_1748 = vector.broadcast %broadcast_in_dim3A_1747 : i32 to vector<16xi32>
    %add3A_1749 = arith.constant 0 : i32
    %add3A_1750 = vector.broadcast %add3A_1749 : i32 to vector<16xi32>
    %add3A_1751 = arith.addi %add3A_1750, %iota3A : vector<16xi32>
    %gather3A_1752 = tpu.vector_load_idx %arg7[%add3A_1746, %add3A_1751] : memref<128x64xf32, #tpu.memory_space<vmem>>[vector<16xi32>, vector<16xi32>], vector<16xf32>,
    %add3A_1753 = arith.constant 0 : i32
    %add3A_1754 = vector.broadcast %add3A_1753 : i32 to vector<16xi32>
    %add3A_1755 = arith.addi %add3A_1754, %iota3A : vector<16xi32>
    tpu.vector_store_idx %arg8[%broadcast_in_dim3A_1748, %add3A_1755], %gather3A_1752 : memref<512x64xf32, #tpu.memory_space<vmem>>[vector<16xi32>, vector<16xi32>], vector<16xf32>,
    %add3A_1756 = arith.constant 16 : i32
    %add3A_1757 = vector.broadcast %add3A_1756 : i32 to vector<16xi32>
    %add3A_1758 = arith.addi %add3A_1757, %iota3A : vector<16xi32>
    %gather3A_1759 = tpu.vector_load_idx %arg7[%add3A_1746, %add3A_1758] : memref<128x64xf32, #tpu.memory_space<vmem>>[vector<16xi32>, vector<16xi32>], vector<16xf32>,
    %add3A_1760 = arith.constant 16 : i32
    %add3A_1761 = vector.broadcast %add3A_1760 : i32 to vector<16xi32>
    %add3A_1762 = arith.addi %add3A_1761, %iota3A : vector<16xi32>
    tpu.vector_store_idx %arg8[%broadcast_in_dim3A_1748, %add3A_1762], %gather3A_1759 : memref<512x64xf32, #tpu.memory_space<vmem>>[vector<16xi32>, vector<16xi32>], vector<16xf32>,
    %add3A_1763 = arith.constant 32 : i32
    %add3A_1764 = vector.broadcast %add3A_1763 : i32 to vector<16xi32>
    %add3A_1765 = arith.addi %add3A_1764, %iota3A : vector<16xi32>
    %gather3A_1766 = tpu.vector_load_idx %arg7[%add3A_1746, %add3A_1765] : memref<128x64xf32, #tpu.memory_space<vmem>>[vector<16xi32>, vector<16xi32>], vector<16xf32>,
    %add3A_1767 = arith.constant 32 : i32
    %add3A_1768 = vector.broadcast %add3A_1767 : i32 to vector<16xi32>
    %add3A_1769 = arith.addi %add3A_1768, %iota3A : vector<16xi32>
    tpu.vector_store_idx %arg8[%broadcast_in_dim3A_1748, %add3A_1769], %gather3A_1766 : memref<512x64xf32, #tpu.memory_space<vmem>>[vector<16xi32>, vector<16xi32>], vector<16xf32>,
    %add3A_1770 = arith.constant 48 : i32
    %add3A_1771 = vector.broadcast %add3A_1770 : i32 to vector<16xi32>
    %add3A_1772 = arith.addi %add3A_1771, %iota3A : vector<16xi32>
    %gather3A_1773 = tpu.vector_load_idx %arg7[%add3A_1746, %add3A_1772] : memref<128x64xf32, #tpu.memory_space<vmem>>[vector<16xi32>, vector<16xi32>], vector<16xf32>,
    %add3A_1774 = arith.constant 48 : i32
    %add3A_1775 = vector.broadcast %add3A_1774 : i32 to vector<16xi32>
    %add3A_1776 = arith.addi %add3A_1775, %iota3A : vector<16xi32>
    tpu.vector_store_idx %arg8[%broadcast_in_dim3A_1748, %add3A_1776], %gather3A_1773 : memref<512x64xf32, #tpu.memory_space<vmem>>[vector<16xi32>, vector<16xi32>], vector<16xf32>,
    "tpu.region"() ({
      %run_scoped3A = tpu.sem_alloc : memref<!tpu.dma_semaphore, #tpu.memory_space<semaphore_mem>>
      %dma_start3A_1777 = arith.constant 0 : i32
      %dma_start3A_1778 = tpu.memref_slice %arg4[%mul3A_2, %dma_start3A_1777] : memref<16384x64xf32, #tpu.memory_space<hbm>> -> memref<512x64xf32, #tpu.memory_space<hbm>>
      %dma_start3A_1779 = arith.constant 0 : i32
      %dma_start3A_1780 = tpu.memref_slice %arg4[%mul3A_2, %dma_start3A_1779] : memref<16384x64xf32, #tpu.memory_space<hbm>> -> memref<512x64xf32, #tpu.memory_space<hbm>>
      tpu.enqueue_dma source(%arg8 : memref<512x64xf32, #tpu.memory_space<vmem>>) target(%dma_start3A_1780 : memref<512x64xf32, #tpu.memory_space<hbm>>) target_semaphore(%run_scoped3A : memref<!tpu.dma_semaphore, #tpu.memory_space<semaphore_mem>>)
      %dma_wait3A_1781 = arith.constant 0 : i32
      %dma_wait3A_1782 = tpu.memref_slice %arg4[%mul3A_2, %dma_wait3A_1781] : memref<16384x64xf32, #tpu.memory_space<hbm>> -> memref<512x64xf32, #tpu.memory_space<hbm>>
      %dma_wait3A_1783 = arith.constant 0 : i32
      %dma_wait3A_1784 = tpu.memref_slice %arg4[%mul3A_2, %dma_wait3A_1783] : memref<16384x64xf32, #tpu.memory_space<hbm>> -> memref<512x64xf32, #tpu.memory_space<hbm>>
      tpu.wait_dma2 semaphore(%run_scoped3A : memref<!tpu.dma_semaphore, #tpu.memory_space<semaphore_mem>>) src(%arg8 : memref<512x64xf32, #tpu.memory_space<vmem>>) dst(%dma_wait3A_1784 : memref<512x64xf32, #tpu.memory_space<hbm>>)
      tpu.yield
    }) : () -> ()
    return
  }
}

</mosaic_0001>

<sc_bundles>
// kernel: kernel.3.cloned.1.call-start
scs
__scs_entry_jumppad:
0x0: {  	(pc) =	sbr.rel $0x88, $3  }
0x1: {  	(tag) =	ssettag $0x0;
	lr =	simm.s32 $0x1  }
0x2: {  	[smem:$0x3F9F] =	sst lr;
	_ =	strace $0xD0000000  }
0x3: {  	_ = 	snop  }
0x4: {  	_ = 	snop  }
0x5: {  	_ = 	snop  }
0x6: {  	_ = 	snop  }
0x7: {  	_ = 	snop  }
__scs_overlays_trampoline_lowered:
0x8: {  	[smem:$0x3FAE] =	sst s0  }
0x9: {  	[smem:$0x3FAF] =	sst s1  }
0xa: {  	[smem:$0x3FB0] =	sst s2  }
0xb: {  	[smem:$0x3FB1] =	sst s3  }
0xc: {  	[smem:$0x3FB2] =	sst s4  }
0xd: {  	[smem:$0x3FB3] =	sst s5  }
0xe: {  	[smem:$0x3FB4] =	sst s6  }
0xf: {  	[smem:$0x3FB5] =	sst s7  }
0x10: {  	[smem:$0x3FB6] =	sst s8  }
0x11: {  	[smem:$0x3FB7] =	sst s9;
	s0 =	simm.s32 @!p0 $0x0  }
0x12: {  	s1 =	sld [smem:$0x3F9D];
	s0 =	simm.s32 @p0 $0x1  }
0x13: {  	[smem:$0x3FB8] =	sst s0;
	s0 =	simm.s32 @!p1 $0x0  }
0x14: {  	s2 =	sld [smem:$0x3F9C];
	s0 =	simm.s32 @p1 $0x1  }
0x15: {  	[smem:$0x3FB9] =	sst s0;
	s0 =	simm.s32 @!p2 $0x0  }
0x16: {  	s3 =	sld [smem:$0x3FDB];
	s0 =	simm.s32 @p2 $0x1  }
0x17: {  	s4 =	simm.s32 $0x1BF5;
	[smem:$0x3FBB] =	sst s0  }
0x18: {  	s0 =	sld [smem:$0x3F9E];
	_ =	swait.ge [sflag:s4], $0x0  }
0x19: {  	s7 =	sld [smem:$0x3F9F]  }
0x1a: {  	s8 =	sadd.s32 $0xFFFFE003, lr  }
0x1b: {  	s9 =	sadd.s32 $0xFFFFFEF7, lr;
	s5 =	simm.s32 $0xFFFFFFFF;
	p2 =	slt.u32 s8, $0xFFFFF086  }
0x1c: {  	p1 =	slt.u32 s9, $0xF7A;
	s5 =	simm.s32 @!p2 $0x0  }
0x1d: {  	s5 =	simm.s32 @p1 $0x1;
	p0 =	seq.s32 s7, s2  }
0x1e: {  	s7 =	smul.u32 @!p0 $0xF7A, s2;
	p2 =	seq.s32 @!p0 s5, $0x0  }
0x1f: {  	s9 =	smul.u32 $0xF7A, s1;
	s8 =	simm.s32 @!p0 $0x1BF5;
	p2 =	por !p2, p0  }
0x20: {  	[sflag:s8] =	ssyncset.s32 @!p0 $0xFFFFF086;
	s6 =	sadd.s32 @!p0 s3, s7;
	s7 =	simm.s32 @!p0 $0x108  }
0x21: {  	s3 =	sadd.s32 s3, s9;
	s6 =	sadd.s32 @!p0 $0x88, s6;
	s7 =	simm.s32 @p2 $0x1082  }
0x22: {  	[simem:s7], [sflag:s8] =	dma.local @!p0 [hbm:s6], $0xF7A  }
0x23: {  	s9 =	sor.u32 $0xD0000000, s2;
	s6 =	simm.s32 $0x108;
	_ =	swait.ge @!p0 [sflag:s8], $0x0  }
0x24: {  	s3 =	sadd.s32 $0x88, s3;
	s6 =	simm.s32 @!p1 $0x1082;
	[sflag:s4] =	ssyncset.s32 $0xFFFFF086  }
0x25: {  	[simem:s6], [sflag:s4] =	dma.local [hbm:s3], $0xF7A  }
0x26: {  	[smem:$0x3F9F] =	sst s1;
	(tag) =	ssettag s2;
	_ =	strace s9  }
0x27: {  	s1 =	sld [smem:$0x3FAF]  }
0x28: {  	s2 =	sld [smem:$0x3FB0]  }
0x29: {  	s4 =	sld [smem:$0x3FB2]  }
0x2a: {  	p0 =	seq.s32 s5, $0x0;
	s5 =	sld [smem:$0x3FB3]  }
0x2b: {  	s6 =	sld [smem:$0x3FB4]  }
0x2c: {  	s7 =	sld [smem:$0x3FB5]  }
0x2d: {  	s3 =	simm.s32 $0x108;
	s8 =	sld [smem:$0x3FB6]  }
0x2e: {  	s3 =	simm.s32 @!p0 $0x1082;
	s9 =	sld [smem:$0x3FB7]  }
0x2f: {  	lr =	sadd.s32 s0, s3;
	s0 =	sld [smem:$0x3FAE]  }
0x30: {  	s3 =	sld [smem:$0x3FB1]  }
0x31: {  	[smem:$0x3FBA] =	sst s10  }
0x32: {  	s10 =	sld [smem:$0x3FB8];
	_ =	sdelay $0x3  }
0x33: {  	p0 =	seq.s32 s10, $0x1;
	s10 =	sld [smem:$0x3FBA];
	_ =	sdelay $0x3  }
0x34: {  	[smem:$0x3FBA] =	sst s10  }
0x35: {  	s10 =	sld [smem:$0x3FB9];
	_ =	sdelay $0x3  }
0x36: {  	p1 =	seq.s32 s10, $0x1;
	s10 =	sld [smem:$0x3FBA];
	_ =	sdelay $0x3  }
0x37: {  	[smem:$0x3FBA] =	sst s10  }
0x38: {  	s10 =	sld [smem:$0x3FBB]  }
0x39: {  	_ = 	snop;
	(pc) =	sbr.ind lr, $3  }
0x3a: {  	_ = 	snop  }
0x3b: {  	_ = 	snop  }
0x3c: {  	p2 =	seq.s32 s10, $0x1;
	s10 =	sld [smem:$0x3FBA]  }
0x3d: {  	_ =	shalt  }
0x3e: {  	_ =	shalt  }
0x3f: {  	_ =	shalt  }
0x40: {  	_ =	shalt  }
0x41: {  	_ =	shalt  }
0x42: {  	_ =	shalt  }
0x43: {  	_ =	shalt  }
0x44: {  	_ =	shalt  }
0x45: {  	_ =	shalt  }
0x46: {  	_ =	shalt  }
0x47: {  	_ =	shalt  }
0x48: {  	_ =	shalt  }
0x49: {  	_ =	shalt  }
0x4a: {  	_ =	shalt  }
0x4b: {  	_ =	shalt  }
0x4c: {  	_ =	shalt  }
0x4d: {  	_ =	shalt  }
0x4e: {  	_ =	shalt  }
0x4f: {  	_ =	shalt  }
0x50: {  	_ =	shalt  }
0x51: {  	_ =	shalt  }
0x52: {  	_ =	shalt  }
0x53: {  	_ =	shalt  }
0x54: {  	_ =	shalt  }
0x55: {  	_ =	shalt  }
0x56: {  	_ =	shalt  }
0x57: {  	_ =	shalt  }
0x58: {  	_ =	shalt  }
0x59: {  	_ =	shalt  }
0x5a: {  	_ =	shalt  }
0x5b: {  	_ =	shalt  }
0x5c: {  	_ =	shalt  }
0x5d: {  	_ =	shalt  }
0x5e: {  	_ =	shalt  }
0x5f: {  	_ =	shalt  }
0x60: {  	_ =	shalt  }
0x61: {  	_ =	shalt  }
0x62: {  	_ =	shalt  }
0x63: {  	_ =	shalt  }
0x64: {  	_ =	shalt  }
0x65: {  	_ =	shalt  }
0x66: {  	_ =	shalt  }
0x67: {  	_ =	shalt  }
0x68: {  	_ =	shalt  }
0x69: {  	_ =	shalt  }
0x6a: {  	_ =	shalt  }
0x6b: {  	_ =	shalt  }
0x6c: {  	_ =	shalt  }
0x6d: {  	_ =	shalt  }
0x6e: {  	_ =	shalt  }
0x6f: {  	_ =	shalt  }
0x70: {  	_ =	shalt  }
0x71: {  	_ =	shalt  }
0x72: {  	_ =	shalt  }
0x73: {  	_ =	shalt  }
0x74: {  	_ =	shalt  }
0x75: {  	_ =	shalt  }
0x76: {  	_ =	shalt  }
0x77: {  	_ =	shalt  }
0x78: {  	_ =	shalt  }
0x79: {  	_ =	shalt  }
0x7a: {  	_ =	shalt  }
0x7b: {  	_ =	shalt  }
0x7c: {  	_ =	shalt  }
0x7d: {  	_ =	shalt  }
0x7e: {  	_ =	shalt  }
0x7f: {  	_ =	shalt  }
0x80: {  	_ =	shalt  }
0x81: {  	_ =	shalt  }
0x82: {  	_ =	shalt  }
0x83: {  	_ =	shalt  }
0x84: {  	_ =	shalt  }
0x85: {  	_ =	shalt  }
0x86: {  	_ =	shalt  }
0x87: {  	_ =	shalt  }
.Lfunc_end0:
.L_simem_size_0:
called_computation_lowered:
.L_overlay_start_0:
0x88: {  	s2 =	sld [smem:$0x3FD9]  }
0x89: {  	s3 =	sld [smem:$0x3FFE];
	_ =	sdelay $0x1  }
0x8a: {  	s1 =	srdreg.scid  }
0x8b: {  	s0 =	sand.u32 $0x1, s1  }
0x8c: {  	s17 =	sshll.u32 s0, $0xA;
	s2 =	sadd.s32 s3, s2  }
0x8d: {  	s2 =	sadd.s32 s2, s17  }
0x8e: {  	[smem:$0x3FC6] =	sst s2  }
0x8f: {  	_ = 	snop  }
0x90: {  	s2 =	sld [smem:$0x3FC9];
	(tm) =	ssettm $0x1  }
0x91: {  	s18 =	sld [smem:$0x3FFB];
	_ =	sdelay $0x3  }
0x92: {  	_ =	strace s18  }
0x93: {  	s3 =	sld [smem:$0x3FFC];
	_ =	sdelay $0x3  }
0x94: {  	_ =	strace s3  }
0x95: {  	s3 =	sld [smem:$0x3FFD];
	_ =	sdelay $0x3  }
0x96: {  	_ =	strace s3  }
0x97: {  	_ =	strace $0x8FFFFFFF  }
0x98: {  	s19 =	sld [smem:$0x3FDB];
	_ =	sdelay $0x1  }
0x99: {  	s4 =	simm.s32 $_scs_section_size  }
0x9a: {  	s5 =	simm.s32 $_size__tile_overlayer_lowered;
	s6 =	simm.s32 $_tile_overlayer_lowered  }
0x9b: {  	s22 =	simm.s32 $0x1BFF;
	s21 =	sshll.u32 s6, $0x1;
	s3 =	sadd.s32 s4, s19  }
0x9c: {  	s7 =	simm.s32 $0x0;
	s20 =	sshll.u32 s5, $0x1;
	s5 =	sadd.s32 s21, s3  }
0x9d: {  	[timem:s7], [sflag:s22] =	dma.local [hbm:s5], s20  }
0x9e: {  	_ =	swait.ge [sflag:s22], s20  }
0x9f: {  	s4 =	ssub.s32 $0x0, s20;
	[sflag:s22] =	ssyncset.done $0x0  }
0xa0: {  	[sflag:s22] =	ssyncadd.s32 s4;
	_ =	sdelay $0x1  }
0xa1: {  	s23 =	simm.s32 $0x1B8B  }
0xa2: {  	_ =	swait.ge [sflag:s23], $0x1  }
0xa3: {  	[sflag:s23] =	ssyncset.done $0x0  }
0xa4: {  	s25 =	simm.s32 $0x1B8E;
	s24 =	sld [smem:$0x3FFE];
	[sflag:s23] =	ssyncadd.s32 $0xFFFFFFFF  }
0xa5: {  	s26 =	simm.s32 $execute0_lowered;
	[smem:$0x3FD2] =	sst s25  }
0xa6: {  	s5 =	sshll.u32 s26, $0x1;
	_ =	strace $0x80000046;
	[dreg:$0x1] =	wrdreg $0xFFFFFFFF  }
0xa7: {  	s28 =	simm.s32 $_size_execute0_lowered;
	s3 =	sadd.s32 s3, s5;
	[dreg:$0x0] =	wrdreg $0x0  }
0xa8: {  	s5 =	sshll.u32 s28, $0x1;
	[dreg:$0x2] =	wrdreg s3  }
0xa9: {  	[dreg:$0x3] =	wrdreg s5  }
0xaa: {  	[dreg:$0x4] =	wrdreg $0xC0  }
0xab: {  	_ =	task [dreg:s7], $0x5FFFF  }
0xac: {  	[dreg:$0x1] =	wrdreg $0xFFFFFFFF  }
0xad: {  	[dreg:$0x0] =	wrdreg $0x60  }
0xae: {  	[dreg:$0x2] =	wrdreg s2  }
0xaf: {  	[dreg:$0x3] =	wrdreg s24  }
0xb0: {  	[dreg:$0x4] =	wrdreg $0x9  }
0xb1: {  	_ =	task.clear_ibuf [dreg:s7], $0x5FFFF;
	_ =	strace $0x90000046  }
0xb2: {  	s29 =	simm.s32 $0x9;
	_ =	strace $0x80000048  }
0xb3: {  	_ =	swait.ge [sflag:s29], $0x1  }
0xb4: {  	[sflag:s29] =	ssyncadd.s32 $0xFFFFFFFF  }
0xb5: {  	_ =	strace $0x90000048  }
0xb6: {  	_ =	sfence  }
0xb7: {  	s30 =	sld [smem:$0x0];
	_ =	sdelay $0x2  }
0xb8: {  	s31 =	sshll.u32 s1, $0xD;
	s1 =	sshrl.u32 s1, $0x2  }
0xb9: {  	s3 =	sand.u32 $0x4000, s31;
	s1 =	sadd.s32 s1, s30  }
0xba: {  	s0 =	sor.u32 s3, s0;
	s1 =	sshll.u32 s1, $0x11  }
0xbb: {  	s0 =	sor.u32 s1, s0  }
0xbc: {  	s0 =	sadd.s32 $0x8F2B, s0  }
0xbd: {  	[sflag:s0] =	ssyncadd.remote.s32 $0x1  }
0xbe: {  	_ =	sfence.sel $0xFFFF  }
0xbf: {  	[dreg:$0x0] =	wrdreg $0xFFFFFFFF;
	(pc) =	sbr.abs _section_cstart, $3  }
0xc0: {  	[dreg:$0x1] =	wrdreg $0xFFFFFFFF  }
0xc1: {  	_ =	task.clear_ibuf [dreg:s7], $0x2FFFF;
	_ =	strace $0x9FFFFFFF  }
0xc2: {  	(tm) =	ssettm $0x7FFFFFFF  }
0xc3: {  	_ =	shalt  }
tec
execute0_lowered:
.L_overlay_start_1:
0x0: {  	(tag) =	ssettag $0x1  }
0x1: {  	s0 =	rddreg [dreg:$0x0]  }
0x2: {  	s1 =	rddreg [dreg:$0x1];
	s2 =	simm.s32 $0x0;
	s3 =	srdreg.scid  }
0x3: {  	s5 =	stileid.u32;
	s16 =	simm.s32 $0x3;
	s8 =	simm.s32 $0x200  }
0x4: {  	s20 =	simm.s32 $0x600;
	s17 =	simm.s32 $0xA00;
	s18 =	simm.s32 $0xE00  }
0x5: {  	s19 =	simm.s32 $0x1200;
	s21 =	simm.s32 $0x1600;
	s22 =	simm.s32 $0x1A00  }
0x6: {  	s23 =	simm.s32 $0x1E00;
	s28 =	simm.s32 $0x2A00;
	s24 =	simm.s32 $0x4200  }
0x7: {  	s12 =	simm.s32 $0x1;
	s13 =	simm.s32 $0x8200;
	s14 =	simm.s32 $0x2  }
0x8: {  	s9 =	simm.s32 $0x4A00;
	s10 =	simm.s32 $0x4E00;
	s11 =	simm.s32 $0x5200  }
0x9: {  	v16 =	vimm.s32 $0x0;
	vm0 =	vcmask $0x300;
	v15 =	vlaneseq.u32;
	s29 =	simm.s32 $0x2200;
	s30 =	simm.s32 $0x2600;
	s31 =	simm.s32 $0x2A00  }
0xa: {  	[smem:$0x7FF] =	sst s2;
	s4 =	sand.u32 $0x1, s3;
	s5 =	sshll.u32 s5, $0xA;
	v0 =	vsel vm0, $0x3C00, v16;
	v1 =	vsel vm0, $0x3800, v16;
	v2 =	vsel vm0, $0x3400, v16  }
0xb: {  	s3 =	sadd.s32 $0x400, s1;
	v3 =	vsel vm0, $0x3000, v16;
	v4 =	vsel vm0, $0x2C00, v16;
	v5 =	vsel vm0, $0x2800, v16;
	s6 =	sshll.u32 s4, $0x9;
	s4 =	ssub.s32 $0x2, s4  }
0xc: {  	v6 =	vsel vm0, $0x2400, v16;
	v7 =	vsel vm0, $0x2000, v16;
	v8 =	vsel vm0, $0x1C00, v16;
	_ =	strace $0x80000047;
	s5 =	sor.u32 s6, s5;
	s7 =	sshrl.u32 s4, $0x1  }
0xd: {  	v9 =	vsel vm0, $0x1800, v16;
	v10 =	vsel vm0, $0x1400, v16;
	v11 =	vsel vm0, $0x1000, v16;
	s6 =	sshll.u32 s5, $0x4;
	s5 =	sshrl.u32 s5, $0x3;
	s4 =	ssub.s32 s4, s7  }
0xe: {  	v12 =	vsel vm0, $0xC00, v16;
	v13 =	vsel vm0, $0x800, v16;
	v14 =	vsel vm0, $0x400, v16;
	s7 =	simm.s32 $0x0;
	s1 =	sadd.s32 s6, s1;
	s0 =	sadd.s32 s0, s5  }
0xf: {  	v16 =	vsel vm0, $0x7, v16;
	v17 =	vor.u32 $0x10, v15;
	v18 =	vor.u32 $0x20, v15;
	s26 =	smax.u32 s4, $0x1;
	s4 =	simm.s32 $0x3600;
	s5 =	simm.s32 $0x3A00  }
0x10: {  	v19 =	vor.u32 $0x30, v15;
	v20 =	vor.u32 $0xF000, v15;
	v21 =	vor.u32 $0xF010, v15;
	s6 =	simm.s32 $0x3E00;
	[dreg:$0x3] =	wrdreg s0;
	s25 =	sadd.s32 $0xF42800, s1  }
0x11: {  	v22 =	vor.u32 $0xF020, v15;
	v23 =	vor.u32 $0xF030, v15;
	v24 =	vor.u32 $0xF080, v15;
	[dreg:$0x5] =	wrdreg s26;
	s26 =	simm.s32 $0x2600;
	s0 =	simm.s32 $0x2E00  }
0x12: {  	v25 =	vor.u32 $0xF090, v15;
	v26 =	vor.u32 $0xF0A0, v15;
	v27 =	vor.u32 $0xF0B0, v15;
	s1 =	simm.s32 $0x3200;
	[dreg:$0x4] =	wrdreg s25;
	s25 =	simm.s32 $0x2200  }
.LBB2_1:
0x13: {  	[dreg:$0x6] =	wrdreg s7  }
0x14: {  	s15 =	rddreg [dreg:$0x3]  }
0x15: {  	[tilespmem:s2], [sflag:$0x3] =	stream.linear.gather [hbm4b:s15+s2], $0x200, $0x38;
	[tilespmem:$0x18200] =	vst v63  }
0x16: {  	_ =	swait.ge [sflag:s16], $0x200  }
0x17: {  	[sflag:s16] =	ssyncset.done $0x0  }
0x18: {  	[sflag:s16] =	ssyncadd.s32 $0xFFFFFE00  }
0x19: {  	v28 =	vld [tilespmem:$0x0];
	_ =	sdelay $0x4  }
0x1a: {  	v28 =	vshll.u32 v28, $0x4  }
0x1b: {  	(v2sf) =	vpush v28, $0x0;
	_ =	sdelay $0x2  }
0x1c: {  	(v2sf) =	vpush v28, $0x1;
	_ =	sdelay $0x2  }
0x1d: {  	(v2sf) =	vpush v28, $0x2;
	_ =	sdelay $0x4  }
0x1e: {  	(v2sf) =	vpush v28, $0x3;
	_ =	sdelay $0x3  }
0x1f: {  	s16 =	spop (v2sf);
	(v2sf) =	vpush v28, $0x4;
	_ =	sdelay $0x1  }
0x20: {  	s15 =	sand.u32 $0xFFFFF80, s16  }
0x21: {  	s7 =	spop (v2sf);
	s15 =	sadd.s32 s3, s15  }
0x22: {  	(v2sf) =	vpush v28, $0x5;
	[tilespmem:s8], [sflag:$0x1] =	stream.linear.gather [hbm4b:s15+s2], $0x400, $0x38;
	[tilespmem:$0x18200] =	vst v63  }
0x23: {  	s15 =	sand.u32 $0xFFFFF80, s7  }
0x24: {  	s16 =	spop (v2sf);
	s15 =	sadd.s32 s3, s15  }
0x25: {  	[tilespmem:s20], [sflag:$0x1] =	stream.linear.gather [hbm4b:s15+s2], $0x400, $0x38;
	[tilespmem:$0x18200] =	vst v63  }
0x26: {  	(v2sf) =	vpush v28, $0x6;
	s15 =	sand.u32 $0xFFFFF80, s16  }
0x27: {  	s15 =	sadd.s32 s3, s15  }
0x28: {  	[tilespmem:s17], [sflag:$0x1] =	stream.linear.gather [hbm4b:s15+s2], $0x400, $0x38;
	[tilespmem:$0x18200] =	vst v63  }
0x29: {  	s17 =	spop (v2sf)  }
0x2a: {  	(v2sf) =	vpush v28, $0x7;
	s15 =	sand.u32 $0xFFFFF80, s17  }
0x2b: {  	s15 =	sadd.s32 s3, s15  }
0x2c: {  	[tilespmem:s18], [sflag:$0x1] =	stream.linear.gather [hbm4b:s15+s2], $0x400, $0x38;
	[tilespmem:$0x18200] =	vst v63  }
0x2d: {  	s18 =	spop (v2sf)  }
0x2e: {  	(v2sf) =	vpush v28, $0x8;
	s15 =	sand.u32 $0xFFFFF80, s18  }
0x2f: {  	s15 =	sadd.s32 s3, s15  }
0x30: {  	[tilespmem:s19], [sflag:$0x1] =	stream.linear.gather [hbm4b:s15+s2], $0x400, $0x38;
	[tilespmem:$0x18200] =	vst v63  }
0x31: {  	s19 =	spop (v2sf)  }
0x32: {  	(v2sf) =	vpush v28, $0x9;
	s15 =	sand.u32 $0xFFFFF80, s19  }
0x33: {  	s15 =	sadd.s32 s3, s15  }
0x34: {  	[tilespmem:s21], [sflag:$0x1] =	stream.linear.gather [hbm4b:s15+s2], $0x400, $0x38;
	[tilespmem:$0x18200] =	vst v63  }
0x35: {  	s21 =	spop (v2sf)  }
0x36: {  	(v2sf) =	vpush v28, $0xA;
	s15 =	sand.u32 $0xFFFFF80, s21  }
0x37: {  	s15 =	sadd.s32 s3, s15  }
0x38: {  	(v2sf) =	vpush v28, $0xB;
	[tilespmem:s22], [sflag:$0x1] =	stream.linear.gather [hbm4b:s15+s2], $0x400, $0x38;
	[tilespmem:$0x18200] =	vst v63  }
0x39: {  	s22 =	spop (v2sf)  }
0x3a: {  	(v2sf) =	vpush v28, $0xC;
	s15 =	sand.u32 $0xFFFFF80, s22  }
0x3b: {  	s15 =	sadd.s32 s3, s15  }
0x3c: {  	[tilespmem:s23], [sflag:$0x1] =	stream.linear.gather [hbm4b:s15+s2], $0x400, $0x38;
	[tilespmem:$0x18200] =	vst v63  }
0x3d: {  	s23 =	spop (v2sf)  }
0x3e: {  	s15 =	sand.u32 $0xFFFFF80, s23  }
0x3f: {  	(v2sf) =	vpush v28, $0xD;
	s15 =	sadd.s32 s3, s15  }
0x40: {  	[tilespmem:s25], [sflag:$0x1] =	stream.linear.gather [hbm4b:s15+s2], $0x400, $0x38;
	[tilespmem:$0x18200] =	vst v63  }
0x41: {  	s25 =	spop (v2sf);
	(v2sf) =	vpush v28, $0xE  }
0x42: {  	s15 =	sand.u32 $0xFFFFF80, s25  }
0x43: {  	s15 =	sadd.s32 s3, s15  }
0x44: {  	[tilespmem:s26], [sflag:$0x1] =	stream.linear.gather [hbm4b:s15+s2], $0x400, $0x38;
	[tilespmem:$0x18200] =	vst v63  }
0x45: {  	s26 =	spop (v2sf)  }
0x46: {  	(v2sf) =	vpush v28, $0xF;
	s15 =	sand.u32 $0xFFFFF80, s26  }
0x47: {  	s7 =	spop (v2sf);
	s15 =	sadd.s32 s3, s15  }
0x48: {  	[tilespmem:s28], [sflag:$0x1] =	stream.linear.gather [hbm4b:s15+s2], $0x400, $0x38;
	[tilespmem:$0x18200] =	vst v63  }
0x49: {  	s17 =	sand.u32 $0xFFFFF80, s7;
	s18 =	spop (v2sf)  }
0x4a: {  	s15 =	sadd.s32 s3, s17;
	s19 =	sand.u32 $0xFFFFF80, s18  }
0x4b: {  	[tilespmem:s0], [sflag:$0x1] =	stream.linear.gather [hbm4b:s15+s2], $0x400, $0x38;
	[tilespmem:$0x18200] =	vst v63  }
0x4c: {  	s15 =	sadd.s32 s3, s19  }
0x4d: {  	[tilespmem:s1], [sflag:$0x1] =	stream.linear.gather [hbm4b:s15+s2], $0x400, $0x38;
	[tilespmem:$0x18200] =	vst v63  }
0x4e: {  	s21 =	spop (v2sf)  }
0x4f: {  	s22 =	sand.u32 $0xFFFFF80, s21  }
0x50: {  	s16 =	simm.s32 $0x0;
	s15 =	sadd.s32 s3, s22;
	s23 =	spop (v2sf)  }
0x51: {  	[tilespmem:s4], [sflag:$0x1] =	stream.linear.gather [hbm4b:s15+s2], $0x400, $0x38;
	[tilespmem:$0x18200] =	vst v63  }
0x52: {  	s7 =	simm.s32 $0x4600;
	s28 =	simm.s32 $0x1E00;
	s25 =	sand.u32 $0xFFFFF80, s23  }
0x53: {  	s0 =	simm.s32 $0x2E00;
	s1 =	simm.s32 $0x3200;
	s15 =	sadd.s32 s3, s25  }
0x54: {  	[tilespmem:s5], [sflag:$0x1] =	stream.linear.gather [hbm4b:s15+s2], $0x400, $0x38;
	[tilespmem:$0x18200] =	vst v63  }
0x55: {  	s21 =	simm.s32 $0xA00;
	s22 =	simm.s32 $0xE00;
	s26 =	spop (v2sf)  }
0x56: {  	s4 =	simm.s32 $0x3600;
	s23 =	simm.s32 $0x1200;
	s15 =	sand.u32 $0xFFFFF80, s26  }
0x57: {  	s25 =	simm.s32 $0x1600;
	s5 =	simm.s32 $0x3A00;
	s15 =	sadd.s32 s3, s15  }
0x58: {  	[tilespmem:s6], [sflag:$0x1] =	stream.linear.gather [hbm4b:s15+s2], $0x400, $0x38;
	[tilespmem:$0x18200] =	vst v63  }
0x59: {  	s26 =	simm.s32 $0x1A00;
	s15 =	simm.s32 $0x10;
	s6 =	simm.s32 $0x3E00  }
.LBB2_2:
0x5a: {  	v28 =	vld [tilespmem:s15+$0x0];
	_ =	sdelay $0x4  }
0x5b: {  	v28 =	vshll.u32 v28, $0x4  }
0x5c: {  	(v2sf) =	vpush v28, $0x0;
	_ =	sdelay $0x1  }
0x5d: {  	(v2sf) =	vpush v28, $0x1;
	_ =	sdelay $0x4  }
0x5e: {  	(v2sf) =	vpush v28, $0x2;
	_ =	sdelay $0x2  }
0x5f: {  	(v2sf) =	vpush v28, $0x3;
	_ =	sdelay $0x4  }
0x60: {  	s17 =	spop (v2sf);
	(v2sf) =	vpush v28, $0x4;
	_ =	sdelay $0x1  }
0x61: {  	s19 =	spop (v2sf);
	(v2sf) =	vpush v28, $0x5  }
0x62: {  	s17 =	sand.u32 $0xFFFFF80, s17  }
0x63: {  	s17 =	sadd.s32 s3, s17  }
0x64: {  	[tilespmem:s24], [sflag:$0x2] =	stream.linear.gather [hbm4b:s17+s2], $0x400, $0x38;
	[tilespmem:$0x18200] =	vst v63  }
0x65: {  	s17 =	sand.u32 $0xFFFFF80, s19  }
0x66: {  	s18 =	spop (v2sf);
	(v2sf) =	vpush v28, $0x6;
	s17 =	sadd.s32 s3, s17  }
0x67: {  	[tilespmem:s7], [sflag:$0x2] =	stream.linear.gather [hbm4b:s17+s2], $0x400, $0x38;
	[tilespmem:$0x18200] =	vst v63  }
0x68: {  	(v2sf) =	vpush v28, $0x7;
	s17 =	sand.u32 $0xFFFFF80, s18  }
0x69: {  	s19 =	spop (v2sf);
	s17 =	sadd.s32 s3, s17  }
0x6a: {  	[tilespmem:s9], [sflag:$0x2] =	stream.linear.gather [hbm4b:s17+s2], $0x400, $0x38;
	[tilespmem:$0x18200] =	vst v63  }
0x6b: {  	s17 =	sand.u32 $0xFFFFF80, s19  }
0x6c: {  	s17 =	sadd.s32 s3, s17  }
0x6d: {  	[tilespmem:s10], [sflag:$0x2] =	stream.linear.gather [hbm4b:s17+s2], $0x400, $0x38;
	[tilespmem:$0x18200] =	vst v63  }
0x6e: {  	s18 =	spop (v2sf);
	(v2sf) =	vpush v28, $0x8  }
0x6f: {  	s17 =	sand.u32 $0xFFFFF80, s18  }
0x70: {  	s19 =	spop (v2sf);
	(v2sf) =	vpush v28, $0x9;
	s17 =	sadd.s32 s3, s17  }
0x71: {  	[tilespmem:s11], [sflag:$0x2] =	stream.linear.gather [hbm4b:s17+s2], $0x400, $0x38;
	[tilespmem:$0x18200] =	vst v63  }
0x72: {  	s17 =	sand.u32 $0xFFFFF80, s19  }
0x73: {  	s18 =	simm.s32 $0x5600;
	s17 =	sadd.s32 s3, s17  }
0x74: {  	[tilespmem:s18], [sflag:$0x2] =	stream.linear.gather [hbm4b:s17+s2], $0x400, $0x38;
	[tilespmem:$0x18200] =	vst v63  }
0x75: {  	s18 =	spop (v2sf);
	(v2sf) =	vpush v28, $0xA;
	_ =	sdelay $0x1  }
0x76: {  	s17 =	sand.u32 $0xFFFFF80, s18;
	s18 =	spop (v2sf);
	(v2sf) =	vpush v28, $0xB;
	_ =	sdelay $0x2  }
0x77: {  	s19 =	simm.s32 $0x5A00;
	s17 =	sadd.s32 s3, s17  }
0x78: {  	[tilespmem:s19], [sflag:$0x2] =	stream.linear.gather [hbm4b:s17+s2], $0x400, $0x38;
	[tilespmem:$0x18200] =	vst v63  }
0x79: {  	s17 =	sand.u32 $0xFFFFF80, s18  }
0x7a: {  	s19 =	simm.s32 $0x5E00;
	s17 =	sadd.s32 s3, s17;
	s18 =	spop (v2sf);
	(v2sf) =	vpush v28, $0xC  }
0x7b: {  	[tilespmem:s19], [sflag:$0x2] =	stream.linear.gather [hbm4b:s17+s2], $0x400, $0x38;
	[tilespmem:$0x18200] =	vst v63  }
0x7c: {  	s17 =	sand.u32 $0xFFFFF80, s18;
	s18 =	spop (v2sf);
	(v2sf) =	vpush v28, $0xD;
	_ =	sdelay $0x1  }
0x7d: {  	s19 =	simm.s32 $0x6200;
	s17 =	sadd.s32 s3, s17  }
0x7e: {  	[tilespmem:s19], [sflag:$0x2] =	stream.linear.gather [hbm4b:s17+s2], $0x400, $0x38;
	[tilespmem:$0x18200] =	vst v63  }
0x7f: {  	s17 =	sand.u32 $0xFFFFF80, s18  }
0x80: {  	s19 =	simm.s32 $0x6600;
	s17 =	sadd.s32 s3, s17;
	s18 =	spop (v2sf);
	(v2sf) =	vpush v28, $0xE  }
0x81: {  	[tilespmem:s19], [sflag:$0x2] =	stream.linear.gather [hbm4b:s17+s2], $0x400, $0x38;
	[tilespmem:$0x18200] =	vst v63  }
0x82: {  	s17 =	sand.u32 $0xFFFFF80, s18;
	s18 =	spop (v2sf);
	(v2sf) =	vpush v28, $0xF  }
0x83: {  	s19 =	simm.s32 $0x6A00;
	s17 =	sadd.s32 s3, s17  }
0x84: {  	[tilespmem:s19], [sflag:$0x2] =	stream.linear.gather [hbm4b:s17+s2], $0x400, $0x38;
	[tilespmem:$0x18200] =	vst v63  }
0x85: {  	s17 =	sand.u32 $0xFFFFF80, s18  }
0x86: {  	s19 =	simm.s32 $0x6E00;
	s17 =	sadd.s32 s3, s17  }
0x87: {  	[tilespmem:s19], [sflag:$0x2] =	stream.linear.gather [hbm4b:s17+s2], $0x400, $0x38;
	[tilespmem:$0x18200] =	vst v63  }
0x88: {  	s18 =	spop (v2sf)  }
0x89: {  	s17 =	sand.u32 $0xFFFFF80, s18  }
0x8a: {  	s19 =	simm.s32 $0x7200;
	s18 =	spop (v2sf);
	s17 =	sadd.s32 s3, s17  }
0x8b: {  	[tilespmem:s19], [sflag:$0x2] =	stream.linear.gather [hbm4b:s17+s2], $0x400, $0x38;
	[tilespmem:$0x18200] =	vst v63  }
0x8c: {  	s17 =	sand.u32 $0xFFFFF80, s18  }
0x8d: {  	s19 =	simm.s32 $0x7600;
	s17 =	sadd.s32 s3, s17  }
0x8e: {  	[tilespmem:s19], [sflag:$0x2] =	stream.linear.gather [hbm4b:s17+s2], $0x400, $0x38;
	[tilespmem:$0x18200] =	vst v63  }
0x8f: {  	s18 =	spop (v2sf)  }
0x90: {  	s17 =	sand.u32 $0xFFFFF80, s18  }
0x91: {  	s19 =	simm.s32 $0x7A00;
	s18 =	spop (v2sf);
	s17 =	sadd.s32 s3, s17  }
0x92: {  	[tilespmem:s19], [sflag:$0x2] =	stream.linear.gather [hbm4b:s17+s2], $0x400, $0x38;
	[tilespmem:$0x18200] =	vst v63  }
0x93: {  	s17 =	sand.u32 $0xFFFFF80, s18  }
0x94: {  	s19 =	simm.s32 $0x7E00;
	s17 =	sadd.s32 s3, s17  }
0x95: {  	[tilespmem:s19], [sflag:$0x2] =	stream.linear.gather [hbm4b:s17+s2], $0x400, $0x38;
	[tilespmem:$0x18200] =	vst v63  }
0x96: {  	_ =	swait.ge [sflag:s12], $0x4000  }
0x97: {  	[sflag:s12] =	ssyncset.done $0x0  }
0x98: {  	[sflag:s12] =	ssyncadd.s32 $0xFFFFC000  }
0x99: {  	v28 =	vld [tilespmem:s15+$0xFFFFFFF0];
	_ =	sdelay $0x4  }
0x9a: {  	(v2sf) =	vpush v28, $0x0;
	_ =	sdelay $0xe  }
0x9b: {  	s18 =	spop (v2sf)  }
0x9c: {  	s17 =	sand.u32 $0x7, s18  }
0x9d: {  	s18 =	sshll.u32 s17, $0x7  }
0x9e: {  	v29 =	vor.u32 s18, v15;
	_ =	sdelay $0x1  }
0x9f: {  	(v2sf) =	vpush v28, $0x1;
	_ =	sdelay $0x1  }
0xa0: {  	s17 =	sshll.u32 s16, $0x7  }
0xa1: {  	v30 =	vor.u32 s17, v15;
	v29 =	vld.idx.msk [tilespmem:v29+s8+$0x0], $0xffff  }
0xa2: {  	v31 =	vor.u32 s18, v17;
	_ =	sdelay $0x3  }
0xa3: {  	[tilespmem:v30+s13+$0x0] =	vst.idx.msk $0xffff, v29  }
0xa4: {  	v37 =	vor.u32 s17, v17;
	v29 =	vld.idx.msk [tilespmem:v31+s8+$0x0], $0xffff  }
0xa5: {  	v38 =	vor.u32 s18, v18;
	_ =	sdelay $0x3  }
0xa6: {  	[tilespmem:v37+s13+$0x0] =	vst.idx.msk $0xffff, v29  }
0xa7: {  	s19 =	spop (v2sf);
	v39 =	vor.u32 s17, v18;
	v29 =	vld.idx.msk [tilespmem:v38+s8+$0x0], $0xffff  }
0xa8: {  	s19 =	sand.u32 $0x7, s19;
	v40 =	vor.u32 s18, v19  }
0xa9: {  	v32 =	vmov s19  }
0xaa: {  	v32 =	vshll.u32 v32, v16  }
0xab: {  	v32 =	vor.u32 v14, v32  }
0xac: {  	[tilespmem:v39+s13+$0x0] =	vst.idx.msk $0xffff, v29;
	v29 =	vbroadcast v32, $0x0  }
0xad: {  	v41 =	vor.u32 s17, v19;
	v30 =	vld.idx.msk [tilespmem:v40+s8+$0x0], $0xffff  }
0xae: {  	v32 =	vor.u32 v15, v29;
	_ =	sdelay $0x1  }
0xaf: {  	(v2sf) =	vpush v28, $0x2;
	_ =	sdelay $0x1  }
0xb0: {  	s18 =	sadd.s32 $0x80, s17;
	[tilespmem:v41+s13+$0x0] =	vst.idx.msk $0xffff, v30  }
0xb1: {  	v42 =	vor.u32 s18, v15;
	v30 =	vld.idx.msk [tilespmem:v32+s8+$0x0], $0xffff  }
0xb2: {  	v43 =	vor.u32 v17, v29;
	_ =	sdelay $0x3  }
0xb3: {  	[tilespmem:v42+s13+$0x0] =	vst.idx.msk $0xffff, v30  }
0xb4: {  	v44 =	vor.u32 s18, v17;
	v30 =	vld.idx.msk [tilespmem:v43+s8+$0x0], $0xffff  }
0xb5: {  	v45 =	vor.u32 v18, v29;
	_ =	sdelay $0x3  }
0xb6: {  	[tilespmem:v44+s13+$0x0] =	vst.idx.msk $0xffff, v30  }
0xb7: {  	s19 =	spop (v2sf);
	v46 =	vor.u32 s18, v18;
	v30 =	vld.idx.msk [tilespmem:v45+s8+$0x0], $0xffff  }
0xb8: {  	s19 =	sand.u32 $0x7, s19;
	v29 =	vor.u32 v19, v29  }
0xb9: {  	v47 =	vmov s19  }
0xba: {  	v32 =	vshll.u32 v47, v16  }
0xbb: {  	v32 =	vor.u32 v13, v32  }
0xbc: {  	v48 =	vbroadcast v32, $0x0;
	[tilespmem:v46+s13+$0x0] =	vst.idx.msk $0xffff, v30  }
0xbd: {  	v49 =	vor.u32 s18, v19;
	v29 =	vld.idx.msk [tilespmem:v29+s8+$0x0], $0xffff  }
0xbe: {  	v32 =	vor.u32 v15, v48;
	_ =	sdelay $0x1  }
0xbf: {  	(v2sf) =	vpush v28, $0x3;
	_ =	sdelay $0x1  }
0xc0: {  	s18 =	sadd.s32 $0x100, s17;
	[tilespmem:v49+s13+$0x0] =	vst.idx.msk $0xffff, v29  }
0xc1: {  	v50 =	vor.u32 s18, v15;
	v29 =	vld.idx.msk [tilespmem:v32+s8+$0x0], $0xffff  }
0xc2: {  	v51 =	vor.u32 v17, v48;
	_ =	sdelay $0x3  }
0xc3: {  	[tilespmem:v50+s13+$0x0] =	vst.idx.msk $0xffff, v29  }
0xc4: {  	v52 =	vor.u32 s18, v17;
	v29 =	vld.idx.msk [tilespmem:v51+s8+$0x0], $0xffff  }
0xc5: {  	v53 =	vor.u32 v18, v48;
	_ =	sdelay $0x3  }
0xc6: {  	[tilespmem:v52+s13+$0x0] =	vst.idx.msk $0xffff, v29  }
0xc7: {  	v54 =	vor.u32 s18, v18;
	s19 =	spop (v2sf);
	v29 =	vld.idx.msk [tilespmem:v53+s8+$0x0], $0xffff  }
0xc8: {  	s19 =	sand.u32 $0x7, s19;
	v30 =	vor.u32 v19, v48  }
0xc9: {  	v55 =	vmov s19  }
0xca: {  	v32 =	vshll.u32 v55, v16  }
0xcb: {  	v32 =	vor.u32 v12, v32  }
0xcc: {  	[tilespmem:v54+s13+$0x0] =	vst.idx.msk $0xffff, v29;
	v29 =	vbroadcast v32, $0x0  }
0xcd: {  	v56 =	vor.u32 s18, v19;
	v30 =	vld.idx.msk [tilespmem:v30+s8+$0x0], $0xffff  }
0xce: {  	v32 =	vor.u32 v15, v29;
	_ =	sdelay $0x1  }
0xcf: {  	(v2sf) =	vpush v28, $0x4;
	_ =	sdelay $0x1  }
0xd0: {  	s18 =	sadd.s32 $0x180, s17;
	[tilespmem:v56+s13+$0x0] =	vst.idx.msk $0xffff, v30  }
0xd1: {  	v57 =	vor.u32 s18, v15;
	v30 =	vld.idx.msk [tilespmem:v32+s8+$0x0], $0xffff  }
0xd2: {  	v58 =	vor.u32 v17, v29;
	_ =	sdelay $0x3  }
0xd3: {  	[tilespmem:v57+s13+$0x0] =	vst.idx.msk $0xffff, v30  }
0xd4: {  	v59 =	vor.u32 s18, v17;
	v30 =	vld.idx.msk [tilespmem:v58+s8+$0x0], $0xffff  }
0xd5: {  	v60 =	vor.u32 v18, v29;
	_ =	sdelay $0x3  }
0xd6: {  	[tilespmem:v59+s13+$0x0] =	vst.idx.msk $0xffff, v30  }
0xd7: {  	v61 =	vor.u32 s18, v18;
	s19 =	spop (v2sf);
	v30 =	vld.idx.msk [tilespmem:v60+s8+$0x0], $0xffff  }
0xd8: {  	s19 =	sand.u32 $0x7, s19;
	v29 =	vor.u32 v19, v29  }
0xd9: {  	v62 =	vmov s19  }
0xda: {  	v32 =	vshll.u32 v62, v16  }
0xdb: {  	v32 =	vor.u32 v11, v32  }
0xdc: {  	v63 =	vbroadcast v32, $0x0;
	[tilespmem:v61+s13+$0x0] =	vst.idx.msk $0xffff, v30  }
0xdd: {  	v36 =	vor.u32 s18, v19;
	v29 =	vld.idx.msk [tilespmem:v29+s8+$0x0], $0xffff  }
0xde: {  	v32 =	vor.u32 v15, v63;
	_ =	sdelay $0x1  }
0xdf: {  	(v2sf) =	vpush v28, $0x5;
	_ =	sdelay $0x1  }
0xe0: {  	s18 =	sadd.s32 $0x200, s17;
	[tilespmem:v36+s13+$0x0] =	vst.idx.msk $0xffff, v29  }
0xe1: {  	v37 =	vor.u32 s18, v15;
	v29 =	vld.idx.msk [tilespmem:v32+s8+$0x0], $0xffff  }
0xe2: {  	v38 =	vor.u32 v17, v63;
	_ =	sdelay $0x3  }
0xe3: {  	[tilespmem:v37+s13+$0x0] =	vst.idx.msk $0xffff, v29  }
0xe4: {  	v39 =	vor.u32 s18, v17;
	v29 =	vld.idx.msk [tilespmem:v38+s8+$0x0], $0xffff  }
0xe5: {  	v40 =	vor.u32 v18, v63;
	_ =	sdelay $0x3  }
0xe6: {  	[tilespmem:v39+s13+$0x0] =	vst.idx.msk $0xffff, v29  }
0xe7: {  	s19 =	spop (v2sf);
	v41 =	vor.u32 s18, v18;
	v29 =	vld.idx.msk [tilespmem:v40+s8+$0x0], $0xffff  }
0xe8: {  	s19 =	sand.u32 $0x7, s19;
	v30 =	vor.u32 v19, v63  }
0xe9: {  	v42 =	vmov s19  }
0xea: {  	v32 =	vshll.u32 v42, v16  }
0xeb: {  	v32 =	vor.u32 v10, v32  }
0xec: {  	[tilespmem:v41+s13+$0x0] =	vst.idx.msk $0xffff, v29;
	v29 =	vbroadcast v32, $0x0  }
0xed: {  	v43 =	vor.u32 s18, v19;
	v30 =	vld.idx.msk [tilespmem:v30+s8+$0x0], $0xffff  }
0xee: {  	v32 =	vor.u32 v15, v29;
	_ =	sdelay $0x1  }
0xef: {  	(v2sf) =	vpush v28, $0x6;
	_ =	sdelay $0x1  }
0xf0: {  	s18 =	sadd.s32 $0x280, s17;
	[tilespmem:v43+s13+$0x0] =	vst.idx.msk $0xffff, v30  }
0xf1: {  	v44 =	vor.u32 s18, v15;
	v30 =	vld.idx.msk [tilespmem:v32+s8+$0x0], $0xffff  }
0xf2: {  	v45 =	vor.u32 v17, v29;
	_ =	sdelay $0x3  }
0xf3: {  	[tilespmem:v44+s13+$0x0] =	vst.idx.msk $0xffff, v30  }
0xf4: {  	v46 =	vor.u32 s18, v17;
	v30 =	vld.idx.msk [tilespmem:v45+s8+$0x0], $0xffff  }
0xf5: {  	v47 =	vor.u32 v18, v29;
	_ =	sdelay $0x3  }
0xf6: {  	[tilespmem:v46+s13+$0x0] =	vst.idx.msk $0xffff, v30  }
0xf7: {  	s19 =	spop (v2sf);
	v48 =	vor.u32 s18, v18;
	v30 =	vld.idx.msk [tilespmem:v47+s8+$0x0], $0xffff  }
0xf8: {  	s19 =	sand.u32 $0x7, s19;
	v29 =	vor.u32 v19, v29  }
0xf9: {  	v49 =	vmov s19  }
0xfa: {  	v32 =	vshll.u32 v49, v16  }
0xfb: {  	v32 =	vor.u32 v9, v32  }
0xfc: {  	v50 =	vbroadcast v32, $0x0;
	[tilespmem:v48+s13+$0x0] =	vst.idx.msk $0xffff, v30  }
0xfd: {  	v51 =	vor.u32 s18, v19;
	v29 =	vld.idx.msk [tilespmem:v29+s8+$0x0], $0xffff  }
0xfe: {  	v32 =	vor.u32 v15, v50;
	_ =	sdelay $0x1  }
0xff: {  	(v2sf) =	vpush v28, $0x7;
	_ =	sdelay $0x1  }
0x100: {  	s18 =	sadd.s32 $0x300, s17;
	[tilespmem:v51+s13+$0x0] =	vst.idx.msk $0xffff, v29  }
0x101: {  	v52 =	vor.u32 s18, v15;
	v29 =	vld.idx.msk [tilespmem:v32+s8+$0x0], $0xffff  }
0x102: {  	v53 =	vor.u32 v17, v50;
	_ =	sdelay $0x3  }
0x103: {  	[tilespmem:v52+s13+$0x0] =	vst.idx.msk $0xffff, v29  }
0x104: {  	v54 =	vor.u32 s18, v17;
	v29 =	vld.idx.msk [tilespmem:v53+s8+$0x0], $0xffff  }
0x105: {  	v55 =	vor.u32 v18, v50;
	_ =	sdelay $0x3  }
0x106: {  	[tilespmem:v54+s13+$0x0] =	vst.idx.msk $0xffff, v29  }
0x107: {  	s19 =	spop (v2sf);
	v56 =	vor.u32 s18, v18;
	v29 =	vld.idx.msk [tilespmem:v55+s8+$0x0], $0xffff  }
0x108: {  	s19 =	sand.u32 $0x7, s19;
	v30 =	vor.u32 v19, v50  }
0x109: {  	v57 =	vmov s19  }
0x10a: {  	v32 =	vshll.u32 v57, v16  }
0x10b: {  	v32 =	vor.u32 v8, v32  }
0x10c: {  	[tilespmem:v56+s13+$0x0] =	vst.idx.msk $0xffff, v29;
	v29 =	vbroadcast v32, $0x0  }
0x10d: {  	v58 =	vor.u32 s18, v19;
	v30 =	vld.idx.msk [tilespmem:v30+s8+$0x0], $0xffff  }
0x10e: {  	v32 =	vor.u32 v15, v29;
	_ =	sdelay $0x1  }
0x10f: {  	(v2sf) =	vpush v28, $0x8;
	_ =	sdelay $0x1  }
0x110: {  	s18 =	sadd.s32 $0x380, s17;
	[tilespmem:v58+s13+$0x0] =	vst.idx.msk $0xffff, v30  }
0x111: {  	v59 =	vor.u32 s18, v15;
	v30 =	vld.idx.msk [tilespmem:v32+s8+$0x0], $0xffff  }
0x112: {  	v60 =	vor.u32 v17, v29;
	_ =	sdelay $0x3  }
0x113: {  	[tilespmem:v59+s13+$0x0] =	vst.idx.msk $0xffff, v30  }
0x114: {  	v61 =	vor.u32 s18, v17;
	v30 =	vld.idx.msk [tilespmem:v60+s8+$0x0], $0xffff  }
0x115: {  	v62 =	vor.u32 v18, v29;
	_ =	sdelay $0x3  }
0x116: {  	[tilespmem:v61+s13+$0x0] =	vst.idx.msk $0xffff, v30  }
0x117: {  	s19 =	spop (v2sf);
	v63 =	vor.u32 s18, v18;
	v30 =	vld.idx.msk [tilespmem:v62+s8+$0x0], $0xffff  }
0x118: {  	s19 =	sand.u32 $0x7, s19;
	v29 =	vor.u32 v19, v29  }
0x119: {  	v36 =	vmov s19  }
0x11a: {  	v32 =	vshll.u32 v36, v16  }
0x11b: {  	v32 =	vor.u32 v7, v32  }
0x11c: {  	v37 =	vbroadcast v32, $0x0;
	[tilespmem:v63+s13+$0x0] =	vst.idx.msk $0xffff, v30  }
0x11d: {  	v38 =	vor.u32 s18, v19;
	v29 =	vld.idx.msk [tilespmem:v29+s8+$0x0], $0xffff  }
0x11e: {  	v32 =	vor.u32 v15, v37;
	_ =	sdelay $0x1  }
0x11f: {  	(v2sf) =	vpush v28, $0x9;
	_ =	sdelay $0x1  }
0x120: {  	s18 =	sadd.s32 $0x400, s17;
	[tilespmem:v38+s13+$0x0] =	vst.idx.msk $0xffff, v29  }
0x121: {  	v39 =	vor.u32 s18, v15;
	v29 =	vld.idx.msk [tilespmem:v32+s8+$0x0], $0xffff  }
0x122: {  	v40 =	vor.u32 v17, v37;
	_ =	sdelay $0x3  }
0x123: {  	[tilespmem:v39+s13+$0x0] =	vst.idx.msk $0xffff, v29  }
0x124: {  	v41 =	vor.u32 s18, v17;
	v29 =	vld.idx.msk [tilespmem:v40+s8+$0x0], $0xffff  }
0x125: {  	v42 =	vor.u32 v18, v37;
	_ =	sdelay $0x3  }
0x126: {  	[tilespmem:v41+s13+$0x0] =	vst.idx.msk $0xffff, v29  }
0x127: {  	s19 =	spop (v2sf);
	v43 =	vor.u32 s18, v18;
	v29 =	vld.idx.msk [tilespmem:v42+s8+$0x0], $0xffff  }
0x128: {  	s19 =	sand.u32 $0x7, s19;
	v30 =	vor.u32 v19, v37  }
0x129: {  	v44 =	vmov s19  }
0x12a: {  	v32 =	vshll.u32 v44, v16  }
0x12b: {  	v32 =	vor.u32 v6, v32  }
0x12c: {  	[tilespmem:v43+s13+$0x0] =	vst.idx.msk $0xffff, v29;
	v29 =	vbroadcast v32, $0x0  }
0x12d: {  	v45 =	vor.u32 s18, v19;
	v30 =	vld.idx.msk [tilespmem:v30+s8+$0x0], $0xffff  }
0x12e: {  	v32 =	vor.u32 v15, v29;
	_ =	sdelay $0x1  }
0x12f: {  	(v2sf) =	vpush v28, $0xA;
	_ =	sdelay $0x1  }
0x130: {  	s18 =	sadd.s32 $0x480, s17;
	[tilespmem:v45+s13+$0x0] =	vst.idx.msk $0xffff, v30  }
0x131: {  	v46 =	vor.u32 s18, v15;
	v30 =	vld.idx.msk [tilespmem:v32+s8+$0x0], $0xffff  }
0x132: {  	v47 =	vor.u32 v17, v29;
	_ =	sdelay $0x3  }
0x133: {  	[tilespmem:v46+s13+$0x0] =	vst.idx.msk $0xffff, v30  }
0x134: {  	v48 =	vor.u32 s18, v17;
	v30 =	vld.idx.msk [tilespmem:v47+s8+$0x0], $0xffff  }
0x135: {  	v49 =	vor.u32 v18, v29;
	_ =	sdelay $0x3  }
0x136: {  	[tilespmem:v48+s13+$0x0] =	vst.idx.msk $0xffff, v30  }
0x137: {  	s19 =	spop (v2sf);
	v50 =	vor.u32 s18, v18;
	v30 =	vld.idx.msk [tilespmem:v49+s8+$0x0], $0xffff  }
0x138: {  	s19 =	sand.u32 $0x7, s19;
	v29 =	vor.u32 v19, v29  }
0x139: {  	v51 =	vmov s19  }
0x13a: {  	v32 =	vshll.u32 v51, v16  }
0x13b: {  	v32 =	vor.u32 v5, v32  }
0x13c: {  	v52 =	vbroadcast v32, $0x0;
	[tilespmem:v50+s13+$0x0] =	vst.idx.msk $0xffff, v30  }
0x13d: {  	v53 =	vor.u32 s18, v19;
	v29 =	vld.idx.msk [tilespmem:v29+s8+$0x0], $0xffff  }
0x13e: {  	v32 =	vor.u32 v15, v52;
	_ =	sdelay $0x1  }
0x13f: {  	(v2sf) =	vpush v28, $0xB;
	_ =	sdelay $0x1  }
0x140: {  	s18 =	sadd.s32 $0x500, s17;
	[tilespmem:v53+s13+$0x0] =	vst.idx.msk $0xffff, v29  }
0x141: {  	v54 =	vor.u32 s18, v15;
	v29 =	vld.idx.msk [tilespmem:v32+s8+$0x0], $0xffff  }
0x142: {  	v55 =	vor.u32 v17, v52;
	_ =	sdelay $0x3  }
0x143: {  	[tilespmem:v54+s13+$0x0] =	vst.idx.msk $0xffff, v29  }
0x144: {  	v56 =	vor.u32 s18, v17;
	v29 =	vld.idx.msk [tilespmem:v55+s8+$0x0], $0xffff  }
0x145: {  	v57 =	vor.u32 v18, v52;
	_ =	sdelay $0x3  }
0x146: {  	[tilespmem:v56+s13+$0x0] =	vst.idx.msk $0xffff, v29  }
0x147: {  	s19 =	spop (v2sf);
	v58 =	vor.u32 s18, v18;
	v29 =	vld.idx.msk [tilespmem:v57+s8+$0x0], $0xffff  }
0x148: {  	s19 =	sand.u32 $0x7, s19;
	v30 =	vor.u32 v19, v52  }
0x149: {  	v59 =	vmov s19  }
0x14a: {  	v32 =	vshll.u32 v59, v16  }
0x14b: {  	v32 =	vor.u32 v4, v32  }
0x14c: {  	[tilespmem:v58+s13+$0x0] =	vst.idx.msk $0xffff, v29;
	v29 =	vbroadcast v32, $0x0  }
0x14d: {  	v60 =	vor.u32 s18, v19;
	v30 =	vld.idx.msk [tilespmem:v30+s8+$0x0], $0xffff  }
0x14e: {  	v32 =	vor.u32 v15, v29;
	_ =	sdelay $0x1  }
0x14f: {  	(v2sf) =	vpush v28, $0xC;
	_ =	sdelay $0x1  }
0x150: {  	s18 =	sadd.s32 $0x580, s17;
	[tilespmem:v60+s13+$0x0] =	vst.idx.msk $0xffff, v30  }
0x151: {  	v61 =	vor.u32 s18, v15;
	v30 =	vld.idx.msk [tilespmem:v32+s8+$0x0], $0xffff  }
0x152: {  	v62 =	vor.u32 v17, v29;
	_ =	sdelay $0x3  }
0x153: {  	[tilespmem:v61+s13+$0x0] =	vst.idx.msk $0xffff, v30  }
0x154: {  	v63 =	vor.u32 s18, v17;
	v30 =	vld.idx.msk [tilespmem:v62+s8+$0x0], $0xffff  }
0x155: {  	v36 =	vor.u32 v18, v29;
	_ =	sdelay $0x3  }
0x156: {  	[tilespmem:v63+s13+$0x0] =	vst.idx.msk $0xffff, v30  }
0x157: {  	s19 =	spop (v2sf);
	v37 =	vor.u32 s18, v18;
	v30 =	vld.idx.msk [tilespmem:v36+s8+$0x0], $0xffff  }
0x158: {  	s19 =	sand.u32 $0x7, s19;
	v29 =	vor.u32 v19, v29  }
0x159: {  	v38 =	vmov s19  }
0x15a: {  	v32 =	vshll.u32 v38, v16  }
0x15b: {  	v32 =	vor.u32 v3, v32  }
0x15c: {  	v39 =	vbroadcast v32, $0x0;
	[tilespmem:v37+s13+$0x0] =	vst.idx.msk $0xffff, v30  }
0x15d: {  	v40 =	vor.u32 s18, v19;
	v29 =	vld.idx.msk [tilespmem:v29+s8+$0x0], $0xffff  }
0x15e: {  	v32 =	vor.u32 v15, v39;
	_ =	sdelay $0x1  }
0x15f: {  	(v2sf) =	vpush v28, $0xD;
	_ =	sdelay $0x1  }
0x160: {  	s18 =	sadd.s32 $0x600, s17;
	[tilespmem:v40+s13+$0x0] =	vst.idx.msk $0xffff, v29  }
0x161: {  	v41 =	vor.u32 s18, v15;
	v29 =	vld.idx.msk [tilespmem:v32+s8+$0x0], $0xffff  }
0x162: {  	v42 =	vor.u32 v17, v39;
	_ =	sdelay $0x3  }
0x163: {  	[tilespmem:v41+s13+$0x0] =	vst.idx.msk $0xffff, v29  }
0x164: {  	v43 =	vor.u32 s18, v17;
	v29 =	vld.idx.msk [tilespmem:v42+s8+$0x0], $0xffff  }
0x165: {  	v44 =	vor.u32 v18, v39;
	_ =	sdelay $0x3  }
0x166: {  	[tilespmem:v43+s13+$0x0] =	vst.idx.msk $0xffff, v29  }
0x167: {  	s19 =	spop (v2sf);
	v45 =	vor.u32 s18, v18;
	v29 =	vld.idx.msk [tilespmem:v44+s8+$0x0], $0xffff  }
0x168: {  	s19 =	sand.u32 $0x7, s19;
	v30 =	vor.u32 v19, v39  }
0x169: {  	v46 =	vmov s19  }
0x16a: {  	v32 =	vshll.u32 v46, v16  }
0x16b: {  	v32 =	vor.u32 v2, v32  }
0x16c: {  	[tilespmem:v45+s13+$0x0] =	vst.idx.msk $0xffff, v29;
	v29 =	vbroadcast v32, $0x0  }
0x16d: {  	v47 =	vor.u32 s18, v19;
	v30 =	vld.idx.msk [tilespmem:v30+s8+$0x0], $0xffff  }
0x16e: {  	v32 =	vor.u32 v15, v29;
	_ =	sdelay $0x1  }
0x16f: {  	(v2sf) =	vpush v28, $0xE;
	_ =	sdelay $0x1  }
0x170: {  	s18 =	sadd.s32 $0x680, s17;
	[tilespmem:v47+s13+$0x0] =	vst.idx.msk $0xffff, v30  }
0x171: {  	v48 =	vor.u32 s18, v15;
	v30 =	vld.idx.msk [tilespmem:v32+s8+$0x0], $0xffff  }
0x172: {  	v49 =	vor.u32 v17, v29;
	_ =	sdelay $0x3  }
0x173: {  	[tilespmem:v48+s13+$0x0] =	vst.idx.msk $0xffff, v30  }
0x174: {  	v50 =	vor.u32 s18, v17;
	v30 =	vld.idx.msk [tilespmem:v49+s8+$0x0], $0xffff  }
0x175: {  	v51 =	vor.u32 v18, v29;
	_ =	sdelay $0x3  }
0x176: {  	[tilespmem:v50+s13+$0x0] =	vst.idx.msk $0xffff, v30  }
0x177: {  	s19 =	spop (v2sf);
	v52 =	vor.u32 s18, v18;
	v30 =	vld.idx.msk [tilespmem:v51+s8+$0x0], $0xffff  }
0x178: {  	s19 =	sand.u32 $0x7, s19;
	v29 =	vor.u32 v19, v29  }
0x179: {  	v53 =	vmov s19  }
0x17a: {  	v32 =	vshll.u32 v53, v16  }
0x17b: {  	v32 =	vor.u32 v1, v32  }
0x17c: {  	v54 =	vbroadcast v32, $0x0;
	[tilespmem:v52+s13+$0x0] =	vst.idx.msk $0xffff, v30  }
0x17d: {  	v55 =	vor.u32 s18, v19;
	v29 =	vld.idx.msk [tilespmem:v29+s8+$0x0], $0xffff  }
0x17e: {  	v32 =	vor.u32 v15, v54;
	_ =	sdelay $0x1  }
0x17f: {  	(v2sf) =	vpush v28, $0xF;
	_ =	sdelay $0x1  }
0x180: {  	s18 =	sadd.s32 $0x700, s17;
	[tilespmem:v55+s13+$0x0] =	vst.idx.msk $0xffff, v29  }
0x181: {  	v29 =	vor.u32 s18, v15;
	v28 =	vld.idx.msk [tilespmem:v32+s8+$0x0], $0xffff  }
0x182: {  	v56 =	vor.u32 v17, v54;
	_ =	sdelay $0x3  }
0x183: {  	[tilespmem:v29+s13+$0x0] =	vst.idx.msk $0xffff, v28  }
0x184: {  	v29 =	vor.u32 s18, v17;
	v28 =	vld.idx.msk [tilespmem:v56+s8+$0x0], $0xffff  }
0x185: {  	v57 =	vor.u32 v18, v54;
	_ =	sdelay $0x3  }
0x186: {  	[tilespmem:v29+s13+$0x0] =	vst.idx.msk $0xffff, v28  }
0x187: {  	s19 =	spop (v2sf);
	v29 =	vor.u32 s18, v18;
	v28 =	vld.idx.msk [tilespmem:v57+s8+$0x0], $0xffff  }
0x188: {  	s19 =	sand.u32 $0x7, s19;
	v30 =	vor.u32 v19, v54  }
0x189: {  	v58 =	vmov s19  }
0x18a: {  	v31 =	vshll.u32 v58, v16  }
0x18b: {  	v31 =	vor.u32 v0, v31  }
0x18c: {  	[tilespmem:v29+s13+$0x0] =	vst.idx.msk $0xffff, v28;
	v28 =	vbroadcast v31, $0x0  }
0x18d: {  	v59 =	vor.u32 s18, v19;
	v29 =	vld.idx.msk [tilespmem:v30+s8+$0x0], $0xffff  }
0x18e: {  	v31 =	vor.u32 v15, v28;
	_ =	sdelay $0x3  }
0x18f: {  	s19 =	sadd.s32 $0x780, s17;
	[tilespmem:v59+s13+$0x0] =	vst.idx.msk $0xffff, v29  }
0x190: {  	v60 =	vor.u32 s19, v15;
	v29 =	vld.idx.msk [tilespmem:v31+s8+$0x0], $0xffff  }
0x191: {  	v61 =	vor.u32 v17, v28;
	_ =	sdelay $0x3  }
0x192: {  	[tilespmem:v60+s13+$0x0] =	vst.idx.msk $0xffff, v29  }
0x193: {  	v62 =	vor.u32 s19, v17;
	v29 =	vld.idx.msk [tilespmem:v61+s8+$0x0], $0xffff  }
0x194: {  	v63 =	vor.u32 v18, v28;
	_ =	sdelay $0x3  }
0x195: {  	[tilespmem:v62+s13+$0x0] =	vst.idx.msk $0xffff, v29  }
0x196: {  	v33 =	vor.u32 s19, v18;
	v29 =	vld.idx.msk [tilespmem:v63+s8+$0x0], $0xffff  }
0x197: {  	v28 =	vor.u32 v19, v28;
	_ =	sdelay $0x3  }
0x198: {  	[tilespmem:v33+s13+$0x0] =	vst.idx.msk $0xffff, v29  }
0x199: {  	v29 =	vor.u32 s19, v19;
	v28 =	vld.idx.msk [tilespmem:v28+s8+$0x0], $0xffff;
	_ =	sdelay $0x4  }
0x19a: {  	[tilespmem:v29+s13+$0x0] =	vst.idx.msk $0xffff, v28  }
0x19b: {  	v28 =	vld [tilespmem:s15+$0x10];
	_ =	sdelay $0x4  }
0x19c: {  	v28 =	vshll.u32 v28, $0x4  }
0x19d: {  	(v2sf) =	vpush v28, $0x0;
	_ =	sdelay $0x2  }
0x19e: {  	(v2sf) =	vpush v28, $0x1;
	_ =	sdelay $0x2  }
0x19f: {  	(v2sf) =	vpush v28, $0x2;
	_ =	sdelay $0x1  }
0x1a0: {  	(v2sf) =	vpush v28, $0x3  }
0x1a1: {  	(v2sf) =	vpush v28, $0x4;
	_ =	sdelay $0x5  }
0x1a2: {  	s19 =	spop (v2sf);
	(v2sf) =	vpush v28, $0x5;
	_ =	sdelay $0x1  }
0x1a3: {  	s18 =	sand.u32 $0xFFFFF80, s19  }
0x1a4: {  	s19 =	spop (v2sf);
	s18 =	sadd.s32 s3, s18  }
0x1a5: {  	[tilespmem:s8], [sflag:$0x1] =	stream.linear.gather [hbm4b:s18+s2], $0x400, $0x38;
	[tilespmem:$0x18200] =	vst v63  }
0x1a6: {  	s18 =	sand.u32 $0xFFFFF80, s19  }
0x1a7: {  	s19 =	spop (v2sf);
	(v2sf) =	vpush v28, $0x6;
	s18 =	sadd.s32 s3, s18  }
0x1a8: {  	[tilespmem:s20], [sflag:$0x1] =	stream.linear.gather [hbm4b:s18+s2], $0x400, $0x38;
	[tilespmem:$0x18200] =	vst v63  }
0x1a9: {  	s20 =	spop (v2sf);
	(v2sf) =	vpush v28, $0x7  }
0x1aa: {  	s18 =	sand.u32 $0xFFFFF80, s19;
	s19 =	spop (v2sf);
	(v2sf) =	vpush v28, $0x8;
	_ =	sdelay $0x2  }
0x1ab: {  	s18 =	sadd.s32 s3, s18  }
0x1ac: {  	[tilespmem:s21], [sflag:$0x1] =	stream.linear.gather [hbm4b:s18+s2], $0x400, $0x38;
	[tilespmem:$0x18200] =	vst v63  }
0x1ad: {  	s18 =	sand.u32 $0xFFFFF80, s20  }
0x1ae: {  	s18 =	sadd.s32 s3, s18;
	s20 =	spop (v2sf);
	(v2sf) =	vpush v28, $0x9  }
0x1af: {  	[tilespmem:s22], [sflag:$0x1] =	stream.linear.gather [hbm4b:s18+s2], $0x400, $0x38;
	[tilespmem:$0x18200] =	vst v63  }
0x1b0: {  	s18 =	sand.u32 $0xFFFFF80, s19;
	(v2sf) =	vpush v28, $0xA  }
0x1b1: {  	s18 =	sadd.s32 s3, s18  }
0x1b2: {  	[tilespmem:s23], [sflag:$0x1] =	stream.linear.gather [hbm4b:s18+s2], $0x400, $0x38;
	[tilespmem:$0x18200] =	vst v63  }
0x1b3: {  	s18 =	sand.u32 $0xFFFFF80, s20  }
0x1b4: {  	s18 =	sadd.s32 s3, s18;
	s19 =	spop (v2sf);
	(v2sf) =	vpush v28, $0xB  }
0x1b5: {  	[tilespmem:s25], [sflag:$0x1] =	stream.linear.gather [hbm4b:s18+s2], $0x400, $0x38;
	[tilespmem:$0x18200] =	vst v63  }
0x1b6: {  	s18 =	sand.u32 $0xFFFFF80, s19;
	s20 =	spop (v2sf);
	(v2sf) =	vpush v28, $0xC  }
0x1b7: {  	s18 =	sadd.s32 s3, s18;
	s19 =	spop (v2sf);
	(v2sf) =	vpush v28, $0xD  }
0x1b8: {  	[tilespmem:s26], [sflag:$0x1] =	stream.linear.gather [hbm4b:s18+s2], $0x400, $0x38;
	[tilespmem:$0x18200] =	vst v63  }
0x1b9: {  	s18 =	sand.u32 $0xFFFFF80, s20  }
0x1ba: {  	s18 =	sadd.s32 s3, s18  }
0x1bb: {  	[tilespmem:s28], [sflag:$0x1] =	stream.linear.gather [hbm4b:s18+s2], $0x400, $0x38;
	[tilespmem:$0x18200] =	vst v63  }
0x1bc: {  	s18 =	sand.u32 $0xFFFFF80, s19  }
0x1bd: {  	s18 =	sadd.s32 s3, s18;
	s20 =	spop (v2sf);
	(v2sf) =	vpush v28, $0xE  }
0x1be: {  	[tilespmem:s29], [sflag:$0x1] =	stream.linear.gather [hbm4b:s18+s2], $0x400, $0x38;
	[tilespmem:$0x18200] =	vst v63  }
0x1bf: {  	s18 =	sand.u32 $0xFFFFF80, s20;
	s19 =	spop (v2sf);
	(v2sf) =	vpush v28, $0xF  }
0x1c0: {  	s18 =	sadd.s32 s3, s18  }
0x1c1: {  	[tilespmem:s30], [sflag:$0x1] =	stream.linear.gather [hbm4b:s18+s2], $0x400, $0x38;
	[tilespmem:$0x18200] =	vst v63  }
0x1c2: {  	s18 =	sand.u32 $0xFFFFF80, s19  }
0x1c3: {  	s20 =	spop (v2sf);
	s18 =	sadd.s32 s3, s18  }
0x1c4: {  	[tilespmem:s31], [sflag:$0x1] =	stream.linear.gather [hbm4b:s18+s2], $0x400, $0x38;
	[tilespmem:$0x18200] =	vst v63  }
0x1c5: {  	s19 =	sand.u32 $0xFFFFF80, s20;
	s20 =	spop (v2sf)  }
0x1c6: {  	s18 =	sadd.s32 s3, s19;
	s19 =	sand.u32 $0xFFFFF80, s20;
	s20 =	spop (v2sf)  }
0x1c7: {  	[tilespmem:s0], [sflag:$0x1] =	stream.linear.gather [hbm4b:s18+s2], $0x400, $0x38;
	[tilespmem:$0x18200] =	vst v63  }
0x1c8: {  	s18 =	sadd.s32 s3, s19;
	s19 =	sand.u32 $0xFFFFF80, s20  }
0x1c9: {  	[tilespmem:s1], [sflag:$0x1] =	stream.linear.gather [hbm4b:s18+s2], $0x400, $0x38;
	[tilespmem:$0x18200] =	vst v63  }
0x1ca: {  	s18 =	sadd.s32 s3, s19  }
0x1cb: {  	[tilespmem:s4], [sflag:$0x1] =	stream.linear.gather [hbm4b:s18+s2], $0x400, $0x38;
	[tilespmem:$0x18200] =	vst v63  }
0x1cc: {  	s20 =	spop (v2sf)  }
0x1cd: {  	s20 =	sand.u32 $0xFFFFF80, s20  }
0x1ce: {  	s19 =	spop (v2sf);
	s18 =	sadd.s32 s3, s20  }
0x1cf: {  	[tilespmem:s5], [sflag:$0x1] =	stream.linear.gather [hbm4b:s18+s2], $0x400, $0x38;
	[tilespmem:$0x18200] =	vst v63  }
0x1d0: {  	s18 =	sand.u32 $0xFFFFF80, s19  }
0x1d1: {  	s18 =	sadd.s32 s3, s18  }
0x1d2: {  	[tilespmem:s6], [sflag:$0x1] =	stream.linear.gather [hbm4b:s18+s2], $0x400, $0x38;
	[tilespmem:$0x18200] =	vst v63  }
0x1d3: {  	_ =	swait.ge [sflag:s14], $0x4000  }
0x1d4: {  	[sflag:s14] =	ssyncset.done $0x0  }
0x1d5: {  	[sflag:s14] =	ssyncadd.s32 $0xFFFFC000  }
0x1d6: {  	v28 =	vld [tilespmem:s15+$0x0];
	_ =	sdelay $0x4  }
0x1d7: {  	(v2sf) =	vpush v28, $0x0;
	_ =	sdelay $0xe  }
0x1d8: {  	s20 =	spop (v2sf)  }
0x1d9: {  	s18 =	sand.u32 $0x7, s20  }
0x1da: {  	s18 =	sshll.u32 s18, $0x7  }
0x1db: {  	v29 =	vor.u32 s18, v15;
	_ =	sdelay $0x1  }
0x1dc: {  	(v2sf) =	vpush v28, $0x1;
	_ =	sdelay $0x1  }
0x1dd: {  	s19 =	sadd.s32 $0x800, s17  }
0x1de: {  	v34 =	vor.u32 s19, v15;
	v29 =	vld.idx.msk [tilespmem:v29+s24+$0x0], $0xffff  }
0x1df: {  	v35 =	vor.u32 s18, v17;
	_ =	sdelay $0x3  }
0x1e0: {  	[tilespmem:v34+s13+$0x0] =	vst.idx.msk $0xffff, v29  }
0x1e1: {  	v36 =	vor.u32 s19, v17;
	v29 =	vld.idx.msk [tilespmem:v35+s24+$0x0], $0xffff  }
0x1e2: {  	v37 =	vor.u32 s18, v18;
	_ =	sdelay $0x3  }
0x1e3: {  	[tilespmem:v36+s13+$0x0] =	vst.idx.msk $0xffff, v29  }
0x1e4: {  	v38 =	vor.u32 s19, v18;
	s20 =	spop (v2sf);
	v29 =	vld.idx.msk [tilespmem:v37+s24+$0x0], $0xffff  }
0x1e5: {  	v39 =	vor.u32 s18, v19;
	s18 =	sand.u32 $0x7, s20  }
0x1e6: {  	v40 =	vmov s18  }
0x1e7: {  	v32 =	vshll.u32 v40, v16  }
0x1e8: {  	v32 =	vor.u32 v14, v32  }
0x1e9: {  	[tilespmem:v38+s13+$0x0] =	vst.idx.msk $0xffff, v29;
	v29 =	vbroadcast v32, $0x0  }
0x1ea: {  	v41 =	vor.u32 s19, v19;
	v30 =	vld.idx.msk [tilespmem:v39+s24+$0x0], $0xffff  }
0x1eb: {  	v32 =	vor.u32 v15, v29;
	_ =	sdelay $0x1  }
0x1ec: {  	(v2sf) =	vpush v28, $0x2;
	_ =	sdelay $0x1  }
0x1ed: {  	s18 =	sadd.s32 $0x880, s17;
	[tilespmem:v41+s13+$0x0] =	vst.idx.msk $0xffff, v30  }
0x1ee: {  	v42 =	vor.u32 s18, v15;
	v30 =	vld.idx.msk [tilespmem:v32+s24+$0x0], $0xffff  }
0x1ef: {  	v43 =	vor.u32 v17, v29;
	_ =	sdelay $0x3  }
0x1f0: {  	[tilespmem:v42+s13+$0x0] =	vst.idx.msk $0xffff, v30  }
0x1f1: {  	v44 =	vor.u32 s18, v17;
	v30 =	vld.idx.msk [tilespmem:v43+s24+$0x0], $0xffff  }
0x1f2: {  	v45 =	vor.u32 v18, v29;
	_ =	sdelay $0x3  }
0x1f3: {  	[tilespmem:v44+s13+$0x0] =	vst.idx.msk $0xffff, v30  }
0x1f4: {  	v46 =	vor.u32 s18, v18;
	s19 =	spop (v2sf);
	v30 =	vld.idx.msk [tilespmem:v45+s24+$0x0], $0xffff  }
0x1f5: {  	v29 =	vor.u32 v19, v29;
	s19 =	sand.u32 $0x7, s19  }
0x1f6: {  	v47 =	vmov s19  }
0x1f7: {  	v32 =	vshll.u32 v47, v16  }
0x1f8: {  	v32 =	vor.u32 v13, v32  }
0x1f9: {  	v48 =	vbroadcast v32, $0x0;
	[tilespmem:v46+s13+$0x0] =	vst.idx.msk $0xffff, v30  }
0x1fa: {  	v49 =	vor.u32 s18, v19;
	v29 =	vld.idx.msk [tilespmem:v29+s24+$0x0], $0xffff  }
0x1fb: {  	v32 =	vor.u32 v15, v48;
	_ =	sdelay $0x1  }
0x1fc: {  	(v2sf) =	vpush v28, $0x3;
	_ =	sdelay $0x1  }
0x1fd: {  	s18 =	sadd.s32 $0x900, s17;
	[tilespmem:v49+s13+$0x0] =	vst.idx.msk $0xffff, v29  }
0x1fe: {  	v50 =	vor.u32 s18, v15;
	v29 =	vld.idx.msk [tilespmem:v32+s24+$0x0], $0xffff  }
0x1ff: {  	v51 =	vor.u32 v17, v48;
	_ =	sdelay $0x3  }
0x200: {  	[tilespmem:v50+s13+$0x0] =	vst.idx.msk $0xffff, v29  }
0x201: {  	v52 =	vor.u32 s18, v17;
	v29 =	vld.idx.msk [tilespmem:v51+s24+$0x0], $0xffff  }
0x202: {  	v53 =	vor.u32 v18, v48;
	_ =	sdelay $0x3  }
0x203: {  	[tilespmem:v52+s13+$0x0] =	vst.idx.msk $0xffff, v29  }
0x204: {  	v54 =	vor.u32 s18, v18;
	s19 =	spop (v2sf);
	v29 =	vld.idx.msk [tilespmem:v53+s24+$0x0], $0xffff  }
0x205: {  	s19 =	sand.u32 $0x7, s19;
	v30 =	vor.u32 v19, v48  }
0x206: {  	v55 =	vmov s19  }
0x207: {  	v32 =	vshll.u32 v55, v16  }
0x208: {  	v32 =	vor.u32 v12, v32  }
0x209: {  	[tilespmem:v54+s13+$0x0] =	vst.idx.msk $0xffff, v29;
	v29 =	vbroadcast v32, $0x0  }
0x20a: {  	v56 =	vor.u32 s18, v19;
	v30 =	vld.idx.msk [tilespmem:v30+s24+$0x0], $0xffff  }
0x20b: {  	v32 =	vor.u32 v15, v29;
	_ =	sdelay $0x1  }
0x20c: {  	(v2sf) =	vpush v28, $0x4;
	_ =	sdelay $0x1  }
0x20d: {  	s18 =	sadd.s32 $0x980, s17;
	[tilespmem:v56+s13+$0x0] =	vst.idx.msk $0xffff, v30  }
0x20e: {  	v57 =	vor.u32 s18, v15;
	v30 =	vld.idx.msk [tilespmem:v32+s24+$0x0], $0xffff  }
0x20f: {  	v58 =	vor.u32 v17, v29;
	_ =	sdelay $0x3  }
0x210: {  	[tilespmem:v57+s13+$0x0] =	vst.idx.msk $0xffff, v30  }
0x211: {  	v59 =	vor.u32 s18, v17;
	v30 =	vld.idx.msk [tilespmem:v58+s24+$0x0], $0xffff  }
0x212: {  	v60 =	vor.u32 v18, v29;
	_ =	sdelay $0x3  }
0x213: {  	[tilespmem:v59+s13+$0x0] =	vst.idx.msk $0xffff, v30  }
0x214: {  	v61 =	vor.u32 s18, v18;
	s19 =	spop (v2sf);
	v30 =	vld.idx.msk [tilespmem:v60+s24+$0x0], $0xffff  }
0x215: {  	s19 =	sand.u32 $0x7, s19;
	v29 =	vor.u32 v19, v29  }
0x216: {  	v62 =	vmov s19  }
0x217: {  	v32 =	vshll.u32 v62, v16  }
0x218: {  	v32 =	vor.u32 v11, v32  }
0x219: {  	v63 =	vbroadcast v32, $0x0;
	[tilespmem:v61+s13+$0x0] =	vst.idx.msk $0xffff, v30  }
0x21a: {  	v36 =	vor.u32 s18, v19;
	v29 =	vld.idx.msk [tilespmem:v29+s24+$0x0], $0xffff  }
0x21b: {  	v32 =	vor.u32 v15, v63;
	_ =	sdelay $0x1  }
0x21c: {  	(v2sf) =	vpush v28, $0x5;
	_ =	sdelay $0x1  }
0x21d: {  	s18 =	sadd.s32 $0xA00, s17;
	[tilespmem:v36+s13+$0x0] =	vst.idx.msk $0xffff, v29  }
0x21e: {  	v37 =	vor.u32 s18, v15;
	v29 =	vld.idx.msk [tilespmem:v32+s24+$0x0], $0xffff  }
0x21f: {  	v38 =	vor.u32 v17, v63;
	_ =	sdelay $0x3  }
0x220: {  	[tilespmem:v37+s13+$0x0] =	vst.idx.msk $0xffff, v29  }
0x221: {  	v39 =	vor.u32 s18, v17;
	v29 =	vld.idx.msk [tilespmem:v38+s24+$0x0], $0xffff  }
0x222: {  	v40 =	vor.u32 v18, v63;
	_ =	sdelay $0x3  }
0x223: {  	[tilespmem:v39+s13+$0x0] =	vst.idx.msk $0xffff, v29  }
0x224: {  	v41 =	vor.u32 s18, v18;
	s19 =	spop (v2sf);
	v29 =	vld.idx.msk [tilespmem:v40+s24+$0x0], $0xffff  }
0x225: {  	s19 =	sand.u32 $0x7, s19;
	v30 =	vor.u32 v19, v63  }
0x226: {  	v42 =	vmov s19  }
0x227: {  	v32 =	vshll.u32 v42, v16  }
0x228: {  	v32 =	vor.u32 v10, v32  }
0x229: {  	[tilespmem:v41+s13+$0x0] =	vst.idx.msk $0xffff, v29;
	v29 =	vbroadcast v32, $0x0  }
0x22a: {  	v43 =	vor.u32 s18, v19;
	v30 =	vld.idx.msk [tilespmem:v30+s24+$0x0], $0xffff  }
0x22b: {  	v32 =	vor.u32 v15, v29;
	_ =	sdelay $0x1  }
0x22c: {  	(v2sf) =	vpush v28, $0x6;
	_ =	sdelay $0x1  }
0x22d: {  	s18 =	sadd.s32 $0xA80, s17;
	[tilespmem:v43+s13+$0x0] =	vst.idx.msk $0xffff, v30  }
0x22e: {  	v44 =	vor.u32 s18, v15;
	v30 =	vld.idx.msk [tilespmem:v32+s24+$0x0], $0xffff  }
0x22f: {  	v45 =	vor.u32 v17, v29;
	_ =	sdelay $0x3  }
0x230: {  	[tilespmem:v44+s13+$0x0] =	vst.idx.msk $0xffff, v30  }
0x231: {  	v46 =	vor.u32 s18, v17;
	v30 =	vld.idx.msk [tilespmem:v45+s24+$0x0], $0xffff  }
0x232: {  	v47 =	vor.u32 v18, v29;
	_ =	sdelay $0x3  }
0x233: {  	[tilespmem:v46+s13+$0x0] =	vst.idx.msk $0xffff, v30  }
0x234: {  	v48 =	vor.u32 s18, v18;
	s19 =	spop (v2sf);
	v30 =	vld.idx.msk [tilespmem:v47+s24+$0x0], $0xffff  }
0x235: {  	s19 =	sand.u32 $0x7, s19;
	v29 =	vor.u32 v19, v29  }
0x236: {  	v49 =	vmov s19  }
0x237: {  	v32 =	vshll.u32 v49, v16  }
0x238: {  	v32 =	vor.u32 v9, v32  }
0x239: {  	v50 =	vbroadcast v32, $0x0;
	[tilespmem:v48+s13+$0x0] =	vst.idx.msk $0xffff, v30  }
0x23a: {  	v51 =	vor.u32 s18, v19;
	v29 =	vld.idx.msk [tilespmem:v29+s24+$0x0], $0xffff  }
0x23b: {  	v32 =	vor.u32 v15, v50;
	_ =	sdelay $0x1  }
0x23c: {  	(v2sf) =	vpush v28, $0x7;
	_ =	sdelay $0x1  }
0x23d: {  	s18 =	sadd.s32 $0xB00, s17;
	[tilespmem:v51+s13+$0x0] =	vst.idx.msk $0xffff, v29  }
0x23e: {  	v52 =	vor.u32 s18, v15;
	v29 =	vld.idx.msk [tilespmem:v32+s24+$0x0], $0xffff  }
0x23f: {  	v53 =	vor.u32 v17, v50;
	_ =	sdelay $0x3  }
0x240: {  	[tilespmem:v52+s13+$0x0] =	vst.idx.msk $0xffff, v29  }
0x241: {  	v54 =	vor.u32 s18, v17;
	v29 =	vld.idx.msk [tilespmem:v53+s24+$0x0], $0xffff  }
0x242: {  	v55 =	vor.u32 v18, v50;
	_ =	sdelay $0x3  }
0x243: {  	[tilespmem:v54+s13+$0x0] =	vst.idx.msk $0xffff, v29  }
0x244: {  	v56 =	vor.u32 s18, v18;
	s19 =	spop (v2sf);
	v29 =	vld.idx.msk [tilespmem:v55+s24+$0x0], $0xffff  }
0x245: {  	s19 =	sand.u32 $0x7, s19;
	v30 =	vor.u32 v19, v50  }
0x246: {  	v57 =	vmov s19  }
0x247: {  	v32 =	vshll.u32 v57, v16  }
0x248: {  	v32 =	vor.u32 v8, v32  }
0x249: {  	[tilespmem:v56+s13+$0x0] =	vst.idx.msk $0xffff, v29;
	v29 =	vbroadcast v32, $0x0  }
0x24a: {  	v58 =	vor.u32 s18, v19;
	v30 =	vld.idx.msk [tilespmem:v30+s24+$0x0], $0xffff  }
0x24b: {  	v32 =	vor.u32 v15, v29;
	_ =	sdelay $0x1  }
0x24c: {  	(v2sf) =	vpush v28, $0x8;
	_ =	sdelay $0x1  }
0x24d: {  	s18 =	sadd.s32 $0xB80, s17;
	[tilespmem:v58+s13+$0x0] =	vst.idx.msk $0xffff, v30  }
0x24e: {  	v59 =	vor.u32 s18, v15;
	v30 =	vld.idx.msk [tilespmem:v32+s24+$0x0], $0xffff  }
0x24f: {  	v60 =	vor.u32 v17, v29;
	_ =	sdelay $0x3  }
0x250: {  	[tilespmem:v59+s13+$0x0] =	vst.idx.msk $0xffff, v30  }
0x251: {  	v61 =	vor.u32 s18, v17;
	v30 =	vld.idx.msk [tilespmem:v60+s24+$0x0], $0xffff  }
0x252: {  	v62 =	vor.u32 v18, v29;
	_ =	sdelay $0x3  }
0x253: {  	[tilespmem:v61+s13+$0x0] =	vst.idx.msk $0xffff, v30  }
0x254: {  	v63 =	vor.u32 s18, v18;
	s19 =	spop (v2sf);
	v30 =	vld.idx.msk [tilespmem:v62+s24+$0x0], $0xffff  }
0x255: {  	s19 =	sand.u32 $0x7, s19;
	v29 =	vor.u32 v19, v29  }
0x256: {  	v36 =	vmov s19  }
0x257: {  	v32 =	vshll.u32 v36, v16  }
0x258: {  	v32 =	vor.u32 v7, v32  }
0x259: {  	v37 =	vbroadcast v32, $0x0;
	[tilespmem:v63+s13+$0x0] =	vst.idx.msk $0xffff, v30  }
0x25a: {  	v38 =	vor.u32 s18, v19;
	v29 =	vld.idx.msk [tilespmem:v29+s24+$0x0], $0xffff  }
0x25b: {  	v32 =	vor.u32 v15, v37;
	_ =	sdelay $0x1  }
0x25c: {  	(v2sf) =	vpush v28, $0x9;
	_ =	sdelay $0x1  }
0x25d: {  	s18 =	sadd.s32 $0xC00, s17;
	[tilespmem:v38+s13+$0x0] =	vst.idx.msk $0xffff, v29  }
0x25e: {  	v39 =	vor.u32 s18, v15;
	v29 =	vld.idx.msk [tilespmem:v32+s24+$0x0], $0xffff  }
0x25f: {  	v40 =	vor.u32 v17, v37;
	_ =	sdelay $0x3  }
0x260: {  	[tilespmem:v39+s13+$0x0] =	vst.idx.msk $0xffff, v29  }
0x261: {  	v41 =	vor.u32 s18, v17;
	v29 =	vld.idx.msk [tilespmem:v40+s24+$0x0], $0xffff  }
0x262: {  	v42 =	vor.u32 v18, v37;
	_ =	sdelay $0x3  }
0x263: {  	[tilespmem:v41+s13+$0x0] =	vst.idx.msk $0xffff, v29  }
0x264: {  	v43 =	vor.u32 s18, v18;
	s19 =	spop (v2sf);
	v29 =	vld.idx.msk [tilespmem:v42+s24+$0x0], $0xffff  }
0x265: {  	s19 =	sand.u32 $0x7, s19;
	v30 =	vor.u32 v19, v37  }
0x266: {  	v44 =	vmov s19  }
0x267: {  	v32 =	vshll.u32 v44, v16  }
0x268: {  	v32 =	vor.u32 v6, v32  }
0x269: {  	[tilespmem:v43+s13+$0x0] =	vst.idx.msk $0xffff, v29;
	v29 =	vbroadcast v32, $0x0  }
0x26a: {  	v45 =	vor.u32 s18, v19;
	v30 =	vld.idx.msk [tilespmem:v30+s24+$0x0], $0xffff  }
0x26b: {  	v32 =	vor.u32 v15, v29;
	_ =	sdelay $0x1  }
0x26c: {  	(v2sf) =	vpush v28, $0xA;
	_ =	sdelay $0x1  }
0x26d: {  	s18 =	sadd.s32 $0xC80, s17;
	[tilespmem:v45+s13+$0x0] =	vst.idx.msk $0xffff, v30  }
0x26e: {  	v46 =	vor.u32 s18, v15;
	v30 =	vld.idx.msk [tilespmem:v32+s24+$0x0], $0xffff  }
0x26f: {  	v47 =	vor.u32 v17, v29;
	_ =	sdelay $0x3  }
0x270: {  	[tilespmem:v46+s13+$0x0] =	vst.idx.msk $0xffff, v30  }
0x271: {  	v48 =	vor.u32 s18, v17;
	v30 =	vld.idx.msk [tilespmem:v47+s24+$0x0], $0xffff  }
0x272: {  	v49 =	vor.u32 v18, v29;
	_ =	sdelay $0x3  }
0x273: {  	[tilespmem:v48+s13+$0x0] =	vst.idx.msk $0xffff, v30  }
0x274: {  	v50 =	vor.u32 s18, v18;
	s19 =	spop (v2sf);
	v30 =	vld.idx.msk [tilespmem:v49+s24+$0x0], $0xffff  }
0x275: {  	s19 =	sand.u32 $0x7, s19;
	v29 =	vor.u32 v19, v29  }
0x276: {  	v51 =	vmov s19  }
0x277: {  	v32 =	vshll.u32 v51, v16  }
0x278: {  	v32 =	vor.u32 v5, v32  }
0x279: {  	v52 =	vbroadcast v32, $0x0;
	[tilespmem:v50+s13+$0x0] =	vst.idx.msk $0xffff, v30  }
0x27a: {  	v53 =	vor.u32 s18, v19;
	v29 =	vld.idx.msk [tilespmem:v29+s24+$0x0], $0xffff  }
0x27b: {  	v32 =	vor.u32 v15, v52;
	_ =	sdelay $0x1  }
0x27c: {  	(v2sf) =	vpush v28, $0xB;
	_ =	sdelay $0x1  }
0x27d: {  	s18 =	sadd.s32 $0xD00, s17;
	[tilespmem:v53+s13+$0x0] =	vst.idx.msk $0xffff, v29  }
0x27e: {  	v54 =	vor.u32 s18, v15;
	v29 =	vld.idx.msk [tilespmem:v32+s24+$0x0], $0xffff  }
0x27f: {  	v55 =	vor.u32 v17, v52;
	_ =	sdelay $0x3  }
0x280: {  	[tilespmem:v54+s13+$0x0] =	vst.idx.msk $0xffff, v29  }
0x281: {  	v56 =	vor.u32 s18, v17;
	v29 =	vld.idx.msk [tilespmem:v55+s24+$0x0], $0xffff  }
0x282: {  	v57 =	vor.u32 v18, v52;
	_ =	sdelay $0x3  }
0x283: {  	[tilespmem:v56+s13+$0x0] =	vst.idx.msk $0xffff, v29  }
0x284: {  	s19 =	spop (v2sf);
	v58 =	vor.u32 s18, v18;
	v29 =	vld.idx.msk [tilespmem:v57+s24+$0x0], $0xffff  }
0x285: {  	s19 =	sand.u32 $0x7, s19;
	v30 =	vor.u32 v19, v52  }
0x286: {  	v59 =	vmov s19  }
0x287: {  	v32 =	vshll.u32 v59, v16  }
0x288: {  	v32 =	vor.u32 v4, v32  }
0x289: {  	[tilespmem:v58+s13+$0x0] =	vst.idx.msk $0xffff, v29;
	v29 =	vbroadcast v32, $0x0  }
0x28a: {  	v60 =	vor.u32 s18, v19;
	v30 =	vld.idx.msk [tilespmem:v30+s24+$0x0], $0xffff  }
0x28b: {  	v32 =	vor.u32 v15, v29;
	_ =	sdelay $0x1  }
0x28c: {  	(v2sf) =	vpush v28, $0xC;
	_ =	sdelay $0x1  }
0x28d: {  	s18 =	sadd.s32 $0xD80, s17;
	[tilespmem:v60+s13+$0x0] =	vst.idx.msk $0xffff, v30  }
0x28e: {  	v61 =	vor.u32 s18, v15;
	v30 =	vld.idx.msk [tilespmem:v32+s24+$0x0], $0xffff  }
0x28f: {  	v62 =	vor.u32 v17, v29;
	_ =	sdelay $0x3  }
0x290: {  	[tilespmem:v61+s13+$0x0] =	vst.idx.msk $0xffff, v30  }
0x291: {  	v63 =	vor.u32 s18, v17;
	v30 =	vld.idx.msk [tilespmem:v62+s24+$0x0], $0xffff  }
0x292: {  	v36 =	vor.u32 v18, v29;
	_ =	sdelay $0x3  }
0x293: {  	[tilespmem:v63+s13+$0x0] =	vst.idx.msk $0xffff, v30  }
0x294: {  	s19 =	spop (v2sf);
	v37 =	vor.u32 s18, v18;
	v30 =	vld.idx.msk [tilespmem:v36+s24+$0x0], $0xffff  }
0x295: {  	s19 =	sand.u32 $0x7, s19;
	v29 =	vor.u32 v19, v29  }
0x296: {  	v38 =	vmov s19  }
0x297: {  	v32 =	vshll.u32 v38, v16  }
0x298: {  	v32 =	vor.u32 v3, v32  }
0x299: {  	v39 =	vbroadcast v32, $0x0;
	[tilespmem:v37+s13+$0x0] =	vst.idx.msk $0xffff, v30  }
0x29a: {  	v40 =	vor.u32 s18, v19;
	v29 =	vld.idx.msk [tilespmem:v29+s24+$0x0], $0xffff  }
0x29b: {  	v32 =	vor.u32 v15, v39;
	_ =	sdelay $0x1  }
0x29c: {  	(v2sf) =	vpush v28, $0xD;
	_ =	sdelay $0x1  }
0x29d: {  	s18 =	sadd.s32 $0xE00, s17;
	[tilespmem:v40+s13+$0x0] =	vst.idx.msk $0xffff, v29  }
0x29e: {  	v41 =	vor.u32 s18, v15;
	v29 =	vld.idx.msk [tilespmem:v32+s24+$0x0], $0xffff  }
0x29f: {  	v42 =	vor.u32 v17, v39;
	_ =	sdelay $0x3  }
0x2a0: {  	[tilespmem:v41+s13+$0x0] =	vst.idx.msk $0xffff, v29  }
0x2a1: {  	v43 =	vor.u32 s18, v17;
	v29 =	vld.idx.msk [tilespmem:v42+s24+$0x0], $0xffff  }
0x2a2: {  	v44 =	vor.u32 v18, v39;
	_ =	sdelay $0x3  }
0x2a3: {  	[tilespmem:v43+s13+$0x0] =	vst.idx.msk $0xffff, v29  }
0x2a4: {  	s19 =	spop (v2sf);
	v45 =	vor.u32 s18, v18;
	v29 =	vld.idx.msk [tilespmem:v44+s24+$0x0], $0xffff  }
0x2a5: {  	s19 =	sand.u32 $0x7, s19;
	v30 =	vor.u32 v19, v39  }
0x2a6: {  	v46 =	vmov s19  }
0x2a7: {  	v32 =	vshll.u32 v46, v16  }
0x2a8: {  	v32 =	vor.u32 v2, v32  }
0x2a9: {  	[tilespmem:v45+s13+$0x0] =	vst.idx.msk $0xffff, v29;
	v29 =	vbroadcast v32, $0x0  }
0x2aa: {  	v47 =	vor.u32 s18, v19;
	v30 =	vld.idx.msk [tilespmem:v30+s24+$0x0], $0xffff  }
0x2ab: {  	v32 =	vor.u32 v15, v29;
	_ =	sdelay $0x1  }
0x2ac: {  	(v2sf) =	vpush v28, $0xE;
	_ =	sdelay $0x1  }
0x2ad: {  	s18 =	sadd.s32 $0xE80, s17;
	[tilespmem:v47+s13+$0x0] =	vst.idx.msk $0xffff, v30  }
0x2ae: {  	v48 =	vor.u32 s18, v15;
	v30 =	vld.idx.msk [tilespmem:v32+s24+$0x0], $0xffff  }
0x2af: {  	v49 =	vor.u32 v17, v29;
	_ =	sdelay $0x3  }
0x2b0: {  	[tilespmem:v48+s13+$0x0] =	vst.idx.msk $0xffff, v30  }
0x2b1: {  	v50 =	vor.u32 s18, v17;
	v30 =	vld.idx.msk [tilespmem:v49+s24+$0x0], $0xffff  }
0x2b2: {  	v51 =	vor.u32 v18, v29;
	_ =	sdelay $0x3  }
0x2b3: {  	[tilespmem:v50+s13+$0x0] =	vst.idx.msk $0xffff, v30  }
0x2b4: {  	s19 =	spop (v2sf);
	v52 =	vor.u32 s18, v18;
	v30 =	vld.idx.msk [tilespmem:v51+s24+$0x0], $0xffff  }
0x2b5: {  	s19 =	sand.u32 $0x7, s19;
	v29 =	vor.u32 v19, v29  }
0x2b6: {  	v53 =	vmov s19  }
0x2b7: {  	v32 =	vshll.u32 v53, v16  }
0x2b8: {  	v32 =	vor.u32 v1, v32  }
0x2b9: {  	v54 =	vbroadcast v32, $0x0;
	[tilespmem:v52+s13+$0x0] =	vst.idx.msk $0xffff, v30  }
0x2ba: {  	v55 =	vor.u32 s18, v19;
	v29 =	vld.idx.msk [tilespmem:v29+s24+$0x0], $0xffff  }
0x2bb: {  	v32 =	vor.u32 v15, v54;
	_ =	sdelay $0x1  }
0x2bc: {  	(v2sf) =	vpush v28, $0xF;
	_ =	sdelay $0x1  }
0x2bd: {  	s18 =	sadd.s32 $0xF00, s17;
	[tilespmem:v55+s13+$0x0] =	vst.idx.msk $0xffff, v29  }
0x2be: {  	v29 =	vor.u32 s18, v15;
	v28 =	vld.idx.msk [tilespmem:v32+s24+$0x0], $0xffff  }
0x2bf: {  	v56 =	vor.u32 v17, v54;
	_ =	sdelay $0x3  }
0x2c0: {  	[tilespmem:v29+s13+$0x0] =	vst.idx.msk $0xffff, v28  }
0x2c1: {  	v29 =	vor.u32 s18, v17;
	v28 =	vld.idx.msk [tilespmem:v56+s24+$0x0], $0xffff  }
0x2c2: {  	v57 =	vor.u32 v18, v54;
	_ =	sdelay $0x3  }
0x2c3: {  	[tilespmem:v29+s13+$0x0] =	vst.idx.msk $0xffff, v28  }
0x2c4: {  	s19 =	spop (v2sf);
	v29 =	vor.u32 s18, v18;
	v28 =	vld.idx.msk [tilespmem:v57+s24+$0x0], $0xffff  }
0x2c5: {  	s19 =	sand.u32 $0x7, s19;
	v30 =	vor.u32 v19, v54  }
0x2c6: {  	v58 =	vmov s19  }
0x2c7: {  	v31 =	vshll.u32 v58, v16  }
0x2c8: {  	v31 =	vor.u32 v0, v31  }
0x2c9: {  	[tilespmem:v29+s13+$0x0] =	vst.idx.msk $0xffff, v28;
	v28 =	vbroadcast v31, $0x0  }
0x2ca: {  	v29 =	vor.u32 s18, v19;
	v30 =	vld.idx.msk [tilespmem:v30+s24+$0x0], $0xffff  }
0x2cb: {  	v31 =	vor.u32 v15, v28;
	_ =	sdelay $0x3  }
0x2cc: {  	s17 =	sadd.s32 $0xF80, s17;
	[tilespmem:v29+s13+$0x0] =	vst.idx.msk $0xffff, v30  }
0x2cd: {  	v59 =	vor.u32 s17, v15;
	v29 =	vld.idx.msk [tilespmem:v31+s24+$0x0], $0xffff  }
0x2ce: {  	v60 =	vor.u32 v17, v28;
	_ =	sdelay $0x3  }
0x2cf: {  	[tilespmem:v59+s13+$0x0] =	vst.idx.msk $0xffff, v29  }
0x2d0: {  	v61 =	vor.u32 s17, v17;
	v29 =	vld.idx.msk [tilespmem:v60+s24+$0x0], $0xffff  }
0x2d1: {  	v62 =	vor.u32 v18, v28;
	_ =	sdelay $0x3  }
0x2d2: {  	[tilespmem:v61+s13+$0x0] =	vst.idx.msk $0xffff, v29  }
0x2d3: {  	v63 =	vor.u32 s17, v18;
	v29 =	vld.idx.msk [tilespmem:v62+s24+$0x0], $0xffff  }
0x2d4: {  	v28 =	vor.u32 v19, v28;
	_ =	sdelay $0x3  }
0x2d5: {  	[tilespmem:v63+s13+$0x0] =	vst.idx.msk $0xffff, v29  }
0x2d6: {  	p0 =	sne.s32 s16, $0x1C0;
	v29 =	vor.u32 s17, v19;
	v28 =	vld.idx.msk [tilespmem:v28+s24+$0x0], $0xffff  }
.Ltmp0:
0x2d7: {  	_ = 	snop;
	(pc) =	sbr.rel @p0 .LBB2_2-.Ltmp0, $2  }
0x2d8: {  	_ =	sdelay $0x2  }
0x2d9: {  	s16 =	sadd.s32 $0x20, s16;
	s15 =	sadd.s32 $0x20, s15;
	s20 =	simm.s32 $0x600;
	[tilespmem:v29+s13+$0x0] =	vst.idx.msk $0xffff, v28  }
0x2da: {  	v28 =	vld [tilespmem:$0x1F0];
	_ =	sdelay $0x4  }
0x2db: {  	v28 =	vshll.u32 v28, $0x4  }
0x2dc: {  	(v2sf) =	vpush v28, $0x0  }
0x2dd: {  	(v2sf) =	vpush v28, $0x1;
	_ =	sdelay $0x5  }
0x2de: {  	(v2sf) =	vpush v28, $0x2;
	_ =	sdelay $0x1  }
0x2df: {  	(v2sf) =	vpush v28, $0x3;
	_ =	sdelay $0x5  }
0x2e0: {  	s15 =	spop (v2sf);
	(v2sf) =	vpush v28, $0x4  }
0x2e1: {  	s18 =	spop (v2sf);
	(v2sf) =	vpush v28, $0x5;
	_ =	sdelay $0x4  }
0x2e2: {  	s15 =	sand.u32 $0xFFFFF80, s15  }
0x2e3: {  	s15 =	sadd.s32 s3, s15;
	s19 =	spop (v2sf);
	(v2sf) =	vpush v28, $0x6  }
0x2e4: {  	[tilespmem:s24], [sflag:$0x2] =	stream.linear.gather [hbm4b:s15+s2], $0x400, $0x38;
	[tilespmem:$0x18200] =	vst v63  }
0x2e5: {  	s15 =	sand.u32 $0xFFFFF80, s18;
	s21 =	spop (v2sf);
	(v2sf) =	vpush v28, $0x7  }
0x2e6: {  	s15 =	sadd.s32 s3, s15  }
0x2e7: {  	[tilespmem:s7], [sflag:$0x2] =	stream.linear.gather [hbm4b:s15+s2], $0x400, $0x38;
	[tilespmem:$0x18200] =	vst v63  }
0x2e8: {  	s15 =	sand.u32 $0xFFFFF80, s19  }
0x2e9: {  	s15 =	sadd.s32 s3, s15  }
0x2ea: {  	[tilespmem:s9], [sflag:$0x2] =	stream.linear.gather [hbm4b:s15+s2], $0x400, $0x38;
	[tilespmem:$0x18200] =	vst v63  }
0x2eb: {  	s15 =	sand.u32 $0xFFFFF80, s21;
	s22 =	spop (v2sf);
	(v2sf) =	vpush v28, $0x8  }
0x2ec: {  	s15 =	sadd.s32 s3, s15;
	s23 =	spop (v2sf);
	(v2sf) =	vpush v28, $0x9  }
0x2ed: {  	[tilespmem:s10], [sflag:$0x2] =	stream.linear.gather [hbm4b:s15+s2], $0x400, $0x38;
	[tilespmem:$0x18200] =	vst v63  }
0x2ee: {  	s15 =	sand.u32 $0xFFFFF80, s22;
	(v2sf) =	vpush v28, $0xA  }
0x2ef: {  	s15 =	sadd.s32 s3, s15  }
0x2f0: {  	[tilespmem:s11], [sflag:$0x2] =	stream.linear.gather [hbm4b:s15+s2], $0x400, $0x38;
	[tilespmem:$0x18200] =	vst v63  }
0x2f1: {  	s15 =	sand.u32 $0xFFFFF80, s23  }
0x2f2: {  	s0 =	simm.s32 $0x5600;
	s25 =	spop (v2sf);
	s15 =	sadd.s32 s3, s15  }
0x2f3: {  	(v2sf) =	vpush v28, $0xB;
	[tilespmem:s0], [sflag:$0x2] =	stream.linear.gather [hbm4b:s15+s2], $0x400, $0x38;
	[tilespmem:$0x18200] =	vst v63  }
0x2f4: {  	s1 =	spop (v2sf);
	(v2sf) =	vpush v28, $0xC;
	s15 =	sand.u32 $0xFFFFF80, s25  }
0x2f5: {  	s26 =	simm.s32 $0x5A00;
	s15 =	sadd.s32 s3, s15  }
0x2f6: {  	[tilespmem:s26], [sflag:$0x2] =	stream.linear.gather [hbm4b:s15+s2], $0x400, $0x38;
	[tilespmem:$0x18200] =	vst v63  }
0x2f7: {  	s15 =	sand.u32 $0xFFFFF80, s1  }
0x2f8: {  	s4 =	simm.s32 $0x5E00;
	s15 =	sadd.s32 s3, s15  }
0x2f9: {  	[tilespmem:s4], [sflag:$0x2] =	stream.linear.gather [hbm4b:s15+s2], $0x400, $0x38;
	[tilespmem:$0x18200] =	vst v63  }
0x2fa: {  	s5 =	spop (v2sf);
	(v2sf) =	vpush v28, $0xD  }
0x2fb: {  	s7 =	spop (v2sf);
	(v2sf) =	vpush v28, $0xE  }
0x2fc: {  	s15 =	sand.u32 $0xFFFFF80, s5  }
0x2fd: {  	s6 =	simm.s32 $0x6200;
	s15 =	sadd.s32 s3, s15;
	s17 =	spop (v2sf)  }
0x2fe: {  	(v2sf) =	vpush v28, $0xF;
	[tilespmem:s6], [sflag:$0x2] =	stream.linear.gather [hbm4b:s15+s2], $0x400, $0x38;
	[tilespmem:$0x18200] =	vst v63  }
0x2ff: {  	s15 =	sand.u32 $0xFFFFF80, s7  }
0x300: {  	s16 =	simm.s32 $0x6600;
	s15 =	sadd.s32 s3, s15  }
0x301: {  	[tilespmem:s16], [sflag:$0x2] =	stream.linear.gather [hbm4b:s15+s2], $0x400, $0x38;
	[tilespmem:$0x18200] =	vst v63  }
0x302: {  	s18 =	simm.s32 $0x6A00;
	s15 =	sand.u32 $0xFFFFF80, s17;
	s16 =	spop (v2sf)  }
0x303: {  	s15 =	sadd.s32 s3, s15;
	s19 =	sand.u32 $0xFFFFF80, s16;
	s21 =	spop (v2sf)  }
0x304: {  	[tilespmem:s18], [sflag:$0x2] =	stream.linear.gather [hbm4b:s15+s2], $0x400, $0x38;
	[tilespmem:$0x18200] =	vst v63  }
0x305: {  	s22 =	simm.s32 $0x6E00;
	s15 =	sadd.s32 s3, s19;
	s23 =	sand.u32 $0xFFFFF80, s21  }
0x306: {  	[tilespmem:s22], [sflag:$0x2] =	stream.linear.gather [hbm4b:s15+s2], $0x400, $0x38;
	[tilespmem:$0x18200] =	vst v63  }
0x307: {  	s26 =	simm.s32 $0x7200;
	s15 =	sadd.s32 s3, s23  }
0x308: {  	[tilespmem:s26], [sflag:$0x2] =	stream.linear.gather [hbm4b:s15+s2], $0x400, $0x38;
	[tilespmem:$0x18200] =	vst v63  }
0x309: {  	s25 =	spop (v2sf)  }
0x30a: {  	s1 =	sand.u32 $0xFFFFF80, s25;
	s4 =	spop (v2sf)  }
0x30b: {  	s5 =	simm.s32 $0x7600;
	s15 =	sadd.s32 s3, s1;
	s6 =	sand.u32 $0xFFFFF80, s4  }
0x30c: {  	[tilespmem:s5], [sflag:$0x2] =	stream.linear.gather [hbm4b:s15+s2], $0x400, $0x38;
	[tilespmem:$0x18200] =	vst v63  }
0x30d: {  	s7 =	simm.s32 $0x7A00;
	s16 =	spop (v2sf);
	s15 =	sadd.s32 s3, s6  }
0x30e: {  	[tilespmem:s7], [sflag:$0x2] =	stream.linear.gather [hbm4b:s15+s2], $0x400, $0x38;
	[tilespmem:$0x18200] =	vst v63  }
0x30f: {  	s15 =	sand.u32 $0xFFFFF80, s16  }
0x310: {  	s17 =	simm.s32 $0x7E00;
	s15 =	sadd.s32 s3, s15  }
0x311: {  	[tilespmem:s17], [sflag:$0x2] =	stream.linear.gather [hbm4b:s15+s2], $0x400, $0x38;
	[tilespmem:$0x18200] =	vst v63  }
0x312: {  	_ =	swait.ge [sflag:s12], $0x4000  }
0x313: {  	[sflag:s12] =	ssyncset.done $0x0  }
0x314: {  	[sflag:s12] =	ssyncadd.s32 $0xFFFFC000  }
0x315: {  	v28 =	vld [tilespmem:$0x1E0];
	_ =	sdelay $0x4  }
0x316: {  	(v2sf) =	vpush v28, $0x0;
	_ =	sdelay $0xe  }
0x317: {  	s18 =	spop (v2sf)  }
0x318: {  	s15 =	sand.u32 $0x7, s18  }
0x319: {  	s15 =	sshll.u32 s15, $0x7  }
0x31a: {  	v29 =	vor.u32 s15, v15;
	_ =	sdelay $0x1  }
0x31b: {  	(v2sf) =	vpush v28, $0x1;
	_ =	sdelay $0x2  }
0x31c: {  	v29 =	vld.idx.msk [tilespmem:v29+s8+$0x0], $0xffff  }
0x31d: {  	v30 =	vor.u32 s15, v17;
	_ =	sdelay $0x3  }
0x31e: {  	[tilespmem:v20+s13+$0x0] =	vst.idx.msk $0xffff, v29  }
0x31f: {  	v29 =	vld.idx.msk [tilespmem:v30+s8+$0x0], $0xffff  }
0x320: {  	v44 =	vor.u32 s15, v18;
	_ =	sdelay $0x3  }
0x321: {  	[tilespmem:v21+s13+$0x0] =	vst.idx.msk $0xffff, v29  }
0x322: {  	s19 =	spop (v2sf);
	v29 =	vld.idx.msk [tilespmem:v44+s8+$0x0], $0xffff  }
0x323: {  	v45 =	vor.u32 s15, v19;
	s21 =	sand.u32 $0x7, s19  }
0x324: {  	v31 =	vmov s21  }
0x325: {  	v31 =	vshll.u32 v31, v16  }
0x326: {  	v31 =	vor.u32 v14, v31  }
0x327: {  	[tilespmem:v22+s13+$0x0] =	vst.idx.msk $0xffff, v29;
	v29 =	vbroadcast v31, $0x0  }
0x328: {  	v30 =	vld.idx.msk [tilespmem:v45+s8+$0x0], $0xffff  }
0x329: {  	v31 =	vor.u32 v15, v29;
	_ =	sdelay $0x1  }
0x32a: {  	(v2sf) =	vpush v28, $0x2;
	_ =	sdelay $0x1  }
0x32b: {  	[tilespmem:v23+s13+$0x0] =	vst.idx.msk $0xffff, v30  }
0x32c: {  	v30 =	vld.idx.msk [tilespmem:v31+s8+$0x0], $0xffff  }
0x32d: {  	v46 =	vor.u32 v17, v29;
	_ =	sdelay $0x3  }
0x32e: {  	[tilespmem:v24+s13+$0x0] =	vst.idx.msk $0xffff, v30  }
0x32f: {  	v30 =	vld.idx.msk [tilespmem:v46+s8+$0x0], $0xffff  }
0x330: {  	v47 =	vor.u32 v18, v29;
	_ =	sdelay $0x3  }
0x331: {  	[tilespmem:v25+s13+$0x0] =	vst.idx.msk $0xffff, v30  }
0x332: {  	s22 =	spop (v2sf);
	v30 =	vld.idx.msk [tilespmem:v47+s8+$0x0], $0xffff  }
0x333: {  	v29 =	vor.u32 v19, v29;
	s15 =	sand.u32 $0x7, s22  }
0x334: {  	v48 =	vmov s15  }
0x335: {  	v31 =	vshll.u32 v48, v16  }
0x336: {  	v31 =	vor.u32 v13, v31  }
0x337: {  	v49 =	vbroadcast v31, $0x0;
	[tilespmem:v26+s13+$0x0] =	vst.idx.msk $0xffff, v30  }
0x338: {  	v29 =	vld.idx.msk [tilespmem:v29+s8+$0x0], $0xffff  }
0x339: {  	v31 =	vor.u32 v15, v49;
	_ =	sdelay $0x1  }
0x33a: {  	(v2sf) =	vpush v28, $0x3;
	_ =	sdelay $0x1  }
0x33b: {  	[tilespmem:v27+s13+$0x0] =	vst.idx.msk $0xffff, v29  }
0x33c: {  	v50 =	vor.u32 $0xF100, v15;
	v29 =	vld.idx.msk [tilespmem:v31+s8+$0x0], $0xffff  }
0x33d: {  	v32 =	vor.u32 v17, v49;
	_ =	sdelay $0x3  }
0x33e: {  	[tilespmem:v50+s13+$0x0] =	vst.idx.msk $0xffff, v29  }
0x33f: {  	v51 =	vor.u32 $0xF110, v15;
	v29 =	vld.idx.msk [tilespmem:v32+s8+$0x0], $0xffff  }
0x340: {  	v52 =	vor.u32 v18, v49;
	_ =	sdelay $0x3  }
0x341: {  	[tilespmem:v51+s13+$0x0] =	vst.idx.msk $0xffff, v29  }
0x342: {  	v53 =	vor.u32 $0xF120, v15;
	s23 =	spop (v2sf);
	v29 =	vld.idx.msk [tilespmem:v52+s8+$0x0], $0xffff  }
0x343: {  	s15 =	sand.u32 $0x7, s23;
	v30 =	vor.u32 v19, v49  }
0x344: {  	v54 =	vmov s15  }
0x345: {  	v32 =	vshll.u32 v54, v16  }
0x346: {  	v32 =	vor.u32 v12, v32  }
0x347: {  	[tilespmem:v53+s13+$0x0] =	vst.idx.msk $0xffff, v29;
	v29 =	vbroadcast v32, $0x0  }
0x348: {  	v55 =	vor.u32 $0xF130, v15;
	v30 =	vld.idx.msk [tilespmem:v30+s8+$0x0], $0xffff  }
0x349: {  	v32 =	vor.u32 v15, v29;
	_ =	sdelay $0x1  }
0x34a: {  	(v2sf) =	vpush v28, $0x4;
	_ =	sdelay $0x1  }
0x34b: {  	[tilespmem:v55+s13+$0x0] =	vst.idx.msk $0xffff, v30  }
0x34c: {  	v56 =	vor.u32 $0xF180, v15;
	v30 =	vld.idx.msk [tilespmem:v32+s8+$0x0], $0xffff  }
0x34d: {  	v57 =	vor.u32 v17, v29;
	_ =	sdelay $0x3  }
0x34e: {  	[tilespmem:v56+s13+$0x0] =	vst.idx.msk $0xffff, v30  }
0x34f: {  	v58 =	vor.u32 $0xF190, v15;
	v30 =	vld.idx.msk [tilespmem:v57+s8+$0x0], $0xffff  }
0x350: {  	v59 =	vor.u32 v18, v29;
	_ =	sdelay $0x3  }
0x351: {  	[tilespmem:v58+s13+$0x0] =	vst.idx.msk $0xffff, v30  }
0x352: {  	v60 =	vor.u32 $0xF1A0, v15;
	s25 =	spop (v2sf);
	v30 =	vld.idx.msk [tilespmem:v59+s8+$0x0], $0xffff  }
0x353: {  	s15 =	sand.u32 $0x7, s25;
	v29 =	vor.u32 v19, v29  }
0x354: {  	v61 =	vmov s15  }
0x355: {  	v32 =	vshll.u32 v61, v16  }
0x356: {  	v32 =	vor.u32 v11, v32  }
0x357: {  	v62 =	vbroadcast v32, $0x0;
	[tilespmem:v60+s13+$0x0] =	vst.idx.msk $0xffff, v30  }
0x358: {  	v63 =	vor.u32 $0xF1B0, v15;
	v29 =	vld.idx.msk [tilespmem:v29+s8+$0x0], $0xffff  }
0x359: {  	v32 =	vor.u32 v15, v62;
	_ =	sdelay $0x1  }
0x35a: {  	(v2sf) =	vpush v28, $0x5;
	_ =	sdelay $0x1  }
0x35b: {  	[tilespmem:v63+s13+$0x0] =	vst.idx.msk $0xffff, v29  }
0x35c: {  	v36 =	vor.u32 $0xF200, v15;
	v29 =	vld.idx.msk [tilespmem:v32+s8+$0x0], $0xffff  }
0x35d: {  	v37 =	vor.u32 v17, v62;
	_ =	sdelay $0x3  }
0x35e: {  	[tilespmem:v36+s13+$0x0] =	vst.idx.msk $0xffff, v29  }
0x35f: {  	v38 =	vor.u32 $0xF210, v15;
	v29 =	vld.idx.msk [tilespmem:v37+s8+$0x0], $0xffff  }
0x360: {  	v39 =	vor.u32 v18, v62;
	_ =	sdelay $0x3  }
0x361: {  	[tilespmem:v38+s13+$0x0] =	vst.idx.msk $0xffff, v29  }
0x362: {  	v40 =	vor.u32 $0xF220, v15;
	s26 =	spop (v2sf);
	v29 =	vld.idx.msk [tilespmem:v39+s8+$0x0], $0xffff  }
0x363: {  	s15 =	sand.u32 $0x7, s26;
	v30 =	vor.u32 v19, v62  }
0x364: {  	v41 =	vmov s15  }
0x365: {  	v32 =	vshll.u32 v41, v16  }
0x366: {  	v32 =	vor.u32 v10, v32  }
0x367: {  	[tilespmem:v40+s13+$0x0] =	vst.idx.msk $0xffff, v29;
	v29 =	vbroadcast v32, $0x0  }
0x368: {  	v42 =	vor.u32 $0xF230, v15;
	v30 =	vld.idx.msk [tilespmem:v30+s8+$0x0], $0xffff  }
0x369: {  	v32 =	vor.u32 v15, v29;
	_ =	sdelay $0x1  }
0x36a: {  	(v2sf) =	vpush v28, $0x6;
	_ =	sdelay $0x1  }
0x36b: {  	[tilespmem:v42+s13+$0x0] =	vst.idx.msk $0xffff, v30  }
0x36c: {  	v43 =	vor.u32 $0xF280, v15;
	v30 =	vld.idx.msk [tilespmem:v32+s8+$0x0], $0xffff  }
0x36d: {  	v44 =	vor.u32 v17, v29;
	_ =	sdelay $0x3  }
0x36e: {  	[tilespmem:v43+s13+$0x0] =	vst.idx.msk $0xffff, v30  }
0x36f: {  	v45 =	vor.u32 $0xF290, v15;
	v30 =	vld.idx.msk [tilespmem:v44+s8+$0x0], $0xffff  }
0x370: {  	v46 =	vor.u32 v18, v29;
	_ =	sdelay $0x3  }
0x371: {  	[tilespmem:v45+s13+$0x0] =	vst.idx.msk $0xffff, v30  }
0x372: {  	v47 =	vor.u32 $0xF2A0, v15;
	s0 =	spop (v2sf);
	v30 =	vld.idx.msk [tilespmem:v46+s8+$0x0], $0xffff  }
0x373: {  	s15 =	sand.u32 $0x7, s0;
	v29 =	vor.u32 v19, v29  }
0x374: {  	v48 =	vmov s15  }
0x375: {  	v32 =	vshll.u32 v48, v16  }
0x376: {  	v32 =	vor.u32 v9, v32  }
0x377: {  	v49 =	vbroadcast v32, $0x0;
	[tilespmem:v47+s13+$0x0] =	vst.idx.msk $0xffff, v30  }
0x378: {  	v50 =	vor.u32 $0xF2B0, v15;
	v29 =	vld.idx.msk [tilespmem:v29+s8+$0x0], $0xffff  }
0x379: {  	v32 =	vor.u32 v15, v49;
	_ =	sdelay $0x1  }
0x37a: {  	(v2sf) =	vpush v28, $0x7;
	_ =	sdelay $0x1  }
0x37b: {  	[tilespmem:v50+s13+$0x0] =	vst.idx.msk $0xffff, v29  }
0x37c: {  	v51 =	vor.u32 $0xF300, v15;
	v29 =	vld.idx.msk [tilespmem:v32+s8+$0x0], $0xffff  }
0x37d: {  	v52 =	vor.u32 v17, v49;
	_ =	sdelay $0x3  }
0x37e: {  	[tilespmem:v51+s13+$0x0] =	vst.idx.msk $0xffff, v29  }
0x37f: {  	v53 =	vor.u32 $0xF310, v15;
	v29 =	vld.idx.msk [tilespmem:v52+s8+$0x0], $0xffff  }
0x380: {  	v54 =	vor.u32 v18, v49;
	_ =	sdelay $0x3  }
0x381: {  	[tilespmem:v53+s13+$0x0] =	vst.idx.msk $0xffff, v29  }
0x382: {  	v55 =	vor.u32 $0xF320, v15;
	s1 =	spop (v2sf);
	v29 =	vld.idx.msk [tilespmem:v54+s8+$0x0], $0xffff  }
0x383: {  	s15 =	sand.u32 $0x7, s1;
	v30 =	vor.u32 v19, v49  }
0x384: {  	v56 =	vmov s15  }
0x385: {  	v32 =	vshll.u32 v56, v16  }
0x386: {  	v32 =	vor.u32 v8, v32  }
0x387: {  	[tilespmem:v55+s13+$0x0] =	vst.idx.msk $0xffff, v29;
	v29 =	vbroadcast v32, $0x0  }
0x388: {  	v57 =	vor.u32 $0xF330, v15;
	v30 =	vld.idx.msk [tilespmem:v30+s8+$0x0], $0xffff  }
0x389: {  	v32 =	vor.u32 v15, v29;
	_ =	sdelay $0x1  }
0x38a: {  	(v2sf) =	vpush v28, $0x8;
	_ =	sdelay $0x1  }
0x38b: {  	[tilespmem:v57+s13+$0x0] =	vst.idx.msk $0xffff, v30  }
0x38c: {  	v58 =	vor.u32 $0xF380, v15;
	v30 =	vld.idx.msk [tilespmem:v32+s8+$0x0], $0xffff  }
0x38d: {  	v59 =	vor.u32 v17, v29;
	_ =	sdelay $0x3  }
0x38e: {  	[tilespmem:v58+s13+$0x0] =	vst.idx.msk $0xffff, v30  }
0x38f: {  	v60 =	vor.u32 $0xF390, v15;
	v30 =	vld.idx.msk [tilespmem:v59+s8+$0x0], $0xffff  }
0x390: {  	v61 =	vor.u32 v18, v29;
	_ =	sdelay $0x3  }
0x391: {  	[tilespmem:v60+s13+$0x0] =	vst.idx.msk $0xffff, v30  }
0x392: {  	v62 =	vor.u32 $0xF3A0, v15;
	s4 =	spop (v2sf);
	v30 =	vld.idx.msk [tilespmem:v61+s8+$0x0], $0xffff  }
0x393: {  	s15 =	sand.u32 $0x7, s4;
	v29 =	vor.u32 v19, v29  }
0x394: {  	v63 =	vmov s15  }
0x395: {  	v32 =	vshll.u32 v63, v16  }
0x396: {  	v32 =	vor.u32 v7, v32  }
0x397: {  	v36 =	vbroadcast v32, $0x0;
	[tilespmem:v62+s13+$0x0] =	vst.idx.msk $0xffff, v30  }
0x398: {  	v37 =	vor.u32 $0xF3B0, v15;
	v29 =	vld.idx.msk [tilespmem:v29+s8+$0x0], $0xffff  }
0x399: {  	v32 =	vor.u32 v15, v36;
	_ =	sdelay $0x1  }
0x39a: {  	(v2sf) =	vpush v28, $0x9;
	_ =	sdelay $0x1  }
0x39b: {  	[tilespmem:v37+s13+$0x0] =	vst.idx.msk $0xffff, v29  }
0x39c: {  	v38 =	vor.u32 $0xF400, v15;
	v29 =	vld.idx.msk [tilespmem:v32+s8+$0x0], $0xffff  }
0x39d: {  	v39 =	vor.u32 v17, v36;
	_ =	sdelay $0x3  }
0x39e: {  	[tilespmem:v38+s13+$0x0] =	vst.idx.msk $0xffff, v29  }
0x39f: {  	v40 =	vor.u32 $0xF410, v15;
	v29 =	vld.idx.msk [tilespmem:v39+s8+$0x0], $0xffff  }
0x3a0: {  	v41 =	vor.u32 v18, v36;
	_ =	sdelay $0x3  }
0x3a1: {  	[tilespmem:v40+s13+$0x0] =	vst.idx.msk $0xffff, v29  }
0x3a2: {  	v42 =	vor.u32 $0xF420, v15;
	s5 =	spop (v2sf);
	v29 =	vld.idx.msk [tilespmem:v41+s8+$0x0], $0xffff  }
0x3a3: {  	s15 =	sand.u32 $0x7, s5;
	v30 =	vor.u32 v19, v36  }
0x3a4: {  	v43 =	vmov s15  }
0x3a5: {  	v32 =	vshll.u32 v43, v16  }
0x3a6: {  	v32 =	vor.u32 v6, v32  }
0x3a7: {  	[tilespmem:v42+s13+$0x0] =	vst.idx.msk $0xffff, v29;
	v29 =	vbroadcast v32, $0x0  }
0x3a8: {  	v44 =	vor.u32 $0xF430, v15;
	v30 =	vld.idx.msk [tilespmem:v30+s8+$0x0], $0xffff  }
0x3a9: {  	v32 =	vor.u32 v15, v29;
	_ =	sdelay $0x1  }
0x3aa: {  	(v2sf) =	vpush v28, $0xA;
	_ =	sdelay $0x1  }
0x3ab: {  	[tilespmem:v44+s13+$0x0] =	vst.idx.msk $0xffff, v30  }
0x3ac: {  	v45 =	vor.u32 $0xF480, v15;
	v30 =	vld.idx.msk [tilespmem:v32+s8+$0x0], $0xffff  }
0x3ad: {  	v46 =	vor.u32 v17, v29;
	_ =	sdelay $0x3  }
0x3ae: {  	[tilespmem:v45+s13+$0x0] =	vst.idx.msk $0xffff, v30  }
0x3af: {  	v47 =	vor.u32 $0xF490, v15;
	v30 =	vld.idx.msk [tilespmem:v46+s8+$0x0], $0xffff  }
0x3b0: {  	v48 =	vor.u32 v18, v29;
	_ =	sdelay $0x3  }
0x3b1: {  	[tilespmem:v47+s13+$0x0] =	vst.idx.msk $0xffff, v30  }
0x3b2: {  	v49 =	vor.u32 $0xF4A0, v15;
	s6 =	spop (v2sf);
	v30 =	vld.idx.msk [tilespmem:v48+s8+$0x0], $0xffff  }
0x3b3: {  	s15 =	sand.u32 $0x7, s6;
	v29 =	vor.u32 v19, v29  }
0x3b4: {  	v50 =	vmov s15  }
0x3b5: {  	v32 =	vshll.u32 v50, v16  }
0x3b6: {  	v32 =	vor.u32 v5, v32  }
0x3b7: {  	v51 =	vbroadcast v32, $0x0;
	[tilespmem:v49+s13+$0x0] =	vst.idx.msk $0xffff, v30  }
0x3b8: {  	v52 =	vor.u32 $0xF4B0, v15;
	v29 =	vld.idx.msk [tilespmem:v29+s8+$0x0], $0xffff  }
0x3b9: {  	v32 =	vor.u32 v15, v51;
	_ =	sdelay $0x1  }
0x3ba: {  	(v2sf) =	vpush v28, $0xB;
	_ =	sdelay $0x1  }
0x3bb: {  	[tilespmem:v52+s13+$0x0] =	vst.idx.msk $0xffff, v29  }
0x3bc: {  	v53 =	vor.u32 $0xF500, v15;
	v29 =	vld.idx.msk [tilespmem:v32+s8+$0x0], $0xffff  }
0x3bd: {  	v54 =	vor.u32 v17, v51;
	_ =	sdelay $0x3  }
0x3be: {  	[tilespmem:v53+s13+$0x0] =	vst.idx.msk $0xffff, v29  }
0x3bf: {  	v55 =	vor.u32 $0xF510, v15;
	v29 =	vld.idx.msk [tilespmem:v54+s8+$0x0], $0xffff  }
0x3c0: {  	v56 =	vor.u32 v18, v51;
	_ =	sdelay $0x3  }
0x3c1: {  	[tilespmem:v55+s13+$0x0] =	vst.idx.msk $0xffff, v29  }
0x3c2: {  	s7 =	spop (v2sf);
	v57 =	vor.u32 $0xF520, v15;
	v29 =	vld.idx.msk [tilespmem:v56+s8+$0x0], $0xffff  }
0x3c3: {  	s15 =	sand.u32 $0x7, s7;
	v30 =	vor.u32 v19, v51  }
0x3c4: {  	v58 =	vmov s15  }
0x3c5: {  	v32 =	vshll.u32 v58, v16  }
0x3c6: {  	v32 =	vor.u32 v4, v32  }
0x3c7: {  	[tilespmem:v57+s13+$0x0] =	vst.idx.msk $0xffff, v29;
	v29 =	vbroadcast v32, $0x0  }
0x3c8: {  	v59 =	vor.u32 $0xF530, v15;
	v30 =	vld.idx.msk [tilespmem:v30+s8+$0x0], $0xffff  }
0x3c9: {  	v32 =	vor.u32 v15, v29;
	_ =	sdelay $0x1  }
0x3ca: {  	(v2sf) =	vpush v28, $0xC;
	_ =	sdelay $0x1  }
0x3cb: {  	[tilespmem:v59+s13+$0x0] =	vst.idx.msk $0xffff, v30  }
0x3cc: {  	v60 =	vor.u32 $0xF580, v15;
	v30 =	vld.idx.msk [tilespmem:v32+s8+$0x0], $0xffff  }
0x3cd: {  	v61 =	vor.u32 v17, v29;
	_ =	sdelay $0x3  }
0x3ce: {  	[tilespmem:v60+s13+$0x0] =	vst.idx.msk $0xffff, v30  }
0x3cf: {  	v62 =	vor.u32 $0xF590, v15;
	v30 =	vld.idx.msk [tilespmem:v61+s8+$0x0], $0xffff  }
0x3d0: {  	v63 =	vor.u32 v18, v29;
	_ =	sdelay $0x3  }
0x3d1: {  	[tilespmem:v62+s13+$0x0] =	vst.idx.msk $0xffff, v30  }
0x3d2: {  	s16 =	spop (v2sf);
	v36 =	vor.u32 $0xF5A0, v15;
	v30 =	vld.idx.msk [tilespmem:v63+s8+$0x0], $0xffff  }
0x3d3: {  	s15 =	sand.u32 $0x7, s16;
	v29 =	vor.u32 v19, v29  }
0x3d4: {  	v37 =	vmov s15  }
0x3d5: {  	v32 =	vshll.u32 v37, v16  }
0x3d6: {  	v32 =	vor.u32 v3, v32  }
0x3d7: {  	v38 =	vbroadcast v32, $0x0;
	[tilespmem:v36+s13+$0x0] =	vst.idx.msk $0xffff, v30  }
0x3d8: {  	v39 =	vor.u32 $0xF5B0, v15;
	v29 =	vld.idx.msk [tilespmem:v29+s8+$0x0], $0xffff  }
0x3d9: {  	v32 =	vor.u32 v15, v38;
	_ =	sdelay $0x1  }
0x3da: {  	(v2sf) =	vpush v28, $0xD;
	_ =	sdelay $0x1  }
0x3db: {  	[tilespmem:v39+s13+$0x0] =	vst.idx.msk $0xffff, v29  }
0x3dc: {  	v40 =	vor.u32 $0xF600, v15;
	v29 =	vld.idx.msk [tilespmem:v32+s8+$0x0], $0xffff  }
0x3dd: {  	v41 =	vor.u32 v17, v38;
	_ =	sdelay $0x3  }
0x3de: {  	[tilespmem:v40+s13+$0x0] =	vst.idx.msk $0xffff, v29  }
0x3df: {  	v42 =	vor.u32 $0xF610, v15;
	v29 =	vld.idx.msk [tilespmem:v41+s8+$0x0], $0xffff  }
0x3e0: {  	v43 =	vor.u32 v18, v38;
	_ =	sdelay $0x3  }
0x3e1: {  	[tilespmem:v42+s13+$0x0] =	vst.idx.msk $0xffff, v29  }
0x3e2: {  	s17 =	spop (v2sf);
	v44 =	vor.u32 $0xF620, v15;
	v29 =	vld.idx.msk [tilespmem:v43+s8+$0x0], $0xffff  }
0x3e3: {  	s15 =	sand.u32 $0x7, s17;
	v30 =	vor.u32 v19, v38  }
0x3e4: {  	v45 =	vmov s15  }
0x3e5: {  	v32 =	vshll.u32 v45, v16  }
0x3e6: {  	v32 =	vor.u32 v2, v32  }
0x3e7: {  	[tilespmem:v44+s13+$0x0] =	vst.idx.msk $0xffff, v29;
	v29 =	vbroadcast v32, $0x0  }
0x3e8: {  	v46 =	vor.u32 $0xF630, v15;
	v30 =	vld.idx.msk [tilespmem:v30+s8+$0x0], $0xffff  }
0x3e9: {  	v32 =	vor.u32 v15, v29;
	_ =	sdelay $0x1  }
0x3ea: {  	(v2sf) =	vpush v28, $0xE;
	_ =	sdelay $0x1  }
0x3eb: {  	[tilespmem:v46+s13+$0x0] =	vst.idx.msk $0xffff, v30  }
0x3ec: {  	v47 =	vor.u32 $0xF680, v15;
	v30 =	vld.idx.msk [tilespmem:v32+s8+$0x0], $0xffff  }
0x3ed: {  	v48 =	vor.u32 v17, v29;
	_ =	sdelay $0x3  }
0x3ee: {  	[tilespmem:v47+s13+$0x0] =	vst.idx.msk $0xffff, v30  }
0x3ef: {  	v49 =	vor.u32 $0xF690, v15;
	v30 =	vld.idx.msk [tilespmem:v48+s8+$0x0], $0xffff  }
0x3f0: {  	v50 =	vor.u32 v18, v29;
	_ =	sdelay $0x3  }
0x3f1: {  	[tilespmem:v49+s13+$0x0] =	vst.idx.msk $0xffff, v30  }
0x3f2: {  	s18 =	spop (v2sf);
	v51 =	vor.u32 $0xF6A0, v15;
	v30 =	vld.idx.msk [tilespmem:v50+s8+$0x0], $0xffff  }
0x3f3: {  	s15 =	sand.u32 $0x7, s18;
	v29 =	vor.u32 v19, v29  }
0x3f4: {  	v52 =	vmov s15  }
0x3f5: {  	v32 =	vshll.u32 v52, v16  }
0x3f6: {  	v32 =	vor.u32 v1, v32  }
0x3f7: {  	v53 =	vbroadcast v32, $0x0;
	[tilespmem:v51+s13+$0x0] =	vst.idx.msk $0xffff, v30  }
0x3f8: {  	v54 =	vor.u32 $0xF6B0, v15;
	v29 =	vld.idx.msk [tilespmem:v29+s8+$0x0], $0xffff  }
0x3f9: {  	v32 =	vor.u32 v15, v53;
	_ =	sdelay $0x1  }
0x3fa: {  	(v2sf) =	vpush v28, $0xF;
	_ =	sdelay $0x1  }
0x3fb: {  	[tilespmem:v54+s13+$0x0] =	vst.idx.msk $0xffff, v29  }
0x3fc: {  	v29 =	vor.u32 $0xF700, v15;
	v28 =	vld.idx.msk [tilespmem:v32+s8+$0x0], $0xffff  }
0x3fd: {  	v55 =	vor.u32 v17, v53;
	_ =	sdelay $0x3  }
0x3fe: {  	[tilespmem:v29+s13+$0x0] =	vst.idx.msk $0xffff, v28  }
0x3ff: {  	v29 =	vor.u32 $0xF710, v15;
	v28 =	vld.idx.msk [tilespmem:v55+s8+$0x0], $0xffff  }
0x400: {  	v56 =	vor.u32 v18, v53;
	_ =	sdelay $0x3  }
0x401: {  	[tilespmem:v29+s13+$0x0] =	vst.idx.msk $0xffff, v28  }
0x402: {  	s19 =	spop (v2sf);
	v29 =	vor.u32 $0xF720, v15;
	v28 =	vld.idx.msk [tilespmem:v56+s8+$0x0], $0xffff  }
0x403: {  	s15 =	sand.u32 $0x7, s19;
	v30 =	vor.u32 v19, v53  }
0x404: {  	v57 =	vmov s15  }
0x405: {  	v31 =	vshll.u32 v57, v16  }
0x406: {  	v31 =	vor.u32 v0, v31  }
0x407: {  	[tilespmem:v29+s13+$0x0] =	vst.idx.msk $0xffff, v28;
	v28 =	vbroadcast v31, $0x0  }
0x408: {  	v58 =	vor.u32 $0xF730, v15;
	v29 =	vld.idx.msk [tilespmem:v30+s8+$0x0], $0xffff  }
0x409: {  	v31 =	vor.u32 v15, v28;
	_ =	sdelay $0x3  }
0x40a: {  	[tilespmem:v58+s13+$0x0] =	vst.idx.msk $0xffff, v29  }
0x40b: {  	v59 =	vor.u32 $0xF780, v15;
	v29 =	vld.idx.msk [tilespmem:v31+s8+$0x0], $0xffff  }
0x40c: {  	v60 =	vor.u32 v17, v28;
	_ =	sdelay $0x3  }
0x40d: {  	[tilespmem:v59+s13+$0x0] =	vst.idx.msk $0xffff, v29  }
0x40e: {  	v61 =	vor.u32 $0xF790, v15;
	v29 =	vld.idx.msk [tilespmem:v60+s8+$0x0], $0xffff  }
0x40f: {  	v62 =	vor.u32 v18, v28;
	_ =	sdelay $0x3  }
0x410: {  	[tilespmem:v61+s13+$0x0] =	vst.idx.msk $0xffff, v29  }
0x411: {  	v63 =	vor.u32 $0xF7A0, v15;
	v29 =	vld.idx.msk [tilespmem:v62+s8+$0x0], $0xffff  }
0x412: {  	v28 =	vor.u32 v19, v28;
	_ =	sdelay $0x3  }
0x413: {  	[tilespmem:v63+s13+$0x0] =	vst.idx.msk $0xffff, v29  }
0x414: {  	v29 =	vor.u32 $0xF7B0, v15;
	v28 =	vld.idx.msk [tilespmem:v28+s8+$0x0], $0xffff;
	_ =	sdelay $0x4  }
0x415: {  	[tilespmem:v29+s13+$0x0] =	vst.idx.msk $0xffff, v28  }
0x416: {  	_ =	swait.ge [sflag:s14], $0x4000  }
0x417: {  	[sflag:s14] =	ssyncset.done $0x0  }
0x418: {  	[sflag:s14] =	ssyncadd.s32 $0xFFFFC000  }
0x419: {  	v28 =	vld [tilespmem:$0x1F0];
	_ =	sdelay $0x4  }
0x41a: {  	(v2sf) =	vpush v28, $0x0;
	_ =	sdelay $0xe  }
0x41b: {  	s21 =	spop (v2sf)  }
0x41c: {  	s15 =	sand.u32 $0x7, s21  }
0x41d: {  	s15 =	sshll.u32 s15, $0x7  }
0x41e: {  	v29 =	vor.u32 s15, v15;
	_ =	sdelay $0x1  }
0x41f: {  	(v2sf) =	vpush v28, $0x1;
	_ =	sdelay $0x2  }
0x420: {  	v33 =	vor.u32 $0xF800, v15;
	v29 =	vld.idx.msk [tilespmem:v29+s24+$0x0], $0xffff  }
0x421: {  	v34 =	vor.u32 s15, v17;
	_ =	sdelay $0x3  }
0x422: {  	[tilespmem:v33+s13+$0x0] =	vst.idx.msk $0xffff, v29  }
0x423: {  	v35 =	vor.u32 $0xF810, v15;
	v29 =	vld.idx.msk [tilespmem:v34+s24+$0x0], $0xffff  }
0x424: {  	v36 =	vor.u32 s15, v18;
	_ =	sdelay $0x3  }
0x425: {  	[tilespmem:v35+s13+$0x0] =	vst.idx.msk $0xffff, v29  }
0x426: {  	v37 =	vor.u32 $0xF820, v15;
	s22 =	spop (v2sf);
	v29 =	vld.idx.msk [tilespmem:v36+s24+$0x0], $0xffff  }
0x427: {  	v38 =	vor.u32 s15, v19;
	s23 =	sand.u32 $0x7, s22  }
0x428: {  	v39 =	vmov s23  }
0x429: {  	v32 =	vshll.u32 v39, v16  }
0x42a: {  	v32 =	vor.u32 v14, v32  }
0x42b: {  	[tilespmem:v37+s13+$0x0] =	vst.idx.msk $0xffff, v29;
	v29 =	vbroadcast v32, $0x0  }
0x42c: {  	v40 =	vor.u32 $0xF830, v15;
	v30 =	vld.idx.msk [tilespmem:v38+s24+$0x0], $0xffff  }
0x42d: {  	v32 =	vor.u32 v15, v29;
	_ =	sdelay $0x1  }
0x42e: {  	(v2sf) =	vpush v28, $0x2;
	_ =	sdelay $0x1  }
0x42f: {  	[tilespmem:v40+s13+$0x0] =	vst.idx.msk $0xffff, v30  }
0x430: {  	v41 =	vor.u32 $0xF880, v15;
	v30 =	vld.idx.msk [tilespmem:v32+s24+$0x0], $0xffff  }
0x431: {  	v42 =	vor.u32 v17, v29;
	_ =	sdelay $0x3  }
0x432: {  	[tilespmem:v41+s13+$0x0] =	vst.idx.msk $0xffff, v30  }
0x433: {  	v43 =	vor.u32 $0xF890, v15;
	v30 =	vld.idx.msk [tilespmem:v42+s24+$0x0], $0xffff  }
0x434: {  	v44 =	vor.u32 v18, v29;
	_ =	sdelay $0x3  }
0x435: {  	[tilespmem:v43+s13+$0x0] =	vst.idx.msk $0xffff, v30  }
0x436: {  	v45 =	vor.u32 $0xF8A0, v15;
	s25 =	spop (v2sf);
	v30 =	vld.idx.msk [tilespmem:v44+s24+$0x0], $0xffff  }
0x437: {  	v29 =	vor.u32 v19, v29;
	s15 =	sand.u32 $0x7, s25  }
0x438: {  	v46 =	vmov s15  }
0x439: {  	v32 =	vshll.u32 v46, v16  }
0x43a: {  	v32 =	vor.u32 v13, v32  }
0x43b: {  	v47 =	vbroadcast v32, $0x0;
	[tilespmem:v45+s13+$0x0] =	vst.idx.msk $0xffff, v30  }
0x43c: {  	v48 =	vor.u32 $0xF8B0, v15;
	v29 =	vld.idx.msk [tilespmem:v29+s24+$0x0], $0xffff  }
0x43d: {  	v32 =	vor.u32 v15, v47;
	_ =	sdelay $0x1  }
0x43e: {  	(v2sf) =	vpush v28, $0x3;
	_ =	sdelay $0x1  }
0x43f: {  	[tilespmem:v48+s13+$0x0] =	vst.idx.msk $0xffff, v29  }
0x440: {  	v49 =	vor.u32 $0xF900, v15;
	v29 =	vld.idx.msk [tilespmem:v32+s24+$0x0], $0xffff  }
0x441: {  	v50 =	vor.u32 v17, v47;
	_ =	sdelay $0x3  }
0x442: {  	[tilespmem:v49+s13+$0x0] =	vst.idx.msk $0xffff, v29  }
0x443: {  	v51 =	vor.u32 $0xF910, v15;
	v29 =	vld.idx.msk [tilespmem:v50+s24+$0x0], $0xffff  }
0x444: {  	v52 =	vor.u32 v18, v47;
	_ =	sdelay $0x3  }
0x445: {  	[tilespmem:v51+s13+$0x0] =	vst.idx.msk $0xffff, v29  }
0x446: {  	v53 =	vor.u32 $0xF920, v15;
	s26 =	spop (v2sf);
	v29 =	vld.idx.msk [tilespmem:v52+s24+$0x0], $0xffff  }
0x447: {  	s15 =	sand.u32 $0x7, s26;
	v30 =	vor.u32 v19, v47  }
0x448: {  	v54 =	vmov s15  }
0x449: {  	v32 =	vshll.u32 v54, v16  }
0x44a: {  	v32 =	vor.u32 v12, v32  }
0x44b: {  	[tilespmem:v53+s13+$0x0] =	vst.idx.msk $0xffff, v29;
	v29 =	vbroadcast v32, $0x0  }
0x44c: {  	v55 =	vor.u32 $0xF930, v15;
	v30 =	vld.idx.msk [tilespmem:v30+s24+$0x0], $0xffff  }
0x44d: {  	v32 =	vor.u32 v15, v29;
	_ =	sdelay $0x1  }
0x44e: {  	(v2sf) =	vpush v28, $0x4;
	_ =	sdelay $0x1  }
0x44f: {  	[tilespmem:v55+s13+$0x0] =	vst.idx.msk $0xffff, v30  }
0x450: {  	v56 =	vor.u32 $0xF980, v15;
	v30 =	vld.idx.msk [tilespmem:v32+s24+$0x0], $0xffff  }
0x451: {  	v57 =	vor.u32 v17, v29;
	_ =	sdelay $0x3  }
0x452: {  	[tilespmem:v56+s13+$0x0] =	vst.idx.msk $0xffff, v30  }
0x453: {  	v58 =	vor.u32 $0xF990, v15;
	v30 =	vld.idx.msk [tilespmem:v57+s24+$0x0], $0xffff  }
0x454: {  	v59 =	vor.u32 v18, v29;
	_ =	sdelay $0x3  }
0x455: {  	[tilespmem:v58+s13+$0x0] =	vst.idx.msk $0xffff, v30  }
0x456: {  	v60 =	vor.u32 $0xF9A0, v15;
	s0 =	spop (v2sf);
	v30 =	vld.idx.msk [tilespmem:v59+s24+$0x0], $0xffff  }
0x457: {  	s15 =	sand.u32 $0x7, s0;
	v29 =	vor.u32 v19, v29  }
0x458: {  	v61 =	vmov s15  }
0x459: {  	v32 =	vshll.u32 v61, v16  }
0x45a: {  	v32 =	vor.u32 v11, v32  }
0x45b: {  	v62 =	vbroadcast v32, $0x0;
	[tilespmem:v60+s13+$0x0] =	vst.idx.msk $0xffff, v30  }
0x45c: {  	v63 =	vor.u32 $0xF9B0, v15;
	v29 =	vld.idx.msk [tilespmem:v29+s24+$0x0], $0xffff  }
0x45d: {  	v32 =	vor.u32 v15, v62;
	_ =	sdelay $0x1  }
0x45e: {  	(v2sf) =	vpush v28, $0x5;
	_ =	sdelay $0x1  }
0x45f: {  	[tilespmem:v63+s13+$0x0] =	vst.idx.msk $0xffff, v29  }
0x460: {  	v36 =	vor.u32 $0xFA00, v15;
	v29 =	vld.idx.msk [tilespmem:v32+s24+$0x0], $0xffff  }
0x461: {  	v37 =	vor.u32 v17, v62;
	_ =	sdelay $0x3  }
0x462: {  	[tilespmem:v36+s13+$0x0] =	vst.idx.msk $0xffff, v29  }
0x463: {  	v38 =	vor.u32 $0xFA10, v15;
	v29 =	vld.idx.msk [tilespmem:v37+s24+$0x0], $0xffff  }
0x464: {  	v39 =	vor.u32 v18, v62;
	_ =	sdelay $0x3  }
0x465: {  	[tilespmem:v38+s13+$0x0] =	vst.idx.msk $0xffff, v29  }
0x466: {  	v40 =	vor.u32 $0xFA20, v15;
	s1 =	spop (v2sf);
	v29 =	vld.idx.msk [tilespmem:v39+s24+$0x0], $0xffff  }
0x467: {  	s15 =	sand.u32 $0x7, s1;
	v30 =	vor.u32 v19, v62  }
0x468: {  	v41 =	vmov s15  }
0x469: {  	v32 =	vshll.u32 v41, v16  }
0x46a: {  	v32 =	vor.u32 v10, v32  }
0x46b: {  	[tilespmem:v40+s13+$0x0] =	vst.idx.msk $0xffff, v29;
	v29 =	vbroadcast v32, $0x0  }
0x46c: {  	v42 =	vor.u32 $0xFA30, v15;
	v30 =	vld.idx.msk [tilespmem:v30+s24+$0x0], $0xffff  }
0x46d: {  	v32 =	vor.u32 v15, v29;
	_ =	sdelay $0x1  }
0x46e: {  	(v2sf) =	vpush v28, $0x6;
	_ =	sdelay $0x1  }
0x46f: {  	[tilespmem:v42+s13+$0x0] =	vst.idx.msk $0xffff, v30  }
0x470: {  	v43 =	vor.u32 $0xFA80, v15;
	v30 =	vld.idx.msk [tilespmem:v32+s24+$0x0], $0xffff  }
0x471: {  	v44 =	vor.u32 v17, v29;
	_ =	sdelay $0x3  }
0x472: {  	[tilespmem:v43+s13+$0x0] =	vst.idx.msk $0xffff, v30  }
0x473: {  	v45 =	vor.u32 $0xFA90, v15;
	v30 =	vld.idx.msk [tilespmem:v44+s24+$0x0], $0xffff  }
0x474: {  	v46 =	vor.u32 v18, v29;
	_ =	sdelay $0x3  }
0x475: {  	[tilespmem:v45+s13+$0x0] =	vst.idx.msk $0xffff, v30  }
0x476: {  	v47 =	vor.u32 $0xFAA0, v15;
	s4 =	spop (v2sf);
	v30 =	vld.idx.msk [tilespmem:v46+s24+$0x0], $0xffff  }
0x477: {  	s15 =	sand.u32 $0x7, s4;
	v29 =	vor.u32 v19, v29  }
0x478: {  	v48 =	vmov s15  }
0x479: {  	v32 =	vshll.u32 v48, v16  }
0x47a: {  	v32 =	vor.u32 v9, v32  }
0x47b: {  	v49 =	vbroadcast v32, $0x0;
	[tilespmem:v47+s13+$0x0] =	vst.idx.msk $0xffff, v30  }
0x47c: {  	v50 =	vor.u32 $0xFAB0, v15;
	v29 =	vld.idx.msk [tilespmem:v29+s24+$0x0], $0xffff  }
0x47d: {  	v32 =	vor.u32 v15, v49;
	_ =	sdelay $0x1  }
0x47e: {  	(v2sf) =	vpush v28, $0x7;
	_ =	sdelay $0x1  }
0x47f: {  	[tilespmem:v50+s13+$0x0] =	vst.idx.msk $0xffff, v29  }
0x480: {  	v51 =	vor.u32 $0xFB00, v15;
	v29 =	vld.idx.msk [tilespmem:v32+s24+$0x0], $0xffff  }
0x481: {  	v52 =	vor.u32 v17, v49;
	_ =	sdelay $0x3  }
0x482: {  	[tilespmem:v51+s13+$0x0] =	vst.idx.msk $0xffff, v29  }
0x483: {  	v53 =	vor.u32 $0xFB10, v15;
	v29 =	vld.idx.msk [tilespmem:v52+s24+$0x0], $0xffff  }
0x484: {  	v54 =	vor.u32 v18, v49;
	_ =	sdelay $0x3  }
0x485: {  	[tilespmem:v53+s13+$0x0] =	vst.idx.msk $0xffff, v29  }
0x486: {  	v55 =	vor.u32 $0xFB20, v15;
	s5 =	spop (v2sf);
	v29 =	vld.idx.msk [tilespmem:v54+s24+$0x0], $0xffff  }
0x487: {  	s15 =	sand.u32 $0x7, s5;
	v30 =	vor.u32 v19, v49  }
0x488: {  	v56 =	vmov s15  }
0x489: {  	v32 =	vshll.u32 v56, v16  }
0x48a: {  	v32 =	vor.u32 v8, v32  }
0x48b: {  	[tilespmem:v55+s13+$0x0] =	vst.idx.msk $0xffff, v29;
	v29 =	vbroadcast v32, $0x0  }
0x48c: {  	v57 =	vor.u32 $0xFB30, v15;
	v30 =	vld.idx.msk [tilespmem:v30+s24+$0x0], $0xffff  }
0x48d: {  	v32 =	vor.u32 v15, v29;
	_ =	sdelay $0x1  }
0x48e: {  	(v2sf) =	vpush v28, $0x8;
	_ =	sdelay $0x1  }
0x48f: {  	[tilespmem:v57+s13+$0x0] =	vst.idx.msk $0xffff, v30  }
0x490: {  	v58 =	vor.u32 $0xFB80, v15;
	v30 =	vld.idx.msk [tilespmem:v32+s24+$0x0], $0xffff  }
0x491: {  	v59 =	vor.u32 v17, v29;
	_ =	sdelay $0x3  }
0x492: {  	[tilespmem:v58+s13+$0x0] =	vst.idx.msk $0xffff, v30  }
0x493: {  	v60 =	vor.u32 $0xFB90, v15;
	v30 =	vld.idx.msk [tilespmem:v59+s24+$0x0], $0xffff  }
0x494: {  	v61 =	vor.u32 v18, v29;
	_ =	sdelay $0x3  }
0x495: {  	[tilespmem:v60+s13+$0x0] =	vst.idx.msk $0xffff, v30  }
0x496: {  	v62 =	vor.u32 $0xFBA0, v15;
	s6 =	spop (v2sf);
	v30 =	vld.idx.msk [tilespmem:v61+s24+$0x0], $0xffff  }
0x497: {  	s15 =	sand.u32 $0x7, s6;
	v29 =	vor.u32 v19, v29  }
0x498: {  	v63 =	vmov s15  }
0x499: {  	v32 =	vshll.u32 v63, v16  }
0x49a: {  	v32 =	vor.u32 v7, v32  }
0x49b: {  	v36 =	vbroadcast v32, $0x0;
	[tilespmem:v62+s13+$0x0] =	vst.idx.msk $0xffff, v30  }
0x49c: {  	v37 =	vor.u32 $0xFBB0, v15;
	v29 =	vld.idx.msk [tilespmem:v29+s24+$0x0], $0xffff  }
0x49d: {  	v32 =	vor.u32 v15, v36;
	_ =	sdelay $0x1  }
0x49e: {  	(v2sf) =	vpush v28, $0x9;
	_ =	sdelay $0x1  }
0x49f: {  	[tilespmem:v37+s13+$0x0] =	vst.idx.msk $0xffff, v29  }
0x4a0: {  	v38 =	vor.u32 $0xFC00, v15;
	v29 =	vld.idx.msk [tilespmem:v32+s24+$0x0], $0xffff  }
0x4a1: {  	v39 =	vor.u32 v17, v36;
	_ =	sdelay $0x3  }
0x4a2: {  	[tilespmem:v38+s13+$0x0] =	vst.idx.msk $0xffff, v29  }
0x4a3: {  	v40 =	vor.u32 $0xFC10, v15;
	v29 =	vld.idx.msk [tilespmem:v39+s24+$0x0], $0xffff  }
0x4a4: {  	v41 =	vor.u32 v18, v36;
	_ =	sdelay $0x3  }
0x4a5: {  	[tilespmem:v40+s13+$0x0] =	vst.idx.msk $0xffff, v29  }
0x4a6: {  	v42 =	vor.u32 $0xFC20, v15;
	s7 =	spop (v2sf);
	v29 =	vld.idx.msk [tilespmem:v41+s24+$0x0], $0xffff  }
0x4a7: {  	s15 =	sand.u32 $0x7, s7;
	v30 =	vor.u32 v19, v36  }
0x4a8: {  	v43 =	vmov s15  }
0x4a9: {  	v32 =	vshll.u32 v43, v16  }
0x4aa: {  	v32 =	vor.u32 v6, v32  }
0x4ab: {  	[tilespmem:v42+s13+$0x0] =	vst.idx.msk $0xffff, v29;
	v29 =	vbroadcast v32, $0x0  }
0x4ac: {  	v44 =	vor.u32 $0xFC30, v15;
	v30 =	vld.idx.msk [tilespmem:v30+s24+$0x0], $0xffff  }
0x4ad: {  	v32 =	vor.u32 v15, v29;
	_ =	sdelay $0x1  }
0x4ae: {  	(v2sf) =	vpush v28, $0xA;
	_ =	sdelay $0x1  }
0x4af: {  	[tilespmem:v44+s13+$0x0] =	vst.idx.msk $0xffff, v30  }
0x4b0: {  	v45 =	vor.u32 $0xFC80, v15;
	v30 =	vld.idx.msk [tilespmem:v32+s24+$0x0], $0xffff  }
0x4b1: {  	v46 =	vor.u32 v17, v29;
	_ =	sdelay $0x3  }
0x4b2: {  	[tilespmem:v45+s13+$0x0] =	vst.idx.msk $0xffff, v30  }
0x4b3: {  	v47 =	vor.u32 $0xFC90, v15;
	v30 =	vld.idx.msk [tilespmem:v46+s24+$0x0], $0xffff  }
0x4b4: {  	v48 =	vor.u32 v18, v29;
	_ =	sdelay $0x3  }
0x4b5: {  	[tilespmem:v47+s13+$0x0] =	vst.idx.msk $0xffff, v30  }
0x4b6: {  	v49 =	vor.u32 $0xFCA0, v15;
	s16 =	spop (v2sf);
	v30 =	vld.idx.msk [tilespmem:v48+s24+$0x0], $0xffff  }
0x4b7: {  	s15 =	sand.u32 $0x7, s16;
	v29 =	vor.u32 v19, v29  }
0x4b8: {  	v50 =	vmov s15  }
0x4b9: {  	v32 =	vshll.u32 v50, v16  }
0x4ba: {  	v32 =	vor.u32 v5, v32  }
0x4bb: {  	v51 =	vbroadcast v32, $0x0;
	[tilespmem:v49+s13+$0x0] =	vst.idx.msk $0xffff, v30  }
0x4bc: {  	v52 =	vor.u32 $0xFCB0, v15;
	v29 =	vld.idx.msk [tilespmem:v29+s24+$0x0], $0xffff  }
0x4bd: {  	v32 =	vor.u32 v15, v51;
	_ =	sdelay $0x1  }
0x4be: {  	(v2sf) =	vpush v28, $0xB;
	_ =	sdelay $0x1  }
0x4bf: {  	[tilespmem:v52+s13+$0x0] =	vst.idx.msk $0xffff, v29  }
0x4c0: {  	v53 =	vor.u32 $0xFD00, v15;
	v29 =	vld.idx.msk [tilespmem:v32+s24+$0x0], $0xffff  }
0x4c1: {  	v54 =	vor.u32 v17, v51;
	_ =	sdelay $0x3  }
0x4c2: {  	[tilespmem:v53+s13+$0x0] =	vst.idx.msk $0xffff, v29  }
0x4c3: {  	v55 =	vor.u32 $0xFD10, v15;
	v29 =	vld.idx.msk [tilespmem:v54+s24+$0x0], $0xffff  }
0x4c4: {  	v56 =	vor.u32 v18, v51;
	_ =	sdelay $0x3  }
0x4c5: {  	[tilespmem:v55+s13+$0x0] =	vst.idx.msk $0xffff, v29  }
0x4c6: {  	s17 =	spop (v2sf);
	v57 =	vor.u32 $0xFD20, v15;
	v29 =	vld.idx.msk [tilespmem:v56+s24+$0x0], $0xffff  }
0x4c7: {  	s15 =	sand.u32 $0x7, s17;
	v30 =	vor.u32 v19, v51  }
0x4c8: {  	v58 =	vmov s15  }
0x4c9: {  	v32 =	vshll.u32 v58, v16  }
0x4ca: {  	v32 =	vor.u32 v4, v32  }
0x4cb: {  	[tilespmem:v57+s13+$0x0] =	vst.idx.msk $0xffff, v29;
	v29 =	vbroadcast v32, $0x0  }
0x4cc: {  	v59 =	vor.u32 $0xFD30, v15;
	v30 =	vld.idx.msk [tilespmem:v30+s24+$0x0], $0xffff  }
0x4cd: {  	v32 =	vor.u32 v15, v29;
	_ =	sdelay $0x1  }
0x4ce: {  	(v2sf) =	vpush v28, $0xC;
	_ =	sdelay $0x1  }
0x4cf: {  	[tilespmem:v59+s13+$0x0] =	vst.idx.msk $0xffff, v30  }
0x4d0: {  	v60 =	vor.u32 $0xFD80, v15;
	v30 =	vld.idx.msk [tilespmem:v32+s24+$0x0], $0xffff  }
0x4d1: {  	v61 =	vor.u32 v17, v29;
	_ =	sdelay $0x3  }
0x4d2: {  	[tilespmem:v60+s13+$0x0] =	vst.idx.msk $0xffff, v30  }
0x4d3: {  	v62 =	vor.u32 $0xFD90, v15;
	v30 =	vld.idx.msk [tilespmem:v61+s24+$0x0], $0xffff  }
0x4d4: {  	v63 =	vor.u32 v18, v29;
	_ =	sdelay $0x3  }
0x4d5: {  	[tilespmem:v62+s13+$0x0] =	vst.idx.msk $0xffff, v30  }
0x4d6: {  	s18 =	spop (v2sf);
	v36 =	vor.u32 $0xFDA0, v15;
	v30 =	vld.idx.msk [tilespmem:v63+s24+$0x0], $0xffff  }
0x4d7: {  	s15 =	sand.u32 $0x7, s18;
	v29 =	vor.u32 v19, v29  }
0x4d8: {  	v37 =	vmov s15  }
0x4d9: {  	v32 =	vshll.u32 v37, v16  }
0x4da: {  	v32 =	vor.u32 v3, v32  }
0x4db: {  	v38 =	vbroadcast v32, $0x0;
	[tilespmem:v36+s13+$0x0] =	vst.idx.msk $0xffff, v30  }
0x4dc: {  	v39 =	vor.u32 $0xFDB0, v15;
	v29 =	vld.idx.msk [tilespmem:v29+s24+$0x0], $0xffff  }
0x4dd: {  	v32 =	vor.u32 v15, v38;
	_ =	sdelay $0x1  }
0x4de: {  	(v2sf) =	vpush v28, $0xD;
	_ =	sdelay $0x1  }
0x4df: {  	[tilespmem:v39+s13+$0x0] =	vst.idx.msk $0xffff, v29  }
0x4e0: {  	v40 =	vor.u32 $0xFE00, v15;
	v29 =	vld.idx.msk [tilespmem:v32+s24+$0x0], $0xffff  }
0x4e1: {  	v41 =	vor.u32 v17, v38;
	_ =	sdelay $0x3  }
0x4e2: {  	[tilespmem:v40+s13+$0x0] =	vst.idx.msk $0xffff, v29  }
0x4e3: {  	v42 =	vor.u32 $0xFE10, v15;
	v29 =	vld.idx.msk [tilespmem:v41+s24+$0x0], $0xffff  }
0x4e4: {  	v43 =	vor.u32 v18, v38;
	_ =	sdelay $0x3  }
0x4e5: {  	[tilespmem:v42+s13+$0x0] =	vst.idx.msk $0xffff, v29  }
0x4e6: {  	s19 =	spop (v2sf);
	v44 =	vor.u32 $0xFE20, v15;
	v29 =	vld.idx.msk [tilespmem:v43+s24+$0x0], $0xffff  }
0x4e7: {  	s15 =	sand.u32 $0x7, s19;
	v30 =	vor.u32 v19, v38  }
0x4e8: {  	v45 =	vmov s15  }
0x4e9: {  	v32 =	vshll.u32 v45, v16  }
0x4ea: {  	v32 =	vor.u32 v2, v32  }
0x4eb: {  	[tilespmem:v44+s13+$0x0] =	vst.idx.msk $0xffff, v29;
	v29 =	vbroadcast v32, $0x0  }
0x4ec: {  	v46 =	vor.u32 $0xFE30, v15;
	v30 =	vld.idx.msk [tilespmem:v30+s24+$0x0], $0xffff  }
0x4ed: {  	v32 =	vor.u32 v15, v29;
	_ =	sdelay $0x1  }
0x4ee: {  	(v2sf) =	vpush v28, $0xE;
	_ =	sdelay $0x1  }
0x4ef: {  	[tilespmem:v46+s13+$0x0] =	vst.idx.msk $0xffff, v30  }
0x4f0: {  	v47 =	vor.u32 $0xFE80, v15;
	v30 =	vld.idx.msk [tilespmem:v32+s24+$0x0], $0xffff  }
0x4f1: {  	v48 =	vor.u32 v17, v29;
	_ =	sdelay $0x3  }
0x4f2: {  	[tilespmem:v47+s13+$0x0] =	vst.idx.msk $0xffff, v30  }
0x4f3: {  	v49 =	vor.u32 $0xFE90, v15;
	v30 =	vld.idx.msk [tilespmem:v48+s24+$0x0], $0xffff  }
0x4f4: {  	v50 =	vor.u32 v18, v29;
	_ =	sdelay $0x3  }
0x4f5: {  	[tilespmem:v49+s13+$0x0] =	vst.idx.msk $0xffff, v30  }
0x4f6: {  	s21 =	spop (v2sf);
	v51 =	vor.u32 $0xFEA0, v15;
	v30 =	vld.idx.msk [tilespmem:v50+s24+$0x0], $0xffff  }
0x4f7: {  	s15 =	sand.u32 $0x7, s21;
	v29 =	vor.u32 v19, v29  }
0x4f8: {  	v52 =	vmov s15  }
0x4f9: {  	v32 =	vshll.u32 v52, v16  }
0x4fa: {  	v32 =	vor.u32 v1, v32  }
0x4fb: {  	v53 =	vbroadcast v32, $0x0;
	[tilespmem:v51+s13+$0x0] =	vst.idx.msk $0xffff, v30  }
0x4fc: {  	v54 =	vor.u32 $0xFEB0, v15;
	v29 =	vld.idx.msk [tilespmem:v29+s24+$0x0], $0xffff  }
0x4fd: {  	v32 =	vor.u32 v15, v53;
	_ =	sdelay $0x1  }
0x4fe: {  	(v2sf) =	vpush v28, $0xF;
	_ =	sdelay $0x1  }
0x4ff: {  	[tilespmem:v54+s13+$0x0] =	vst.idx.msk $0xffff, v29  }
0x500: {  	v29 =	vor.u32 $0xFF00, v15;
	v28 =	vld.idx.msk [tilespmem:v32+s24+$0x0], $0xffff  }
0x501: {  	v55 =	vor.u32 v17, v53;
	_ =	sdelay $0x3  }
0x502: {  	[tilespmem:v29+s13+$0x0] =	vst.idx.msk $0xffff, v28  }
0x503: {  	v29 =	vor.u32 $0xFF10, v15;
	v28 =	vld.idx.msk [tilespmem:v55+s24+$0x0], $0xffff  }
0x504: {  	v56 =	vor.u32 v18, v53;
	_ =	sdelay $0x3  }
0x505: {  	[tilespmem:v29+s13+$0x0] =	vst.idx.msk $0xffff, v28  }
0x506: {  	s22 =	spop (v2sf);
	v29 =	vor.u32 $0xFF20, v15;
	v28 =	vld.idx.msk [tilespmem:v56+s24+$0x0], $0xffff  }
0x507: {  	s15 =	sand.u32 $0x7, s22;
	v30 =	vor.u32 v19, v53  }
0x508: {  	v57 =	vmov s15  }
0x509: {  	v31 =	vshll.u32 v57, v16  }
0x50a: {  	v31 =	vor.u32 v0, v31  }
0x50b: {  	[tilespmem:v29+s13+$0x0] =	vst.idx.msk $0xffff, v28;
	v28 =	vbroadcast v31, $0x0  }
0x50c: {  	v58 =	vor.u32 $0xFF30, v15;
	v29 =	vld.idx.msk [tilespmem:v30+s24+$0x0], $0xffff  }
0x50d: {  	v31 =	vor.u32 v15, v28;
	_ =	sdelay $0x3  }
0x50e: {  	[tilespmem:v58+s13+$0x0] =	vst.idx.msk $0xffff, v29  }
0x50f: {  	v59 =	vor.u32 $0xFF80, v15;
	v29 =	vld.idx.msk [tilespmem:v31+s24+$0x0], $0xffff  }
0x510: {  	v60 =	vor.u32 v17, v28;
	_ =	sdelay $0x3  }
0x511: {  	[tilespmem:v59+s13+$0x0] =	vst.idx.msk $0xffff, v29  }
0x512: {  	v61 =	vor.u32 $0xFF90, v15;
	v29 =	vld.idx.msk [tilespmem:v60+s24+$0x0], $0xffff  }
0x513: {  	v62 =	vor.u32 v18, v28;
	_ =	sdelay $0x3  }
0x514: {  	[tilespmem:v61+s13+$0x0] =	vst.idx.msk $0xffff, v29  }
0x515: {  	v63 =	vor.u32 $0xFFA0, v15;
	v29 =	vld.idx.msk [tilespmem:v62+s24+$0x0], $0xffff  }
0x516: {  	v28 =	vor.u32 v19, v28;
	_ =	sdelay $0x3  }
0x517: {  	[tilespmem:v63+s13+$0x0] =	vst.idx.msk $0xffff, v29  }
0x518: {  	v29 =	vor.u32 $0xFFB0, v15;
	v28 =	vld.idx.msk [tilespmem:v28+s24+$0x0], $0xffff;
	_ =	sdelay $0x4  }
0x519: {  	s23 =	rddreg [dreg:$0x4];
	s16 =	simm.s32 $0x3;
	[tilespmem:v29+s13+$0x0] =	vst.idx.msk $0xffff, v28  }
0x51a: {  	[hbm4b:s23+s2] =	stream.linear.scatter [tilespmem:s13], [sflag:$0x3], $0x10000, $0x38;
	[tilespmem:$0x18200] =	vst v63  }
0x51b: {  	_ =	swait.ge [sflag:s16], $0x10000  }
0x51c: {  	s25 =	rddreg [dreg:$0x6]  }
0x51d: {  	s26 =	rddreg [dreg:$0x5];
	s7 =	sadd.s32 $0x1, s25  }
0x51e: {  	s28 =	simm.s32 $0x2A00;
	s0 =	simm.s32 $0x2E00;
	p0 =	sne.s32 s7, s26  }
.Ltmp1:
0x51f: {  	s1 =	simm.s32 $0x3200;
	s4 =	simm.s32 $0x3600;
	(pc) =	sbr.rel @p0 .LBB2_1-.Ltmp1, $4  }
0x520: {  	s5 =	simm.s32 $0x3A00;
	s6 =	simm.s32 $0x3E00;
	s17 =	simm.s32 $0xA00  }
0x521: {  	s18 =	simm.s32 $0xE00;
	s19 =	simm.s32 $0x1200;
	s21 =	simm.s32 $0x1600  }
0x522: {  	s22 =	simm.s32 $0x1A00;
	s23 =	simm.s32 $0x1E00;
	[sflag:s16] =	ssyncset.done $0x0  }
0x523: {  	[sflag:s16] =	ssyncadd.s32 $0xFFFF0000;
	s25 =	simm.s32 $0x2200;
	s26 =	simm.s32 $0x2600  }
0x524: {  	_ =	sfence.sel $0x180000  }
0x525: {  	[bflag:$0x0] =	sbarrier.arrive $0xFFFF  }
0x526: {  	_ =	strace $0x90000047  }
0x527: {  	s0 =	stileid.u32;
	[bflag:$0x2] =	sbarrier.arrive $0xFFFF  }
0x528: {  	p0 =	sne.s32 s0, $0x0;
	s0 =	rddreg [dreg:$0x2]  }
0x529: {  	s0 =	sadd.s32 @!p0 $0x100000, s0  }
0x52a: {  	[sflag:s0] =	ssyncadd.tile.s32 @!p0 $0x1;
	_ =	shalt  }
.Lfunc_end2:
_tile_overlayer_lowered:
.L_overlay_start_2:
0x52b: {  	(tag) =	ssettag $0x2  }
0x52c: {  	s0 =	rddreg [dreg:$0x0];
	s2 =	stileid.u32  }
0x52d: {  	s1 =	rddreg [dreg:$0x1];
	p0 =	sne.s32 s2, $0x0  }
0x52e: {  	s3 =	rddreg [dreg:$0x2];
	[bflag:$0x3] =	sbarrier.arrive $0xFFFF;
	s2 =	simm.s32 @!p0 $0x1C03  }
0x52f: {  	[timem:s3], [sflag:s2] =	dma.local @!p0 [hbm:s0], s1  }
0x530: {  	s0 =	simm.s32 @!p0 $0x3  }
0x531: {  	_ =	swait.ge @!p0 [sflag:s0], s1  }
0x532: {  	s1 =	ssub.s32 @!p0 $0x0, s1;
	[sflag:s0] =	ssyncset.done @!p0 $0x0  }
0x533: {  	[sflag:s0] =	ssyncadd.s32 @!p0 s1  }
0x534: {  	[bflag:$0x3] =	sbarrier.arrive $0xFFFF  }
0x535: {  	_ =	shalt  }

</sc_bundles>
